<compile_context>
chip_gen: v7x
topology: tpu7x:2x2x1
jax: 0.10.2.dev20260603
libtpu: 0.0.44.dev20260713+nightly
codegen_flags: <defaults>
</compile_context>

<pallas_src>
import functools

import jax
import jax.numpy as jnp
from jax import lax
from jax.experimental import pallas as pl
from jax.experimental.pallas import tpu as pltpu
from jax.experimental.pallas import tpu_sc as plsc

_EPS = 0.1
_NC = 100000
_INV_EPS = _EPS / (_NC - 1)
_B = 1024
_COEF = (1.0 - _EPS) - _INV_EPS

_V0 = 51200

_BLK_V = 3200


def _sum_body(x_ref, o_ref):
    @pl.when(pl.program_id(0) == 0)
    def _init():
        o_ref[0, 0] = 0.0

    o_ref[0, 0] += jnp.sum(x_ref[...])


def _dense_sum(xT):
    return pl.pallas_call(
        _sum_body,
        grid=(_V0 // _BLK_V,),
        in_specs=[pl.BlockSpec((_BLK_V, _B), lambda i: (i, 0))],
        out_specs=pl.BlockSpec((1, 1), lambda i: (0, 0), memory_space=pltpu.SMEM),
        out_shape=jax.ShapeDtypeStruct((1, 1), jnp.float32),
    )(xT)


_info = plsc.get_sparse_core_info()
_NCORES = _info.num_cores
_NSUB = _info.num_subcores
_NW = _NCORES * _NSUB
_RPW = _B // _NW
_L = 16

_TW = 128
_TH = 8

_CH = 32
_NCHUNK = (_NC - _V0) // _CH
_TSUB = -(-_NCHUNK // _NW)


def _sc_body(predT_hbm, tgt_hbm, out_hbm, tgt_v, win_v, part_v, buf0, buf1,
             gsem, sem0, sem1):
    wid = lax.axis_index("s") * _NCORES + lax.axis_index("c")
    base = wid * _RPW
    pltpu.sync_copy(tgt_hbm.at[pl.ds(base, _RPW)], tgt_v)
    iota = lax.iota(jnp.int32, _L)
    copies = []
    scalars = []
    tvecs = [tgt_v[pl.ds(c * _L, _L)] for c in range(_RPW // _L)]
    for r in range(_RPW):
        t = tvecs[r // _L][r % _L]
        v0 = pl.multiple_of(jnp.bitwise_and(t, -_TH), _TH)
        b0 = pl.multiple_of(jnp.bitwise_and(jnp.int32(base + r), -_TW), _TW)
        copies.append(
            pltpu.async_copy(
                predT_hbm.at[pl.ds(v0, _TH), pl.ds(b0, _TW)],
                win_v.at[pl.ds(r * _TH, _TH), :],
                gsem,
            )
        )
        scalars.append(t)

    def _src(j):
        row = _V0 + _CH * (wid + _NW * j)
        row = pl.multiple_of(jnp.minimum(row, _NC - _CH), _TH)
        return predT_hbm.at[pl.ds(row, _CH), :]

    def _acc_chunk(accs, buf, valid):
        def jbody(j, a):
            a0, a1, a2, a3 = a
            col = j * 32
            for rr in range(_CH // 4):
                for h in range(2):
                    d = pl.ds(col + h * _L, _L)
                    a0 = a0 + buf[4 * rr + 0, d]
                    a1 = a1 + buf[4 * rr + 1, d]
                    a2 = a2 + buf[4 * rr + 2, d]
                    a3 = a3 + buf[4 * rr + 3, d]
            return (a0, a1, a2, a3)

        z = jnp.zeros((_L,), jnp.float32)
        d0, d1, d2, d3 = lax.fori_loop(0, _B // 32, jbody, (z, z, z, z))
        a0, a1, a2, a3 = accs
        return (a0 + valid * d0, a1 + valid * d1, a2 + valid * d2, a3 + valid * d3)

    def _valid(j):
        return jnp.where(wid + _NW * j < _NCHUNK, 1.0, 0.0).astype(jnp.float32)

    pltpu.async_copy(_src(jnp.int32(0)), buf0, sem0)

    def obody(i, accs):
        j0 = 2 * i
        j1 = j0 + 1
        pltpu.async_copy(_src(j1), buf1, sem1)
        pltpu.make_async_copy(_src(jnp.int32(0)), buf0, sem0).wait()
        accs = _acc_chunk(accs, buf0, _valid(j0))
        pltpu.async_copy(_src(j0 + 2), buf0, sem0)
        pltpu.make_async_copy(_src(jnp.int32(0)), buf1, sem1).wait()
        return _acc_chunk(accs, buf1, _valid(j1))

    z = jnp.zeros((_L,), jnp.float32)
    a0, a1, a2, a3 = lax.fori_loop(0, (_TSUB + 1) // 2, obody, (z, z, z, z))
    pltpu.make_async_copy(_src(jnp.int32(0)), buf0, sem0).wait()
    dense = (a0 + a1) + (a2 + a3)

    for cp in copies:
        cp.wait()
    gacc = jnp.zeros((_L,), jnp.float32)
    for r in range(_RPW):
        t = scalars[r]
        rowin = jnp.bitwise_and(t, _TH - 1)
        lane = jnp.bitwise_and(base + r, _TW - 1)
        chunk = jnp.bitwise_and(lane, -_L)
        v16 = win_v[r * _TH + rowin, pl.ds(chunk, _L)]
        gacc = gacc + jnp.where(iota == lane - chunk, v16, 0.0)
    part_v[...] = jnp.float32(_INV_EPS) * dense + jnp.float32(_COEF) * gacc
    pltpu.sync_copy(part_v, out_hbm.at[wid])


_sc_part = functools.partial(
    pl.kernel,
    mesh=plsc.VectorSubcoreMesh(core_axis_name="c", subcore_axis_name="s"),
    out_type=jax.ShapeDtypeStruct((_NW, _L), jnp.float32),
    scratch_types=[
        pltpu.VMEM((_RPW,), jnp.int32),
        pltpu.VMEM((_RPW * _TH, _TW), jnp.float32),
        pltpu.VMEM((_L,), jnp.float32),
        pltpu.VMEM((_CH, _B), jnp.float32),
        pltpu.VMEM((_CH, _B), jnp.float32),
        pltpu.SemaphoreType.DMA,
        pltpu.SemaphoreType.DMA,
        pltpu.SemaphoreType.DMA,
    ],
)(_sc_body)


def kernel(predictions, targets):
    predT = predictions.T
    total = _dense_sum(predT)[0, 0]
    parts = _sc_part(predT, targets)
    return -(_INV_EPS * total + jnp.sum(parts)) / _B

# --- scband reference (transcript-rebuilt; emitter-appended) ---
"""Pipeline reference for scband-label-smoothing-loss-56727928046044 (READ-ONLY COPY).

The authoritative reference and input builder live on the scoring server;
editing this copy changes nothing except your own understanding.
"""

import jax, jax.numpy as jnp
import numpy as np

EPS = 0.1
NC = 100000
INV_EPS = EPS / (NC - 1)
B = 1024


def setup_inputs(seed: int = 0) -> dict:
    key = jax.random.key(seed)
    k1, k2 = jax.random.split(key)
    predictions = jax.random.normal(k1, (B, NC), dtype=jnp.float32)
    targets = jax.random.randint(k2, (B,), 0, NC, dtype=jnp.int32)
    return {"predictions": predictions, "targets": targets}


def reference(predictions, targets):
    # smooth_targets = zeros_like(pred).scatter_(1, targets.view(-1,1), 1.0)
    rows = jnp.arange(predictions.shape[0])
    onehot = jnp.zeros_like(predictions).at[rows, targets].set(1.0)
    smooth = onehot * (1.0 - EPS) + (1.0 - onehot) * INV_EPS
    return -(smooth * predictions).sum(axis=1).mean()

if __name__ == "__main__":
    import jax
    _d = setup_inputs()
    print(jax.jit(kernel)(*tuple(_d.values())))

</pallas_src>

<mosaic_0001>
#map = affine_map<(d0, d1) -> (0, 0)>
#map1 = affine_map<(d0, d1) -> (0)>
module attributes {stable_mosaic.version = 14 : i64} {
  func.func @_sc_body(%arg0: i32, %arg1: i32, %arg2: memref<100000x1024xf32, #tpu.memory_space<hbm>>, %arg3: memref<1024xi32, #tpu.memory_space<hbm>>, %arg4: memref<32x16xf32, #tpu.memory_space<hbm>>, %arg5: memref<32xi32, #tpu.memory_space<vmem>>, %arg6: memref<256x128xf32, #tpu.memory_space<vmem>>, %arg7: memref<16xf32, #tpu.memory_space<vmem>>, %arg8: memref<32x1024xf32, #tpu.memory_space<vmem>>, %arg9: memref<32x1024xf32, #tpu.memory_space<vmem>>, %arg10: memref<!tpu.dma_semaphore, #tpu.memory_space<semaphore_mem>>, %arg11: memref<!tpu.dma_semaphore, #tpu.memory_space<semaphore_mem>>, %arg12: memref<!tpu.dma_semaphore, #tpu.memory_space<semaphore_mem>>) attributes {dimension_semantics = [#tpu.dimension_semantics<core_parallel>, #tpu.dimension_semantics<subcore_parallel>], iteration_bounds = array<i64: 2, 16>, scalar_prefetch = 0 : i64, scratch_operands = 8 : i64, tpu.core_type = #tpu.core_type<sc_vector_subcore>, window_params = [{transform_indices = #map}, {transform_indices = #map1}, {transform_indices = #map}]} {
    %mul3A = arith.constant 2 : i32
    %mul3A_0 = arith.muli %arg1, %mul3A : i32
    %add3A = arith.addi %mul3A_0, %arg0 : i32
    %mul3A_1 = arith.constant 32 : i32
    %mul3A_2 = arith.muli %add3A, %mul3A_1 : i32
    "tpu.region"() ({
      %run_scoped3A = tpu.sem_alloc : memref<!tpu.dma_semaphore, #tpu.memory_space<semaphore_mem>>
      %dma_start3A_1552 = tpu.memref_slice %arg3[%mul3A_2] : memref<1024xi32, #tpu.memory_space<hbm>> -> memref<32xi32, #tpu.memory_space<hbm>>
      %dma_start3A_1553 = tpu.memref_slice %arg3[%mul3A_2] : memref<1024xi32, #tpu.memory_space<hbm>> -> memref<32xi32, #tpu.memory_space<hbm>>
      tpu.enqueue_dma source(%dma_start3A_1553 : memref<32xi32, #tpu.memory_space<hbm>>) target(%arg5 : memref<32xi32, #tpu.memory_space<vmem>>) target_semaphore(%run_scoped3A : memref<!tpu.dma_semaphore, #tpu.memory_space<semaphore_mem>>)
      %dma_wait3A_1554 = tpu.memref_slice %arg3[%mul3A_2] : memref<1024xi32, #tpu.memory_space<hbm>> -> memref<32xi32, #tpu.memory_space<hbm>>
      %dma_wait3A_1555 = tpu.memref_slice %arg3[%mul3A_2] : memref<1024xi32, #tpu.memory_space<hbm>> -> memref<32xi32, #tpu.memory_space<hbm>>
      tpu.wait_dma2 semaphore(%run_scoped3A : memref<!tpu.dma_semaphore, #tpu.memory_space<semaphore_mem>>) src(%dma_wait3A_1555 : memref<32xi32, #tpu.memory_space<hbm>>) dst(%arg5 : memref<32xi32, #tpu.memory_space<vmem>>)
      tpu.yield
    }) : () -> ()
    %iota3A = tpu.iota {dimensions = array<i32: 0>} : vector<16xi32>
    %get3A = arith.constant 0 : index
    %get3A_3 = tpu.vector_load %arg5[%get3A] {strides = array<i32>} : memref<32xi32, #tpu.memory_space<vmem>>, vector<16xi32>,
    %get3A_4 = vector.shape_cast %get3A_3 : vector<16xi32> to vector<16xi32>
    %get3A_5 = arith.constant 16 : index
    %get3A_6 = tpu.vector_load %arg5[%get3A_5] {strides = array<i32>} : memref<32xi32, #tpu.memory_space<vmem>>, vector<16xi32>,
    %get3A_7 = vector.shape_cast %get3A_6 : vector<16xi32> to vector<16xi32>
    %slice3A = vector.extract_strided_slice %get3A_4 {offsets = [0], sizes = [1], strides = [1]} : vector<16xi32> to vector<1xi32>
    %squeeze3A = vector.extract %slice3A[0] : i32 from vector<1xi32>
    %and3A = arith.constant -8 : i32
    %and3A_8 = arith.andi %squeeze3A, %and3A : i32
    %multiple_of3A = tpu.assume_multiple %and3A_8, 8 : i32
    %add3A_9 = arith.constant 0 : i32
    %add3A_10 = arith.addi %mul3A_2, %add3A_9 : i32
    %and3A_11 = arith.constant -128 : i32
    %and3A_12 = arith.andi %add3A_10, %and3A_11 : i32
    %multiple_of3A_13 = tpu.assume_multiple %and3A_12, 128 : i32
    %dma_start3A = arith.constant 0 : i32
    %dma_start3A_14 = arith.constant 0 : i32
    %dma_start3A_15 = tpu.memref_slice %arg6[%dma_start3A, %dma_start3A_14] : memref<256x128xf32, #tpu.memory_space<vmem>> -> memref<8x128xf32, #tpu.memory_space<vmem>>
    %dma_start3A_16 = tpu.memref_slice %arg2[%multiple_of3A, %multiple_of3A_13] : memref<100000x1024xf32, #tpu.memory_space<hbm>> -> memref<8x128xf32, #tpu.memory_space<hbm>>
    %dma_start3A_17 = arith.constant 0 : i32
    %dma_start3A_18 = arith.constant 0 : i32
    %dma_start3A_19 = tpu.memref_slice %arg6[%dma_start3A_17, %dma_start3A_18] : memref<256x128xf32, #tpu.memory_space<vmem>> -> memref<8x128xf32, #tpu.memory_space<vmem>>
    %dma_start3A_20 = tpu.memref_slice %arg2[%multiple_of3A, %multiple_of3A_13] : memref<100000x1024xf32, #tpu.memory_space<hbm>> -> memref<8x128xf32, #tpu.memory_space<hbm>>
    tpu.enqueue_dma source(%dma_start3A_20 : memref<8x128xf32, #tpu.memory_space<hbm>>) target(%dma_start3A_19 : memref<8x128xf32, #tpu.memory_space<vmem>>) target_semaphore(%arg10 : memref<!tpu.dma_semaphore, #tpu.memory_space<semaphore_mem>>)
    %slice3A_21 = vector.extract_strided_slice %get3A_4 {offsets = [1], sizes = [1], strides = [1]} : vector<16xi32> to vector<1xi32>
    %squeeze3A_22 = vector.extract %slice3A_21[0] : i32 from vector<1xi32>
    %and3A_23 = arith.constant -8 : i32
    %and3A_24 = arith.andi %squeeze3A_22, %and3A_23 : i32
    %multiple_of3A_25 = tpu.assume_multiple %and3A_24, 8 : i32
    %add3A_26 = arith.constant 1 : i32
    %add3A_27 = arith.addi %mul3A_2, %add3A_26 : i32
    %and3A_28 = arith.constant -128 : i32
    %and3A_29 = arith.andi %add3A_27, %and3A_28 : i32
    %multiple_of3A_30 = tpu.assume_multiple %and3A_29, 128 : i32
    %dma_start3A_31 = arith.constant 8 : i32
    %dma_start3A_32 = arith.constant 0 : i32
    %dma_start3A_33 = tpu.memref_slice %arg6[%dma_start3A_31, %dma_start3A_32] : memref<256x128xf32, #tpu.memory_space<vmem>> -> memref<8x128xf32, #tpu.memory_space<vmem>>
    %dma_start3A_34 = tpu.memref_slice %arg2[%multiple_of3A_25, %multiple_of3A_30] : memref<100000x1024xf32, #tpu.memory_space<hbm>> -> memref<8x128xf32, #tpu.memory_space<hbm>>
    %dma_start3A_35 = arith.constant 8 : i32
    %dma_start3A_36 = arith.constant 0 : i32
    %dma_start3A_37 = tpu.memref_slice %arg6[%dma_start3A_35, %dma_start3A_36] : memref<256x128xf32, #tpu.memory_space<vmem>> -> memref<8x128xf32, #tpu.memory_space<vmem>>
    %dma_start3A_38 = tpu.memref_slice %arg2[%multiple_of3A_25, %multiple_of3A_30] : memref<100000x1024xf32, #tpu.memory_space<hbm>> -> memref<8x128xf32, #tpu.memory_space<hbm>>
    tpu.enqueue_dma source(%dma_start3A_38 : memref<8x128xf32, #tpu.memory_space<hbm>>) target(%dma_start3A_37 : memref<8x128xf32, #tpu.memory_space<vmem>>) target_semaphore(%arg10 : memref<!tpu.dma_semaphore, #tpu.memory_space<semaphore_mem>>)
    %slice3A_39 = vector.extract_strided_slice %get3A_4 {offsets = [2], sizes = [1], strides = [1]} : vector<16xi32> to vector<1xi32>
    %squeeze3A_40 = vector.extract %slice3A_39[0] : i32 from vector<1xi32>
    %and3A_41 = arith.constant -8 : i32
    %and3A_42 = arith.andi %squeeze3A_40, %and3A_41 : i32
    %multiple_of3A_43 = tpu.assume_multiple %and3A_42, 8 : i32
    %add3A_44 = arith.constant 2 : i32
    %add3A_45 = arith.addi %mul3A_2, %add3A_44 : i32
    %and3A_46 = arith.constant -128 : i32
    %and3A_47 = arith.andi %add3A_45, %and3A_46 : i32
    %multiple_of3A_48 = tpu.assume_multiple %and3A_47, 128 : i32
    %dma_start3A_49 = arith.constant 16 : i32
    %dma_start3A_50 = arith.constant 0 : i32
    %dma_start3A_51 = tpu.memref_slice %arg6[%dma_start3A_49, %dma_start3A_50] : memref<256x128xf32, #tpu.memory_space<vmem>> -> memref<8x128xf32, #tpu.memory_space<vmem>>
    %dma_start3A_52 = tpu.memref_slice %arg2[%multiple_of3A_43, %multiple_of3A_48] : memref<100000x1024xf32, #tpu.memory_space<hbm>> -> memref<8x128xf32, #tpu.memory_space<hbm>>
    %dma_start3A_53 = arith.constant 16 : i32
    %dma_start3A_54 = arith.constant 0 : i32
    %dma_start3A_55 = tpu.memref_slice %arg6[%dma_start3A_53, %dma_start3A_54] : memref<256x128xf32, #tpu.memory_space<vmem>> -> memref<8x128xf32, #tpu.memory_space<vmem>>
    %dma_start3A_56 = tpu.memref_slice %arg2[%multiple_of3A_43, %multiple_of3A_48] : memref<100000x1024xf32, #tpu.memory_space<hbm>> -> memref<8x128xf32, #tpu.memory_space<hbm>>
    tpu.enqueue_dma source(%dma_start3A_56 : memref<8x128xf32, #tpu.memory_space<hbm>>) target(%dma_start3A_55 : memref<8x128xf32, #tpu.memory_space<vmem>>) target_semaphore(%arg10 : memref<!tpu.dma_semaphore, #tpu.memory_space<semaphore_mem>>)
    %slice3A_57 = vector.extract_strided_slice %get3A_4 {offsets = [3], sizes = [1], strides = [1]} : vector<16xi32> to vector<1xi32>
    %squeeze3A_58 = vector.extract %slice3A_57[0] : i32 from vector<1xi32>
    %and3A_59 = arith.constant -8 : i32
    %and3A_60 = arith.andi %squeeze3A_58, %and3A_59 : i32
    %multiple_of3A_61 = tpu.assume_multiple %and3A_60, 8 : i32
    %add3A_62 = arith.constant 3 : i32
    %add3A_63 = arith.addi %mul3A_2, %add3A_62 : i32
    %and3A_64 = arith.constant -128 : i32
    %and3A_65 = arith.andi %add3A_63, %and3A_64 : i32
    %multiple_of3A_66 = tpu.assume_multiple %and3A_65, 128 : i32
    %dma_start3A_67 = arith.constant 24 : i32
    %dma_start3A_68 = arith.constant 0 : i32
    %dma_start3A_69 = tpu.memref_slice %arg6[%dma_start3A_67, %dma_start3A_68] : memref<256x128xf32, #tpu.memory_space<vmem>> -> memref<8x128xf32, #tpu.memory_space<vmem>>
    %dma_start3A_70 = tpu.memref_slice %arg2[%multiple_of3A_61, %multiple_of3A_66] : memref<100000x1024xf32, #tpu.memory_space<hbm>> -> memref<8x128xf32, #tpu.memory_space<hbm>>
    %dma_start3A_71 = arith.constant 24 : i32
    %dma_start3A_72 = arith.constant 0 : i32
    %dma_start3A_73 = tpu.memref_slice %arg6[%dma_start3A_71, %dma_start3A_72] : memref<256x128xf32, #tpu.memory_space<vmem>> -> memref<8x128xf32, #tpu.memory_space<vmem>>
    %dma_start3A_74 = tpu.memref_slice %arg2[%multiple_of3A_61, %multiple_of3A_66] : memref<100000x1024xf32, #tpu.memory_space<hbm>> -> memref<8x128xf32, #tpu.memory_space<hbm>>
    tpu.enqueue_dma source(%dma_start3A_74 : memref<8x128xf32, #tpu.memory_space<hbm>>) target(%dma_start3A_73 : memref<8x128xf32, #tpu.memory_space<vmem>>) target_semaphore(%arg10 : memref<!tpu.dma_semaphore, #tpu.memory_space<semaphore_mem>>)
    %slice3A_75 = vector.extract_strided_slice %get3A_4 {offsets = [4], sizes = [1], strides = [1]} : vector<16xi32> to vector<1xi32>
    %squeeze3A_76 = vector.extract %slice3A_75[0] : i32 from vector<1xi32>
    %and3A_77 = arith.constant -8 : i32
    %and3A_78 = arith.andi %squeeze3A_76, %and3A_77 : i32
    %multiple_of3A_79 = tpu.assume_multiple %and3A_78, 8 : i32
    %add3A_80 = arith.constant 4 : i32
    %add3A_81 = arith.addi %mul3A_2, %add3A_80 : i32
    %and3A_82 = arith.constant -128 : i32
    %and3A_83 = arith.andi %add3A_81, %and3A_82 : i32
    %multiple_of3A_84 = tpu.assume_multiple %and3A_83, 128 : i32
    %dma_start3A_85 = arith.constant 32 : i32
    %dma_start3A_86 = arith.constant 0 : i32
    %dma_start3A_87 = tpu.memref_slice %arg6[%dma_start3A_85, %dma_start3A_86] : memref<256x128xf32, #tpu.memory_space<vmem>> -> memref<8x128xf32, #tpu.memory_space<vmem>>
    %dma_start3A_88 = tpu.memref_slice %arg2[%multiple_of3A_79, %multiple_of3A_84] : memref<100000x1024xf32, #tpu.memory_space<hbm>> -> memref<8x128xf32, #tpu.memory_space<hbm>>
    %dma_start3A_89 = arith.constant 32 : i32
    %dma_start3A_90 = arith.constant 0 : i32
    %dma_start3A_91 = tpu.memref_slice %arg6[%dma_start3A_89, %dma_start3A_90] : memref<256x128xf32, #tpu.memory_space<vmem>> -> memref<8x128xf32, #tpu.memory_space<vmem>>
    %dma_start3A_92 = tpu.memref_slice %arg2[%multiple_of3A_79, %multiple_of3A_84] : memref<100000x1024xf32, #tpu.memory_space<hbm>> -> memref<8x128xf32, #tpu.memory_space<hbm>>
    tpu.enqueue_dma source(%dma_start3A_92 : memref<8x128xf32, #tpu.memory_space<hbm>>) target(%dma_start3A_91 : memref<8x128xf32, #tpu.memory_space<vmem>>) target_semaphore(%arg10 : memref<!tpu.dma_semaphore, #tpu.memory_space<semaphore_mem>>)
    %slice3A_93 = vector.extract_strided_slice %get3A_4 {offsets = [5], sizes = [1], strides = [1]} : vector<16xi32> to vector<1xi32>
    %squeeze3A_94 = vector.extract %slice3A_93[0] : i32 from vector<1xi32>
    %and3A_95 = arith.constant -8 : i32
    %and3A_96 = arith.andi %squeeze3A_94, %and3A_95 : i32
    %multiple_of3A_97 = tpu.assume_multiple %and3A_96, 8 : i32
    %add3A_98 = arith.constant 5 : i32
    %add3A_99 = arith.addi %mul3A_2, %add3A_98 : i32
    %and3A_100 = arith.constant -128 : i32
    %and3A_101 = arith.andi %add3A_99, %and3A_100 : i32
    %multiple_of3A_102 = tpu.assume_multiple %and3A_101, 128 : i32
    %dma_start3A_103 = arith.constant 40 : i32
    %dma_start3A_104 = arith.constant 0 : i32
    %dma_start3A_105 = tpu.memref_slice %arg6[%dma_start3A_103, %dma_start3A_104] : memref<256x128xf32, #tpu.memory_space<vmem>> -> memref<8x128xf32, #tpu.memory_space<vmem>>
    %dma_start3A_106 = tpu.memref_slice %arg2[%multiple_of3A_97, %multiple_of3A_102] : memref<100000x1024xf32, #tpu.memory_space<hbm>> -> memref<8x128xf32, #tpu.memory_space<hbm>>
    %dma_start3A_107 = arith.constant 40 : i32
    %dma_start3A_108 = arith.constant 0 : i32
    %dma_start3A_109 = tpu.memref_slice %arg6[%dma_start3A_107, %dma_start3A_108] : memref<256x128xf32, #tpu.memory_space<vmem>> -> memref<8x128xf32, #tpu.memory_space<vmem>>
    %dma_start3A_110 = tpu.memref_slice %arg2[%multiple_of3A_97, %multiple_of3A_102] : memref<100000x1024xf32, #tpu.memory_space<hbm>> -> memref<8x128xf32, #tpu.memory_space<hbm>>
    tpu.enqueue_dma source(%dma_start3A_110 : memref<8x128xf32, #tpu.memory_space<hbm>>) target(%dma_start3A_109 : memref<8x128xf32, #tpu.memory_space<vmem>>) target_semaphore(%arg10 : memref<!tpu.dma_semaphore, #tpu.memory_space<semaphore_mem>>)
    %slice3A_111 = vector.extract_strided_slice %get3A_4 {offsets = [6], sizes = [1], strides = [1]} : vector<16xi32> to vector<1xi32>
    %squeeze3A_112 = vector.extract %slice3A_111[0] : i32 from vector<1xi32>
    %and3A_113 = arith.constant -8 : i32
    %and3A_114 = arith.andi %squeeze3A_112, %and3A_113 : i32
    %multiple_of3A_115 = tpu.assume_multiple %and3A_114, 8 : i32
    %add3A_116 = arith.constant 6 : i32
    %add3A_117 = arith.addi %mul3A_2, %add3A_116 : i32
    %and3A_118 = arith.constant -128 : i32
    %and3A_119 = arith.andi %add3A_117, %and3A_118 : i32
    %multiple_of3A_120 = tpu.assume_multiple %and3A_119, 128 : i32
    %dma_start3A_121 = arith.constant 48 : i32
    %dma_start3A_122 = arith.constant 0 : i32
    %dma_start3A_123 = tpu.memref_slice %arg6[%dma_start3A_121, %dma_start3A_122] : memref<256x128xf32, #tpu.memory_space<vmem>> -> memref<8x128xf32, #tpu.memory_space<vmem>>
    %dma_start3A_124 = tpu.memref_slice %arg2[%multiple_of3A_115, %multiple_of3A_120] : memref<100000x1024xf32, #tpu.memory_space<hbm>> -> memref<8x128xf32, #tpu.memory_space<hbm>>
    %dma_start3A_125 = arith.constant 48 : i32
    %dma_start3A_126 = arith.constant 0 : i32
    %dma_start3A_127 = tpu.memref_slice %arg6[%dma_start3A_125, %dma_start3A_126] : memref<256x128xf32, #tpu.memory_space<vmem>> -> memref<8x128xf32, #tpu.memory_space<vmem>>
    %dma_start3A_128 = tpu.memref_slice %arg2[%multiple_of3A_115, %multiple_of3A_120] : memref<100000x1024xf32, #tpu.memory_space<hbm>> -> memref<8x128xf32, #tpu.memory_space<hbm>>
    tpu.enqueue_dma source(%dma_start3A_128 : memref<8x128xf32, #tpu.memory_space<hbm>>) target(%dma_start3A_127 : memref<8x128xf32, #tpu.memory_space<vmem>>) target_semaphore(%arg10 : memref<!tpu.dma_semaphore, #tpu.memory_space<semaphore_mem>>)
    %slice3A_129 = vector.extract_strided_slice %get3A_4 {offsets = [7], sizes = [1], strides = [1]} : vector<16xi32> to vector<1xi32>
    %squeeze3A_130 = vector.extract %slice3A_129[0] : i32 from vector<1xi32>
    %and3A_131 = arith.constant -8 : i32
    %and3A_132 = arith.andi %squeeze3A_130, %and3A_131 : i32
    %multiple_of3A_133 = tpu.assume_multiple %and3A_132, 8 : i32
    %add3A_134 = arith.constant 7 : i32
    %add3A_135 = arith.addi %mul3A_2, %add3A_134 : i32
    %and3A_136 = arith.constant -128 : i32
    %and3A_137 = arith.andi %add3A_135, %and3A_136 : i32
    %multiple_of3A_138 = tpu.assume_multiple %and3A_137, 128 : i32
    %dma_start3A_139 = arith.constant 56 : i32
    %dma_start3A_140 = arith.constant 0 : i32
    %dma_start3A_141 = tpu.memref_slice %arg6[%dma_start3A_139, %dma_start3A_140] : memref<256x128xf32, #tpu.memory_space<vmem>> -> memref<8x128xf32, #tpu.memory_space<vmem>>
    %dma_start3A_142 = tpu.memref_slice %arg2[%multiple_of3A_133, %multiple_of3A_138] : memref<100000x1024xf32, #tpu.memory_space<hbm>> -> memref<8x128xf32, #tpu.memory_space<hbm>>
    %dma_start3A_143 = arith.constant 56 : i32
    %dma_start3A_144 = arith.constant 0 : i32
    %dma_start3A_145 = tpu.memref_slice %arg6[%dma_start3A_143, %dma_start3A_144] : memref<256x128xf32, #tpu.memory_space<vmem>> -> memref<8x128xf32, #tpu.memory_space<vmem>>
    %dma_start3A_146 = tpu.memref_slice %arg2[%multiple_of3A_133, %multiple_of3A_138] : memref<100000x1024xf32, #tpu.memory_space<hbm>> -> memref<8x128xf32, #tpu.memory_space<hbm>>
    tpu.enqueue_dma source(%dma_start3A_146 : memref<8x128xf32, #tpu.memory_space<hbm>>) target(%dma_start3A_145 : memref<8x128xf32, #tpu.memory_space<vmem>>) target_semaphore(%arg10 : memref<!tpu.dma_semaphore, #tpu.memory_space<semaphore_mem>>)
    %slice3A_147 = vector.extract_strided_slice %get3A_4 {offsets = [8], sizes = [1], strides = [1]} : vector<16xi32> to vector<1xi32>
    %squeeze3A_148 = vector.extract %slice3A_147[0] : i32 from vector<1xi32>
    %and3A_149 = arith.constant -8 : i32
    %and3A_150 = arith.andi %squeeze3A_148, %and3A_149 : i32
    %multiple_of3A_151 = tpu.assume_multiple %and3A_150, 8 : i32
    %add3A_152 = arith.constant 8 : i32
    %add3A_153 = arith.addi %mul3A_2, %add3A_152 : i32
    %and3A_154 = arith.constant -128 : i32
    %and3A_155 = arith.andi %add3A_153, %and3A_154 : i32
    %multiple_of3A_156 = tpu.assume_multiple %and3A_155, 128 : i32
    %dma_start3A_157 = arith.constant 64 : i32
    %dma_start3A_158 = arith.constant 0 : i32
    %dma_start3A_159 = tpu.memref_slice %arg6[%dma_start3A_157, %dma_start3A_158] : memref<256x128xf32, #tpu.memory_space<vmem>> -> memref<8x128xf32, #tpu.memory_space<vmem>>
    %dma_start3A_160 = tpu.memref_slice %arg2[%multiple_of3A_151, %multiple_of3A_156] : memref<100000x1024xf32, #tpu.memory_space<hbm>> -> memref<8x128xf32, #tpu.memory_space<hbm>>
    %dma_start3A_161 = arith.constant 64 : i32
    %dma_start3A_162 = arith.constant 0 : i32
    %dma_start3A_163 = tpu.memref_slice %arg6[%dma_start3A_161, %dma_start3A_162] : memref<256x128xf32, #tpu.memory_space<vmem>> -> memref<8x128xf32, #tpu.memory_space<vmem>>
    %dma_start3A_164 = tpu.memref_slice %arg2[%multiple_of3A_151, %multiple_of3A_156] : memref<100000x1024xf32, #tpu.memory_space<hbm>> -> memref<8x128xf32, #tpu.memory_space<hbm>>
    tpu.enqueue_dma source(%dma_start3A_164 : memref<8x128xf32, #tpu.memory_space<hbm>>) target(%dma_start3A_163 : memref<8x128xf32, #tpu.memory_space<vmem>>) target_semaphore(%arg10 : memref<!tpu.dma_semaphore, #tpu.memory_space<semaphore_mem>>)
    %slice3A_165 = vector.extract_strided_slice %get3A_4 {offsets = [9], sizes = [1], strides = [1]} : vector<16xi32> to vector<1xi32>
    %squeeze3A_166 = vector.extract %slice3A_165[0] : i32 from vector<1xi32>
    %and3A_167 = arith.constant -8 : i32
    %and3A_168 = arith.andi %squeeze3A_166, %and3A_167 : i32
    %multiple_of3A_169 = tpu.assume_multiple %and3A_168, 8 : i32
    %add3A_170 = arith.constant 9 : i32
    %add3A_171 = arith.addi %mul3A_2, %add3A_170 : i32
    %and3A_172 = arith.constant -128 : i32
    %and3A_173 = arith.andi %add3A_171, %and3A_172 : i32
    %multiple_of3A_174 = tpu.assume_multiple %and3A_173, 128 : i32
    %dma_start3A_175 = arith.constant 72 : i32
    %dma_start3A_176 = arith.constant 0 : i32
    %dma_start3A_177 = tpu.memref_slice %arg6[%dma_start3A_175, %dma_start3A_176] : memref<256x128xf32, #tpu.memory_space<vmem>> -> memref<8x128xf32, #tpu.memory_space<vmem>>
    %dma_start3A_178 = tpu.memref_slice %arg2[%multiple_of3A_169, %multiple_of3A_174] : memref<100000x1024xf32, #tpu.memory_space<hbm>> -> memref<8x128xf32, #tpu.memory_space<hbm>>
    %dma_start3A_179 = arith.constant 72 : i32
    %dma_start3A_180 = arith.constant 0 : i32
    %dma_start3A_181 = tpu.memref_slice %arg6[%dma_start3A_179, %dma_start3A_180] : memref<256x128xf32, #tpu.memory_space<vmem>> -> memref<8x128xf32, #tpu.memory_space<vmem>>
    %dma_start3A_182 = tpu.memref_slice %arg2[%multiple_of3A_169, %multiple_of3A_174] : memref<100000x1024xf32, #tpu.memory_space<hbm>> -> memref<8x128xf32, #tpu.memory_space<hbm>>
    tpu.enqueue_dma source(%dma_start3A_182 : memref<8x128xf32, #tpu.memory_space<hbm>>) target(%dma_start3A_181 : memref<8x128xf32, #tpu.memory_space<vmem>>) target_semaphore(%arg10 : memref<!tpu.dma_semaphore, #tpu.memory_space<semaphore_mem>>)
    %slice3A_183 = vector.extract_strided_slice %get3A_4 {offsets = [10], sizes = [1], strides = [1]} : vector<16xi32> to vector<1xi32>
    %squeeze3A_184 = vector.extract %slice3A_183[0] : i32 from vector<1xi32>
    %and3A_185 = arith.constant -8 : i32
    %and3A_186 = arith.andi %squeeze3A_184, %and3A_185 : i32
    %multiple_of3A_187 = tpu.assume_multiple %and3A_186, 8 : i32
    %add3A_188 = arith.constant 10 : i32
    %add3A_189 = arith.addi %mul3A_2, %add3A_188 : i32
    %and3A_190 = arith.constant -128 : i32
    %and3A_191 = arith.andi %add3A_189, %and3A_190 : i32
    %multiple_of3A_192 = tpu.assume_multiple %and3A_191, 128 : i32
    %dma_start3A_193 = arith.constant 80 : i32
    %dma_start3A_194 = arith.constant 0 : i32
    %dma_start3A_195 = tpu.memref_slice %arg6[%dma_start3A_193, %dma_start3A_194] : memref<256x128xf32, #tpu.memory_space<vmem>> -> memref<8x128xf32, #tpu.memory_space<vmem>>
    %dma_start3A_196 = tpu.memref_slice %arg2[%multiple_of3A_187, %multiple_of3A_192] : memref<100000x1024xf32, #tpu.memory_space<hbm>> -> memref<8x128xf32, #tpu.memory_space<hbm>>
    %dma_start3A_197 = arith.constant 80 : i32
    %dma_start3A_198 = arith.constant 0 : i32
    %dma_start3A_199 = tpu.memref_slice %arg6[%dma_start3A_197, %dma_start3A_198] : memref<256x128xf32, #tpu.memory_space<vmem>> -> memref<8x128xf32, #tpu.memory_space<vmem>>
    %dma_start3A_200 = tpu.memref_slice %arg2[%multiple_of3A_187, %multiple_of3A_192] : memref<100000x1024xf32, #tpu.memory_space<hbm>> -> memref<8x128xf32, #tpu.memory_space<hbm>>
    tpu.enqueue_dma source(%dma_start3A_200 : memref<8x128xf32, #tpu.memory_space<hbm>>) target(%dma_start3A_199 : memref<8x128xf32, #tpu.memory_space<vmem>>) target_semaphore(%arg10 : memref<!tpu.dma_semaphore, #tpu.memory_space<semaphore_mem>>)
    %slice3A_201 = vector.extract_strided_slice %get3A_4 {offsets = [11], sizes = [1], strides = [1]} : vector<16xi32> to vector<1xi32>
    %squeeze3A_202 = vector.extract %slice3A_201[0] : i32 from vector<1xi32>
    %and3A_203 = arith.constant -8 : i32
    %and3A_204 = arith.andi %squeeze3A_202, %and3A_203 : i32
    %multiple_of3A_205 = tpu.assume_multiple %and3A_204, 8 : i32
    %add3A_206 = arith.constant 11 : i32
    %add3A_207 = arith.addi %mul3A_2, %add3A_206 : i32
    %and3A_208 = arith.constant -128 : i32
    %and3A_209 = arith.andi %add3A_207, %and3A_208 : i32
    %multiple_of3A_210 = tpu.assume_multiple %and3A_209, 128 : i32
    %dma_start3A_211 = arith.constant 88 : i32
    %dma_start3A_212 = arith.constant 0 : i32
    %dma_start3A_213 = tpu.memref_slice %arg6[%dma_start3A_211, %dma_start3A_212] : memref<256x128xf32, #tpu.memory_space<vmem>> -> memref<8x128xf32, #tpu.memory_space<vmem>>
    %dma_start3A_214 = tpu.memref_slice %arg2[%multiple_of3A_205, %multiple_of3A_210] : memref<100000x1024xf32, #tpu.memory_space<hbm>> -> memref<8x128xf32, #tpu.memory_space<hbm>>
    %dma_start3A_215 = arith.constant 88 : i32
    %dma_start3A_216 = arith.constant 0 : i32
    %dma_start3A_217 = tpu.memref_slice %arg6[%dma_start3A_215, %dma_start3A_216] : memref<256x128xf32, #tpu.memory_space<vmem>> -> memref<8x128xf32, #tpu.memory_space<vmem>>
    %dma_start3A_218 = tpu.memref_slice %arg2[%multiple_of3A_205, %multiple_of3A_210] : memref<100000x1024xf32, #tpu.memory_space<hbm>> -> memref<8x128xf32, #tpu.memory_space<hbm>>
    tpu.enqueue_dma source(%dma_start3A_218 : memref<8x128xf32, #tpu.memory_space<hbm>>) target(%dma_start3A_217 : memref<8x128xf32, #tpu.memory_space<vmem>>) target_semaphore(%arg10 : memref<!tpu.dma_semaphore, #tpu.memory_space<semaphore_mem>>)
    %slice3A_219 = vector.extract_strided_slice %get3A_4 {offsets = [12], sizes = [1], strides = [1]} : vector<16xi32> to vector<1xi32>
    %squeeze3A_220 = vector.extract %slice3A_219[0] : i32 from vector<1xi32>
    %and3A_221 = arith.constant -8 : i32
    %and3A_222 = arith.andi %squeeze3A_220, %and3A_221 : i32
    %multiple_of3A_223 = tpu.assume_multiple %and3A_222, 8 : i32
    %add3A_224 = arith.constant 12 : i32
    %add3A_225 = arith.addi %mul3A_2, %add3A_224 : i32
    %and3A_226 = arith.constant -128 : i32
    %and3A_227 = arith.andi %add3A_225, %and3A_226 : i32
    %multiple_of3A_228 = tpu.assume_multiple %and3A_227, 128 : i32
    %dma_start3A_229 = arith.constant 96 : i32
    %dma_start3A_230 = arith.constant 0 : i32
    %dma_start3A_231 = tpu.memref_slice %arg6[%dma_start3A_229, %dma_start3A_230] : memref<256x128xf32, #tpu.memory_space<vmem>> -> memref<8x128xf32, #tpu.memory_space<vmem>>
    %dma_start3A_232 = tpu.memref_slice %arg2[%multiple_of3A_223, %multiple_of3A_228] : memref<100000x1024xf32, #tpu.memory_space<hbm>> -> memref<8x128xf32, #tpu.memory_space<hbm>>
    %dma_start3A_233 = arith.constant 96 : i32
    %dma_start3A_234 = arith.constant 0 : i32
    %dma_start3A_235 = tpu.memref_slice %arg6[%dma_start3A_233, %dma_start3A_234] : memref<256x128xf32, #tpu.memory_space<vmem>> -> memref<8x128xf32, #tpu.memory_space<vmem>>
    %dma_start3A_236 = tpu.memref_slice %arg2[%multiple_of3A_223, %multiple_of3A_228] : memref<100000x1024xf32, #tpu.memory_space<hbm>> -> memref<8x128xf32, #tpu.memory_space<hbm>>
    tpu.enqueue_dma source(%dma_start3A_236 : memref<8x128xf32, #tpu.memory_space<hbm>>) target(%dma_start3A_235 : memref<8x128xf32, #tpu.memory_space<vmem>>) target_semaphore(%arg10 : memref<!tpu.dma_semaphore, #tpu.memory_space<semaphore_mem>>)
    %slice3A_237 = vector.extract_strided_slice %get3A_4 {offsets = [13], sizes = [1], strides = [1]} : vector<16xi32> to vector<1xi32>
    %squeeze3A_238 = vector.extract %slice3A_237[0] : i32 from vector<1xi32>
    %and3A_239 = arith.constant -8 : i32
    %and3A_240 = arith.andi %squeeze3A_238, %and3A_239 : i32
    %multiple_of3A_241 = tpu.assume_multiple %and3A_240, 8 : i32
    %add3A_242 = arith.constant 13 : i32
    %add3A_243 = arith.addi %mul3A_2, %add3A_242 : i32
    %and3A_244 = arith.constant -128 : i32
    %and3A_245 = arith.andi %add3A_243, %and3A_244 : i32
    %multiple_of3A_246 = tpu.assume_multiple %and3A_245, 128 : i32
    %dma_start3A_247 = arith.constant 104 : i32
    %dma_start3A_248 = arith.constant 0 : i32
    %dma_start3A_249 = tpu.memref_slice %arg6[%dma_start3A_247, %dma_start3A_248] : memref<256x128xf32, #tpu.memory_space<vmem>> -> memref<8x128xf32, #tpu.memory_space<vmem>>
    %dma_start3A_250 = tpu.memref_slice %arg2[%multiple_of3A_241, %multiple_of3A_246] : memref<100000x1024xf32, #tpu.memory_space<hbm>> -> memref<8x128xf32, #tpu.memory_space<hbm>>
    %dma_start3A_251 = arith.constant 104 : i32
    %dma_start3A_252 = arith.constant 0 : i32
    %dma_start3A_253 = tpu.memref_slice %arg6[%dma_start3A_251, %dma_start3A_252] : memref<256x128xf32, #tpu.memory_space<vmem>> -> memref<8x128xf32, #tpu.memory_space<vmem>>
    %dma_start3A_254 = tpu.memref_slice %arg2[%multiple_of3A_241, %multiple_of3A_246] : memref<100000x1024xf32, #tpu.memory_space<hbm>> -> memref<8x128xf32, #tpu.memory_space<hbm>>
    tpu.enqueue_dma source(%dma_start3A_254 : memref<8x128xf32, #tpu.memory_space<hbm>>) target(%dma_start3A_253 : memref<8x128xf32, #tpu.memory_space<vmem>>) target_semaphore(%arg10 : memref<!tpu.dma_semaphore, #tpu.memory_space<semaphore_mem>>)
    %slice3A_255 = vector.extract_strided_slice %get3A_4 {offsets = [14], sizes = [1], strides = [1]} : vector<16xi32> to vector<1xi32>
    %squeeze3A_256 = vector.extract %slice3A_255[0] : i32 from vector<1xi32>
    %and3A_257 = arith.constant -8 : i32
    %and3A_258 = arith.andi %squeeze3A_256, %and3A_257 : i32
    %multiple_of3A_259 = tpu.assume_multiple %and3A_258, 8 : i32
    %add3A_260 = arith.constant 14 : i32
    %add3A_261 = arith.addi %mul3A_2, %add3A_260 : i32
    %and3A_262 = arith.constant -128 : i32
    %and3A_263 = arith.andi %add3A_261, %and3A_262 : i32
    %multiple_of3A_264 = tpu.assume_multiple %and3A_263, 128 : i32
    %dma_start3A_265 = arith.constant 112 : i32
    %dma_start3A_266 = arith.constant 0 : i32
    %dma_start3A_267 = tpu.memref_slice %arg6[%dma_start3A_265, %dma_start3A_266] : memref<256x128xf32, #tpu.memory_space<vmem>> -> memref<8x128xf32, #tpu.memory_space<vmem>>
    %dma_start3A_268 = tpu.memref_slice %arg2[%multiple_of3A_259, %multiple_of3A_264] : memref<100000x1024xf32, #tpu.memory_space<hbm>> -> memref<8x128xf32, #tpu.memory_space<hbm>>
    %dma_start3A_269 = arith.constant 112 : i32
    %dma_start3A_270 = arith.constant 0 : i32
    %dma_start3A_271 = tpu.memref_slice %arg6[%dma_start3A_269, %dma_start3A_270] : memref<256x128xf32, #tpu.memory_space<vmem>> -> memref<8x128xf32, #tpu.memory_space<vmem>>
    %dma_start3A_272 = tpu.memref_slice %arg2[%multiple_of3A_259, %multiple_of3A_264] : memref<100000x1024xf32, #tpu.memory_space<hbm>> -> memref<8x128xf32, #tpu.memory_space<hbm>>
    tpu.enqueue_dma source(%dma_start3A_272 : memref<8x128xf32, #tpu.memory_space<hbm>>) target(%dma_start3A_271 : memref<8x128xf32, #tpu.memory_space<vmem>>) target_semaphore(%arg10 : memref<!tpu.dma_semaphore, #tpu.memory_space<semaphore_mem>>)
    %slice3A_273 = vector.extract_strided_slice %get3A_4 {offsets = [15], sizes = [1], strides = [1]} : vector<16xi32> to vector<1xi32>
    %squeeze3A_274 = vector.extract %slice3A_273[0] : i32 from vector<1xi32>
    %and3A_275 = arith.constant -8 : i32
    %and3A_276 = arith.andi %squeeze3A_274, %and3A_275 : i32
    %multiple_of3A_277 = tpu.assume_multiple %and3A_276, 8 : i32
    %add3A_278 = arith.constant 15 : i32
    %add3A_279 = arith.addi %mul3A_2, %add3A_278 : i32
    %and3A_280 = arith.constant -128 : i32
    %and3A_281 = arith.andi %add3A_279, %and3A_280 : i32
    %multiple_of3A_282 = tpu.assume_multiple %and3A_281, 128 : i32
    %dma_start3A_283 = arith.constant 120 : i32
    %dma_start3A_284 = arith.constant 0 : i32
    %dma_start3A_285 = tpu.memref_slice %arg6[%dma_start3A_283, %dma_start3A_284] : memref<256x128xf32, #tpu.memory_space<vmem>> -> memref<8x128xf32, #tpu.memory_space<vmem>>
    %dma_start3A_286 = tpu.memref_slice %arg2[%multiple_of3A_277, %multiple_of3A_282] : memref<100000x1024xf32, #tpu.memory_space<hbm>> -> memref<8x128xf32, #tpu.memory_space<hbm>>
    %dma_start3A_287 = arith.constant 120 : i32
    %dma_start3A_288 = arith.constant 0 : i32
    %dma_start3A_289 = tpu.memref_slice %arg6[%dma_start3A_287, %dma_start3A_288] : memref<256x128xf32, #tpu.memory_space<vmem>> -> memref<8x128xf32, #tpu.memory_space<vmem>>
    %dma_start3A_290 = tpu.memref_slice %arg2[%multiple_of3A_277, %multiple_of3A_282] : memref<100000x1024xf32, #tpu.memory_space<hbm>> -> memref<8x128xf32, #tpu.memory_space<hbm>>
    tpu.enqueue_dma source(%dma_start3A_290 : memref<8x128xf32, #tpu.memory_space<hbm>>) target(%dma_start3A_289 : memref<8x128xf32, #tpu.memory_space<vmem>>) target_semaphore(%arg10 : memref<!tpu.dma_semaphore, #tpu.memory_space<semaphore_mem>>)
    %slice3A_291 = vector.extract_strided_slice %get3A_7 {offsets = [0], sizes = [1], strides = [1]} : vector<16xi32> to vector<1xi32>
    %squeeze3A_292 = vector.extract %slice3A_291[0] : i32 from vector<1xi32>
    %and3A_293 = arith.constant -8 : i32
    %and3A_294 = arith.andi %squeeze3A_292, %and3A_293 : i32
    %multiple_of3A_295 = tpu.assume_multiple %and3A_294, 8 : i32
    %add3A_296 = arith.constant 16 : i32
    %add3A_297 = arith.addi %mul3A_2, %add3A_296 : i32
    %and3A_298 = arith.constant -128 : i32
    %and3A_299 = arith.andi %add3A_297, %and3A_298 : i32
    %multiple_of3A_300 = tpu.assume_multiple %and3A_299, 128 : i32
    %dma_start3A_301 = arith.constant 128 : i32
    %dma_start3A_302 = arith.constant 0 : i32
    %dma_start3A_303 = tpu.memref_slice %arg6[%dma_start3A_301, %dma_start3A_302] : memref<256x128xf32, #tpu.memory_space<vmem>> -> memref<8x128xf32, #tpu.memory_space<vmem>>
    %dma_start3A_304 = tpu.memref_slice %arg2[%multiple_of3A_295, %multiple_of3A_300] : memref<100000x1024xf32, #tpu.memory_space<hbm>> -> memref<8x128xf32, #tpu.memory_space<hbm>>
    %dma_start3A_305 = arith.constant 128 : i32
    %dma_start3A_306 = arith.constant 0 : i32
    %dma_start3A_307 = tpu.memref_slice %arg6[%dma_start3A_305, %dma_start3A_306] : memref<256x128xf32, #tpu.memory_space<vmem>> -> memref<8x128xf32, #tpu.memory_space<vmem>>
    %dma_start3A_308 = tpu.memref_slice %arg2[%multiple_of3A_295, %multiple_of3A_300] : memref<100000x1024xf32, #tpu.memory_space<hbm>> -> memref<8x128xf32, #tpu.memory_space<hbm>>
    tpu.enqueue_dma source(%dma_start3A_308 : memref<8x128xf32, #tpu.memory_space<hbm>>) target(%dma_start3A_307 : memref<8x128xf32, #tpu.memory_space<vmem>>) target_semaphore(%arg10 : memref<!tpu.dma_semaphore, #tpu.memory_space<semaphore_mem>>)
    %slice3A_309 = vector.extract_strided_slice %get3A_7 {offsets = [1], sizes = [1], strides = [1]} : vector<16xi32> to vector<1xi32>
    %squeeze3A_310 = vector.extract %slice3A_309[0] : i32 from vector<1xi32>
    %and3A_311 = arith.constant -8 : i32
    %and3A_312 = arith.andi %squeeze3A_310, %and3A_311 : i32
    %multiple_of3A_313 = tpu.assume_multiple %and3A_312, 8 : i32
    %add3A_314 = arith.constant 17 : i32
    %add3A_315 = arith.addi %mul3A_2, %add3A_314 : i32
    %and3A_316 = arith.constant -128 : i32
    %and3A_317 = arith.andi %add3A_315, %and3A_316 : i32
    %multiple_of3A_318 = tpu.assume_multiple %and3A_317, 128 : i32
    %dma_start3A_319 = arith.constant 136 : i32
    %dma_start3A_320 = arith.constant 0 : i32
    %dma_start3A_321 = tpu.memref_slice %arg6[%dma_start3A_319, %dma_start3A_320] : memref<256x128xf32, #tpu.memory_space<vmem>> -> memref<8x128xf32, #tpu.memory_space<vmem>>
    %dma_start3A_322 = tpu.memref_slice %arg2[%multiple_of3A_313, %multiple_of3A_318] : memref<100000x1024xf32, #tpu.memory_space<hbm>> -> memref<8x128xf32, #tpu.memory_space<hbm>>
    %dma_start3A_323 = arith.constant 136 : i32
    %dma_start3A_324 = arith.constant 0 : i32
    %dma_start3A_325 = tpu.memref_slice %arg6[%dma_start3A_323, %dma_start3A_324] : memref<256x128xf32, #tpu.memory_space<vmem>> -> memref<8x128xf32, #tpu.memory_space<vmem>>
    %dma_start3A_326 = tpu.memref_slice %arg2[%multiple_of3A_313, %multiple_of3A_318] : memref<100000x1024xf32, #tpu.memory_space<hbm>> -> memref<8x128xf32, #tpu.memory_space<hbm>>
    tpu.enqueue_dma source(%dma_start3A_326 : memref<8x128xf32, #tpu.memory_space<hbm>>) target(%dma_start3A_325 : memref<8x128xf32, #tpu.memory_space<vmem>>) target_semaphore(%arg10 : memref<!tpu.dma_semaphore, #tpu.memory_space<semaphore_mem>>)
    %slice3A_327 = vector.extract_strided_slice %get3A_7 {offsets = [2], sizes = [1], strides = [1]} : vector<16xi32> to vector<1xi32>
    %squeeze3A_328 = vector.extract %slice3A_327[0] : i32 from vector<1xi32>
    %and3A_329 = arith.constant -8 : i32
    %and3A_330 = arith.andi %squeeze3A_328, %and3A_329 : i32
    %multiple_of3A_331 = tpu.assume_multiple %and3A_330, 8 : i32
    %add3A_332 = arith.constant 18 : i32
    %add3A_333 = arith.addi %mul3A_2, %add3A_332 : i32
    %and3A_334 = arith.constant -128 : i32
    %and3A_335 = arith.andi %add3A_333, %and3A_334 : i32
    %multiple_of3A_336 = tpu.assume_multiple %and3A_335, 128 : i32
    %dma_start3A_337 = arith.constant 144 : i32
    %dma_start3A_338 = arith.constant 0 : i32
    %dma_start3A_339 = tpu.memref_slice %arg6[%dma_start3A_337, %dma_start3A_338] : memref<256x128xf32, #tpu.memory_space<vmem>> -> memref<8x128xf32, #tpu.memory_space<vmem>>
    %dma_start3A_340 = tpu.memref_slice %arg2[%multiple_of3A_331, %multiple_of3A_336] : memref<100000x1024xf32, #tpu.memory_space<hbm>> -> memref<8x128xf32, #tpu.memory_space<hbm>>
    %dma_start3A_341 = arith.constant 144 : i32
    %dma_start3A_342 = arith.constant 0 : i32
    %dma_start3A_343 = tpu.memref_slice %arg6[%dma_start3A_341, %dma_start3A_342] : memref<256x128xf32, #tpu.memory_space<vmem>> -> memref<8x128xf32, #tpu.memory_space<vmem>>
    %dma_start3A_344 = tpu.memref_slice %arg2[%multiple_of3A_331, %multiple_of3A_336] : memref<100000x1024xf32, #tpu.memory_space<hbm>> -> memref<8x128xf32, #tpu.memory_space<hbm>>
    tpu.enqueue_dma source(%dma_start3A_344 : memref<8x128xf32, #tpu.memory_space<hbm>>) target(%dma_start3A_343 : memref<8x128xf32, #tpu.memory_space<vmem>>) target_semaphore(%arg10 : memref<!tpu.dma_semaphore, #tpu.memory_space<semaphore_mem>>)
    %slice3A_345 = vector.extract_strided_slice %get3A_7 {offsets = [3], sizes = [1], strides = [1]} : vector<16xi32> to vector<1xi32>
    %squeeze3A_346 = vector.extract %slice3A_345[0] : i32 from vector<1xi32>
    %and3A_347 = arith.constant -8 : i32
    %and3A_348 = arith.andi %squeeze3A_346, %and3A_347 : i32
    %multiple_of3A_349 = tpu.assume_multiple %and3A_348, 8 : i32
    %add3A_350 = arith.constant 19 : i32
    %add3A_351 = arith.addi %mul3A_2, %add3A_350 : i32
    %and3A_352 = arith.constant -128 : i32
    %and3A_353 = arith.andi %add3A_351, %and3A_352 : i32
    %multiple_of3A_354 = tpu.assume_multiple %and3A_353, 128 : i32
    %dma_start3A_355 = arith.constant 152 : i32
    %dma_start3A_356 = arith.constant 0 : i32
    %dma_start3A_357 = tpu.memref_slice %arg6[%dma_start3A_355, %dma_start3A_356] : memref<256x128xf32, #tpu.memory_space<vmem>> -> memref<8x128xf32, #tpu.memory_space<vmem>>
    %dma_start3A_358 = tpu.memref_slice %arg2[%multiple_of3A_349, %multiple_of3A_354] : memref<100000x1024xf32, #tpu.memory_space<hbm>> -> memref<8x128xf32, #tpu.memory_space<hbm>>
    %dma_start3A_359 = arith.constant 152 : i32
    %dma_start3A_360 = arith.constant 0 : i32
    %dma_start3A_361 = tpu.memref_slice %arg6[%dma_start3A_359, %dma_start3A_360] : memref<256x128xf32, #tpu.memory_space<vmem>> -> memref<8x128xf32, #tpu.memory_space<vmem>>
    %dma_start3A_362 = tpu.memref_slice %arg2[%multiple_of3A_349, %multiple_of3A_354] : memref<100000x1024xf32, #tpu.memory_space<hbm>> -> memref<8x128xf32, #tpu.memory_space<hbm>>
    tpu.enqueue_dma source(%dma_start3A_362 : memref<8x128xf32, #tpu.memory_space<hbm>>) target(%dma_start3A_361 : memref<8x128xf32, #tpu.memory_space<vmem>>) target_semaphore(%arg10 : memref<!tpu.dma_semaphore, #tpu.memory_space<semaphore_mem>>)
    %slice3A_363 = vector.extract_strided_slice %get3A_7 {offsets = [4], sizes = [1], strides = [1]} : vector<16xi32> to vector<1xi32>
    %squeeze3A_364 = vector.extract %slice3A_363[0] : i32 from vector<1xi32>
    %and3A_365 = arith.constant -8 : i32
    %and3A_366 = arith.andi %squeeze3A_364, %and3A_365 : i32
    %multiple_of3A_367 = tpu.assume_multiple %and3A_366, 8 : i32
    %add3A_368 = arith.constant 20 : i32
    %add3A_369 = arith.addi %mul3A_2, %add3A_368 : i32
    %and3A_370 = arith.constant -128 : i32
    %and3A_371 = arith.andi %add3A_369, %and3A_370 : i32
    %multiple_of3A_372 = tpu.assume_multiple %and3A_371, 128 : i32
    %dma_start3A_373 = arith.constant 160 : i32
    %dma_start3A_374 = arith.constant 0 : i32
    %dma_start3A_375 = tpu.memref_slice %arg6[%dma_start3A_373, %dma_start3A_374] : memref<256x128xf32, #tpu.memory_space<vmem>> -> memref<8x128xf32, #tpu.memory_space<vmem>>
    %dma_start3A_376 = tpu.memref_slice %arg2[%multiple_of3A_367, %multiple_of3A_372] : memref<100000x1024xf32, #tpu.memory_space<hbm>> -> memref<8x128xf32, #tpu.memory_space<hbm>>
    %dma_start3A_377 = arith.constant 160 : i32
    %dma_start3A_378 = arith.constant 0 : i32
    %dma_start3A_379 = tpu.memref_slice %arg6[%dma_start3A_377, %dma_start3A_378] : memref<256x128xf32, #tpu.memory_space<vmem>> -> memref<8x128xf32, #tpu.memory_space<vmem>>
    %dma_start3A_380 = tpu.memref_slice %arg2[%multiple_of3A_367, %multiple_of3A_372] : memref<100000x1024xf32, #tpu.memory_space<hbm>> -> memref<8x128xf32, #tpu.memory_space<hbm>>
    tpu.enqueue_dma source(%dma_start3A_380 : memref<8x128xf32, #tpu.memory_space<hbm>>) target(%dma_start3A_379 : memref<8x128xf32, #tpu.memory_space<vmem>>) target_semaphore(%arg10 : memref<!tpu.dma_semaphore, #tpu.memory_space<semaphore_mem>>)
    %slice3A_381 = vector.extract_strided_slice %get3A_7 {offsets = [5], sizes = [1], strides = [1]} : vector<16xi32> to vector<1xi32>
    %squeeze3A_382 = vector.extract %slice3A_381[0] : i32 from vector<1xi32>
    %and3A_383 = arith.constant -8 : i32
    %and3A_384 = arith.andi %squeeze3A_382, %and3A_383 : i32
    %multiple_of3A_385 = tpu.assume_multiple %and3A_384, 8 : i32
    %add3A_386 = arith.constant 21 : i32
    %add3A_387 = arith.addi %mul3A_2, %add3A_386 : i32
    %and3A_388 = arith.constant -128 : i32
    %and3A_389 = arith.andi %add3A_387, %and3A_388 : i32
    %multiple_of3A_390 = tpu.assume_multiple %and3A_389, 128 : i32
    %dma_start3A_391 = arith.constant 168 : i32
    %dma_start3A_392 = arith.constant 0 : i32
    %dma_start3A_393 = tpu.memref_slice %arg6[%dma_start3A_391, %dma_start3A_392] : memref<256x128xf32, #tpu.memory_space<vmem>> -> memref<8x128xf32, #tpu.memory_space<vmem>>
    %dma_start3A_394 = tpu.memref_slice %arg2[%multiple_of3A_385, %multiple_of3A_390] : memref<100000x1024xf32, #tpu.memory_space<hbm>> -> memref<8x128xf32, #tpu.memory_space<hbm>>
    %dma_start3A_395 = arith.constant 168 : i32
    %dma_start3A_396 = arith.constant 0 : i32
    %dma_start3A_397 = tpu.memref_slice %arg6[%dma_start3A_395, %dma_start3A_396] : memref<256x128xf32, #tpu.memory_space<vmem>> -> memref<8x128xf32, #tpu.memory_space<vmem>>
    %dma_start3A_398 = tpu.memref_slice %arg2[%multiple_of3A_385, %multiple_of3A_390] : memref<100000x1024xf32, #tpu.memory_space<hbm>> -> memref<8x128xf32, #tpu.memory_space<hbm>>
    tpu.enqueue_dma source(%dma_start3A_398 : memref<8x128xf32, #tpu.memory_space<hbm>>) target(%dma_start3A_397 : memref<8x128xf32, #tpu.memory_space<vmem>>) target_semaphore(%arg10 : memref<!tpu.dma_semaphore, #tpu.memory_space<semaphore_mem>>)
    %slice3A_399 = vector.extract_strided_slice %get3A_7 {offsets = [6], sizes = [1], strides = [1]} : vector<16xi32> to vector<1xi32>
    %squeeze3A_400 = vector.extract %slice3A_399[0] : i32 from vector<1xi32>
    %and3A_401 = arith.constant -8 : i32
    %and3A_402 = arith.andi %squeeze3A_400, %and3A_401 : i32
    %multiple_of3A_403 = tpu.assume_multiple %and3A_402, 8 : i32
    %add3A_404 = arith.constant 22 : i32
    %add3A_405 = arith.addi %mul3A_2, %add3A_404 : i32
    %and3A_406 = arith.constant -128 : i32
    %and3A_407 = arith.andi %add3A_405, %and3A_406 : i32
    %multiple_of3A_408 = tpu.assume_multiple %and3A_407, 128 : i32
    %dma_start3A_409 = arith.constant 176 : i32
    %dma_start3A_410 = arith.constant 0 : i32
    %dma_start3A_411 = tpu.memref_slice %arg6[%dma_start3A_409, %dma_start3A_410] : memref<256x128xf32, #tpu.memory_space<vmem>> -> memref<8x128xf32, #tpu.memory_space<vmem>>
    %dma_start3A_412 = tpu.memref_slice %arg2[%multiple_of3A_403, %multiple_of3A_408] : memref<100000x1024xf32, #tpu.memory_space<hbm>> -> memref<8x128xf32, #tpu.memory_space<hbm>>
    %dma_start3A_413 = arith.constant 176 : i32
    %dma_start3A_414 = arith.constant 0 : i32
    %dma_start3A_415 = tpu.memref_slice %arg6[%dma_start3A_413, %dma_start3A_414] : memref<256x128xf32, #tpu.memory_space<vmem>> -> memref<8x128xf32, #tpu.memory_space<vmem>>
    %dma_start3A_416 = tpu.memref_slice %arg2[%multiple_of3A_403, %multiple_of3A_408] : memref<100000x1024xf32, #tpu.memory_space<hbm>> -> memref<8x128xf32, #tpu.memory_space<hbm>>
    tpu.enqueue_dma source(%dma_start3A_416 : memref<8x128xf32, #tpu.memory_space<hbm>>) target(%dma_start3A_415 : memref<8x128xf32, #tpu.memory_space<vmem>>) target_semaphore(%arg10 : memref<!tpu.dma_semaphore, #tpu.memory_space<semaphore_mem>>)
    %slice3A_417 = vector.extract_strided_slice %get3A_7 {offsets = [7], sizes = [1], strides = [1]} : vector<16xi32> to vector<1xi32>
    %squeeze3A_418 = vector.extract %slice3A_417[0] : i32 from vector<1xi32>
    %and3A_419 = arith.constant -8 : i32
    %and3A_420 = arith.andi %squeeze3A_418, %and3A_419 : i32
    %multiple_of3A_421 = tpu.assume_multiple %and3A_420, 8 : i32
    %add3A_422 = arith.constant 23 : i32
    %add3A_423 = arith.addi %mul3A_2, %add3A_422 : i32
    %and3A_424 = arith.constant -128 : i32
    %and3A_425 = arith.andi %add3A_423, %and3A_424 : i32
    %multiple_of3A_426 = tpu.assume_multiple %and3A_425, 128 : i32
    %dma_start3A_427 = arith.constant 184 : i32
    %dma_start3A_428 = arith.constant 0 : i32
    %dma_start3A_429 = tpu.memref_slice %arg6[%dma_start3A_427, %dma_start3A_428] : memref<256x128xf32, #tpu.memory_space<vmem>> -> memref<8x128xf32, #tpu.memory_space<vmem>>
    %dma_start3A_430 = tpu.memref_slice %arg2[%multiple_of3A_421, %multiple_of3A_426] : memref<100000x1024xf32, #tpu.memory_space<hbm>> -> memref<8x128xf32, #tpu.memory_space<hbm>>
    %dma_start3A_431 = arith.constant 184 : i32
    %dma_start3A_432 = arith.constant 0 : i32
    %dma_start3A_433 = tpu.memref_slice %arg6[%dma_start3A_431, %dma_start3A_432] : memref<256x128xf32, #tpu.memory_space<vmem>> -> memref<8x128xf32, #tpu.memory_space<vmem>>
    %dma_start3A_434 = tpu.memref_slice %arg2[%multiple_of3A_421, %multiple_of3A_426] : memref<100000x1024xf32, #tpu.memory_space<hbm>> -> memref<8x128xf32, #tpu.memory_space<hbm>>
    tpu.enqueue_dma source(%dma_start3A_434 : memref<8x128xf32, #tpu.memory_space<hbm>>) target(%dma_start3A_433 : memref<8x128xf32, #tpu.memory_space<vmem>>) target_semaphore(%arg10 : memref<!tpu.dma_semaphore, #tpu.memory_space<semaphore_mem>>)
    %slice3A_435 = vector.extract_strided_slice %get3A_7 {offsets = [8], sizes = [1], strides = [1]} : vector<16xi32> to vector<1xi32>
    %squeeze3A_436 = vector.extract %slice3A_435[0] : i32 from vector<1xi32>
    %and3A_437 = arith.constant -8 : i32
    %and3A_438 = arith.andi %squeeze3A_436, %and3A_437 : i32
    %multiple_of3A_439 = tpu.assume_multiple %and3A_438, 8 : i32
    %add3A_440 = arith.constant 24 : i32
    %add3A_441 = arith.addi %mul3A_2, %add3A_440 : i32
    %and3A_442 = arith.constant -128 : i32
    %and3A_443 = arith.andi %add3A_441, %and3A_442 : i32
    %multiple_of3A_444 = tpu.assume_multiple %and3A_443, 128 : i32
    %dma_start3A_445 = arith.constant 192 : i32
    %dma_start3A_446 = arith.constant 0 : i32
    %dma_start3A_447 = tpu.memref_slice %arg6[%dma_start3A_445, %dma_start3A_446] : memref<256x128xf32, #tpu.memory_space<vmem>> -> memref<8x128xf32, #tpu.memory_space<vmem>>
    %dma_start3A_448 = tpu.memref_slice %arg2[%multiple_of3A_439, %multiple_of3A_444] : memref<100000x1024xf32, #tpu.memory_space<hbm>> -> memref<8x128xf32, #tpu.memory_space<hbm>>
    %dma_start3A_449 = arith.constant 192 : i32
    %dma_start3A_450 = arith.constant 0 : i32
    %dma_start3A_451 = tpu.memref_slice %arg6[%dma_start3A_449, %dma_start3A_450] : memref<256x128xf32, #tpu.memory_space<vmem>> -> memref<8x128xf32, #tpu.memory_space<vmem>>
    %dma_start3A_452 = tpu.memref_slice %arg2[%multiple_of3A_439, %multiple_of3A_444] : memref<100000x1024xf32, #tpu.memory_space<hbm>> -> memref<8x128xf32, #tpu.memory_space<hbm>>
    tpu.enqueue_dma source(%dma_start3A_452 : memref<8x128xf32, #tpu.memory_space<hbm>>) target(%dma_start3A_451 : memref<8x128xf32, #tpu.memory_space<vmem>>) target_semaphore(%arg10 : memref<!tpu.dma_semaphore, #tpu.memory_space<semaphore_mem>>)
    %slice3A_453 = vector.extract_strided_slice %get3A_7 {offsets = [9], sizes = [1], strides = [1]} : vector<16xi32> to vector<1xi32>
    %squeeze3A_454 = vector.extract %slice3A_453[0] : i32 from vector<1xi32>
    %and3A_455 = arith.constant -8 : i32
    %and3A_456 = arith.andi %squeeze3A_454, %and3A_455 : i32
    %multiple_of3A_457 = tpu.assume_multiple %and3A_456, 8 : i32
    %add3A_458 = arith.constant 25 : i32
    %add3A_459 = arith.addi %mul3A_2, %add3A_458 : i32
    %and3A_460 = arith.constant -128 : i32
    %and3A_461 = arith.andi %add3A_459, %and3A_460 : i32
    %multiple_of3A_462 = tpu.assume_multiple %and3A_461, 128 : i32
    %dma_start3A_463 = arith.constant 200 : i32
    %dma_start3A_464 = arith.constant 0 : i32
    %dma_start3A_465 = tpu.memref_slice %arg6[%dma_start3A_463, %dma_start3A_464] : memref<256x128xf32, #tpu.memory_space<vmem>> -> memref<8x128xf32, #tpu.memory_space<vmem>>
    %dma_start3A_466 = tpu.memref_slice %arg2[%multiple_of3A_457, %multiple_of3A_462] : memref<100000x1024xf32, #tpu.memory_space<hbm>> -> memref<8x128xf32, #tpu.memory_space<hbm>>
    %dma_start3A_467 = arith.constant 200 : i32
    %dma_start3A_468 = arith.constant 0 : i32
    %dma_start3A_469 = tpu.memref_slice %arg6[%dma_start3A_467, %dma_start3A_468] : memref<256x128xf32, #tpu.memory_space<vmem>> -> memref<8x128xf32, #tpu.memory_space<vmem>>
    %dma_start3A_470 = tpu.memref_slice %arg2[%multiple_of3A_457, %multiple_of3A_462] : memref<100000x1024xf32, #tpu.memory_space<hbm>> -> memref<8x128xf32, #tpu.memory_space<hbm>>
    tpu.enqueue_dma source(%dma_start3A_470 : memref<8x128xf32, #tpu.memory_space<hbm>>) target(%dma_start3A_469 : memref<8x128xf32, #tpu.memory_space<vmem>>) target_semaphore(%arg10 : memref<!tpu.dma_semaphore, #tpu.memory_space<semaphore_mem>>)
    %slice3A_471 = vector.extract_strided_slice %get3A_7 {offsets = [10], sizes = [1], strides = [1]} : vector<16xi32> to vector<1xi32>
    %squeeze3A_472 = vector.extract %slice3A_471[0] : i32 from vector<1xi32>
    %and3A_473 = arith.constant -8 : i32
    %and3A_474 = arith.andi %squeeze3A_472, %and3A_473 : i32
    %multiple_of3A_475 = tpu.assume_multiple %and3A_474, 8 : i32
    %add3A_476 = arith.constant 26 : i32
    %add3A_477 = arith.addi %mul3A_2, %add3A_476 : i32
    %and3A_478 = arith.constant -128 : i32
    %and3A_479 = arith.andi %add3A_477, %and3A_478 : i32
    %multiple_of3A_480 = tpu.assume_multiple %and3A_479, 128 : i32
    %dma_start3A_481 = arith.constant 208 : i32
    %dma_start3A_482 = arith.constant 0 : i32
    %dma_start3A_483 = tpu.memref_slice %arg6[%dma_start3A_481, %dma_start3A_482] : memref<256x128xf32, #tpu.memory_space<vmem>> -> memref<8x128xf32, #tpu.memory_space<vmem>>
    %dma_start3A_484 = tpu.memref_slice %arg2[%multiple_of3A_475, %multiple_of3A_480] : memref<100000x1024xf32, #tpu.memory_space<hbm>> -> memref<8x128xf32, #tpu.memory_space<hbm>>
    %dma_start3A_485 = arith.constant 208 : i32
    %dma_start3A_486 = arith.constant 0 : i32
    %dma_start3A_487 = tpu.memref_slice %arg6[%dma_start3A_485, %dma_start3A_486] : memref<256x128xf32, #tpu.memory_space<vmem>> -> memref<8x128xf32, #tpu.memory_space<vmem>>
    %dma_start3A_488 = tpu.memref_slice %arg2[%multiple_of3A_475, %multiple_of3A_480] : memref<100000x1024xf32, #tpu.memory_space<hbm>> -> memref<8x128xf32, #tpu.memory_space<hbm>>
    tpu.enqueue_dma source(%dma_start3A_488 : memref<8x128xf32, #tpu.memory_space<hbm>>) target(%dma_start3A_487 : memref<8x128xf32, #tpu.memory_space<vmem>>) target_semaphore(%arg10 : memref<!tpu.dma_semaphore, #tpu.memory_space<semaphore_mem>>)
    %slice3A_489 = vector.extract_strided_slice %get3A_7 {offsets = [11], sizes = [1], strides = [1]} : vector<16xi32> to vector<1xi32>
    %squeeze3A_490 = vector.extract %slice3A_489[0] : i32 from vector<1xi32>
    %and3A_491 = arith.constant -8 : i32
    %and3A_492 = arith.andi %squeeze3A_490, %and3A_491 : i32
    %multiple_of3A_493 = tpu.assume_multiple %and3A_492, 8 : i32
    %add3A_494 = arith.constant 27 : i32
    %add3A_495 = arith.addi %mul3A_2, %add3A_494 : i32
    %and3A_496 = arith.constant -128 : i32
    %and3A_497 = arith.andi %add3A_495, %and3A_496 : i32
    %multiple_of3A_498 = tpu.assume_multiple %and3A_497, 128 : i32
    %dma_start3A_499 = arith.constant 216 : i32
    %dma_start3A_500 = arith.constant 0 : i32
    %dma_start3A_501 = tpu.memref_slice %arg6[%dma_start3A_499, %dma_start3A_500] : memref<256x128xf32, #tpu.memory_space<vmem>> -> memref<8x128xf32, #tpu.memory_space<vmem>>
    %dma_start3A_502 = tpu.memref_slice %arg2[%multiple_of3A_493, %multiple_of3A_498] : memref<100000x1024xf32, #tpu.memory_space<hbm>> -> memref<8x128xf32, #tpu.memory_space<hbm>>
    %dma_start3A_503 = arith.constant 216 : i32
    %dma_start3A_504 = arith.constant 0 : i32
    %dma_start3A_505 = tpu.memref_slice %arg6[%dma_start3A_503, %dma_start3A_504] : memref<256x128xf32, #tpu.memory_space<vmem>> -> memref<8x128xf32, #tpu.memory_space<vmem>>
    %dma_start3A_506 = tpu.memref_slice %arg2[%multiple_of3A_493, %multiple_of3A_498] : memref<100000x1024xf32, #tpu.memory_space<hbm>> -> memref<8x128xf32, #tpu.memory_space<hbm>>
    tpu.enqueue_dma source(%dma_start3A_506 : memref<8x128xf32, #tpu.memory_space<hbm>>) target(%dma_start3A_505 : memref<8x128xf32, #tpu.memory_space<vmem>>) target_semaphore(%arg10 : memref<!tpu.dma_semaphore, #tpu.memory_space<semaphore_mem>>)
    %slice3A_507 = vector.extract_strided_slice %get3A_7 {offsets = [12], sizes = [1], strides = [1]} : vector<16xi32> to vector<1xi32>
    %squeeze3A_508 = vector.extract %slice3A_507[0] : i32 from vector<1xi32>
    %and3A_509 = arith.constant -8 : i32
    %and3A_510 = arith.andi %squeeze3A_508, %and3A_509 : i32
    %multiple_of3A_511 = tpu.assume_multiple %and3A_510, 8 : i32
    %add3A_512 = arith.constant 28 : i32
    %add3A_513 = arith.addi %mul3A_2, %add3A_512 : i32
    %and3A_514 = arith.constant -128 : i32
    %and3A_515 = arith.andi %add3A_513, %and3A_514 : i32
    %multiple_of3A_516 = tpu.assume_multiple %and3A_515, 128 : i32
    %dma_start3A_517 = arith.constant 224 : i32
    %dma_start3A_518 = arith.constant 0 : i32
    %dma_start3A_519 = tpu.memref_slice %arg6[%dma_start3A_517, %dma_start3A_518] : memref<256x128xf32, #tpu.memory_space<vmem>> -> memref<8x128xf32, #tpu.memory_space<vmem>>
    %dma_start3A_520 = tpu.memref_slice %arg2[%multiple_of3A_511, %multiple_of3A_516] : memref<100000x1024xf32, #tpu.memory_space<hbm>> -> memref<8x128xf32, #tpu.memory_space<hbm>>
    %dma_start3A_521 = arith.constant 224 : i32
    %dma_start3A_522 = arith.constant 0 : i32
    %dma_start3A_523 = tpu.memref_slice %arg6[%dma_start3A_521, %dma_start3A_522] : memref<256x128xf32, #tpu.memory_space<vmem>> -> memref<8x128xf32, #tpu.memory_space<vmem>>
    %dma_start3A_524 = tpu.memref_slice %arg2[%multiple_of3A_511, %multiple_of3A_516] : memref<100000x1024xf32, #tpu.memory_space<hbm>> -> memref<8x128xf32, #tpu.memory_space<hbm>>
    tpu.enqueue_dma source(%dma_start3A_524 : memref<8x128xf32, #tpu.memory_space<hbm>>) target(%dma_start3A_523 : memref<8x128xf32, #tpu.memory_space<vmem>>) target_semaphore(%arg10 : memref<!tpu.dma_semaphore, #tpu.memory_space<semaphore_mem>>)
    %slice3A_525 = vector.extract_strided_slice %get3A_7 {offsets = [13], sizes = [1], strides = [1]} : vector<16xi32> to vector<1xi32>
    %squeeze3A_526 = vector.extract %slice3A_525[0] : i32 from vector<1xi32>
    %and3A_527 = arith.constant -8 : i32
    %and3A_528 = arith.andi %squeeze3A_526, %and3A_527 : i32
    %multiple_of3A_529 = tpu.assume_multiple %and3A_528, 8 : i32
    %add3A_530 = arith.constant 29 : i32
    %add3A_531 = arith.addi %mul3A_2, %add3A_530 : i32
    %and3A_532 = arith.constant -128 : i32
    %and3A_533 = arith.andi %add3A_531, %and3A_532 : i32
    %multiple_of3A_534 = tpu.assume_multiple %and3A_533, 128 : i32
    %dma_start3A_535 = arith.constant 232 : i32
    %dma_start3A_536 = arith.constant 0 : i32
    %dma_start3A_537 = tpu.memref_slice %arg6[%dma_start3A_535, %dma_start3A_536] : memref<256x128xf32, #tpu.memory_space<vmem>> -> memref<8x128xf32, #tpu.memory_space<vmem>>
    %dma_start3A_538 = tpu.memref_slice %arg2[%multiple_of3A_529, %multiple_of3A_534] : memref<100000x1024xf32, #tpu.memory_space<hbm>> -> memref<8x128xf32, #tpu.memory_space<hbm>>
    %dma_start3A_539 = arith.constant 232 : i32
    %dma_start3A_540 = arith.constant 0 : i32
    %dma_start3A_541 = tpu.memref_slice %arg6[%dma_start3A_539, %dma_start3A_540] : memref<256x128xf32, #tpu.memory_space<vmem>> -> memref<8x128xf32, #tpu.memory_space<vmem>>
    %dma_start3A_542 = tpu.memref_slice %arg2[%multiple_of3A_529, %multiple_of3A_534] : memref<100000x1024xf32, #tpu.memory_space<hbm>> -> memref<8x128xf32, #tpu.memory_space<hbm>>
    tpu.enqueue_dma source(%dma_start3A_542 : memref<8x128xf32, #tpu.memory_space<hbm>>) target(%dma_start3A_541 : memref<8x128xf32, #tpu.memory_space<vmem>>) target_semaphore(%arg10 : memref<!tpu.dma_semaphore, #tpu.memory_space<semaphore_mem>>)
    %slice3A_543 = vector.extract_strided_slice %get3A_7 {offsets = [14], sizes = [1], strides = [1]} : vector<16xi32> to vector<1xi32>
    %squeeze3A_544 = vector.extract %slice3A_543[0] : i32 from vector<1xi32>
    %and3A_545 = arith.constant -8 : i32
    %and3A_546 = arith.andi %squeeze3A_544, %and3A_545 : i32
    %multiple_of3A_547 = tpu.assume_multiple %and3A_546, 8 : i32
    %add3A_548 = arith.constant 30 : i32
    %add3A_549 = arith.addi %mul3A_2, %add3A_548 : i32
    %and3A_550 = arith.constant -128 : i32
    %and3A_551 = arith.andi %add3A_549, %and3A_550 : i32
    %multiple_of3A_552 = tpu.assume_multiple %and3A_551, 128 : i32
    %dma_start3A_553 = arith.constant 240 : i32
    %dma_start3A_554 = arith.constant 0 : i32
    %dma_start3A_555 = tpu.memref_slice %arg6[%dma_start3A_553, %dma_start3A_554] : memref<256x128xf32, #tpu.memory_space<vmem>> -> memref<8x128xf32, #tpu.memory_space<vmem>>
    %dma_start3A_556 = tpu.memref_slice %arg2[%multiple_of3A_547, %multiple_of3A_552] : memref<100000x1024xf32, #tpu.memory_space<hbm>> -> memref<8x128xf32, #tpu.memory_space<hbm>>
    %dma_start3A_557 = arith.constant 240 : i32
    %dma_start3A_558 = arith.constant 0 : i32
    %dma_start3A_559 = tpu.memref_slice %arg6[%dma_start3A_557, %dma_start3A_558] : memref<256x128xf32, #tpu.memory_space<vmem>> -> memref<8x128xf32, #tpu.memory_space<vmem>>
    %dma_start3A_560 = tpu.memref_slice %arg2[%multiple_of3A_547, %multiple_of3A_552] : memref<100000x1024xf32, #tpu.memory_space<hbm>> -> memref<8x128xf32, #tpu.memory_space<hbm>>
    tpu.enqueue_dma source(%dma_start3A_560 : memref<8x128xf32, #tpu.memory_space<hbm>>) target(%dma_start3A_559 : memref<8x128xf32, #tpu.memory_space<vmem>>) target_semaphore(%arg10 : memref<!tpu.dma_semaphore, #tpu.memory_space<semaphore_mem>>)
    %slice3A_561 = vector.extract_strided_slice %get3A_7 {offsets = [15], sizes = [1], strides = [1]} : vector<16xi32> to vector<1xi32>
    %squeeze3A_562 = vector.extract %slice3A_561[0] : i32 from vector<1xi32>
    %and3A_563 = arith.constant -8 : i32
    %and3A_564 = arith.andi %squeeze3A_562, %and3A_563 : i32
    %multiple_of3A_565 = tpu.assume_multiple %and3A_564, 8 : i32
    %add3A_566 = arith.constant 31 : i32
    %add3A_567 = arith.addi %mul3A_2, %add3A_566 : i32
    %and3A_568 = arith.constant -128 : i32
    %and3A_569 = arith.andi %add3A_567, %and3A_568 : i32
    %multiple_of3A_570 = tpu.assume_multiple %and3A_569, 128 : i32
    %dma_start3A_571 = arith.constant 248 : i32
    %dma_start3A_572 = arith.constant 0 : i32
    %dma_start3A_573 = tpu.memref_slice %arg6[%dma_start3A_571, %dma_start3A_572] : memref<256x128xf32, #tpu.memory_space<vmem>> -> memref<8x128xf32, #tpu.memory_space<vmem>>
    %dma_start3A_574 = tpu.memref_slice %arg2[%multiple_of3A_565, %multiple_of3A_570] : memref<100000x1024xf32, #tpu.memory_space<hbm>> -> memref<8x128xf32, #tpu.memory_space<hbm>>
    %dma_start3A_575 = arith.constant 248 : i32
    %dma_start3A_576 = arith.constant 0 : i32
    %dma_start3A_577 = tpu.memref_slice %arg6[%dma_start3A_575, %dma_start3A_576] : memref<256x128xf32, #tpu.memory_space<vmem>> -> memref<8x128xf32, #tpu.memory_space<vmem>>
    %dma_start3A_578 = tpu.memref_slice %arg2[%multiple_of3A_565, %multiple_of3A_570] : memref<100000x1024xf32, #tpu.memory_space<hbm>> -> memref<8x128xf32, #tpu.memory_space<hbm>>
    tpu.enqueue_dma source(%dma_start3A_578 : memref<8x128xf32, #tpu.memory_space<hbm>>) target(%dma_start3A_577 : memref<8x128xf32, #tpu.memory_space<vmem>>) target_semaphore(%arg10 : memref<!tpu.dma_semaphore, #tpu.memory_space<semaphore_mem>>)
    %mul3A_579 = arith.constant 32 : i32
    %mul3A_580 = arith.constant 0 : i32
    %mul3A_581 = arith.muli %mul3A_579, %mul3A_580 : i32
    %add3A_582 = arith.addi %add3A, %mul3A_581 : i32
    %mul3A_583 = arith.constant 32 : i32
    %mul3A_584 = arith.muli %mul3A_583, %add3A_582 : i32
    %add3A_585 = arith.constant 51200 : i32
    %add3A_586 = arith.addi %add3A_585, %mul3A_584 : i32
    %min3A = arith.constant 99968 : i32
    %min3A_587 = arith.minsi %add3A_586, %min3A : i32
    %multiple_of3A_588 = tpu.assume_multiple %min3A_587, 8 : i32
    %dma_start3A_589 = arith.constant 0 : i32
    %dma_start3A_590 = tpu.memref_slice %arg2[%multiple_of3A_588, %dma_start3A_589] : memref<100000x1024xf32, #tpu.memory_space<hbm>> -> memref<32x1024xf32, #tpu.memory_space<hbm>>
    %dma_start3A_591 = arith.constant 0 : i32
    %dma_start3A_592 = tpu.memref_slice %arg2[%multiple_of3A_588, %dma_start3A_591] : memref<100000x1024xf32, #tpu.memory_space<hbm>> -> memref<32x1024xf32, #tpu.memory_space<hbm>>
    tpu.enqueue_dma source(%dma_start3A_592 : memref<32x1024xf32, #tpu.memory_space<hbm>>) target(%arg8 : memref<32x1024xf32, #tpu.memory_space<vmem>>) target_semaphore(%arg11 : memref<!tpu.dma_semaphore, #tpu.memory_space<semaphore_mem>>)
    %broadcast_in_dim3A = arith.constant 0.000000e+00 : f32
    %broadcast_in_dim3A_593 = vector.broadcast %broadcast_in_dim3A : f32 to vector<16xf32>
    %scan3A = arith.constant 0 : i32
    %scan3A_594 = arith.constant 24 : i32
    %scan3A_595 = arith.addi %scan3A, %scan3A_594 : i32
    %scan3A_596 = arith.constant 1 : i32
    %scan3A_597:4 = scf.for %scan3A_1552 = %scan3A to %scan3A_595 step %scan3A_596 iter_args(%scan3A_1553 = %broadcast_in_dim3A_593, %scan3A_1554 = %broadcast_in_dim3A_593, %scan3A_1555 = %broadcast_in_dim3A_593, %scan3A_1556 = %broadcast_in_dim3A_593) -> (vector<16xf32>, vector<16xf32>, vector<16xf32>, vector<16xf32>)  : i32 {
      %mul3A_1557 = arith.constant 2 : i32
      %mul3A_1558 = arith.muli %mul3A_1557, %scan3A_1552 : i32
      %add3A_1559 = arith.constant 1 : i32
      %add3A_1560 = arith.addi %mul3A_1558, %add3A_1559 : i32
      %mul3A_1561 = arith.constant 32 : i32
      %mul3A_1562 = arith.muli %mul3A_1561, %add3A_1560 : i32
      %add3A_1563 = arith.addi %add3A, %mul3A_1562 : i32
      %mul3A_1564 = arith.constant 32 : i32
      %mul3A_1565 = arith.muli %mul3A_1564, %add3A_1563 : i32
      %add3A_1566 = arith.constant 51200 : i32
      %add3A_1567 = arith.addi %add3A_1566, %mul3A_1565 : i32
      %min3A_1568 = arith.constant 99968 : i32
      %min3A_1569 = arith.minsi %add3A_1567, %min3A_1568 : i32
      %multiple_of3A_1570 = tpu.assume_multiple %min3A_1569, 8 : i32
      %dma_start3A_1571 = arith.constant 0 : i32
      %dma_start3A_1572 = tpu.memref_slice %arg2[%multiple_of3A_1570, %dma_start3A_1571] : memref<100000x1024xf32, #tpu.memory_space<hbm>> -> memref<32x1024xf32, #tpu.memory_space<hbm>>
      %dma_start3A_1573 = arith.constant 0 : i32
      %dma_start3A_1574 = tpu.memref_slice %arg2[%multiple_of3A_1570, %dma_start3A_1573] : memref<100000x1024xf32, #tpu.memory_space<hbm>> -> memref<32x1024xf32, #tpu.memory_space<hbm>>
      tpu.enqueue_dma source(%dma_start3A_1574 : memref<32x1024xf32, #tpu.memory_space<hbm>>) target(%arg9 : memref<32x1024xf32, #tpu.memory_space<vmem>>) target_semaphore(%arg12 : memref<!tpu.dma_semaphore, #tpu.memory_space<semaphore_mem>>)
      %mul3A_1575 = arith.constant 32 : i32
      %mul3A_1576 = arith.constant 0 : i32
      %mul3A_1577 = arith.muli %mul3A_1575, %mul3A_1576 : i32
      %add3A_1578 = arith.addi %add3A, %mul3A_1577 : i32
      %mul3A_1579 = arith.constant 32 : i32
      %mul3A_1580 = arith.muli %mul3A_1579, %add3A_1578 : i32
      %add3A_1581 = arith.constant 51200 : i32
      %add3A_1582 = arith.addi %add3A_1581, %mul3A_1580 : i32
      %min3A_1583 = arith.constant 99968 : i32
      %min3A_1584 = arith.minsi %add3A_1582, %min3A_1583 : i32
      %multiple_of3A_1585 = tpu.assume_multiple %min3A_1584, 8 : i32
      %dma_wait3A_1586 = arith.constant 0 : i32
      %dma_wait3A_1587 = tpu.memref_slice %arg2[%multiple_of3A_1585, %dma_wait3A_1586] : memref<100000x1024xf32, #tpu.memory_space<hbm>> -> memref<32x1024xf32, #tpu.memory_space<hbm>>
      %dma_wait3A_1588 = arith.constant 0 : i32
      %dma_wait3A_1589 = tpu.memref_slice %arg2[%multiple_of3A_1585, %dma_wait3A_1588] : memref<100000x1024xf32, #tpu.memory_space<hbm>> -> memref<32x1024xf32, #tpu.memory_space<hbm>>
      tpu.wait_dma2 semaphore(%arg11 : memref<!tpu.dma_semaphore, #tpu.memory_space<semaphore_mem>>) src(%dma_wait3A_1589 : memref<32x1024xf32, #tpu.memory_space<hbm>>) dst(%arg8 : memref<32x1024xf32, #tpu.memory_space<vmem>>)
      %mul3A_1590 = arith.constant 32 : i32
      %mul3A_1591 = arith.muli %mul3A_1590, %mul3A_1558 : i32
      %add3A_1592 = arith.addi %add3A, %mul3A_1591 : i32
      %lt3A = arith.constant 1525 : i32
      %lt3A_1593 = arith.cmpi slt, %add3A_1592, %lt3A : i32
      %jit3A_1594 = arith.constant 1.000000e+00 : f32
      %jit3A_1595 = arith.constant 0.000000e+00 : f32
      %select_n3A_1596 = arith.select %lt3A_1593, %jit3A_1594, %jit3A_1595 : f32
      %broadcast_in_dim3A_1597 = arith.constant 0.000000e+00 : f32
      %broadcast_in_dim3A_1598 = vector.broadcast %broadcast_in_dim3A_1597 : f32 to vector<16xf32>
      %scan3A_1599 = arith.constant 0 : i32
      %scan3A_1600 = arith.constant 32 : i32
      %scan3A_1601 = arith.addi %scan3A_1599, %scan3A_1600 : i32
      %scan3A_1602 = arith.constant 1 : i32
      %scan3A_1603:4 = scf.for %scan3A_1676 = %scan3A_1599 to %scan3A_1601 step %scan3A_1602 iter_args(%scan3A_1677 = %broadcast_in_dim3A_1598, %scan3A_1678 = %broadcast_in_dim3A_1598, %scan3A_1679 = %broadcast_in_dim3A_1598, %scan3A_1680 = %broadcast_in_dim3A_1598) -> (vector<16xf32>, vector<16xf32>, vector<16xf32>, vector<16xf32>)  : i32 {
        %mul3A_1681 = arith.constant 32 : i32
        %mul3A_1682 = arith.muli %scan3A_1676, %mul3A_1681 : i32
        %add3A_1683 = arith.constant 0 : i32
        %add3A_1684 = arith.addi %mul3A_1682, %add3A_1683 : i32
        %get3A_1685 = arith.constant 0 : i32
        %get3A_1686 = arith.index_cast %get3A_1685 : i32 to index
        %get3A_1687 = arith.index_cast %add3A_1684 : i32 to index
        %get3A_1688 = tpu.vector_load %arg8[%get3A_1686, %get3A_1687] {strides = array<i32>} : memref<32x1024xf32, #tpu.memory_space<vmem>>, vector<1x16xf32>,
        %get3A_1689 = vector.shape_cast %get3A_1688 : vector<1x16xf32> to vector<16xf32>
        %add3A_1690 = arith.addf %scan3A_1677, %get3A_1689 : vector<16xf32>
        %get3A_1691 = arith.constant 1 : i32
        %get3A_1692 = arith.index_cast %get3A_1691 : i32 to index
        %get3A_1693 = arith.index_cast %add3A_1684 : i32 to index
        %get3A_1694 = tpu.vector_load %arg8[%get3A_1692, %get3A_1693] {strides = array<i32>} : memref<32x1024xf32, #tpu.memory_space<vmem>>, vector<1x16xf32>,
        %get3A_1695 = vector.shape_cast %get3A_1694 : vector<1x16xf32> to vector<16xf32>
        %add3A_1696 = arith.addf %scan3A_1678, %get3A_1695 : vector<16xf32>
        %get3A_1697 = arith.constant 2 : i32
        %get3A_1698 = arith.index_cast %get3A_1697 : i32 to index
        %get3A_1699 = arith.index_cast %add3A_1684 : i32 to index
        %get3A_1700 = tpu.vector_load %arg8[%get3A_1698, %get3A_1699] {strides = array<i32>} : memref<32x1024xf32, #tpu.memory_space<vmem>>, vector<1x16xf32>,
        %get3A_1701 = vector.shape_cast %get3A_1700 : vector<1x16xf32> to vector<16xf32>
        %add3A_1702 = arith.addf %scan3A_1679, %get3A_1701 : vector<16xf32>
        %get3A_1703 = arith.constant 3 : i32
        %get3A_1704 = arith.index_cast %get3A_1703 : i32 to index
        %get3A_1705 = arith.index_cast %add3A_1684 : i32 to index
        %get3A_1706 = tpu.vector_load %arg8[%get3A_1704, %get3A_1705] {strides = array<i32>} : memref<32x1024xf32, #tpu.memory_space<vmem>>, vector<1x16xf32>,
        %get3A_1707 = vector.shape_cast %get3A_1706 : vector<1x16xf32> to vector<16xf32>
        %add3A_1708 = arith.addf %scan3A_1680, %get3A_1707 : vector<16xf32>
        %add3A_1709 = arith.constant 16 : i32
        %add3A_1710 = arith.addi %mul3A_1682, %add3A_1709 : i32
        %get3A_1711 = arith.constant 0 : i32
        %get3A_1712 = arith.index_cast %get3A_1711 : i32 to index
        %get3A_1713 = arith.index_cast %add3A_1710 : i32 to index
        %get3A_1714 = tpu.vector_load %arg8[%get3A_1712, %get3A_1713] {strides = array<i32>} : memref<32x1024xf32, #tpu.memory_space<vmem>>, vector<1x16xf32>,
        %get3A_1715 = vector.shape_cast %get3A_1714 : vector<1x16xf32> to vector<16xf32>
        %add3A_1716 = arith.addf %add3A_1690, %get3A_1715 : vector<16xf32>
        %get3A_1717 = arith.constant 1 : i32
        %get3A_1718 = arith.index_cast %get3A_1717 : i32 to index
        %get3A_1719 = arith.index_cast %add3A_1710 : i32 to index
        %get3A_1720 = tpu.vector_load %arg8[%get3A_1718, %get3A_1719] {strides = array<i32>} : memref<32x1024xf32, #tpu.memory_space<vmem>>, vector<1x16xf32>,
        %get3A_1721 = vector.shape_cast %get3A_1720 : vector<1x16xf32> to vector<16xf32>
        %add3A_1722 = arith.addf %add3A_1696, %get3A_1721 : vector<16xf32>
        %get3A_1723 = arith.constant 2 : i32
        %get3A_1724 = arith.index_cast %get3A_1723 : i32 to index
        %get3A_1725 = arith.index_cast %add3A_1710 : i32 to index
        %get3A_1726 = tpu.vector_load %arg8[%get3A_1724, %get3A_1725] {strides = array<i32>} : memref<32x1024xf32, #tpu.memory_space<vmem>>, vector<1x16xf32>,
        %get3A_1727 = vector.shape_cast %get3A_1726 : vector<1x16xf32> to vector<16xf32>
        %add3A_1728 = arith.addf %add3A_1702, %get3A_1727 : vector<16xf32>
        %get3A_1729 = arith.constant 3 : i32
        %get3A_1730 = arith.index_cast %get3A_1729 : i32 to index
        %get3A_1731 = arith.index_cast %add3A_1710 : i32 to index
        %get3A_1732 = tpu.vector_load %arg8[%get3A_1730, %get3A_1731] {strides = array<i32>} : memref<32x1024xf32, #tpu.memory_space<vmem>>, vector<1x16xf32>,
        %get3A_1733 = vector.shape_cast %get3A_1732 : vector<1x16xf32> to vector<16xf32>
        %add3A_1734 = arith.addf %add3A_1708, %get3A_1733 : vector<16xf32>
        %add3A_1735 = arith.constant 0 : i32
        %add3A_1736 = arith.addi %mul3A_1682, %add3A_1735 : i32
        %get3A_1737 = arith.constant 4 : i32
        %get3A_1738 = arith.index_cast %get3A_1737 : i32 to index
        %get3A_1739 = arith.index_cast %add3A_1736 : i32 to index
        %get3A_1740 = tpu.vector_load %arg8[%get3A_1738, %get3A_1739] {strides = array<i32>} : memref<32x1024xf32, #tpu.memory_space<vmem>>, vector<1x16xf32>,
        %get3A_1741 = vector.shape_cast %get3A_1740 : vector<1x16xf32> to vector<16xf32>
        %add3A_1742 = arith.addf %add3A_1716, %get3A_1741 : vector<16xf32>
        %get3A_1743 = arith.constant 5 : i32
        %get3A_1744 = arith.index_cast %get3A_1743 : i32 to index
        %get3A_1745 = arith.index_cast %add3A_1736 : i32 to index
        %get3A_1746 = tpu.vector_load %arg8[%get3A_1744, %get3A_1745] {strides = array<i32>} : memref<32x1024xf32, #tpu.memory_space<vmem>>, vector<1x16xf32>,
        %get3A_1747 = vector.shape_cast %get3A_1746 : vector<1x16xf32> to vector<16xf32>
        %add3A_1748 = arith.addf %add3A_1722, %get3A_1747 : vector<16xf32>
        %get3A_1749 = arith.constant 6 : i32
        %get3A_1750 = arith.index_cast %get3A_1749 : i32 to index
        %get3A_1751 = arith.index_cast %add3A_1736 : i32 to index
        %get3A_1752 = tpu.vector_load %arg8[%get3A_1750, %get3A_1751] {strides = array<i32>} : memref<32x1024xf32, #tpu.memory_space<vmem>>, vector<1x16xf32>,
        %get3A_1753 = vector.shape_cast %get3A_1752 : vector<1x16xf32> to vector<16xf32>
        %add3A_1754 = arith.addf %add3A_1728, %get3A_1753 : vector<16xf32>
        %get3A_1755 = arith.constant 7 : i32
        %get3A_1756 = arith.index_cast %get3A_1755 : i32 to index
        %get3A_1757 = arith.index_cast %add3A_1736 : i32 to index
        %get3A_1758 = tpu.vector_load %arg8[%get3A_1756, %get3A_1757] {strides = array<i32>} : memref<32x1024xf32, #tpu.memory_space<vmem>>, vector<1x16xf32>,
        %get3A_1759 = vector.shape_cast %get3A_1758 : vector<1x16xf32> to vector<16xf32>
        %add3A_1760 = arith.addf %add3A_1734, %get3A_1759 : vector<16xf32>
        %add3A_1761 = arith.constant 16 : i32
        %add3A_1762 = arith.addi %mul3A_1682, %add3A_1761 : i32
        %get3A_1763 = arith.constant 4 : i32
        %get3A_1764 = arith.index_cast %get3A_1763 : i32 to index
        %get3A_1765 = arith.index_cast %add3A_1762 : i32 to index
        %get3A_1766 = tpu.vector_load %arg8[%get3A_1764, %get3A_1765] {strides = array<i32>} : memref<32x1024xf32, #tpu.memory_space<vmem>>, vector<1x16xf32>,
        %get3A_1767 = vector.shape_cast %get3A_1766 : vector<1x16xf32> to vector<16xf32>
        %add3A_1768 = arith.addf %add3A_1742, %get3A_1767 : vector<16xf32>
        %get3A_1769 = arith.constant 5 : i32
        %get3A_1770 = arith.index_cast %get3A_1769 : i32 to index
        %get3A_1771 = arith.index_cast %add3A_1762 : i32 to index
        %get3A_1772 = tpu.vector_load %arg8[%get3A_1770, %get3A_1771] {strides = array<i32>} : memref<32x1024xf32, #tpu.memory_space<vmem>>, vector<1x16xf32>,
        %get3A_1773 = vector.shape_cast %get3A_1772 : vector<1x16xf32> to vector<16xf32>
        %add3A_1774 = arith.addf %add3A_1748, %get3A_1773 : vector<16xf32>
        %get3A_1775 = arith.constant 6 : i32
        %get3A_1776 = arith.index_cast %get3A_1775 : i32 to index
        %get3A_1777 = arith.index_cast %add3A_1762 : i32 to index
        %get3A_1778 = tpu.vector_load %arg8[%get3A_1776, %get3A_1777] {strides = array<i32>} : memref<32x1024xf32, #tpu.memory_space<vmem>>, vector<1x16xf32>,
        %get3A_1779 = vector.shape_cast %get3A_1778 : vector<1x16xf32> to vector<16xf32>
        %add3A_1780 = arith.addf %add3A_1754, %get3A_1779 : vector<16xf32>
        %get3A_1781 = arith.constant 7 : i32
        %get3A_1782 = arith.index_cast %get3A_1781 : i32 to index
        %get3A_1783 = arith.index_cast %add3A_1762 : i32 to index
        %get3A_1784 = tpu.vector_load %arg8[%get3A_1782, %get3A_1783] {strides = array<i32>} : memref<32x1024xf32, #tpu.memory_space<vmem>>, vector<1x16xf32>,
        %get3A_1785 = vector.shape_cast %get3A_1784 : vector<1x16xf32> to vector<16xf32>
        %add3A_1786 = arith.addf %add3A_1760, %get3A_1785 : vector<16xf32>
        %add3A_1787 = arith.constant 0 : i32
        %add3A_1788 = arith.addi %mul3A_1682, %add3A_1787 : i32
        %get3A_1789 = arith.constant 8 : i32
        %get3A_1790 = arith.index_cast %get3A_1789 : i32 to index
        %get3A_1791 = arith.index_cast %add3A_1788 : i32 to index
        %get3A_1792 = tpu.vector_load %arg8[%get3A_1790, %get3A_1791] {strides = array<i32>} : memref<32x1024xf32, #tpu.memory_space<vmem>>, vector<1x16xf32>,
        %get3A_1793 = vector.shape_cast %get3A_1792 : vector<1x16xf32> to vector<16xf32>
        %add3A_1794 = arith.addf %add3A_1768, %get3A_1793 : vector<16xf32>
        %get3A_1795 = arith.constant 9 : i32
        %get3A_1796 = arith.index_cast %get3A_1795 : i32 to index
        %get3A_1797 = arith.index_cast %add3A_1788 : i32 to index
        %get3A_1798 = tpu.vector_load %arg8[%get3A_1796, %get3A_1797] {strides = array<i32>} : memref<32x1024xf32, #tpu.memory_space<vmem>>, vector<1x16xf32>,
        %get3A_1799 = vector.shape_cast %get3A_1798 : vector<1x16xf32> to vector<16xf32>
        %add3A_1800 = arith.addf %add3A_1774, %get3A_1799 : vector<16xf32>
        %get3A_1801 = arith.constant 10 : i32
        %get3A_1802 = arith.index_cast %get3A_1801 : i32 to index
        %get3A_1803 = arith.index_cast %add3A_1788 : i32 to index
        %get3A_1804 = tpu.vector_load %arg8[%get3A_1802, %get3A_1803] {strides = array<i32>} : memref<32x1024xf32, #tpu.memory_space<vmem>>, vector<1x16xf32>,
        %get3A_1805 = vector.shape_cast %get3A_1804 : vector<1x16xf32> to vector<16xf32>
        %add3A_1806 = arith.addf %add3A_1780, %get3A_1805 : vector<16xf32>
        %get3A_1807 = arith.constant 11 : i32
        %get3A_1808 = arith.index_cast %get3A_1807 : i32 to index
        %get3A_1809 = arith.index_cast %add3A_1788 : i32 to index
        %get3A_1810 = tpu.vector_load %arg8[%get3A_1808, %get3A_1809] {strides = array<i32>} : memref<32x1024xf32, #tpu.memory_space<vmem>>, vector<1x16xf32>,
        %get3A_1811 = vector.shape_cast %get3A_1810 : vector<1x16xf32> to vector<16xf32>
        %add3A_1812 = arith.addf %add3A_1786, %get3A_1811 : vector<16xf32>
        %add3A_1813 = arith.constant 16 : i32
        %add3A_1814 = arith.addi %mul3A_1682, %add3A_1813 : i32
        %get3A_1815 = arith.constant 8 : i32
        %get3A_1816 = arith.index_cast %get3A_1815 : i32 to index
        %get3A_1817 = arith.index_cast %add3A_1814 : i32 to index
        %get3A_1818 = tpu.vector_load %arg8[%get3A_1816, %get3A_1817] {strides = array<i32>} : memref<32x1024xf32, #tpu.memory_space<vmem>>, vector<1x16xf32>,
        %get3A_1819 = vector.shape_cast %get3A_1818 : vector<1x16xf32> to vector<16xf32>
        %add3A_1820 = arith.addf %add3A_1794, %get3A_1819 : vector<16xf32>
        %get3A_1821 = arith.constant 9 : i32
        %get3A_1822 = arith.index_cast %get3A_1821 : i32 to index
        %get3A_1823 = arith.index_cast %add3A_1814 : i32 to index
        %get3A_1824 = tpu.vector_load %arg8[%get3A_1822, %get3A_1823] {strides = array<i32>} : memref<32x1024xf32, #tpu.memory_space<vmem>>, vector<1x16xf32>,
        %get3A_1825 = vector.shape_cast %get3A_1824 : vector<1x16xf32> to vector<16xf32>
        %add3A_1826 = arith.addf %add3A_1800, %get3A_1825 : vector<16xf32>
        %get3A_1827 = arith.constant 10 : i32
        %get3A_1828 = arith.index_cast %get3A_1827 : i32 to index
        %get3A_1829 = arith.index_cast %add3A_1814 : i32 to index
        %get3A_1830 = tpu.vector_load %arg8[%get3A_1828, %get3A_1829] {strides = array<i32>} : memref<32x1024xf32, #tpu.memory_space<vmem>>, vector<1x16xf32>,
        %get3A_1831 = vector.shape_cast %get3A_1830 : vector<1x16xf32> to vector<16xf32>
        %add3A_1832 = arith.addf %add3A_1806, %get3A_1831 : vector<16xf32>
        %get3A_1833 = arith.constant 11 : i32
        %get3A_1834 = arith.index_cast %get3A_1833 : i32 to index
        %get3A_1835 = arith.index_cast %add3A_1814 : i32 to index
        %get3A_1836 = tpu.vector_load %arg8[%get3A_1834, %get3A_1835] {strides = array<i32>} : memref<32x1024xf32, #tpu.memory_space<vmem>>, vector<1x16xf32>,
        %get3A_1837 = vector.shape_cast %get3A_1836 : vector<1x16xf32> to vector<16xf32>
        %add3A_1838 = arith.addf %add3A_1812, %get3A_1837 : vector<16xf32>
        %add3A_1839 = arith.constant 0 : i32
        %add3A_1840 = arith.addi %mul3A_1682, %add3A_1839 : i32
        %get3A_1841 = arith.constant 12 : i32
        %get3A_1842 = arith.index_cast %get3A_1841 : i32 to index
        %get3A_1843 = arith.index_cast %add3A_1840 : i32 to index
        %get3A_1844 = tpu.vector_load %arg8[%get3A_1842, %get3A_1843] {strides = array<i32>} : memref<32x1024xf32, #tpu.memory_space<vmem>>, vector<1x16xf32>,
        %get3A_1845 = vector.shape_cast %get3A_1844 : vector<1x16xf32> to vector<16xf32>
        %add3A_1846 = arith.addf %add3A_1820, %get3A_1845 : vector<16xf32>
        %get3A_1847 = arith.constant 13 : i32
        %get3A_1848 = arith.index_cast %get3A_1847 : i32 to index
        %get3A_1849 = arith.index_cast %add3A_1840 : i32 to index
        %get3A_1850 = tpu.vector_load %arg8[%get3A_1848, %get3A_1849] {strides = array<i32>} : memref<32x1024xf32, #tpu.memory_space<vmem>>, vector<1x16xf32>,
        %get3A_1851 = vector.shape_cast %get3A_1850 : vector<1x16xf32> to vector<16xf32>
        %add3A_1852 = arith.addf %add3A_1826, %get3A_1851 : vector<16xf32>
        %get3A_1853 = arith.constant 14 : i32
        %get3A_1854 = arith.index_cast %get3A_1853 : i32 to index
        %get3A_1855 = arith.index_cast %add3A_1840 : i32 to index
        %get3A_1856 = tpu.vector_load %arg8[%get3A_1854, %get3A_1855] {strides = array<i32>} : memref<32x1024xf32, #tpu.memory_space<vmem>>, vector<1x16xf32>,
        %get3A_1857 = vector.shape_cast %get3A_1856 : vector<1x16xf32> to vector<16xf32>
        %add3A_1858 = arith.addf %add3A_1832, %get3A_1857 : vector<16xf32>
        %get3A_1859 = arith.constant 15 : i32
        %get3A_1860 = arith.index_cast %get3A_1859 : i32 to index
        %get3A_1861 = arith.index_cast %add3A_1840 : i32 to index
        %get3A_1862 = tpu.vector_load %arg8[%get3A_1860, %get3A_1861] {strides = array<i32>} : memref<32x1024xf32, #tpu.memory_space<vmem>>, vector<1x16xf32>,
        %get3A_1863 = vector.shape_cast %get3A_1862 : vector<1x16xf32> to vector<16xf32>
        %add3A_1864 = arith.addf %add3A_1838, %get3A_1863 : vector<16xf32>
        %add3A_1865 = arith.constant 16 : i32
        %add3A_1866 = arith.addi %mul3A_1682, %add3A_1865 : i32
        %get3A_1867 = arith.constant 12 : i32
        %get3A_1868 = arith.index_cast %get3A_1867 : i32 to index
        %get3A_1869 = arith.index_cast %add3A_1866 : i32 to index
        %get3A_1870 = tpu.vector_load %arg8[%get3A_1868, %get3A_1869] {strides = array<i32>} : memref<32x1024xf32, #tpu.memory_space<vmem>>, vector<1x16xf32>,
        %get3A_1871 = vector.shape_cast %get3A_1870 : vector<1x16xf32> to vector<16xf32>
        %add3A_1872 = arith.addf %add3A_1846, %get3A_1871 : vector<16xf32>
        %get3A_1873 = arith.constant 13 : i32
        %get3A_1874 = arith.index_cast %get3A_1873 : i32 to index
        %get3A_1875 = arith.index_cast %add3A_1866 : i32 to index
        %get3A_1876 = tpu.vector_load %arg8[%get3A_1874, %get3A_1875] {strides = array<i32>} : memref<32x1024xf32, #tpu.memory_space<vmem>>, vector<1x16xf32>,
        %get3A_1877 = vector.shape_cast %get3A_1876 : vector<1x16xf32> to vector<16xf32>
        %add3A_1878 = arith.addf %add3A_1852, %get3A_1877 : vector<16xf32>
        %get3A_1879 = arith.constant 14 : i32
        %get3A_1880 = arith.index_cast %get3A_1879 : i32 to index
        %get3A_1881 = arith.index_cast %add3A_1866 : i32 to index
        %get3A_1882 = tpu.vector_load %arg8[%get3A_1880, %get3A_1881] {strides = array<i32>} : memref<32x1024xf32, #tpu.memory_space<vmem>>, vector<1x16xf32>,
        %get3A_1883 = vector.shape_cast %get3A_1882 : vector<1x16xf32> to vector<16xf32>
        %add3A_1884 = arith.addf %add3A_1858, %get3A_1883 : vector<16xf32>
        %get3A_1885 = arith.constant 15 : i32
        %get3A_1886 = arith.index_cast %get3A_1885 : i32 to index
        %get3A_1887 = arith.index_cast %add3A_1866 : i32 to index
        %get3A_1888 = tpu.vector_load %arg8[%get3A_1886, %get3A_1887] {strides = array<i32>} : memref<32x1024xf32, #tpu.memory_space<vmem>>, vector<1x16xf32>,
        %get3A_1889 = vector.shape_cast %get3A_1888 : vector<1x16xf32> to vector<16xf32>
        %add3A_1890 = arith.addf %add3A_1864, %get3A_1889 : vector<16xf32>
        %add3A_1891 = arith.constant 0 : i32
        %add3A_1892 = arith.addi %mul3A_1682, %add3A_1891 : i32
        %get3A_1893 = arith.constant 16 : i32
        %get3A_1894 = arith.index_cast %get3A_1893 : i32 to index
        %get3A_1895 = arith.index_cast %add3A_1892 : i32 to index
        %get3A_1896 = tpu.vector_load %arg8[%get3A_1894, %get3A_1895] {strides = array<i32>} : memref<32x1024xf32, #tpu.memory_space<vmem>>, vector<1x16xf32>,
        %get3A_1897 = vector.shape_cast %get3A_1896 : vector<1x16xf32> to vector<16xf32>
        %add3A_1898 = arith.addf %add3A_1872, %get3A_1897 : vector<16xf32>
        %get3A_1899 = arith.constant 17 : i32
        %get3A_1900 = arith.index_cast %get3A_1899 : i32 to index
        %get3A_1901 = arith.index_cast %add3A_1892 : i32 to index
        %get3A_1902 = tpu.vector_load %arg8[%get3A_1900, %get3A_1901] {strides = array<i32>} : memref<32x1024xf32, #tpu.memory_space<vmem>>, vector<1x16xf32>,
        %get3A_1903 = vector.shape_cast %get3A_1902 : vector<1x16xf32> to vector<16xf32>
        %add3A_1904 = arith.addf %add3A_1878, %get3A_1903 : vector<16xf32>
        %get3A_1905 = arith.constant 18 : i32
        %get3A_1906 = arith.index_cast %get3A_1905 : i32 to index
        %get3A_1907 = arith.index_cast %add3A_1892 : i32 to index
        %get3A_1908 = tpu.vector_load %arg8[%get3A_1906, %get3A_1907] {strides = array<i32>} : memref<32x1024xf32, #tpu.memory_space<vmem>>, vector<1x16xf32>,
        %get3A_1909 = vector.shape_cast %get3A_1908 : vector<1x16xf32> to vector<16xf32>
        %add3A_1910 = arith.addf %add3A_1884, %get3A_1909 : vector<16xf32>
        %get3A_1911 = arith.constant 19 : i32
        %get3A_1912 = arith.index_cast %get3A_1911 : i32 to index
        %get3A_1913 = arith.index_cast %add3A_1892 : i32 to index
        %get3A_1914 = tpu.vector_load %arg8[%get3A_1912, %get3A_1913] {strides = array<i32>} : memref<32x1024xf32, #tpu.memory_space<vmem>>, vector<1x16xf32>,
        %get3A_1915 = vector.shape_cast %get3A_1914 : vector<1x16xf32> to vector<16xf32>
        %add3A_1916 = arith.addf %add3A_1890, %get3A_1915 : vector<16xf32>
        %add3A_1917 = arith.constant 16 : i32
        %add3A_1918 = arith.addi %mul3A_1682, %add3A_1917 : i32
        %get3A_1919 = arith.constant 16 : i32
        %get3A_1920 = arith.index_cast %get3A_1919 : i32 to index
        %get3A_1921 = arith.index_cast %add3A_1918 : i32 to index
        %get3A_1922 = tpu.vector_load %arg8[%get3A_1920, %get3A_1921] {strides = array<i32>} : memref<32x1024xf32, #tpu.memory_space<vmem>>, vector<1x16xf32>,
        %get3A_1923 = vector.shape_cast %get3A_1922 : vector<1x16xf32> to vector<16xf32>
        %add3A_1924 = arith.addf %add3A_1898, %get3A_1923 : vector<16xf32>
        %get3A_1925 = arith.constant 17 : i32
        %get3A_1926 = arith.index_cast %get3A_1925 : i32 to index
        %get3A_1927 = arith.index_cast %add3A_1918 : i32 to index
        %get3A_1928 = tpu.vector_load %arg8[%get3A_1926, %get3A_1927] {strides = array<i32>} : memref<32x1024xf32, #tpu.memory_space<vmem>>, vector<1x16xf32>,
        %get3A_1929 = vector.shape_cast %get3A_1928 : vector<1x16xf32> to vector<16xf32>
        %add3A_1930 = arith.addf %add3A_1904, %get3A_1929 : vector<16xf32>
        %get3A_1931 = arith.constant 18 : i32
        %get3A_1932 = arith.index_cast %get3A_1931 : i32 to index
        %get3A_1933 = arith.index_cast %add3A_1918 : i32 to index
        %get3A_1934 = tpu.vector_load %arg8[%get3A_1932, %get3A_1933] {strides = array<i32>} : memref<32x1024xf32, #tpu.memory_space<vmem>>, vector<1x16xf32>,
        %get3A_1935 = vector.shape_cast %get3A_1934 : vector<1x16xf32> to vector<16xf32>
        %add3A_1936 = arith.addf %add3A_1910, %get3A_1935 : vector<16xf32>
        %get3A_1937 = arith.constant 19 : i32
        %get3A_1938 = arith.index_cast %get3A_1937 : i32 to index
        %get3A_1939 = arith.index_cast %add3A_1918 : i32 to index
        %get3A_1940 = tpu.vector_load %arg8[%get3A_1938, %get3A_1939] {strides = array<i32>} : memref<32x1024xf32, #tpu.memory_space<vmem>>, vector<1x16xf32>,
        %get3A_1941 = vector.shape_cast %get3A_1940 : vector<1x16xf32> to vector<16xf32>
        %add3A_1942 = arith.addf %add3A_1916, %get3A_1941 : vector<16xf32>
        %add3A_1943 = arith.constant 0 : i32
        %add3A_1944 = arith.addi %mul3A_1682, %add3A_1943 : i32
        %get3A_1945 = arith.constant 20 : i32
        %get3A_1946 = arith.index_cast %get3A_1945 : i32 to index
        %get3A_1947 = arith.index_cast %add3A_1944 : i32 to index
        %get3A_1948 = tpu.vector_load %arg8[%get3A_1946, %get3A_1947] {strides = array<i32>} : memref<32x1024xf32, #tpu.memory_space<vmem>>, vector<1x16xf32>,
        %get3A_1949 = vector.shape_cast %get3A_1948 : vector<1x16xf32> to vector<16xf32>
        %add3A_1950 = arith.addf %add3A_1924, %get3A_1949 : vector<16xf32>
        %get3A_1951 = arith.constant 21 : i32
        %get3A_1952 = arith.index_cast %get3A_1951 : i32 to index
        %get3A_1953 = arith.index_cast %add3A_1944 : i32 to index
        %get3A_1954 = tpu.vector_load %arg8[%get3A_1952, %get3A_1953] {strides = array<i32>} : memref<32x1024xf32, #tpu.memory_space<vmem>>, vector<1x16xf32>,
        %get3A_1955 = vector.shape_cast %get3A_1954 : vector<1x16xf32> to vector<16xf32>
        %add3A_1956 = arith.addf %add3A_1930, %get3A_1955 : vector<16xf32>
        %get3A_1957 = arith.constant 22 : i32
        %get3A_1958 = arith.index_cast %get3A_1957 : i32 to index
        %get3A_1959 = arith.index_cast %add3A_1944 : i32 to index
        %get3A_1960 = tpu.vector_load %arg8[%get3A_1958, %get3A_1959] {strides = array<i32>} : memref<32x1024xf32, #tpu.memory_space<vmem>>, vector<1x16xf32>,
        %get3A_1961 = vector.shape_cast %get3A_1960 : vector<1x16xf32> to vector<16xf32>
        %add3A_1962 = arith.addf %add3A_1936, %get3A_1961 : vector<16xf32>
        %get3A_1963 = arith.constant 23 : i32
        %get3A_1964 = arith.index_cast %get3A_1963 : i32 to index
        %get3A_1965 = arith.index_cast %add3A_1944 : i32 to index
        %get3A_1966 = tpu.vector_load %arg8[%get3A_1964, %get3A_1965] {strides = array<i32>} : memref<32x1024xf32, #tpu.memory_space<vmem>>, vector<1x16xf32>,
        %get3A_1967 = vector.shape_cast %get3A_1966 : vector<1x16xf32> to vector<16xf32>
        %add3A_1968 = arith.addf %add3A_1942, %get3A_1967 : vector<16xf32>
        %add3A_1969 = arith.constant 16 : i32
        %add3A_1970 = arith.addi %mul3A_1682, %add3A_1969 : i32
        %get3A_1971 = arith.constant 20 : i32
        %get3A_1972 = arith.index_cast %get3A_1971 : i32 to index
        %get3A_1973 = arith.index_cast %add3A_1970 : i32 to index
        %get3A_1974 = tpu.vector_load %arg8[%get3A_1972, %get3A_1973] {strides = array<i32>} : memref<32x1024xf32, #tpu.memory_space<vmem>>, vector<1x16xf32>,
        %get3A_1975 = vector.shape_cast %get3A_1974 : vector<1x16xf32> to vector<16xf32>
        %add3A_1976 = arith.addf %add3A_1950, %get3A_1975 : vector<16xf32>
        %get3A_1977 = arith.constant 21 : i32
        %get3A_1978 = arith.index_cast %get3A_1977 : i32 to index
        %get3A_1979 = arith.index_cast %add3A_1970 : i32 to index
        %get3A_1980 = tpu.vector_load %arg8[%get3A_1978, %get3A_1979] {strides = array<i32>} : memref<32x1024xf32, #tpu.memory_space<vmem>>, vector<1x16xf32>,
        %get3A_1981 = vector.shape_cast %get3A_1980 : vector<1x16xf32> to vector<16xf32>
        %add3A_1982 = arith.addf %add3A_1956, %get3A_1981 : vector<16xf32>
        %get3A_1983 = arith.constant 22 : i32
        %get3A_1984 = arith.index_cast %get3A_1983 : i32 to index
        %get3A_1985 = arith.index_cast %add3A_1970 : i32 to index
        %get3A_1986 = tpu.vector_load %arg8[%get3A_1984, %get3A_1985] {strides = array<i32>} : memref<32x1024xf32, #tpu.memory_space<vmem>>, vector<1x16xf32>,
        %get3A_1987 = vector.shape_cast %get3A_1986 : vector<1x16xf32> to vector<16xf32>
        %add3A_1988 = arith.addf %add3A_1962, %get3A_1987 : vector<16xf32>
        %get3A_1989 = arith.constant 23 : i32
        %get3A_1990 = arith.index_cast %get3A_1989 : i32 to index
        %get3A_1991 = arith.index_cast %add3A_1970 : i32 to index
        %get3A_1992 = tpu.vector_load %arg8[%get3A_1990, %get3A_1991] {strides = array<i32>} : memref<32x1024xf32, #tpu.memory_space<vmem>>, vector<1x16xf32>,
        %get3A_1993 = vector.shape_cast %get3A_1992 : vector<1x16xf32> to vector<16xf32>
        %add3A_1994 = arith.addf %add3A_1968, %get3A_1993 : vector<16xf32>
        %add3A_1995 = arith.constant 0 : i32
        %add3A_1996 = arith.addi %mul3A_1682, %add3A_1995 : i32
        %get3A_1997 = arith.constant 24 : i32
        %get3A_1998 = arith.index_cast %get3A_1997 : i32 to index
        %get3A_1999 = arith.index_cast %add3A_1996 : i32 to index
        %get3A_2000 = tpu.vector_load %arg8[%get3A_1998, %get3A_1999] {strides = array<i32>} : memref<32x1024xf32, #tpu.memory_space<vmem>>, vector<1x16xf32>,
        %get3A_2001 = vector.shape_cast %get3A_2000 : vector<1x16xf32> to vector<16xf32>
        %add3A_2002 = arith.addf %add3A_1976, %get3A_2001 : vector<16xf32>
        %get3A_2003 = arith.constant 25 : i32
        %get3A_2004 = arith.index_cast %get3A_2003 : i32 to index
        %get3A_2005 = arith.index_cast %add3A_1996 : i32 to index
        %get3A_2006 = tpu.vector_load %arg8[%get3A_2004, %get3A_2005] {strides = array<i32>} : memref<32x1024xf32, #tpu.memory_space<vmem>>, vector<1x16xf32>,
        %get3A_2007 = vector.shape_cast %get3A_2006 : vector<1x16xf32> to vector<16xf32>
        %add3A_2008 = arith.addf %add3A_1982, %get3A_2007 : vector<16xf32>
        %get3A_2009 = arith.constant 26 : i32
        %get3A_2010 = arith.index_cast %get3A_2009 : i32 to index
        %get3A_2011 = arith.index_cast %add3A_1996 : i32 to index
        %get3A_2012 = tpu.vector_load %arg8[%get3A_2010, %get3A_2011] {strides = array<i32>} : memref<32x1024xf32, #tpu.memory_space<vmem>>, vector<1x16xf32>,
        %get3A_2013 = vector.shape_cast %get3A_2012 : vector<1x16xf32> to vector<16xf32>
        %add3A_2014 = arith.addf %add3A_1988, %get3A_2013 : vector<16xf32>
        %get3A_2015 = arith.constant 27 : i32
        %get3A_2016 = arith.index_cast %get3A_2015 : i32 to index
        %get3A_2017 = arith.index_cast %add3A_1996 : i32 to index
        %get3A_2018 = tpu.vector_load %arg8[%get3A_2016, %get3A_2017] {strides = array<i32>} : memref<32x1024xf32, #tpu.memory_space<vmem>>, vector<1x16xf32>,
        %get3A_2019 = vector.shape_cast %get3A_2018 : vector<1x16xf32> to vector<16xf32>
        %add3A_2020 = arith.addf %add3A_1994, %get3A_2019 : vector<16xf32>
        %add3A_2021 = arith.constant 16 : i32
        %add3A_2022 = arith.addi %mul3A_1682, %add3A_2021 : i32
        %get3A_2023 = arith.constant 24 : i32
        %get3A_2024 = arith.index_cast %get3A_2023 : i32 to index
        %get3A_2025 = arith.index_cast %add3A_2022 : i32 to index
        %get3A_2026 = tpu.vector_load %arg8[%get3A_2024, %get3A_2025] {strides = array<i32>} : memref<32x1024xf32, #tpu.memory_space<vmem>>, vector<1x16xf32>,
        %get3A_2027 = vector.shape_cast %get3A_2026 : vector<1x16xf32> to vector<16xf32>
        %add3A_2028 = arith.addf %add3A_2002, %get3A_2027 : vector<16xf32>
        %get3A_2029 = arith.constant 25 : i32
        %get3A_2030 = arith.index_cast %get3A_2029 : i32 to index
        %get3A_2031 = arith.index_cast %add3A_2022 : i32 to index
        %get3A_2032 = tpu.vector_load %arg8[%get3A_2030, %get3A_2031] {strides = array<i32>} : memref<32x1024xf32, #tpu.memory_space<vmem>>, vector<1x16xf32>,
        %get3A_2033 = vector.shape_cast %get3A_2032 : vector<1x16xf32> to vector<16xf32>
        %add3A_2034 = arith.addf %add3A_2008, %get3A_2033 : vector<16xf32>
        %get3A_2035 = arith.constant 26 : i32
        %get3A_2036 = arith.index_cast %get3A_2035 : i32 to index
        %get3A_2037 = arith.index_cast %add3A_2022 : i32 to index
        %get3A_2038 = tpu.vector_load %arg8[%get3A_2036, %get3A_2037] {strides = array<i32>} : memref<32x1024xf32, #tpu.memory_space<vmem>>, vector<1x16xf32>,
        %get3A_2039 = vector.shape_cast %get3A_2038 : vector<1x16xf32> to vector<16xf32>
        %add3A_2040 = arith.addf %add3A_2014, %get3A_2039 : vector<16xf32>
        %get3A_2041 = arith.constant 27 : i32
        %get3A_2042 = arith.index_cast %get3A_2041 : i32 to index
        %get3A_2043 = arith.index_cast %add3A_2022 : i32 to index
        %get3A_2044 = tpu.vector_load %arg8[%get3A_2042, %get3A_2043] {strides = array<i32>} : memref<32x1024xf32, #tpu.memory_space<vmem>>, vector<1x16xf32>,
        %get3A_2045 = vector.shape_cast %get3A_2044 : vector<1x16xf32> to vector<16xf32>
        %add3A_2046 = arith.addf %add3A_2020, %get3A_2045 : vector<16xf32>
        %add3A_2047 = arith.constant 0 : i32
        %add3A_2048 = arith.addi %mul3A_1682, %add3A_2047 : i32
        %get3A_2049 = arith.constant 28 : i32
        %get3A_2050 = arith.index_cast %get3A_2049 : i32 to index
        %get3A_2051 = arith.index_cast %add3A_2048 : i32 to index
        %get3A_2052 = tpu.vector_load %arg8[%get3A_2050, %get3A_2051] {strides = array<i32>} : memref<32x1024xf32, #tpu.memory_space<vmem>>, vector<1x16xf32>,
        %get3A_2053 = vector.shape_cast %get3A_2052 : vector<1x16xf32> to vector<16xf32>
        %add3A_2054 = arith.addf %add3A_2028, %get3A_2053 : vector<16xf32>
        %get3A_2055 = arith.constant 29 : i32
        %get3A_2056 = arith.index_cast %get3A_2055 : i32 to index
        %get3A_2057 = arith.index_cast %add3A_2048 : i32 to index
        %get3A_2058 = tpu.vector_load %arg8[%get3A_2056, %get3A_2057] {strides = array<i32>} : memref<32x1024xf32, #tpu.memory_space<vmem>>, vector<1x16xf32>,
        %get3A_2059 = vector.shape_cast %get3A_2058 : vector<1x16xf32> to vector<16xf32>
        %add3A_2060 = arith.addf %add3A_2034, %get3A_2059 : vector<16xf32>
        %get3A_2061 = arith.constant 30 : i32
        %get3A_2062 = arith.index_cast %get3A_2061 : i32 to index
        %get3A_2063 = arith.index_cast %add3A_2048 : i32 to index
        %get3A_2064 = tpu.vector_load %arg8[%get3A_2062, %get3A_2063] {strides = array<i32>} : memref<32x1024xf32, #tpu.memory_space<vmem>>, vector<1x16xf32>,
        %get3A_2065 = vector.shape_cast %get3A_2064 : vector<1x16xf32> to vector<16xf32>
        %add3A_2066 = arith.addf %add3A_2040, %get3A_2065 : vector<16xf32>
        %get3A_2067 = arith.constant 31 : i32
        %get3A_2068 = arith.index_cast %get3A_2067 : i32 to index
        %get3A_2069 = arith.index_cast %add3A_2048 : i32 to index
        %get3A_2070 = tpu.vector_load %arg8[%get3A_2068, %get3A_2069] {strides = array<i32>} : memref<32x1024xf32, #tpu.memory_space<vmem>>, vector<1x16xf32>,
        %get3A_2071 = vector.shape_cast %get3A_2070 : vector<1x16xf32> to vector<16xf32>
        %add3A_2072 = arith.addf %add3A_2046, %get3A_2071 : vector<16xf32>
        %add3A_2073 = arith.constant 16 : i32
        %add3A_2074 = arith.addi %mul3A_1682, %add3A_2073 : i32
        %get3A_2075 = arith.constant 28 : i32
        %get3A_2076 = arith.index_cast %get3A_2075 : i32 to index
        %get3A_2077 = arith.index_cast %add3A_2074 : i32 to index
        %get3A_2078 = tpu.vector_load %arg8[%get3A_2076, %get3A_2077] {strides = array<i32>} : memref<32x1024xf32, #tpu.memory_space<vmem>>, vector<1x16xf32>,
        %get3A_2079 = vector.shape_cast %get3A_2078 : vector<1x16xf32> to vector<16xf32>
        %add3A_2080 = arith.addf %add3A_2054, %get3A_2079 : vector<16xf32>
        %get3A_2081 = arith.constant 29 : i32
        %get3A_2082 = arith.index_cast %get3A_2081 : i32 to index
        %get3A_2083 = arith.index_cast %add3A_2074 : i32 to index
        %get3A_2084 = tpu.vector_load %arg8[%get3A_2082, %get3A_2083] {strides = array<i32>} : memref<32x1024xf32, #tpu.memory_space<vmem>>, vector<1x16xf32>,
        %get3A_2085 = vector.shape_cast %get3A_2084 : vector<1x16xf32> to vector<16xf32>
        %add3A_2086 = arith.addf %add3A_2060, %get3A_2085 : vector<16xf32>
        %get3A_2087 = arith.constant 30 : i32
        %get3A_2088 = arith.index_cast %get3A_2087 : i32 to index
        %get3A_2089 = arith.index_cast %add3A_2074 : i32 to index
        %get3A_2090 = tpu.vector_load %arg8[%get3A_2088, %get3A_2089] {strides = array<i32>} : memref<32x1024xf32, #tpu.memory_space<vmem>>, vector<1x16xf32>,
        %get3A_2091 = vector.shape_cast %get3A_2090 : vector<1x16xf32> to vector<16xf32>
        %add3A_2092 = arith.addf %add3A_2066, %get3A_2091 : vector<16xf32>
        %get3A_2093 = arith.constant 31 : i32
        %get3A_2094 = arith.index_cast %get3A_2093 : i32 to index
        %get3A_2095 = arith.index_cast %add3A_2074 : i32 to index
        %get3A_2096 = tpu.vector_load %arg8[%get3A_2094, %get3A_2095] {strides = array<i32>} : memref<32x1024xf32, #tpu.memory_space<vmem>>, vector<1x16xf32>,
        %get3A_2097 = vector.shape_cast %get3A_2096 : vector<1x16xf32> to vector<16xf32>
        %add3A_2098 = arith.addf %add3A_2072, %get3A_2097 : vector<16xf32>
        scf.yield %add3A_2080, %add3A_2086, %add3A_2092, %add3A_2098 : vector<16xf32>, vector<16xf32>, vector<16xf32>, vector<16xf32>
      }
      %scan3A_1604 = arith.constant 32 : i32
      %mul3A_1605 = vector.broadcast %select_n3A_1596 : f32 to vector<16xf32>
      %mul3A_1606 = arith.mulf %mul3A_1605, %scan3A_1603#0 : vector<16xf32>
      %add3A_1607 = arith.addf %scan3A_1553, %mul3A_1606 : vector<16xf32>
      %mul3A_1608 = vector.broadcast %select_n3A_1596 : f32 to vector<16xf32>
      %mul3A_1609 = arith.mulf %mul3A_1608, %scan3A_1603#1 : vector<16xf32>
      %add3A_1610 = arith.addf %scan3A_1554, %mul3A_1609 : vector<16xf32>
      %mul3A_1611 = vector.broadcast %select_n3A_1596 : f32 to vector<16xf32>
      %mul3A_1612 = arith.mulf %mul3A_1611, %scan3A_1603#2 : vector<16xf32>
      %add3A_1613 = arith.addf %scan3A_1555, %mul3A_1612 : vector<16xf32>
      %mul3A_1614 = vector.broadcast %select_n3A_1596 : f32 to vector<16xf32>
      %mul3A_1615 = arith.mulf %mul3A_1614, %scan3A_1603#3 : vector<16xf32>
      %add3A_1616 = arith.addf %scan3A_1556, %mul3A_1615 : vector<16xf32>
      %add3A_1617 = arith.constant 2 : i32
      %add3A_1618 = arith.addi %mul3A_1558, %add3A_1617 : i32
      %mul3A_1619 = arith.constant 32 : i32
      %mul3A_1620 = arith.muli %mul3A_1619, %add3A_1618 : i32
      %add3A_1621 = arith.addi %add3A, %mul3A_1620 : i32
      %mul3A_1622 = arith.constant 32 : i32
      %mul3A_1623 = arith.muli %mul3A_1622, %add3A_1621 : i32
      %add3A_1624 = arith.constant 51200 : i32
      %add3A_1625 = arith.addi %add3A_1624, %mul3A_1623 : i32
      %min3A_1626 = arith.constant 99968 : i32
      %min3A_1627 = arith.minsi %add3A_1625, %min3A_1626 : i32
      %multiple_of3A_1628 = tpu.assume_multiple %min3A_1627, 8 : i32
      %dma_start3A_1629 = arith.constant 0 : i32
      %dma_start3A_1630 = tpu.memref_slice %arg2[%multiple_of3A_1628, %dma_start3A_1629] : memref<100000x1024xf32, #tpu.memory_space<hbm>> -> memref<32x1024xf32, #tpu.memory_space<hbm>>
      %dma_start3A_1631 = arith.constant 0 : i32
      %dma_start3A_1632 = tpu.memref_slice %arg2[%multiple_of3A_1628, %dma_start3A_1631] : memref<100000x1024xf32, #tpu.memory_space<hbm>> -> memref<32x1024xf32, #tpu.memory_space<hbm>>
      tpu.enqueue_dma source(%dma_start3A_1632 : memref<32x1024xf32, #tpu.memory_space<hbm>>) target(%arg8 : memref<32x1024xf32, #tpu.memory_space<vmem>>) target_semaphore(%arg11 : memref<!tpu.dma_semaphore, #tpu.memory_space<semaphore_mem>>)
      %mul3A_1633 = arith.constant 32 : i32
      %mul3A_1634 = arith.constant 0 : i32
      %mul3A_1635 = arith.muli %mul3A_1633, %mul3A_1634 : i32
      %add3A_1636 = arith.addi %add3A, %mul3A_1635 : i32
      %mul3A_1637 = arith.constant 32 : i32
      %mul3A_1638 = arith.muli %mul3A_1637, %add3A_1636 : i32
      %add3A_1639 = arith.constant 51200 : i32
      %add3A_1640 = arith.addi %add3A_1639, %mul3A_1638 : i32
      %min3A_1641 = arith.constant 99968 : i32
      %min3A_1642 = arith.minsi %add3A_1640, %min3A_1641 : i32
      %multiple_of3A_1643 = tpu.assume_multiple %min3A_1642, 8 : i32
      %dma_wait3A_1644 = arith.constant 0 : i32
      %dma_wait3A_1645 = tpu.memref_slice %arg2[%multiple_of3A_1643, %dma_wait3A_1644] : memref<100000x1024xf32, #tpu.memory_space<hbm>> -> memref<32x1024xf32, #tpu.memory_space<hbm>>
      %dma_wait3A_1646 = arith.constant 0 : i32
      %dma_wait3A_1647 = tpu.memref_slice %arg2[%multiple_of3A_1643, %dma_wait3A_1646] : memref<100000x1024xf32, #tpu.memory_space<hbm>> -> memref<32x1024xf32, #tpu.memory_space<hbm>>
      tpu.wait_dma2 semaphore(%arg12 : memref<!tpu.dma_semaphore, #tpu.memory_space<semaphore_mem>>) src(%dma_wait3A_1647 : memref<32x1024xf32, #tpu.memory_space<hbm>>) dst(%arg9 : memref<32x1024xf32, #tpu.memory_space<vmem>>)
      %mul3A_1648 = arith.constant 32 : i32
      %mul3A_1649 = arith.muli %mul3A_1648, %add3A_1560 : i32
      %add3A_1650 = arith.addi %add3A, %mul3A_1649 : i32
      %lt3A_1651 = arith.constant 1525 : i32
      %lt3A_1652 = arith.cmpi slt, %add3A_1650, %lt3A_1651 : i32
      %jit3A_1653 = arith.constant 1.000000e+00 : f32
      %jit3A_1654 = arith.constant 0.000000e+00 : f32
      %select_n3A_1655 = arith.select %lt3A_1652, %jit3A_1653, %jit3A_1654 : f32
      %broadcast_in_dim3A_1656 = arith.constant 0.000000e+00 : f32
      %broadcast_in_dim3A_1657 = vector.broadcast %broadcast_in_dim3A_1656 : f32 to vector<16xf32>
      %scan3A_1658 = arith.constant 0 : i32
      %scan3A_1659 = arith.constant 32 : i32
      %scan3A_1660 = arith.addi %scan3A_1658, %scan3A_1659 : i32
      %scan3A_1661 = arith.constant 1 : i32
      %scan3A_1662:4 = scf.for %scan3A_1676 = %scan3A_1658 to %scan3A_1660 step %scan3A_1661 iter_args(%scan3A_1677 = %broadcast_in_dim3A_1657, %scan3A_1678 = %broadcast_in_dim3A_1657, %scan3A_1679 = %broadcast_in_dim3A_1657, %scan3A_1680 = %broadcast_in_dim3A_1657) -> (vector<16xf32>, vector<16xf32>, vector<16xf32>, vector<16xf32>)  : i32 {
        %mul3A_1681 = arith.constant 32 : i32
        %mul3A_1682 = arith.muli %scan3A_1676, %mul3A_1681 : i32
        %add3A_1683 = arith.constant 0 : i32
        %add3A_1684 = arith.addi %mul3A_1682, %add3A_1683 : i32
        %get3A_1685 = arith.constant 0 : i32
        %get3A_1686 = arith.index_cast %get3A_1685 : i32 to index
        %get3A_1687 = arith.index_cast %add3A_1684 : i32 to index
        %get3A_1688 = tpu.vector_load %arg9[%get3A_1686, %get3A_1687] {strides = array<i32>} : memref<32x1024xf32, #tpu.memory_space<vmem>>, vector<1x16xf32>,
        %get3A_1689 = vector.shape_cast %get3A_1688 : vector<1x16xf32> to vector<16xf32>
        %add3A_1690 = arith.addf %scan3A_1677, %get3A_1689 : vector<16xf32>
        %get3A_1691 = arith.constant 1 : i32
        %get3A_1692 = arith.index_cast %get3A_1691 : i32 to index
        %get3A_1693 = arith.index_cast %add3A_1684 : i32 to index
        %get3A_1694 = tpu.vector_load %arg9[%get3A_1692, %get3A_1693] {strides = array<i32>} : memref<32x1024xf32, #tpu.memory_space<vmem>>, vector<1x16xf32>,
        %get3A_1695 = vector.shape_cast %get3A_1694 : vector<1x16xf32> to vector<16xf32>
        %add3A_1696 = arith.addf %scan3A_1678, %get3A_1695 : vector<16xf32>
        %get3A_1697 = arith.constant 2 : i32
        %get3A_1698 = arith.index_cast %get3A_1697 : i32 to index
        %get3A_1699 = arith.index_cast %add3A_1684 : i32 to index
        %get3A_1700 = tpu.vector_load %arg9[%get3A_1698, %get3A_1699] {strides = array<i32>} : memref<32x1024xf32, #tpu.memory_space<vmem>>, vector<1x16xf32>,
        %get3A_1701 = vector.shape_cast %get3A_1700 : vector<1x16xf32> to vector<16xf32>
        %add3A_1702 = arith.addf %scan3A_1679, %get3A_1701 : vector<16xf32>
        %get3A_1703 = arith.constant 3 : i32
        %get3A_1704 = arith.index_cast %get3A_1703 : i32 to index
        %get3A_1705 = arith.index_cast %add3A_1684 : i32 to index
        %get3A_1706 = tpu.vector_load %arg9[%get3A_1704, %get3A_1705] {strides = array<i32>} : memref<32x1024xf32, #tpu.memory_space<vmem>>, vector<1x16xf32>,
        %get3A_1707 = vector.shape_cast %get3A_1706 : vector<1x16xf32> to vector<16xf32>
        %add3A_1708 = arith.addf %scan3A_1680, %get3A_1707 : vector<16xf32>
        %add3A_1709 = arith.constant 16 : i32
        %add3A_1710 = arith.addi %mul3A_1682, %add3A_1709 : i32
        %get3A_1711 = arith.constant 0 : i32
        %get3A_1712 = arith.index_cast %get3A_1711 : i32 to index
        %get3A_1713 = arith.index_cast %add3A_1710 : i32 to index
        %get3A_1714 = tpu.vector_load %arg9[%get3A_1712, %get3A_1713] {strides = array<i32>} : memref<32x1024xf32, #tpu.memory_space<vmem>>, vector<1x16xf32>,
        %get3A_1715 = vector.shape_cast %get3A_1714 : vector<1x16xf32> to vector<16xf32>
        %add3A_1716 = arith.addf %add3A_1690, %get3A_1715 : vector<16xf32>
        %get3A_1717 = arith.constant 1 : i32
        %get3A_1718 = arith.index_cast %get3A_1717 : i32 to index
        %get3A_1719 = arith.index_cast %add3A_1710 : i32 to index
        %get3A_1720 = tpu.vector_load %arg9[%get3A_1718, %get3A_1719] {strides = array<i32>} : memref<32x1024xf32, #tpu.memory_space<vmem>>, vector<1x16xf32>,
        %get3A_1721 = vector.shape_cast %get3A_1720 : vector<1x16xf32> to vector<16xf32>
        %add3A_1722 = arith.addf %add3A_1696, %get3A_1721 : vector<16xf32>
        %get3A_1723 = arith.constant 2 : i32
        %get3A_1724 = arith.index_cast %get3A_1723 : i32 to index
        %get3A_1725 = arith.index_cast %add3A_1710 : i32 to index
        %get3A_1726 = tpu.vector_load %arg9[%get3A_1724, %get3A_1725] {strides = array<i32>} : memref<32x1024xf32, #tpu.memory_space<vmem>>, vector<1x16xf32>,
        %get3A_1727 = vector.shape_cast %get3A_1726 : vector<1x16xf32> to vector<16xf32>
        %add3A_1728 = arith.addf %add3A_1702, %get3A_1727 : vector<16xf32>
        %get3A_1729 = arith.constant 3 : i32
        %get3A_1730 = arith.index_cast %get3A_1729 : i32 to index
        %get3A_1731 = arith.index_cast %add3A_1710 : i32 to index
        %get3A_1732 = tpu.vector_load %arg9[%get3A_1730, %get3A_1731] {strides = array<i32>} : memref<32x1024xf32, #tpu.memory_space<vmem>>, vector<1x16xf32>,
        %get3A_1733 = vector.shape_cast %get3A_1732 : vector<1x16xf32> to vector<16xf32>
        %add3A_1734 = arith.addf %add3A_1708, %get3A_1733 : vector<16xf32>
        %add3A_1735 = arith.constant 0 : i32
        %add3A_1736 = arith.addi %mul3A_1682, %add3A_1735 : i32
        %get3A_1737 = arith.constant 4 : i32
        %get3A_1738 = arith.index_cast %get3A_1737 : i32 to index
        %get3A_1739 = arith.index_cast %add3A_1736 : i32 to index
        %get3A_1740 = tpu.vector_load %arg9[%get3A_1738, %get3A_1739] {strides = array<i32>} : memref<32x1024xf32, #tpu.memory_space<vmem>>, vector<1x16xf32>,
        %get3A_1741 = vector.shape_cast %get3A_1740 : vector<1x16xf32> to vector<16xf32>
        %add3A_1742 = arith.addf %add3A_1716, %get3A_1741 : vector<16xf32>
        %get3A_1743 = arith.constant 5 : i32
        %get3A_1744 = arith.index_cast %get3A_1743 : i32 to index
        %get3A_1745 = arith.index_cast %add3A_1736 : i32 to index
        %get3A_1746 = tpu.vector_load %arg9[%get3A_1744, %get3A_1745] {strides = array<i32>} : memref<32x1024xf32, #tpu.memory_space<vmem>>, vector<1x16xf32>,
        %get3A_1747 = vector.shape_cast %get3A_1746 : vector<1x16xf32> to vector<16xf32>
        %add3A_1748 = arith.addf %add3A_1722, %get3A_1747 : vector<16xf32>
        %get3A_1749 = arith.constant 6 : i32
        %get3A_1750 = arith.index_cast %get3A_1749 : i32 to index
        %get3A_1751 = arith.index_cast %add3A_1736 : i32 to index
        %get3A_1752 = tpu.vector_load %arg9[%get3A_1750, %get3A_1751] {strides = array<i32>} : memref<32x1024xf32, #tpu.memory_space<vmem>>, vector<1x16xf32>,
        %get3A_1753 = vector.shape_cast %get3A_1752 : vector<1x16xf32> to vector<16xf32>
        %add3A_1754 = arith.addf %add3A_1728, %get3A_1753 : vector<16xf32>
        %get3A_1755 = arith.constant 7 : i32
        %get3A_1756 = arith.index_cast %get3A_1755 : i32 to index
        %get3A_1757 = arith.index_cast %add3A_1736 : i32 to index
        %get3A_1758 = tpu.vector_load %arg9[%get3A_1756, %get3A_1757] {strides = array<i32>} : memref<32x1024xf32, #tpu.memory_space<vmem>>, vector<1x16xf32>,
        %get3A_1759 = vector.shape_cast %get3A_1758 : vector<1x16xf32> to vector<16xf32>
        %add3A_1760 = arith.addf %add3A_1734, %get3A_1759 : vector<16xf32>
        %add3A_1761 = arith.constant 16 : i32
        %add3A_1762 = arith.addi %mul3A_1682, %add3A_1761 : i32
        %get3A_1763 = arith.constant 4 : i32
        %get3A_1764 = arith.index_cast %get3A_1763 : i32 to index
        %get3A_1765 = arith.index_cast %add3A_1762 : i32 to index
        %get3A_1766 = tpu.vector_load %arg9[%get3A_1764, %get3A_1765] {strides = array<i32>} : memref<32x1024xf32, #tpu.memory_space<vmem>>, vector<1x16xf32>,
        %get3A_1767 = vector.shape_cast %get3A_1766 : vector<1x16xf32> to vector<16xf32>
        %add3A_1768 = arith.addf %add3A_1742, %get3A_1767 : vector<16xf32>
        %get3A_1769 = arith.constant 5 : i32
        %get3A_1770 = arith.index_cast %get3A_1769 : i32 to index
        %get3A_1771 = arith.index_cast %add3A_1762 : i32 to index
        %get3A_1772 = tpu.vector_load %arg9[%get3A_1770, %get3A_1771] {strides = array<i32>} : memref<32x1024xf32, #tpu.memory_space<vmem>>, vector<1x16xf32>,
        %get3A_1773 = vector.shape_cast %get3A_1772 : vector<1x16xf32> to vector<16xf32>
        %add3A_1774 = arith.addf %add3A_1748, %get3A_1773 : vector<16xf32>
        %get3A_1775 = arith.constant 6 : i32
        %get3A_1776 = arith.index_cast %get3A_1775 : i32 to index
        %get3A_1777 = arith.index_cast %add3A_1762 : i32 to index
        %get3A_1778 = tpu.vector_load %arg9[%get3A_1776, %get3A_1777] {strides = array<i32>} : memref<32x1024xf32, #tpu.memory_space<vmem>>, vector<1x16xf32>,
        %get3A_1779 = vector.shape_cast %get3A_1778 : vector<1x16xf32> to vector<16xf32>
        %add3A_1780 = arith.addf %add3A_1754, %get3A_1779 : vector<16xf32>
        %get3A_1781 = arith.constant 7 : i32
        %get3A_1782 = arith.index_cast %get3A_1781 : i32 to index
        %get3A_1783 = arith.index_cast %add3A_1762 : i32 to index
        %get3A_1784 = tpu.vector_load %arg9[%get3A_1782, %get3A_1783] {strides = array<i32>} : memref<32x1024xf32, #tpu.memory_space<vmem>>, vector<1x16xf32>,
        %get3A_1785 = vector.shape_cast %get3A_1784 : vector<1x16xf32> to vector<16xf32>
        %add3A_1786 = arith.addf %add3A_1760, %get3A_1785 : vector<16xf32>
        %add3A_1787 = arith.constant 0 : i32
        %add3A_1788 = arith.addi %mul3A_1682, %add3A_1787 : i32
        %get3A_1789 = arith.constant 8 : i32
        %get3A_1790 = arith.index_cast %get3A_1789 : i32 to index
        %get3A_1791 = arith.index_cast %add3A_1788 : i32 to index
        %get3A_1792 = tpu.vector_load %arg9[%get3A_1790, %get3A_1791] {strides = array<i32>} : memref<32x1024xf32, #tpu.memory_space<vmem>>, vector<1x16xf32>,
        %get3A_1793 = vector.shape_cast %get3A_1792 : vector<1x16xf32> to vector<16xf32>
        %add3A_1794 = arith.addf %add3A_1768, %get3A_1793 : vector<16xf32>
        %get3A_1795 = arith.constant 9 : i32
        %get3A_1796 = arith.index_cast %get3A_1795 : i32 to index
        %get3A_1797 = arith.index_cast %add3A_1788 : i32 to index
        %get3A_1798 = tpu.vector_load %arg9[%get3A_1796, %get3A_1797] {strides = array<i32>} : memref<32x1024xf32, #tpu.memory_space<vmem>>, vector<1x16xf32>,
        %get3A_1799 = vector.shape_cast %get3A_1798 : vector<1x16xf32> to vector<16xf32>
        %add3A_1800 = arith.addf %add3A_1774, %get3A_1799 : vector<16xf32>
        %get3A_1801 = arith.constant 10 : i32
        %get3A_1802 = arith.index_cast %get3A_1801 : i32 to index
        %get3A_1803 = arith.index_cast %add3A_1788 : i32 to index
        %get3A_1804 = tpu.vector_load %arg9[%get3A_1802, %get3A_1803] {strides = array<i32>} : memref<32x1024xf32, #tpu.memory_space<vmem>>, vector<1x16xf32>,
        %get3A_1805 = vector.shape_cast %get3A_1804 : vector<1x16xf32> to vector<16xf32>
        %add3A_1806 = arith.addf %add3A_1780, %get3A_1805 : vector<16xf32>
        %get3A_1807 = arith.constant 11 : i32
        %get3A_1808 = arith.index_cast %get3A_1807 : i32 to index
        %get3A_1809 = arith.index_cast %add3A_1788 : i32 to index
        %get3A_1810 = tpu.vector_load %arg9[%get3A_1808, %get3A_1809] {strides = array<i32>} : memref<32x1024xf32, #tpu.memory_space<vmem>>, vector<1x16xf32>,
        %get3A_1811 = vector.shape_cast %get3A_1810 : vector<1x16xf32> to vector<16xf32>
        %add3A_1812 = arith.addf %add3A_1786, %get3A_1811 : vector<16xf32>
        %add3A_1813 = arith.constant 16 : i32
        %add3A_1814 = arith.addi %mul3A_1682, %add3A_1813 : i32
        %get3A_1815 = arith.constant 8 : i32
        %get3A_1816 = arith.index_cast %get3A_1815 : i32 to index
        %get3A_1817 = arith.index_cast %add3A_1814 : i32 to index
        %get3A_1818 = tpu.vector_load %arg9[%get3A_1816, %get3A_1817] {strides = array<i32>} : memref<32x1024xf32, #tpu.memory_space<vmem>>, vector<1x16xf32>,
        %get3A_1819 = vector.shape_cast %get3A_1818 : vector<1x16xf32> to vector<16xf32>
        %add3A_1820 = arith.addf %add3A_1794, %get3A_1819 : vector<16xf32>
        %get3A_1821 = arith.constant 9 : i32
        %get3A_1822 = arith.index_cast %get3A_1821 : i32 to index
        %get3A_1823 = arith.index_cast %add3A_1814 : i32 to index
        %get3A_1824 = tpu.vector_load %arg9[%get3A_1822, %get3A_1823] {strides = array<i32>} : memref<32x1024xf32, #tpu.memory_space<vmem>>, vector<1x16xf32>,
        %get3A_1825 = vector.shape_cast %get3A_1824 : vector<1x16xf32> to vector<16xf32>
        %add3A_1826 = arith.addf %add3A_1800, %get3A_1825 : vector<16xf32>
        %get3A_1827 = arith.constant 10 : i32
        %get3A_1828 = arith.index_cast %get3A_1827 : i32 to index
        %get3A_1829 = arith.index_cast %add3A_1814 : i32 to index
        %get3A_1830 = tpu.vector_load %arg9[%get3A_1828, %get3A_1829] {strides = array<i32>} : memref<32x1024xf32, #tpu.memory_space<vmem>>, vector<1x16xf32>,
        %get3A_1831 = vector.shape_cast %get3A_1830 : vector<1x16xf32> to vector<16xf32>
        %add3A_1832 = arith.addf %add3A_1806, %get3A_1831 : vector<16xf32>
        %get3A_1833 = arith.constant 11 : i32
        %get3A_1834 = arith.index_cast %get3A_1833 : i32 to index
        %get3A_1835 = arith.index_cast %add3A_1814 : i32 to index
        %get3A_1836 = tpu.vector_load %arg9[%get3A_1834, %get3A_1835] {strides = array<i32>} : memref<32x1024xf32, #tpu.memory_space<vmem>>, vector<1x16xf32>,
        %get3A_1837 = vector.shape_cast %get3A_1836 : vector<1x16xf32> to vector<16xf32>
        %add3A_1838 = arith.addf %add3A_1812, %get3A_1837 : vector<16xf32>
        %add3A_1839 = arith.constant 0 : i32
        %add3A_1840 = arith.addi %mul3A_1682, %add3A_1839 : i32
        %get3A_1841 = arith.constant 12 : i32
        %get3A_1842 = arith.index_cast %get3A_1841 : i32 to index
        %get3A_1843 = arith.index_cast %add3A_1840 : i32 to index
        %get3A_1844 = tpu.vector_load %arg9[%get3A_1842, %get3A_1843] {strides = array<i32>} : memref<32x1024xf32, #tpu.memory_space<vmem>>, vector<1x16xf32>,
        %get3A_1845 = vector.shape_cast %get3A_1844 : vector<1x16xf32> to vector<16xf32>
        %add3A_1846 = arith.addf %add3A_1820, %get3A_1845 : vector<16xf32>
        %get3A_1847 = arith.constant 13 : i32
        %get3A_1848 = arith.index_cast %get3A_1847 : i32 to index
        %get3A_1849 = arith.index_cast %add3A_1840 : i32 to index
        %get3A_1850 = tpu.vector_load %arg9[%get3A_1848, %get3A_1849] {strides = array<i32>} : memref<32x1024xf32, #tpu.memory_space<vmem>>, vector<1x16xf32>,
        %get3A_1851 = vector.shape_cast %get3A_1850 : vector<1x16xf32> to vector<16xf32>
        %add3A_1852 = arith.addf %add3A_1826, %get3A_1851 : vector<16xf32>
        %get3A_1853 = arith.constant 14 : i32
        %get3A_1854 = arith.index_cast %get3A_1853 : i32 to index
        %get3A_1855 = arith.index_cast %add3A_1840 : i32 to index
        %get3A_1856 = tpu.vector_load %arg9[%get3A_1854, %get3A_1855] {strides = array<i32>} : memref<32x1024xf32, #tpu.memory_space<vmem>>, vector<1x16xf32>,
        %get3A_1857 = vector.shape_cast %get3A_1856 : vector<1x16xf32> to vector<16xf32>
        %add3A_1858 = arith.addf %add3A_1832, %get3A_1857 : vector<16xf32>
        %get3A_1859 = arith.constant 15 : i32
        %get3A_1860 = arith.index_cast %get3A_1859 : i32 to index
        %get3A_1861 = arith.index_cast %add3A_1840 : i32 to index
        %get3A_1862 = tpu.vector_load %arg9[%get3A_1860, %get3A_1861] {strides = array<i32>} : memref<32x1024xf32, #tpu.memory_space<vmem>>, vector<1x16xf32>,
        %get3A_1863 = vector.shape_cast %get3A_1862 : vector<1x16xf32> to vector<16xf32>
        %add3A_1864 = arith.addf %add3A_1838, %get3A_1863 : vector<16xf32>
        %add3A_1865 = arith.constant 16 : i32
        %add3A_1866 = arith.addi %mul3A_1682, %add3A_1865 : i32
        %get3A_1867 = arith.constant 12 : i32
        %get3A_1868 = arith.index_cast %get3A_1867 : i32 to index
        %get3A_1869 = arith.index_cast %add3A_1866 : i32 to index
        %get3A_1870 = tpu.vector_load %arg9[%get3A_1868, %get3A_1869] {strides = array<i32>} : memref<32x1024xf32, #tpu.memory_space<vmem>>, vector<1x16xf32>,
        %get3A_1871 = vector.shape_cast %get3A_1870 : vector<1x16xf32> to vector<16xf32>
        %add3A_1872 = arith.addf %add3A_1846, %get3A_1871 : vector<16xf32>
        %get3A_1873 = arith.constant 13 : i32
        %get3A_1874 = arith.index_cast %get3A_1873 : i32 to index
        %get3A_1875 = arith.index_cast %add3A_1866 : i32 to index
        %get3A_1876 = tpu.vector_load %arg9[%get3A_1874, %get3A_1875] {strides = array<i32>} : memref<32x1024xf32, #tpu.memory_space<vmem>>, vector<1x16xf32>,
        %get3A_1877 = vector.shape_cast %get3A_1876 : vector<1x16xf32> to vector<16xf32>
        %add3A_1878 = arith.addf %add3A_1852, %get3A_1877 : vector<16xf32>
        %get3A_1879 = arith.constant 14 : i32
        %get3A_1880 = arith.index_cast %get3A_1879 : i32 to index
        %get3A_1881 = arith.index_cast %add3A_1866 : i32 to index
        %get3A_1882 = tpu.vector_load %arg9[%get3A_1880, %get3A_1881] {strides = array<i32>} : memref<32x1024xf32, #tpu.memory_space<vmem>>, vector<1x16xf32>,
        %get3A_1883 = vector.shape_cast %get3A_1882 : vector<1x16xf32> to vector<16xf32>
        %add3A_1884 = arith.addf %add3A_1858, %get3A_1883 : vector<16xf32>
        %get3A_1885 = arith.constant 15 : i32
        %get3A_1886 = arith.index_cast %get3A_1885 : i32 to index
        %get3A_1887 = arith.index_cast %add3A_1866 : i32 to index
        %get3A_1888 = tpu.vector_load %arg9[%get3A_1886, %get3A_1887] {strides = array<i32>} : memref<32x1024xf32, #tpu.memory_space<vmem>>, vector<1x16xf32>,
        %get3A_1889 = vector.shape_cast %get3A_1888 : vector<1x16xf32> to vector<16xf32>
        %add3A_1890 = arith.addf %add3A_1864, %get3A_1889 : vector<16xf32>
        %add3A_1891 = arith.constant 0 : i32
        %add3A_1892 = arith.addi %mul3A_1682, %add3A_1891 : i32
        %get3A_1893 = arith.constant 16 : i32
        %get3A_1894 = arith.index_cast %get3A_1893 : i32 to index
        %get3A_1895 = arith.index_cast %add3A_1892 : i32 to index
        %get3A_1896 = tpu.vector_load %arg9[%get3A_1894, %get3A_1895] {strides = array<i32>} : memref<32x1024xf32, #tpu.memory_space<vmem>>, vector<1x16xf32>,
        %get3A_1897 = vector.shape_cast %get3A_1896 : vector<1x16xf32> to vector<16xf32>
        %add3A_1898 = arith.addf %add3A_1872, %get3A_1897 : vector<16xf32>
        %get3A_1899 = arith.constant 17 : i32
        %get3A_1900 = arith.index_cast %get3A_1899 : i32 to index
        %get3A_1901 = arith.index_cast %add3A_1892 : i32 to index
        %get3A_1902 = tpu.vector_load %arg9[%get3A_1900, %get3A_1901] {strides = array<i32>} : memref<32x1024xf32, #tpu.memory_space<vmem>>, vector<1x16xf32>,
        %get3A_1903 = vector.shape_cast %get3A_1902 : vector<1x16xf32> to vector<16xf32>
        %add3A_1904 = arith.addf %add3A_1878, %get3A_1903 : vector<16xf32>
        %get3A_1905 = arith.constant 18 : i32
        %get3A_1906 = arith.index_cast %get3A_1905 : i32 to index
        %get3A_1907 = arith.index_cast %add3A_1892 : i32 to index
        %get3A_1908 = tpu.vector_load %arg9[%get3A_1906, %get3A_1907] {strides = array<i32>} : memref<32x1024xf32, #tpu.memory_space<vmem>>, vector<1x16xf32>,
        %get3A_1909 = vector.shape_cast %get3A_1908 : vector<1x16xf32> to vector<16xf32>
        %add3A_1910 = arith.addf %add3A_1884, %get3A_1909 : vector<16xf32>
        %get3A_1911 = arith.constant 19 : i32
        %get3A_1912 = arith.index_cast %get3A_1911 : i32 to index
        %get3A_1913 = arith.index_cast %add3A_1892 : i32 to index
        %get3A_1914 = tpu.vector_load %arg9[%get3A_1912, %get3A_1913] {strides = array<i32>} : memref<32x1024xf32, #tpu.memory_space<vmem>>, vector<1x16xf32>,
        %get3A_1915 = vector.shape_cast %get3A_1914 : vector<1x16xf32> to vector<16xf32>
        %add3A_1916 = arith.addf %add3A_1890, %get3A_1915 : vector<16xf32>
        %add3A_1917 = arith.constant 16 : i32
        %add3A_1918 = arith.addi %mul3A_1682, %add3A_1917 : i32
        %get3A_1919 = arith.constant 16 : i32
        %get3A_1920 = arith.index_cast %get3A_1919 : i32 to index
        %get3A_1921 = arith.index_cast %add3A_1918 : i32 to index
        %get3A_1922 = tpu.vector_load %arg9[%get3A_1920, %get3A_1921] {strides = array<i32>} : memref<32x1024xf32, #tpu.memory_space<vmem>>, vector<1x16xf32>,
        %get3A_1923 = vector.shape_cast %get3A_1922 : vector<1x16xf32> to vector<16xf32>
        %add3A_1924 = arith.addf %add3A_1898, %get3A_1923 : vector<16xf32>
        %get3A_1925 = arith.constant 17 : i32
        %get3A_1926 = arith.index_cast %get3A_1925 : i32 to index
        %get3A_1927 = arith.index_cast %add3A_1918 : i32 to index
        %get3A_1928 = tpu.vector_load %arg9[%get3A_1926, %get3A_1927] {strides = array<i32>} : memref<32x1024xf32, #tpu.memory_space<vmem>>, vector<1x16xf32>,
        %get3A_1929 = vector.shape_cast %get3A_1928 : vector<1x16xf32> to vector<16xf32>
        %add3A_1930 = arith.addf %add3A_1904, %get3A_1929 : vector<16xf32>
        %get3A_1931 = arith.constant 18 : i32
        %get3A_1932 = arith.index_cast %get3A_1931 : i32 to index
        %get3A_1933 = arith.index_cast %add3A_1918 : i32 to index
        %get3A_1934 = tpu.vector_load %arg9[%get3A_1932, %get3A_1933] {strides = array<i32>} : memref<32x1024xf32, #tpu.memory_space<vmem>>, vector<1x16xf32>,
        %get3A_1935 = vector.shape_cast %get3A_1934 : vector<1x16xf32> to vector<16xf32>
        %add3A_1936 = arith.addf %add3A_1910, %get3A_1935 : vector<16xf32>
        %get3A_1937 = arith.constant 19 : i32
        %get3A_1938 = arith.index_cast %get3A_1937 : i32 to index
        %get3A_1939 = arith.index_cast %add3A_1918 : i32 to index
        %get3A_1940 = tpu.vector_load %arg9[%get3A_1938, %get3A_1939] {strides = array<i32>} : memref<32x1024xf32, #tpu.memory_space<vmem>>, vector<1x16xf32>,
        %get3A_1941 = vector.shape_cast %get3A_1940 : vector<1x16xf32> to vector<16xf32>
        %add3A_1942 = arith.addf %add3A_1916, %get3A_1941 : vector<16xf32>
        %add3A_1943 = arith.constant 0 : i32
        %add3A_1944 = arith.addi %mul3A_1682, %add3A_1943 : i32
        %get3A_1945 = arith.constant 20 : i32
        %get3A_1946 = arith.index_cast %get3A_1945 : i32 to index
        %get3A_1947 = arith.index_cast %add3A_1944 : i32 to index
        %get3A_1948 = tpu.vector_load %arg9[%get3A_1946, %get3A_1947] {strides = array<i32>} : memref<32x1024xf32, #tpu.memory_space<vmem>>, vector<1x16xf32>,
        %get3A_1949 = vector.shape_cast %get3A_1948 : vector<1x16xf32> to vector<16xf32>
        %add3A_1950 = arith.addf %add3A_1924, %get3A_1949 : vector<16xf32>
        %get3A_1951 = arith.constant 21 : i32
        %get3A_1952 = arith.index_cast %get3A_1951 : i32 to index
        %get3A_1953 = arith.index_cast %add3A_1944 : i32 to index
        %get3A_1954 = tpu.vector_load %arg9[%get3A_1952, %get3A_1953] {strides = array<i32>} : memref<32x1024xf32, #tpu.memory_space<vmem>>, vector<1x16xf32>,
        %get3A_1955 = vector.shape_cast %get3A_1954 : vector<1x16xf32> to vector<16xf32>
        %add3A_1956 = arith.addf %add3A_1930, %get3A_1955 : vector<16xf32>
        %get3A_1957 = arith.constant 22 : i32
        %get3A_1958 = arith.index_cast %get3A_1957 : i32 to index
        %get3A_1959 = arith.index_cast %add3A_1944 : i32 to index
        %get3A_1960 = tpu.vector_load %arg9[%get3A_1958, %get3A_1959] {strides = array<i32>} : memref<32x1024xf32, #tpu.memory_space<vmem>>, vector<1x16xf32>,
        %get3A_1961 = vector.shape_cast %get3A_1960 : vector<1x16xf32> to vector<16xf32>
        %add3A_1962 = arith.addf %add3A_1936, %get3A_1961 : vector<16xf32>
        %get3A_1963 = arith.constant 23 : i32
        %get3A_1964 = arith.index_cast %get3A_1963 : i32 to index
        %get3A_1965 = arith.index_cast %add3A_1944 : i32 to index
        %get3A_1966 = tpu.vector_load %arg9[%get3A_1964, %get3A_1965] {strides = array<i32>} : memref<32x1024xf32, #tpu.memory_space<vmem>>, vector<1x16xf32>,
        %get3A_1967 = vector.shape_cast %get3A_1966 : vector<1x16xf32> to vector<16xf32>
        %add3A_1968 = arith.addf %add3A_1942, %get3A_1967 : vector<16xf32>
        %add3A_1969 = arith.constant 16 : i32
        %add3A_1970 = arith.addi %mul3A_1682, %add3A_1969 : i32
        %get3A_1971 = arith.constant 20 : i32
        %get3A_1972 = arith.index_cast %get3A_1971 : i32 to index
        %get3A_1973 = arith.index_cast %add3A_1970 : i32 to index
        %get3A_1974 = tpu.vector_load %arg9[%get3A_1972, %get3A_1973] {strides = array<i32>} : memref<32x1024xf32, #tpu.memory_space<vmem>>, vector<1x16xf32>,
        %get3A_1975 = vector.shape_cast %get3A_1974 : vector<1x16xf32> to vector<16xf32>
        %add3A_1976 = arith.addf %add3A_1950, %get3A_1975 : vector<16xf32>
        %get3A_1977 = arith.constant 21 : i32
        %get3A_1978 = arith.index_cast %get3A_1977 : i32 to index
        %get3A_1979 = arith.index_cast %add3A_1970 : i32 to index
        %get3A_1980 = tpu.vector_load %arg9[%get3A_1978, %get3A_1979] {strides = array<i32>} : memref<32x1024xf32, #tpu.memory_space<vmem>>, vector<1x16xf32>,
        %get3A_1981 = vector.shape_cast %get3A_1980 : vector<1x16xf32> to vector<16xf32>
        %add3A_1982 = arith.addf %add3A_1956, %get3A_1981 : vector<16xf32>
        %get3A_1983 = arith.constant 22 : i32
        %get3A_1984 = arith.index_cast %get3A_1983 : i32 to index
        %get3A_1985 = arith.index_cast %add3A_1970 : i32 to index
        %get3A_1986 = tpu.vector_load %arg9[%get3A_1984, %get3A_1985] {strides = array<i32>} : memref<32x1024xf32, #tpu.memory_space<vmem>>, vector<1x16xf32>,
        %get3A_1987 = vector.shape_cast %get3A_1986 : vector<1x16xf32> to vector<16xf32>
        %add3A_1988 = arith.addf %add3A_1962, %get3A_1987 : vector<16xf32>
        %get3A_1989 = arith.constant 23 : i32
        %get3A_1990 = arith.index_cast %get3A_1989 : i32 to index
        %get3A_1991 = arith.index_cast %add3A_1970 : i32 to index
        %get3A_1992 = tpu.vector_load %arg9[%get3A_1990, %get3A_1991] {strides = array<i32>} : memref<32x1024xf32, #tpu.memory_space<vmem>>, vector<1x16xf32>,
        %get3A_1993 = vector.shape_cast %get3A_1992 : vector<1x16xf32> to vector<16xf32>
        %add3A_1994 = arith.addf %add3A_1968, %get3A_1993 : vector<16xf32>
        %add3A_1995 = arith.constant 0 : i32
        %add3A_1996 = arith.addi %mul3A_1682, %add3A_1995 : i32
        %get3A_1997 = arith.constant 24 : i32
        %get3A_1998 = arith.index_cast %get3A_1997 : i32 to index
        %get3A_1999 = arith.index_cast %add3A_1996 : i32 to index
        %get3A_2000 = tpu.vector_load %arg9[%get3A_1998, %get3A_1999] {strides = array<i32>} : memref<32x1024xf32, #tpu.memory_space<vmem>>, vector<1x16xf32>,
        %get3A_2001 = vector.shape_cast %get3A_2000 : vector<1x16xf32> to vector<16xf32>
        %add3A_2002 = arith.addf %add3A_1976, %get3A_2001 : vector<16xf32>
        %get3A_2003 = arith.constant 25 : i32
        %get3A_2004 = arith.index_cast %get3A_2003 : i32 to index
        %get3A_2005 = arith.index_cast %add3A_1996 : i32 to index
        %get3A_2006 = tpu.vector_load %arg9[%get3A_2004, %get3A_2005] {strides = array<i32>} : memref<32x1024xf32, #tpu.memory_space<vmem>>, vector<1x16xf32>,
        %get3A_2007 = vector.shape_cast %get3A_2006 : vector<1x16xf32> to vector<16xf32>
        %add3A_2008 = arith.addf %add3A_1982, %get3A_2007 : vector<16xf32>
        %get3A_2009 = arith.constant 26 : i32
        %get3A_2010 = arith.index_cast %get3A_2009 : i32 to index
        %get3A_2011 = arith.index_cast %add3A_1996 : i32 to index
        %get3A_2012 = tpu.vector_load %arg9[%get3A_2010, %get3A_2011] {strides = array<i32>} : memref<32x1024xf32, #tpu.memory_space<vmem>>, vector<1x16xf32>,
        %get3A_2013 = vector.shape_cast %get3A_2012 : vector<1x16xf32> to vector<16xf32>
        %add3A_2014 = arith.addf %add3A_1988, %get3A_2013 : vector<16xf32>
        %get3A_2015 = arith.constant 27 : i32
        %get3A_2016 = arith.index_cast %get3A_2015 : i32 to index
        %get3A_2017 = arith.index_cast %add3A_1996 : i32 to index
        %get3A_2018 = tpu.vector_load %arg9[%get3A_2016, %get3A_2017] {strides = array<i32>} : memref<32x1024xf32, #tpu.memory_space<vmem>>, vector<1x16xf32>,
        %get3A_2019 = vector.shape_cast %get3A_2018 : vector<1x16xf32> to vector<16xf32>
        %add3A_2020 = arith.addf %add3A_1994, %get3A_2019 : vector<16xf32>
        %add3A_2021 = arith.constant 16 : i32
        %add3A_2022 = arith.addi %mul3A_1682, %add3A_2021 : i32
        %get3A_2023 = arith.constant 24 : i32
        %get3A_2024 = arith.index_cast %get3A_2023 : i32 to index
        %get3A_2025 = arith.index_cast %add3A_2022 : i32 to index
        %get3A_2026 = tpu.vector_load %arg9[%get3A_2024, %get3A_2025] {strides = array<i32>} : memref<32x1024xf32, #tpu.memory_space<vmem>>, vector<1x16xf32>,
        %get3A_2027 = vector.shape_cast %get3A_2026 : vector<1x16xf32> to vector<16xf32>
        %add3A_2028 = arith.addf %add3A_2002, %get3A_2027 : vector<16xf32>
        %get3A_2029 = arith.constant 25 : i32
        %get3A_2030 = arith.index_cast %get3A_2029 : i32 to index
        %get3A_2031 = arith.index_cast %add3A_2022 : i32 to index
        %get3A_2032 = tpu.vector_load %arg9[%get3A_2030, %get3A_2031] {strides = array<i32>} : memref<32x1024xf32, #tpu.memory_space<vmem>>, vector<1x16xf32>,
        %get3A_2033 = vector.shape_cast %get3A_2032 : vector<1x16xf32> to vector<16xf32>
        %add3A_2034 = arith.addf %add3A_2008, %get3A_2033 : vector<16xf32>
        %get3A_2035 = arith.constant 26 : i32
        %get3A_2036 = arith.index_cast %get3A_2035 : i32 to index
        %get3A_2037 = arith.index_cast %add3A_2022 : i32 to index
        %get3A_2038 = tpu.vector_load %arg9[%get3A_2036, %get3A_2037] {strides = array<i32>} : memref<32x1024xf32, #tpu.memory_space<vmem>>, vector<1x16xf32>,
        %get3A_2039 = vector.shape_cast %get3A_2038 : vector<1x16xf32> to vector<16xf32>
        %add3A_2040 = arith.addf %add3A_2014, %get3A_2039 : vector<16xf32>
        %get3A_2041 = arith.constant 27 : i32
        %get3A_2042 = arith.index_cast %get3A_2041 : i32 to index
        %get3A_2043 = arith.index_cast %add3A_2022 : i32 to index
        %get3A_2044 = tpu.vector_load %arg9[%get3A_2042, %get3A_2043] {strides = array<i32>} : memref<32x1024xf32, #tpu.memory_space<vmem>>, vector<1x16xf32>,
        %get3A_2045 = vector.shape_cast %get3A_2044 : vector<1x16xf32> to vector<16xf32>
        %add3A_2046 = arith.addf %add3A_2020, %get3A_2045 : vector<16xf32>
        %add3A_2047 = arith.constant 0 : i32
        %add3A_2048 = arith.addi %mul3A_1682, %add3A_2047 : i32
        %get3A_2049 = arith.constant 28 : i32
        %get3A_2050 = arith.index_cast %get3A_2049 : i32 to index
        %get3A_2051 = arith.index_cast %add3A_2048 : i32 to index
        %get3A_2052 = tpu.vector_load %arg9[%get3A_2050, %get3A_2051] {strides = array<i32>} : memref<32x1024xf32, #tpu.memory_space<vmem>>, vector<1x16xf32>,
        %get3A_2053 = vector.shape_cast %get3A_2052 : vector<1x16xf32> to vector<16xf32>
        %add3A_2054 = arith.addf %add3A_2028, %get3A_2053 : vector<16xf32>
        %get3A_2055 = arith.constant 29 : i32
        %get3A_2056 = arith.index_cast %get3A_2055 : i32 to index
        %get3A_2057 = arith.index_cast %add3A_2048 : i32 to index
        %get3A_2058 = tpu.vector_load %arg9[%get3A_2056, %get3A_2057] {strides = array<i32>} : memref<32x1024xf32, #tpu.memory_space<vmem>>, vector<1x16xf32>,
        %get3A_2059 = vector.shape_cast %get3A_2058 : vector<1x16xf32> to vector<16xf32>
        %add3A_2060 = arith.addf %add3A_2034, %get3A_2059 : vector<16xf32>
        %get3A_2061 = arith.constant 30 : i32
        %get3A_2062 = arith.index_cast %get3A_2061 : i32 to index
        %get3A_2063 = arith.index_cast %add3A_2048 : i32 to index
        %get3A_2064 = tpu.vector_load %arg9[%get3A_2062, %get3A_2063] {strides = array<i32>} : memref<32x1024xf32, #tpu.memory_space<vmem>>, vector<1x16xf32>,
        %get3A_2065 = vector.shape_cast %get3A_2064 : vector<1x16xf32> to vector<16xf32>
        %add3A_2066 = arith.addf %add3A_2040, %get3A_2065 : vector<16xf32>
        %get3A_2067 = arith.constant 31 : i32
        %get3A_2068 = arith.index_cast %get3A_2067 : i32 to index
        %get3A_2069 = arith.index_cast %add3A_2048 : i32 to index
        %get3A_2070 = tpu.vector_load %arg9[%get3A_2068, %get3A_2069] {strides = array<i32>} : memref<32x1024xf32, #tpu.memory_space<vmem>>, vector<1x16xf32>,
        %get3A_2071 = vector.shape_cast %get3A_2070 : vector<1x16xf32> to vector<16xf32>
        %add3A_2072 = arith.addf %add3A_2046, %get3A_2071 : vector<16xf32>
        %add3A_2073 = arith.constant 16 : i32
        %add3A_2074 = arith.addi %mul3A_1682, %add3A_2073 : i32
        %get3A_2075 = arith.constant 28 : i32
        %get3A_2076 = arith.index_cast %get3A_2075 : i32 to index
        %get3A_2077 = arith.index_cast %add3A_2074 : i32 to index
        %get3A_2078 = tpu.vector_load %arg9[%get3A_2076, %get3A_2077] {strides = array<i32>} : memref<32x1024xf32, #tpu.memory_space<vmem>>, vector<1x16xf32>,
        %get3A_2079 = vector.shape_cast %get3A_2078 : vector<1x16xf32> to vector<16xf32>
        %add3A_2080 = arith.addf %add3A_2054, %get3A_2079 : vector<16xf32>
        %get3A_2081 = arith.constant 29 : i32
        %get3A_2082 = arith.index_cast %get3A_2081 : i32 to index
        %get3A_2083 = arith.index_cast %add3A_2074 : i32 to index
        %get3A_2084 = tpu.vector_load %arg9[%get3A_2082, %get3A_2083] {strides = array<i32>} : memref<32x1024xf32, #tpu.memory_space<vmem>>, vector<1x16xf32>,
        %get3A_2085 = vector.shape_cast %get3A_2084 : vector<1x16xf32> to vector<16xf32>
        %add3A_2086 = arith.addf %add3A_2060, %get3A_2085 : vector<16xf32>
        %get3A_2087 = arith.constant 30 : i32
        %get3A_2088 = arith.index_cast %get3A_2087 : i32 to index
        %get3A_2089 = arith.index_cast %add3A_2074 : i32 to index
        %get3A_2090 = tpu.vector_load %arg9[%get3A_2088, %get3A_2089] {strides = array<i32>} : memref<32x1024xf32, #tpu.memory_space<vmem>>, vector<1x16xf32>,
        %get3A_2091 = vector.shape_cast %get3A_2090 : vector<1x16xf32> to vector<16xf32>
        %add3A_2092 = arith.addf %add3A_2066, %get3A_2091 : vector<16xf32>
        %get3A_2093 = arith.constant 31 : i32
        %get3A_2094 = arith.index_cast %get3A_2093 : i32 to index
        %get3A_2095 = arith.index_cast %add3A_2074 : i32 to index
        %get3A_2096 = tpu.vector_load %arg9[%get3A_2094, %get3A_2095] {strides = array<i32>} : memref<32x1024xf32, #tpu.memory_space<vmem>>, vector<1x16xf32>,
        %get3A_2097 = vector.shape_cast %get3A_2096 : vector<1x16xf32> to vector<16xf32>
        %add3A_2098 = arith.addf %add3A_2072, %get3A_2097 : vector<16xf32>
        scf.yield %add3A_2080, %add3A_2086, %add3A_2092, %add3A_2098 : vector<16xf32>, vector<16xf32>, vector<16xf32>, vector<16xf32>
      }
      %scan3A_1663 = arith.constant 32 : i32
      %mul3A_1664 = vector.broadcast %select_n3A_1655 : f32 to vector<16xf32>
      %mul3A_1665 = arith.mulf %mul3A_1664, %scan3A_1662#0 : vector<16xf32>
      %add3A_1666 = arith.addf %add3A_1607, %mul3A_1665 : vector<16xf32>
      %mul3A_1667 = vector.broadcast %select_n3A_1655 : f32 to vector<16xf32>
      %mul3A_1668 = arith.mulf %mul3A_1667, %scan3A_1662#1 : vector<16xf32>
      %add3A_1669 = arith.addf %add3A_1610, %mul3A_1668 : vector<16xf32>
      %mul3A_1670 = vector.broadcast %select_n3A_1655 : f32 to vector<16xf32>
      %mul3A_1671 = arith.mulf %mul3A_1670, %scan3A_1662#2 : vector<16xf32>
      %add3A_1672 = arith.addf %add3A_1613, %mul3A_1671 : vector<16xf32>
      %mul3A_1673 = vector.broadcast %select_n3A_1655 : f32 to vector<16xf32>
      %mul3A_1674 = arith.mulf %mul3A_1673, %scan3A_1662#3 : vector<16xf32>
      %add3A_1675 = arith.addf %add3A_1616, %mul3A_1674 : vector<16xf32>
      scf.yield %add3A_1666, %add3A_1669, %add3A_1672, %add3A_1675 : vector<16xf32>, vector<16xf32>, vector<16xf32>, vector<16xf32>
    }
    %scan3A_598 = arith.constant 24 : i32
    %mul3A_599 = arith.constant 32 : i32
    %mul3A_600 = arith.constant 0 : i32
    %mul3A_601 = arith.muli %mul3A_599, %mul3A_600 : i32
    %add3A_602 = arith.addi %add3A, %mul3A_601 : i32
    %mul3A_603 = arith.constant 32 : i32
    %mul3A_604 = arith.muli %mul3A_603, %add3A_602 : i32
    %add3A_605 = arith.constant 51200 : i32
    %add3A_606 = arith.addi %add3A_605, %mul3A_604 : i32
    %min3A_607 = arith.constant 99968 : i32
    %min3A_608 = arith.minsi %add3A_606, %min3A_607 : i32
    %multiple_of3A_609 = tpu.assume_multiple %min3A_608, 8 : i32
    %dma_wait3A = arith.constant 0 : i32
    %dma_wait3A_610 = tpu.memref_slice %arg2[%multiple_of3A_609, %dma_wait3A] : memref<100000x1024xf32, #tpu.memory_space<hbm>> -> memref<32x1024xf32, #tpu.memory_space<hbm>>
    %dma_wait3A_611 = arith.constant 0 : i32
    %dma_wait3A_612 = tpu.memref_slice %arg2[%multiple_of3A_609, %dma_wait3A_611] : memref<100000x1024xf32, #tpu.memory_space<hbm>> -> memref<32x1024xf32, #tpu.memory_space<hbm>>
    tpu.wait_dma2 semaphore(%arg11 : memref<!tpu.dma_semaphore, #tpu.memory_space<semaphore_mem>>) src(%dma_wait3A_612 : memref<32x1024xf32, #tpu.memory_space<hbm>>) dst(%arg8 : memref<32x1024xf32, #tpu.memory_space<vmem>>)
    %add3A_613 = arith.addf %scan3A_597#0, %scan3A_597#1 : vector<16xf32>
    %add3A_614 = arith.addf %scan3A_597#2, %scan3A_597#3 : vector<16xf32>
    %add3A_615 = arith.addf %add3A_613, %add3A_614 : vector<16xf32>
    %dma_wait3A_616 = arith.constant 0 : i32
    %dma_wait3A_617 = arith.constant 0 : i32
    %dma_wait3A_618 = tpu.memref_slice %arg6[%dma_wait3A_616, %dma_wait3A_617] : memref<256x128xf32, #tpu.memory_space<vmem>> -> memref<8x128xf32, #tpu.memory_space<vmem>>
    %dma_wait3A_619 = tpu.memref_slice %arg2[%multiple_of3A, %multiple_of3A_13] : memref<100000x1024xf32, #tpu.memory_space<hbm>> -> memref<8x128xf32, #tpu.memory_space<hbm>>
    %dma_wait3A_620 = arith.constant 0 : i32
    %dma_wait3A_621 = arith.constant 0 : i32
    %dma_wait3A_622 = tpu.memref_slice %arg6[%dma_wait3A_620, %dma_wait3A_621] : memref<256x128xf32, #tpu.memory_space<vmem>> -> memref<8x128xf32, #tpu.memory_space<vmem>>
    %dma_wait3A_623 = tpu.memref_slice %arg2[%multiple_of3A, %multiple_of3A_13] : memref<100000x1024xf32, #tpu.memory_space<hbm>> -> memref<8x128xf32, #tpu.memory_space<hbm>>
    tpu.wait_dma2 semaphore(%arg10 : memref<!tpu.dma_semaphore, #tpu.memory_space<semaphore_mem>>) src(%dma_wait3A_623 : memref<8x128xf32, #tpu.memory_space<hbm>>) dst(%dma_wait3A_622 : memref<8x128xf32, #tpu.memory_space<vmem>>)
    %dma_wait3A_624 = arith.constant 8 : i32
    %dma_wait3A_625 = arith.constant 0 : i32
    %dma_wait3A_626 = tpu.memref_slice %arg6[%dma_wait3A_624, %dma_wait3A_625] : memref<256x128xf32, #tpu.memory_space<vmem>> -> memref<8x128xf32, #tpu.memory_space<vmem>>
    %dma_wait3A_627 = tpu.memref_slice %arg2[%multiple_of3A_25, %multiple_of3A_30] : memref<100000x1024xf32, #tpu.memory_space<hbm>> -> memref<8x128xf32, #tpu.memory_space<hbm>>
    %dma_wait3A_628 = arith.constant 8 : i32
    %dma_wait3A_629 = arith.constant 0 : i32
    %dma_wait3A_630 = tpu.memref_slice %arg6[%dma_wait3A_628, %dma_wait3A_629] : memref<256x128xf32, #tpu.memory_space<vmem>> -> memref<8x128xf32, #tpu.memory_space<vmem>>
    %dma_wait3A_631 = tpu.memref_slice %arg2[%multiple_of3A_25, %multiple_of3A_30] : memref<100000x1024xf32, #tpu.memory_space<hbm>> -> memref<8x128xf32, #tpu.memory_space<hbm>>
    tpu.wait_dma2 semaphore(%arg10 : memref<!tpu.dma_semaphore, #tpu.memory_space<semaphore_mem>>) src(%dma_wait3A_631 : memref<8x128xf32, #tpu.memory_space<hbm>>) dst(%dma_wait3A_630 : memref<8x128xf32, #tpu.memory_space<vmem>>)
    %dma_wait3A_632 = arith.constant 16 : i32
    %dma_wait3A_633 = arith.constant 0 : i32
    %dma_wait3A_634 = tpu.memref_slice %arg6[%dma_wait3A_632, %dma_wait3A_633] : memref<256x128xf32, #tpu.memory_space<vmem>> -> memref<8x128xf32, #tpu.memory_space<vmem>>
    %dma_wait3A_635 = tpu.memref_slice %arg2[%multiple_of3A_43, %multiple_of3A_48] : memref<100000x1024xf32, #tpu.memory_space<hbm>> -> memref<8x128xf32, #tpu.memory_space<hbm>>
    %dma_wait3A_636 = arith.constant 16 : i32
    %dma_wait3A_637 = arith.constant 0 : i32
    %dma_wait3A_638 = tpu.memref_slice %arg6[%dma_wait3A_636, %dma_wait3A_637] : memref<256x128xf32, #tpu.memory_space<vmem>> -> memref<8x128xf32, #tpu.memory_space<vmem>>
    %dma_wait3A_639 = tpu.memref_slice %arg2[%multiple_of3A_43, %multiple_of3A_48] : memref<100000x1024xf32, #tpu.memory_space<hbm>> -> memref<8x128xf32, #tpu.memory_space<hbm>>
    tpu.wait_dma2 semaphore(%arg10 : memref<!tpu.dma_semaphore, #tpu.memory_space<semaphore_mem>>) src(%dma_wait3A_639 : memref<8x128xf32, #tpu.memory_space<hbm>>) dst(%dma_wait3A_638 : memref<8x128xf32, #tpu.memory_space<vmem>>)
    %dma_wait3A_640 = arith.constant 24 : i32
    %dma_wait3A_641 = arith.constant 0 : i32
    %dma_wait3A_642 = tpu.memref_slice %arg6[%dma_wait3A_640, %dma_wait3A_641] : memref<256x128xf32, #tpu.memory_space<vmem>> -> memref<8x128xf32, #tpu.memory_space<vmem>>
    %dma_wait3A_643 = tpu.memref_slice %arg2[%multiple_of3A_61, %multiple_of3A_66] : memref<100000x1024xf32, #tpu.memory_space<hbm>> -> memref<8x128xf32, #tpu.memory_space<hbm>>
    %dma_wait3A_644 = arith.constant 24 : i32
    %dma_wait3A_645 = arith.constant 0 : i32
    %dma_wait3A_646 = tpu.memref_slice %arg6[%dma_wait3A_644, %dma_wait3A_645] : memref<256x128xf32, #tpu.memory_space<vmem>> -> memref<8x128xf32, #tpu.memory_space<vmem>>
    %dma_wait3A_647 = tpu.memref_slice %arg2[%multiple_of3A_61, %multiple_of3A_66] : memref<100000x1024xf32, #tpu.memory_space<hbm>> -> memref<8x128xf32, #tpu.memory_space<hbm>>
    tpu.wait_dma2 semaphore(%arg10 : memref<!tpu.dma_semaphore, #tpu.memory_space<semaphore_mem>>) src(%dma_wait3A_647 : memref<8x128xf32, #tpu.memory_space<hbm>>) dst(%dma_wait3A_646 : memref<8x128xf32, #tpu.memory_space<vmem>>)
    %dma_wait3A_648 = arith.constant 32 : i32
    %dma_wait3A_649 = arith.constant 0 : i32
    %dma_wait3A_650 = tpu.memref_slice %arg6[%dma_wait3A_648, %dma_wait3A_649] : memref<256x128xf32, #tpu.memory_space<vmem>> -> memref<8x128xf32, #tpu.memory_space<vmem>>
    %dma_wait3A_651 = tpu.memref_slice %arg2[%multiple_of3A_79, %multiple_of3A_84] : memref<100000x1024xf32, #tpu.memory_space<hbm>> -> memref<8x128xf32, #tpu.memory_space<hbm>>
    %dma_wait3A_652 = arith.constant 32 : i32
    %dma_wait3A_653 = arith.constant 0 : i32
    %dma_wait3A_654 = tpu.memref_slice %arg6[%dma_wait3A_652, %dma_wait3A_653] : memref<256x128xf32, #tpu.memory_space<vmem>> -> memref<8x128xf32, #tpu.memory_space<vmem>>
    %dma_wait3A_655 = tpu.memref_slice %arg2[%multiple_of3A_79, %multiple_of3A_84] : memref<100000x1024xf32, #tpu.memory_space<hbm>> -> memref<8x128xf32, #tpu.memory_space<hbm>>
    tpu.wait_dma2 semaphore(%arg10 : memref<!tpu.dma_semaphore, #tpu.memory_space<semaphore_mem>>) src(%dma_wait3A_655 : memref<8x128xf32, #tpu.memory_space<hbm>>) dst(%dma_wait3A_654 : memref<8x128xf32, #tpu.memory_space<vmem>>)
    %dma_wait3A_656 = arith.constant 40 : i32
    %dma_wait3A_657 = arith.constant 0 : i32
    %dma_wait3A_658 = tpu.memref_slice %arg6[%dma_wait3A_656, %dma_wait3A_657] : memref<256x128xf32, #tpu.memory_space<vmem>> -> memref<8x128xf32, #tpu.memory_space<vmem>>
    %dma_wait3A_659 = tpu.memref_slice %arg2[%multiple_of3A_97, %multiple_of3A_102] : memref<100000x1024xf32, #tpu.memory_space<hbm>> -> memref<8x128xf32, #tpu.memory_space<hbm>>
    %dma_wait3A_660 = arith.constant 40 : i32
    %dma_wait3A_661 = arith.constant 0 : i32
    %dma_wait3A_662 = tpu.memref_slice %arg6[%dma_wait3A_660, %dma_wait3A_661] : memref<256x128xf32, #tpu.memory_space<vmem>> -> memref<8x128xf32, #tpu.memory_space<vmem>>
    %dma_wait3A_663 = tpu.memref_slice %arg2[%multiple_of3A_97, %multiple_of3A_102] : memref<100000x1024xf32, #tpu.memory_space<hbm>> -> memref<8x128xf32, #tpu.memory_space<hbm>>
    tpu.wait_dma2 semaphore(%arg10 : memref<!tpu.dma_semaphore, #tpu.memory_space<semaphore_mem>>) src(%dma_wait3A_663 : memref<8x128xf32, #tpu.memory_space<hbm>>) dst(%dma_wait3A_662 : memref<8x128xf32, #tpu.memory_space<vmem>>)
    %dma_wait3A_664 = arith.constant 48 : i32
    %dma_wait3A_665 = arith.constant 0 : i32
    %dma_wait3A_666 = tpu.memref_slice %arg6[%dma_wait3A_664, %dma_wait3A_665] : memref<256x128xf32, #tpu.memory_space<vmem>> -> memref<8x128xf32, #tpu.memory_space<vmem>>
    %dma_wait3A_667 = tpu.memref_slice %arg2[%multiple_of3A_115, %multiple_of3A_120] : memref<100000x1024xf32, #tpu.memory_space<hbm>> -> memref<8x128xf32, #tpu.memory_space<hbm>>
    %dma_wait3A_668 = arith.constant 48 : i32
    %dma_wait3A_669 = arith.constant 0 : i32
    %dma_wait3A_670 = tpu.memref_slice %arg6[%dma_wait3A_668, %dma_wait3A_669] : memref<256x128xf32, #tpu.memory_space<vmem>> -> memref<8x128xf32, #tpu.memory_space<vmem>>
    %dma_wait3A_671 = tpu.memref_slice %arg2[%multiple_of3A_115, %multiple_of3A_120] : memref<100000x1024xf32, #tpu.memory_space<hbm>> -> memref<8x128xf32, #tpu.memory_space<hbm>>
    tpu.wait_dma2 semaphore(%arg10 : memref<!tpu.dma_semaphore, #tpu.memory_space<semaphore_mem>>) src(%dma_wait3A_671 : memref<8x128xf32, #tpu.memory_space<hbm>>) dst(%dma_wait3A_670 : memref<8x128xf32, #tpu.memory_space<vmem>>)
    %dma_wait3A_672 = arith.constant 56 : i32
    %dma_wait3A_673 = arith.constant 0 : i32
    %dma_wait3A_674 = tpu.memref_slice %arg6[%dma_wait3A_672, %dma_wait3A_673] : memref<256x128xf32, #tpu.memory_space<vmem>> -> memref<8x128xf32, #tpu.memory_space<vmem>>
    %dma_wait3A_675 = tpu.memref_slice %arg2[%multiple_of3A_133, %multiple_of3A_138] : memref<100000x1024xf32, #tpu.memory_space<hbm>> -> memref<8x128xf32, #tpu.memory_space<hbm>>
    %dma_wait3A_676 = arith.constant 56 : i32
    %dma_wait3A_677 = arith.constant 0 : i32
    %dma_wait3A_678 = tpu.memref_slice %arg6[%dma_wait3A_676, %dma_wait3A_677] : memref<256x128xf32, #tpu.memory_space<vmem>> -> memref<8x128xf32, #tpu.memory_space<vmem>>
    %dma_wait3A_679 = tpu.memref_slice %arg2[%multiple_of3A_133, %multiple_of3A_138] : memref<100000x1024xf32, #tpu.memory_space<hbm>> -> memref<8x128xf32, #tpu.memory_space<hbm>>
    tpu.wait_dma2 semaphore(%arg10 : memref<!tpu.dma_semaphore, #tpu.memory_space<semaphore_mem>>) src(%dma_wait3A_679 : memref<8x128xf32, #tpu.memory_space<hbm>>) dst(%dma_wait3A_678 : memref<8x128xf32, #tpu.memory_space<vmem>>)
    %dma_wait3A_680 = arith.constant 64 : i32
    %dma_wait3A_681 = arith.constant 0 : i32
    %dma_wait3A_682 = tpu.memref_slice %arg6[%dma_wait3A_680, %dma_wait3A_681] : memref<256x128xf32, #tpu.memory_space<vmem>> -> memref<8x128xf32, #tpu.memory_space<vmem>>
    %dma_wait3A_683 = tpu.memref_slice %arg2[%multiple_of3A_151, %multiple_of3A_156] : memref<100000x1024xf32, #tpu.memory_space<hbm>> -> memref<8x128xf32, #tpu.memory_space<hbm>>
    %dma_wait3A_684 = arith.constant 64 : i32
    %dma_wait3A_685 = arith.constant 0 : i32
    %dma_wait3A_686 = tpu.memref_slice %arg6[%dma_wait3A_684, %dma_wait3A_685] : memref<256x128xf32, #tpu.memory_space<vmem>> -> memref<8x128xf32, #tpu.memory_space<vmem>>
    %dma_wait3A_687 = tpu.memref_slice %arg2[%multiple_of3A_151, %multiple_of3A_156] : memref<100000x1024xf32, #tpu.memory_space<hbm>> -> memref<8x128xf32, #tpu.memory_space<hbm>>
    tpu.wait_dma2 semaphore(%arg10 : memref<!tpu.dma_semaphore, #tpu.memory_space<semaphore_mem>>) src(%dma_wait3A_687 : memref<8x128xf32, #tpu.memory_space<hbm>>) dst(%dma_wait3A_686 : memref<8x128xf32, #tpu.memory_space<vmem>>)
    %dma_wait3A_688 = arith.constant 72 : i32
    %dma_wait3A_689 = arith.constant 0 : i32
    %dma_wait3A_690 = tpu.memref_slice %arg6[%dma_wait3A_688, %dma_wait3A_689] : memref<256x128xf32, #tpu.memory_space<vmem>> -> memref<8x128xf32, #tpu.memory_space<vmem>>
    %dma_wait3A_691 = tpu.memref_slice %arg2[%multiple_of3A_169, %multiple_of3A_174] : memref<100000x1024xf32, #tpu.memory_space<hbm>> -> memref<8x128xf32, #tpu.memory_space<hbm>>
    %dma_wait3A_692 = arith.constant 72 : i32
    %dma_wait3A_693 = arith.constant 0 : i32
    %dma_wait3A_694 = tpu.memref_slice %arg6[%dma_wait3A_692, %dma_wait3A_693] : memref<256x128xf32, #tpu.memory_space<vmem>> -> memref<8x128xf32, #tpu.memory_space<vmem>>
    %dma_wait3A_695 = tpu.memref_slice %arg2[%multiple_of3A_169, %multiple_of3A_174] : memref<100000x1024xf32, #tpu.memory_space<hbm>> -> memref<8x128xf32, #tpu.memory_space<hbm>>
    tpu.wait_dma2 semaphore(%arg10 : memref<!tpu.dma_semaphore, #tpu.memory_space<semaphore_mem>>) src(%dma_wait3A_695 : memref<8x128xf32, #tpu.memory_space<hbm>>) dst(%dma_wait3A_694 : memref<8x128xf32, #tpu.memory_space<vmem>>)
    %dma_wait3A_696 = arith.constant 80 : i32
    %dma_wait3A_697 = arith.constant 0 : i32
    %dma_wait3A_698 = tpu.memref_slice %arg6[%dma_wait3A_696, %dma_wait3A_697] : memref<256x128xf32, #tpu.memory_space<vmem>> -> memref<8x128xf32, #tpu.memory_space<vmem>>
    %dma_wait3A_699 = tpu.memref_slice %arg2[%multiple_of3A_187, %multiple_of3A_192] : memref<100000x1024xf32, #tpu.memory_space<hbm>> -> memref<8x128xf32, #tpu.memory_space<hbm>>
    %dma_wait3A_700 = arith.constant 80 : i32
    %dma_wait3A_701 = arith.constant 0 : i32
    %dma_wait3A_702 = tpu.memref_slice %arg6[%dma_wait3A_700, %dma_wait3A_701] : memref<256x128xf32, #tpu.memory_space<vmem>> -> memref<8x128xf32, #tpu.memory_space<vmem>>
    %dma_wait3A_703 = tpu.memref_slice %arg2[%multiple_of3A_187, %multiple_of3A_192] : memref<100000x1024xf32, #tpu.memory_space<hbm>> -> memref<8x128xf32, #tpu.memory_space<hbm>>
    tpu.wait_dma2 semaphore(%arg10 : memref<!tpu.dma_semaphore, #tpu.memory_space<semaphore_mem>>) src(%dma_wait3A_703 : memref<8x128xf32, #tpu.memory_space<hbm>>) dst(%dma_wait3A_702 : memref<8x128xf32, #tpu.memory_space<vmem>>)
    %dma_wait3A_704 = arith.constant 88 : i32
    %dma_wait3A_705 = arith.constant 0 : i32
    %dma_wait3A_706 = tpu.memref_slice %arg6[%dma_wait3A_704, %dma_wait3A_705] : memref<256x128xf32, #tpu.memory_space<vmem>> -> memref<8x128xf32, #tpu.memory_space<vmem>>
    %dma_wait3A_707 = tpu.memref_slice %arg2[%multiple_of3A_205, %multiple_of3A_210] : memref<100000x1024xf32, #tpu.memory_space<hbm>> -> memref<8x128xf32, #tpu.memory_space<hbm>>
    %dma_wait3A_708 = arith.constant 88 : i32
    %dma_wait3A_709 = arith.constant 0 : i32
    %dma_wait3A_710 = tpu.memref_slice %arg6[%dma_wait3A_708, %dma_wait3A_709] : memref<256x128xf32, #tpu.memory_space<vmem>> -> memref<8x128xf32, #tpu.memory_space<vmem>>
    %dma_wait3A_711 = tpu.memref_slice %arg2[%multiple_of3A_205, %multiple_of3A_210] : memref<100000x1024xf32, #tpu.memory_space<hbm>> -> memref<8x128xf32, #tpu.memory_space<hbm>>
    tpu.wait_dma2 semaphore(%arg10 : memref<!tpu.dma_semaphore, #tpu.memory_space<semaphore_mem>>) src(%dma_wait3A_711 : memref<8x128xf32, #tpu.memory_space<hbm>>) dst(%dma_wait3A_710 : memref<8x128xf32, #tpu.memory_space<vmem>>)
    %dma_wait3A_712 = arith.constant 96 : i32
    %dma_wait3A_713 = arith.constant 0 : i32
    %dma_wait3A_714 = tpu.memref_slice %arg6[%dma_wait3A_712, %dma_wait3A_713] : memref<256x128xf32, #tpu.memory_space<vmem>> -> memref<8x128xf32, #tpu.memory_space<vmem>>
    %dma_wait3A_715 = tpu.memref_slice %arg2[%multiple_of3A_223, %multiple_of3A_228] : memref<100000x1024xf32, #tpu.memory_space<hbm>> -> memref<8x128xf32, #tpu.memory_space<hbm>>
    %dma_wait3A_716 = arith.constant 96 : i32
    %dma_wait3A_717 = arith.constant 0 : i32
    %dma_wait3A_718 = tpu.memref_slice %arg6[%dma_wait3A_716, %dma_wait3A_717] : memref<256x128xf32, #tpu.memory_space<vmem>> -> memref<8x128xf32, #tpu.memory_space<vmem>>
    %dma_wait3A_719 = tpu.memref_slice %arg2[%multiple_of3A_223, %multiple_of3A_228] : memref<100000x1024xf32, #tpu.memory_space<hbm>> -> memref<8x128xf32, #tpu.memory_space<hbm>>
    tpu.wait_dma2 semaphore(%arg10 : memref<!tpu.dma_semaphore, #tpu.memory_space<semaphore_mem>>) src(%dma_wait3A_719 : memref<8x128xf32, #tpu.memory_space<hbm>>) dst(%dma_wait3A_718 : memref<8x128xf32, #tpu.memory_space<vmem>>)
    %dma_wait3A_720 = arith.constant 104 : i32
    %dma_wait3A_721 = arith.constant 0 : i32
    %dma_wait3A_722 = tpu.memref_slice %arg6[%dma_wait3A_720, %dma_wait3A_721] : memref<256x128xf32, #tpu.memory_space<vmem>> -> memref<8x128xf32, #tpu.memory_space<vmem>>
    %dma_wait3A_723 = tpu.memref_slice %arg2[%multiple_of3A_241, %multiple_of3A_246] : memref<100000x1024xf32, #tpu.memory_space<hbm>> -> memref<8x128xf32, #tpu.memory_space<hbm>>
    %dma_wait3A_724 = arith.constant 104 : i32
    %dma_wait3A_725 = arith.constant 0 : i32
    %dma_wait3A_726 = tpu.memref_slice %arg6[%dma_wait3A_724, %dma_wait3A_725] : memref<256x128xf32, #tpu.memory_space<vmem>> -> memref<8x128xf32, #tpu.memory_space<vmem>>
    %dma_wait3A_727 = tpu.memref_slice %arg2[%multiple_of3A_241, %multiple_of3A_246] : memref<100000x1024xf32, #tpu.memory_space<hbm>> -> memref<8x128xf32, #tpu.memory_space<hbm>>
    tpu.wait_dma2 semaphore(%arg10 : memref<!tpu.dma_semaphore, #tpu.memory_space<semaphore_mem>>) src(%dma_wait3A_727 : memref<8x128xf32, #tpu.memory_space<hbm>>) dst(%dma_wait3A_726 : memref<8x128xf32, #tpu.memory_space<vmem>>)
    %dma_wait3A_728 = arith.constant 112 : i32
    %dma_wait3A_729 = arith.constant 0 : i32
    %dma_wait3A_730 = tpu.memref_slice %arg6[%dma_wait3A_728, %dma_wait3A_729] : memref<256x128xf32, #tpu.memory_space<vmem>> -> memref<8x128xf32, #tpu.memory_space<vmem>>
    %dma_wait3A_731 = tpu.memref_slice %arg2[%multiple_of3A_259, %multiple_of3A_264] : memref<100000x1024xf32, #tpu.memory_space<hbm>> -> memref<8x128xf32, #tpu.memory_space<hbm>>
    %dma_wait3A_732 = arith.constant 112 : i32
    %dma_wait3A_733 = arith.constant 0 : i32
    %dma_wait3A_734 = tpu.memref_slice %arg6[%dma_wait3A_732, %dma_wait3A_733] : memref<256x128xf32, #tpu.memory_space<vmem>> -> memref<8x128xf32, #tpu.memory_space<vmem>>
    %dma_wait3A_735 = tpu.memref_slice %arg2[%multiple_of3A_259, %multiple_of3A_264] : memref<100000x1024xf32, #tpu.memory_space<hbm>> -> memref<8x128xf32, #tpu.memory_space<hbm>>
    tpu.wait_dma2 semaphore(%arg10 : memref<!tpu.dma_semaphore, #tpu.memory_space<semaphore_mem>>) src(%dma_wait3A_735 : memref<8x128xf32, #tpu.memory_space<hbm>>) dst(%dma_wait3A_734 : memref<8x128xf32, #tpu.memory_space<vmem>>)
    %dma_wait3A_736 = arith.constant 120 : i32
    %dma_wait3A_737 = arith.constant 0 : i32
    %dma_wait3A_738 = tpu.memref_slice %arg6[%dma_wait3A_736, %dma_wait3A_737] : memref<256x128xf32, #tpu.memory_space<vmem>> -> memref<8x128xf32, #tpu.memory_space<vmem>>
    %dma_wait3A_739 = tpu.memref_slice %arg2[%multiple_of3A_277, %multiple_of3A_282] : memref<100000x1024xf32, #tpu.memory_space<hbm>> -> memref<8x128xf32, #tpu.memory_space<hbm>>
    %dma_wait3A_740 = arith.constant 120 : i32
    %dma_wait3A_741 = arith.constant 0 : i32
    %dma_wait3A_742 = tpu.memref_slice %arg6[%dma_wait3A_740, %dma_wait3A_741] : memref<256x128xf32, #tpu.memory_space<vmem>> -> memref<8x128xf32, #tpu.memory_space<vmem>>
    %dma_wait3A_743 = tpu.memref_slice %arg2[%multiple_of3A_277, %multiple_of3A_282] : memref<100000x1024xf32, #tpu.memory_space<hbm>> -> memref<8x128xf32, #tpu.memory_space<hbm>>
    tpu.wait_dma2 semaphore(%arg10 : memref<!tpu.dma_semaphore, #tpu.memory_space<semaphore_mem>>) src(%dma_wait3A_743 : memref<8x128xf32, #tpu.memory_space<hbm>>) dst(%dma_wait3A_742 : memref<8x128xf32, #tpu.memory_space<vmem>>)
    %dma_wait3A_744 = arith.constant 128 : i32
    %dma_wait3A_745 = arith.constant 0 : i32
    %dma_wait3A_746 = tpu.memref_slice %arg6[%dma_wait3A_744, %dma_wait3A_745] : memref<256x128xf32, #tpu.memory_space<vmem>> -> memref<8x128xf32, #tpu.memory_space<vmem>>
    %dma_wait3A_747 = tpu.memref_slice %arg2[%multiple_of3A_295, %multiple_of3A_300] : memref<100000x1024xf32, #tpu.memory_space<hbm>> -> memref<8x128xf32, #tpu.memory_space<hbm>>
    %dma_wait3A_748 = arith.constant 128 : i32
    %dma_wait3A_749 = arith.constant 0 : i32
    %dma_wait3A_750 = tpu.memref_slice %arg6[%dma_wait3A_748, %dma_wait3A_749] : memref<256x128xf32, #tpu.memory_space<vmem>> -> memref<8x128xf32, #tpu.memory_space<vmem>>
    %dma_wait3A_751 = tpu.memref_slice %arg2[%multiple_of3A_295, %multiple_of3A_300] : memref<100000x1024xf32, #tpu.memory_space<hbm>> -> memref<8x128xf32, #tpu.memory_space<hbm>>
    tpu.wait_dma2 semaphore(%arg10 : memref<!tpu.dma_semaphore, #tpu.memory_space<semaphore_mem>>) src(%dma_wait3A_751 : memref<8x128xf32, #tpu.memory_space<hbm>>) dst(%dma_wait3A_750 : memref<8x128xf32, #tpu.memory_space<vmem>>)
    %dma_wait3A_752 = arith.constant 136 : i32
    %dma_wait3A_753 = arith.constant 0 : i32
    %dma_wait3A_754 = tpu.memref_slice %arg6[%dma_wait3A_752, %dma_wait3A_753] : memref<256x128xf32, #tpu.memory_space<vmem>> -> memref<8x128xf32, #tpu.memory_space<vmem>>
    %dma_wait3A_755 = tpu.memref_slice %arg2[%multiple_of3A_313, %multiple_of3A_318] : memref<100000x1024xf32, #tpu.memory_space<hbm>> -> memref<8x128xf32, #tpu.memory_space<hbm>>
    %dma_wait3A_756 = arith.constant 136 : i32
    %dma_wait3A_757 = arith.constant 0 : i32
    %dma_wait3A_758 = tpu.memref_slice %arg6[%dma_wait3A_756, %dma_wait3A_757] : memref<256x128xf32, #tpu.memory_space<vmem>> -> memref<8x128xf32, #tpu.memory_space<vmem>>
    %dma_wait3A_759 = tpu.memref_slice %arg2[%multiple_of3A_313, %multiple_of3A_318] : memref<100000x1024xf32, #tpu.memory_space<hbm>> -> memref<8x128xf32, #tpu.memory_space<hbm>>
    tpu.wait_dma2 semaphore(%arg10 : memref<!tpu.dma_semaphore, #tpu.memory_space<semaphore_mem>>) src(%dma_wait3A_759 : memref<8x128xf32, #tpu.memory_space<hbm>>) dst(%dma_wait3A_758 : memref<8x128xf32, #tpu.memory_space<vmem>>)
    %dma_wait3A_760 = arith.constant 144 : i32
    %dma_wait3A_761 = arith.constant 0 : i32
    %dma_wait3A_762 = tpu.memref_slice %arg6[%dma_wait3A_760, %dma_wait3A_761] : memref<256x128xf32, #tpu.memory_space<vmem>> -> memref<8x128xf32, #tpu.memory_space<vmem>>
    %dma_wait3A_763 = tpu.memref_slice %arg2[%multiple_of3A_331, %multiple_of3A_336] : memref<100000x1024xf32, #tpu.memory_space<hbm>> -> memref<8x128xf32, #tpu.memory_space<hbm>>
    %dma_wait3A_764 = arith.constant 144 : i32
    %dma_wait3A_765 = arith.constant 0 : i32
    %dma_wait3A_766 = tpu.memref_slice %arg6[%dma_wait3A_764, %dma_wait3A_765] : memref<256x128xf32, #tpu.memory_space<vmem>> -> memref<8x128xf32, #tpu.memory_space<vmem>>
    %dma_wait3A_767 = tpu.memref_slice %arg2[%multiple_of3A_331, %multiple_of3A_336] : memref<100000x1024xf32, #tpu.memory_space<hbm>> -> memref<8x128xf32, #tpu.memory_space<hbm>>
    tpu.wait_dma2 semaphore(%arg10 : memref<!tpu.dma_semaphore, #tpu.memory_space<semaphore_mem>>) src(%dma_wait3A_767 : memref<8x128xf32, #tpu.memory_space<hbm>>) dst(%dma_wait3A_766 : memref<8x128xf32, #tpu.memory_space<vmem>>)
    %dma_wait3A_768 = arith.constant 152 : i32
    %dma_wait3A_769 = arith.constant 0 : i32
    %dma_wait3A_770 = tpu.memref_slice %arg6[%dma_wait3A_768, %dma_wait3A_769] : memref<256x128xf32, #tpu.memory_space<vmem>> -> memref<8x128xf32, #tpu.memory_space<vmem>>
    %dma_wait3A_771 = tpu.memref_slice %arg2[%multiple_of3A_349, %multiple_of3A_354] : memref<100000x1024xf32, #tpu.memory_space<hbm>> -> memref<8x128xf32, #tpu.memory_space<hbm>>
    %dma_wait3A_772 = arith.constant 152 : i32
    %dma_wait3A_773 = arith.constant 0 : i32
    %dma_wait3A_774 = tpu.memref_slice %arg6[%dma_wait3A_772, %dma_wait3A_773] : memref<256x128xf32, #tpu.memory_space<vmem>> -> memref<8x128xf32, #tpu.memory_space<vmem>>
    %dma_wait3A_775 = tpu.memref_slice %arg2[%multiple_of3A_349, %multiple_of3A_354] : memref<100000x1024xf32, #tpu.memory_space<hbm>> -> memref<8x128xf32, #tpu.memory_space<hbm>>
    tpu.wait_dma2 semaphore(%arg10 : memref<!tpu.dma_semaphore, #tpu.memory_space<semaphore_mem>>) src(%dma_wait3A_775 : memref<8x128xf32, #tpu.memory_space<hbm>>) dst(%dma_wait3A_774 : memref<8x128xf32, #tpu.memory_space<vmem>>)
    %dma_wait3A_776 = arith.constant 160 : i32
    %dma_wait3A_777 = arith.constant 0 : i32
    %dma_wait3A_778 = tpu.memref_slice %arg6[%dma_wait3A_776, %dma_wait3A_777] : memref<256x128xf32, #tpu.memory_space<vmem>> -> memref<8x128xf32, #tpu.memory_space<vmem>>
    %dma_wait3A_779 = tpu.memref_slice %arg2[%multiple_of3A_367, %multiple_of3A_372] : memref<100000x1024xf32, #tpu.memory_space<hbm>> -> memref<8x128xf32, #tpu.memory_space<hbm>>
    %dma_wait3A_780 = arith.constant 160 : i32
    %dma_wait3A_781 = arith.constant 0 : i32
    %dma_wait3A_782 = tpu.memref_slice %arg6[%dma_wait3A_780, %dma_wait3A_781] : memref<256x128xf32, #tpu.memory_space<vmem>> -> memref<8x128xf32, #tpu.memory_space<vmem>>
    %dma_wait3A_783 = tpu.memref_slice %arg2[%multiple_of3A_367, %multiple_of3A_372] : memref<100000x1024xf32, #tpu.memory_space<hbm>> -> memref<8x128xf32, #tpu.memory_space<hbm>>
    tpu.wait_dma2 semaphore(%arg10 : memref<!tpu.dma_semaphore, #tpu.memory_space<semaphore_mem>>) src(%dma_wait3A_783 : memref<8x128xf32, #tpu.memory_space<hbm>>) dst(%dma_wait3A_782 : memref<8x128xf32, #tpu.memory_space<vmem>>)
    %dma_wait3A_784 = arith.constant 168 : i32
    %dma_wait3A_785 = arith.constant 0 : i32
    %dma_wait3A_786 = tpu.memref_slice %arg6[%dma_wait3A_784, %dma_wait3A_785] : memref<256x128xf32, #tpu.memory_space<vmem>> -> memref<8x128xf32, #tpu.memory_space<vmem>>
    %dma_wait3A_787 = tpu.memref_slice %arg2[%multiple_of3A_385, %multiple_of3A_390] : memref<100000x1024xf32, #tpu.memory_space<hbm>> -> memref<8x128xf32, #tpu.memory_space<hbm>>
    %dma_wait3A_788 = arith.constant 168 : i32
    %dma_wait3A_789 = arith.constant 0 : i32
    %dma_wait3A_790 = tpu.memref_slice %arg6[%dma_wait3A_788, %dma_wait3A_789] : memref<256x128xf32, #tpu.memory_space<vmem>> -> memref<8x128xf32, #tpu.memory_space<vmem>>
    %dma_wait3A_791 = tpu.memref_slice %arg2[%multiple_of3A_385, %multiple_of3A_390] : memref<100000x1024xf32, #tpu.memory_space<hbm>> -> memref<8x128xf32, #tpu.memory_space<hbm>>
    tpu.wait_dma2 semaphore(%arg10 : memref<!tpu.dma_semaphore, #tpu.memory_space<semaphore_mem>>) src(%dma_wait3A_791 : memref<8x128xf32, #tpu.memory_space<hbm>>) dst(%dma_wait3A_790 : memref<8x128xf32, #tpu.memory_space<vmem>>)
    %dma_wait3A_792 = arith.constant 176 : i32
    %dma_wait3A_793 = arith.constant 0 : i32
    %dma_wait3A_794 = tpu.memref_slice %arg6[%dma_wait3A_792, %dma_wait3A_793] : memref<256x128xf32, #tpu.memory_space<vmem>> -> memref<8x128xf32, #tpu.memory_space<vmem>>
    %dma_wait3A_795 = tpu.memref_slice %arg2[%multiple_of3A_403, %multiple_of3A_408] : memref<100000x1024xf32, #tpu.memory_space<hbm>> -> memref<8x128xf32, #tpu.memory_space<hbm>>
    %dma_wait3A_796 = arith.constant 176 : i32
    %dma_wait3A_797 = arith.constant 0 : i32
    %dma_wait3A_798 = tpu.memref_slice %arg6[%dma_wait3A_796, %dma_wait3A_797] : memref<256x128xf32, #tpu.memory_space<vmem>> -> memref<8x128xf32, #tpu.memory_space<vmem>>
    %dma_wait3A_799 = tpu.memref_slice %arg2[%multiple_of3A_403, %multiple_of3A_408] : memref<100000x1024xf32, #tpu.memory_space<hbm>> -> memref<8x128xf32, #tpu.memory_space<hbm>>
    tpu.wait_dma2 semaphore(%arg10 : memref<!tpu.dma_semaphore, #tpu.memory_space<semaphore_mem>>) src(%dma_wait3A_799 : memref<8x128xf32, #tpu.memory_space<hbm>>) dst(%dma_wait3A_798 : memref<8x128xf32, #tpu.memory_space<vmem>>)
    %dma_wait3A_800 = arith.constant 184 : i32
    %dma_wait3A_801 = arith.constant 0 : i32
    %dma_wait3A_802 = tpu.memref_slice %arg6[%dma_wait3A_800, %dma_wait3A_801] : memref<256x128xf32, #tpu.memory_space<vmem>> -> memref<8x128xf32, #tpu.memory_space<vmem>>
    %dma_wait3A_803 = tpu.memref_slice %arg2[%multiple_of3A_421, %multiple_of3A_426] : memref<100000x1024xf32, #tpu.memory_space<hbm>> -> memref<8x128xf32, #tpu.memory_space<hbm>>
    %dma_wait3A_804 = arith.constant 184 : i32
    %dma_wait3A_805 = arith.constant 0 : i32
    %dma_wait3A_806 = tpu.memref_slice %arg6[%dma_wait3A_804, %dma_wait3A_805] : memref<256x128xf32, #tpu.memory_space<vmem>> -> memref<8x128xf32, #tpu.memory_space<vmem>>
    %dma_wait3A_807 = tpu.memref_slice %arg2[%multiple_of3A_421, %multiple_of3A_426] : memref<100000x1024xf32, #tpu.memory_space<hbm>> -> memref<8x128xf32, #tpu.memory_space<hbm>>
    tpu.wait_dma2 semaphore(%arg10 : memref<!tpu.dma_semaphore, #tpu.memory_space<semaphore_mem>>) src(%dma_wait3A_807 : memref<8x128xf32, #tpu.memory_space<hbm>>) dst(%dma_wait3A_806 : memref<8x128xf32, #tpu.memory_space<vmem>>)
    %dma_wait3A_808 = arith.constant 192 : i32
    %dma_wait3A_809 = arith.constant 0 : i32
    %dma_wait3A_810 = tpu.memref_slice %arg6[%dma_wait3A_808, %dma_wait3A_809] : memref<256x128xf32, #tpu.memory_space<vmem>> -> memref<8x128xf32, #tpu.memory_space<vmem>>
    %dma_wait3A_811 = tpu.memref_slice %arg2[%multiple_of3A_439, %multiple_of3A_444] : memref<100000x1024xf32, #tpu.memory_space<hbm>> -> memref<8x128xf32, #tpu.memory_space<hbm>>
    %dma_wait3A_812 = arith.constant 192 : i32
    %dma_wait3A_813 = arith.constant 0 : i32
    %dma_wait3A_814 = tpu.memref_slice %arg6[%dma_wait3A_812, %dma_wait3A_813] : memref<256x128xf32, #tpu.memory_space<vmem>> -> memref<8x128xf32, #tpu.memory_space<vmem>>
    %dma_wait3A_815 = tpu.memref_slice %arg2[%multiple_of3A_439, %multiple_of3A_444] : memref<100000x1024xf32, #tpu.memory_space<hbm>> -> memref<8x128xf32, #tpu.memory_space<hbm>>
    tpu.wait_dma2 semaphore(%arg10 : memref<!tpu.dma_semaphore, #tpu.memory_space<semaphore_mem>>) src(%dma_wait3A_815 : memref<8x128xf32, #tpu.memory_space<hbm>>) dst(%dma_wait3A_814 : memref<8x128xf32, #tpu.memory_space<vmem>>)
    %dma_wait3A_816 = arith.constant 200 : i32
    %dma_wait3A_817 = arith.constant 0 : i32
    %dma_wait3A_818 = tpu.memref_slice %arg6[%dma_wait3A_816, %dma_wait3A_817] : memref<256x128xf32, #tpu.memory_space<vmem>> -> memref<8x128xf32, #tpu.memory_space<vmem>>
    %dma_wait3A_819 = tpu.memref_slice %arg2[%multiple_of3A_457, %multiple_of3A_462] : memref<100000x1024xf32, #tpu.memory_space<hbm>> -> memref<8x128xf32, #tpu.memory_space<hbm>>
    %dma_wait3A_820 = arith.constant 200 : i32
    %dma_wait3A_821 = arith.constant 0 : i32
    %dma_wait3A_822 = tpu.memref_slice %arg6[%dma_wait3A_820, %dma_wait3A_821] : memref<256x128xf32, #tpu.memory_space<vmem>> -> memref<8x128xf32, #tpu.memory_space<vmem>>
    %dma_wait3A_823 = tpu.memref_slice %arg2[%multiple_of3A_457, %multiple_of3A_462] : memref<100000x1024xf32, #tpu.memory_space<hbm>> -> memref<8x128xf32, #tpu.memory_space<hbm>>
    tpu.wait_dma2 semaphore(%arg10 : memref<!tpu.dma_semaphore, #tpu.memory_space<semaphore_mem>>) src(%dma_wait3A_823 : memref<8x128xf32, #tpu.memory_space<hbm>>) dst(%dma_wait3A_822 : memref<8x128xf32, #tpu.memory_space<vmem>>)
    %dma_wait3A_824 = arith.constant 208 : i32
    %dma_wait3A_825 = arith.constant 0 : i32
    %dma_wait3A_826 = tpu.memref_slice %arg6[%dma_wait3A_824, %dma_wait3A_825] : memref<256x128xf32, #tpu.memory_space<vmem>> -> memref<8x128xf32, #tpu.memory_space<vmem>>
    %dma_wait3A_827 = tpu.memref_slice %arg2[%multiple_of3A_475, %multiple_of3A_480] : memref<100000x1024xf32, #tpu.memory_space<hbm>> -> memref<8x128xf32, #tpu.memory_space<hbm>>
    %dma_wait3A_828 = arith.constant 208 : i32
    %dma_wait3A_829 = arith.constant 0 : i32
    %dma_wait3A_830 = tpu.memref_slice %arg6[%dma_wait3A_828, %dma_wait3A_829] : memref<256x128xf32, #tpu.memory_space<vmem>> -> memref<8x128xf32, #tpu.memory_space<vmem>>
    %dma_wait3A_831 = tpu.memref_slice %arg2[%multiple_of3A_475, %multiple_of3A_480] : memref<100000x1024xf32, #tpu.memory_space<hbm>> -> memref<8x128xf32, #tpu.memory_space<hbm>>
    tpu.wait_dma2 semaphore(%arg10 : memref<!tpu.dma_semaphore, #tpu.memory_space<semaphore_mem>>) src(%dma_wait3A_831 : memref<8x128xf32, #tpu.memory_space<hbm>>) dst(%dma_wait3A_830 : memref<8x128xf32, #tpu.memory_space<vmem>>)
    %dma_wait3A_832 = arith.constant 216 : i32
    %dma_wait3A_833 = arith.constant 0 : i32
    %dma_wait3A_834 = tpu.memref_slice %arg6[%dma_wait3A_832, %dma_wait3A_833] : memref<256x128xf32, #tpu.memory_space<vmem>> -> memref<8x128xf32, #tpu.memory_space<vmem>>
    %dma_wait3A_835 = tpu.memref_slice %arg2[%multiple_of3A_493, %multiple_of3A_498] : memref<100000x1024xf32, #tpu.memory_space<hbm>> -> memref<8x128xf32, #tpu.memory_space<hbm>>
    %dma_wait3A_836 = arith.constant 216 : i32
    %dma_wait3A_837 = arith.constant 0 : i32
    %dma_wait3A_838 = tpu.memref_slice %arg6[%dma_wait3A_836, %dma_wait3A_837] : memref<256x128xf32, #tpu.memory_space<vmem>> -> memref<8x128xf32, #tpu.memory_space<vmem>>
    %dma_wait3A_839 = tpu.memref_slice %arg2[%multiple_of3A_493, %multiple_of3A_498] : memref<100000x1024xf32, #tpu.memory_space<hbm>> -> memref<8x128xf32, #tpu.memory_space<hbm>>
    tpu.wait_dma2 semaphore(%arg10 : memref<!tpu.dma_semaphore, #tpu.memory_space<semaphore_mem>>) src(%dma_wait3A_839 : memref<8x128xf32, #tpu.memory_space<hbm>>) dst(%dma_wait3A_838 : memref<8x128xf32, #tpu.memory_space<vmem>>)
    %dma_wait3A_840 = arith.constant 224 : i32
    %dma_wait3A_841 = arith.constant 0 : i32
    %dma_wait3A_842 = tpu.memref_slice %arg6[%dma_wait3A_840, %dma_wait3A_841] : memref<256x128xf32, #tpu.memory_space<vmem>> -> memref<8x128xf32, #tpu.memory_space<vmem>>
    %dma_wait3A_843 = tpu.memref_slice %arg2[%multiple_of3A_511, %multiple_of3A_516] : memref<100000x1024xf32, #tpu.memory_space<hbm>> -> memref<8x128xf32, #tpu.memory_space<hbm>>
    %dma_wait3A_844 = arith.constant 224 : i32
    %dma_wait3A_845 = arith.constant 0 : i32
    %dma_wait3A_846 = tpu.memref_slice %arg6[%dma_wait3A_844, %dma_wait3A_845] : memref<256x128xf32, #tpu.memory_space<vmem>> -> memref<8x128xf32, #tpu.memory_space<vmem>>
    %dma_wait3A_847 = tpu.memref_slice %arg2[%multiple_of3A_511, %multiple_of3A_516] : memref<100000x1024xf32, #tpu.memory_space<hbm>> -> memref<8x128xf32, #tpu.memory_space<hbm>>
    tpu.wait_dma2 semaphore(%arg10 : memref<!tpu.dma_semaphore, #tpu.memory_space<semaphore_mem>>) src(%dma_wait3A_847 : memref<8x128xf32, #tpu.memory_space<hbm>>) dst(%dma_wait3A_846 : memref<8x128xf32, #tpu.memory_space<vmem>>)
    %dma_wait3A_848 = arith.constant 232 : i32
    %dma_wait3A_849 = arith.constant 0 : i32
    %dma_wait3A_850 = tpu.memref_slice %arg6[%dma_wait3A_848, %dma_wait3A_849] : memref<256x128xf32, #tpu.memory_space<vmem>> -> memref<8x128xf32, #tpu.memory_space<vmem>>
    %dma_wait3A_851 = tpu.memref_slice %arg2[%multiple_of3A_529, %multiple_of3A_534] : memref<100000x1024xf32, #tpu.memory_space<hbm>> -> memref<8x128xf32, #tpu.memory_space<hbm>>
    %dma_wait3A_852 = arith.constant 232 : i32
    %dma_wait3A_853 = arith.constant 0 : i32
    %dma_wait3A_854 = tpu.memref_slice %arg6[%dma_wait3A_852, %dma_wait3A_853] : memref<256x128xf32, #tpu.memory_space<vmem>> -> memref<8x128xf32, #tpu.memory_space<vmem>>
    %dma_wait3A_855 = tpu.memref_slice %arg2[%multiple_of3A_529, %multiple_of3A_534] : memref<100000x1024xf32, #tpu.memory_space<hbm>> -> memref<8x128xf32, #tpu.memory_space<hbm>>
    tpu.wait_dma2 semaphore(%arg10 : memref<!tpu.dma_semaphore, #tpu.memory_space<semaphore_mem>>) src(%dma_wait3A_855 : memref<8x128xf32, #tpu.memory_space<hbm>>) dst(%dma_wait3A_854 : memref<8x128xf32, #tpu.memory_space<vmem>>)
    %dma_wait3A_856 = arith.constant 240 : i32
    %dma_wait3A_857 = arith.constant 0 : i32
    %dma_wait3A_858 = tpu.memref_slice %arg6[%dma_wait3A_856, %dma_wait3A_857] : memref<256x128xf32, #tpu.memory_space<vmem>> -> memref<8x128xf32, #tpu.memory_space<vmem>>
    %dma_wait3A_859 = tpu.memref_slice %arg2[%multiple_of3A_547, %multiple_of3A_552] : memref<100000x1024xf32, #tpu.memory_space<hbm>> -> memref<8x128xf32, #tpu.memory_space<hbm>>
    %dma_wait3A_860 = arith.constant 240 : i32
    %dma_wait3A_861 = arith.constant 0 : i32
    %dma_wait3A_862 = tpu.memref_slice %arg6[%dma_wait3A_860, %dma_wait3A_861] : memref<256x128xf32, #tpu.memory_space<vmem>> -> memref<8x128xf32, #tpu.memory_space<vmem>>
    %dma_wait3A_863 = tpu.memref_slice %arg2[%multiple_of3A_547, %multiple_of3A_552] : memref<100000x1024xf32, #tpu.memory_space<hbm>> -> memref<8x128xf32, #tpu.memory_space<hbm>>
    tpu.wait_dma2 semaphore(%arg10 : memref<!tpu.dma_semaphore, #tpu.memory_space<semaphore_mem>>) src(%dma_wait3A_863 : memref<8x128xf32, #tpu.memory_space<hbm>>) dst(%dma_wait3A_862 : memref<8x128xf32, #tpu.memory_space<vmem>>)
    %dma_wait3A_864 = arith.constant 248 : i32
    %dma_wait3A_865 = arith.constant 0 : i32
    %dma_wait3A_866 = tpu.memref_slice %arg6[%dma_wait3A_864, %dma_wait3A_865] : memref<256x128xf32, #tpu.memory_space<vmem>> -> memref<8x128xf32, #tpu.memory_space<vmem>>
    %dma_wait3A_867 = tpu.memref_slice %arg2[%multiple_of3A_565, %multiple_of3A_570] : memref<100000x1024xf32, #tpu.memory_space<hbm>> -> memref<8x128xf32, #tpu.memory_space<hbm>>
    %dma_wait3A_868 = arith.constant 248 : i32
    %dma_wait3A_869 = arith.constant 0 : i32
    %dma_wait3A_870 = tpu.memref_slice %arg6[%dma_wait3A_868, %dma_wait3A_869] : memref<256x128xf32, #tpu.memory_space<vmem>> -> memref<8x128xf32, #tpu.memory_space<vmem>>
    %dma_wait3A_871 = tpu.memref_slice %arg2[%multiple_of3A_565, %multiple_of3A_570] : memref<100000x1024xf32, #tpu.memory_space<hbm>> -> memref<8x128xf32, #tpu.memory_space<hbm>>
    tpu.wait_dma2 semaphore(%arg10 : memref<!tpu.dma_semaphore, #tpu.memory_space<semaphore_mem>>) src(%dma_wait3A_871 : memref<8x128xf32, #tpu.memory_space<hbm>>) dst(%dma_wait3A_870 : memref<8x128xf32, #tpu.memory_space<vmem>>)
    %broadcast_in_dim3A_872 = arith.constant 0.000000e+00 : f32
    %broadcast_in_dim3A_873 = vector.broadcast %broadcast_in_dim3A_872 : f32 to vector<16xf32>
    %and3A_874 = arith.constant 7 : i32
    %and3A_875 = arith.andi %squeeze3A, %and3A_874 : i32
    %add3A_876 = arith.constant 0 : i32
    %add3A_877 = arith.addi %mul3A_2, %add3A_876 : i32
    %and3A_878 = arith.constant 127 : i32
    %and3A_879 = arith.andi %add3A_877, %and3A_878 : i32
    %and3A_880 = arith.constant -16 : i32
    %and3A_881 = arith.andi %and3A_879, %and3A_880 : i32
    %add3A_882 = arith.constant 0 : i32
    %add3A_883 = arith.addi %add3A_882, %and3A_875 : i32
    %get3A_884 = arith.index_cast %add3A_883 : i32 to index
    %get3A_885 = arith.index_cast %and3A_881 : i32 to index
    %get3A_886 = tpu.vector_load %arg6[%get3A_884, %get3A_885] {strides = array<i32>} : memref<256x128xf32, #tpu.memory_space<vmem>>, vector<1x16xf32>,
    %get3A_887 = vector.shape_cast %get3A_886 : vector<1x16xf32> to vector<16xf32>
    %sub3A = arith.subi %and3A_879, %and3A_881 : i32
    %eq3A = vector.broadcast %sub3A : i32 to vector<16xi32>
    %eq3A_888 = arith.cmpi eq, %iota3A, %eq3A : vector<16xi32>
    %jit3A = arith.constant 0.000000e+00 : f32
    %broadcast_in_dim3A_889 = vector.broadcast %jit3A : f32 to vector<16xf32>
    %select_n3A = arith.select %eq3A_888, %get3A_887, %broadcast_in_dim3A_889 : vector<16xi1>, vector<16xf32>
    %add3A_890 = arith.addf %broadcast_in_dim3A_873, %select_n3A : vector<16xf32>
    %and3A_891 = arith.constant 7 : i32
    %and3A_892 = arith.andi %squeeze3A_22, %and3A_891 : i32
    %add3A_893 = arith.constant 1 : i32
    %add3A_894 = arith.addi %mul3A_2, %add3A_893 : i32
    %and3A_895 = arith.constant 127 : i32
    %and3A_896 = arith.andi %add3A_894, %and3A_895 : i32
    %and3A_897 = arith.constant -16 : i32
    %and3A_898 = arith.andi %and3A_896, %and3A_897 : i32
    %add3A_899 = arith.constant 8 : i32
    %add3A_900 = arith.addi %add3A_899, %and3A_892 : i32
    %get3A_901 = arith.index_cast %add3A_900 : i32 to index
    %get3A_902 = arith.index_cast %and3A_898 : i32 to index
    %get3A_903 = tpu.vector_load %arg6[%get3A_901, %get3A_902] {strides = array<i32>} : memref<256x128xf32, #tpu.memory_space<vmem>>, vector<1x16xf32>,
    %get3A_904 = vector.shape_cast %get3A_903 : vector<1x16xf32> to vector<16xf32>
    %sub3A_905 = arith.subi %and3A_896, %and3A_898 : i32
    %eq3A_906 = vector.broadcast %sub3A_905 : i32 to vector<16xi32>
    %eq3A_907 = arith.cmpi eq, %iota3A, %eq3A_906 : vector<16xi32>
    %jit3A_908 = arith.constant 0.000000e+00 : f32
    %broadcast_in_dim3A_909 = vector.broadcast %jit3A_908 : f32 to vector<16xf32>
    %select_n3A_910 = arith.select %eq3A_907, %get3A_904, %broadcast_in_dim3A_909 : vector<16xi1>, vector<16xf32>
    %add3A_911 = arith.addf %add3A_890, %select_n3A_910 : vector<16xf32>
    %and3A_912 = arith.constant 7 : i32
    %and3A_913 = arith.andi %squeeze3A_40, %and3A_912 : i32
    %add3A_914 = arith.constant 2 : i32
    %add3A_915 = arith.addi %mul3A_2, %add3A_914 : i32
    %and3A_916 = arith.constant 127 : i32
    %and3A_917 = arith.andi %add3A_915, %and3A_916 : i32
    %and3A_918 = arith.constant -16 : i32
    %and3A_919 = arith.andi %and3A_917, %and3A_918 : i32
    %add3A_920 = arith.constant 16 : i32
    %add3A_921 = arith.addi %add3A_920, %and3A_913 : i32
    %get3A_922 = arith.index_cast %add3A_921 : i32 to index
    %get3A_923 = arith.index_cast %and3A_919 : i32 to index
    %get3A_924 = tpu.vector_load %arg6[%get3A_922, %get3A_923] {strides = array<i32>} : memref<256x128xf32, #tpu.memory_space<vmem>>, vector<1x16xf32>,
    %get3A_925 = vector.shape_cast %get3A_924 : vector<1x16xf32> to vector<16xf32>
    %sub3A_926 = arith.subi %and3A_917, %and3A_919 : i32
    %eq3A_927 = vector.broadcast %sub3A_926 : i32 to vector<16xi32>
    %eq3A_928 = arith.cmpi eq, %iota3A, %eq3A_927 : vector<16xi32>
    %jit3A_929 = arith.constant 0.000000e+00 : f32
    %broadcast_in_dim3A_930 = vector.broadcast %jit3A_929 : f32 to vector<16xf32>
    %select_n3A_931 = arith.select %eq3A_928, %get3A_925, %broadcast_in_dim3A_930 : vector<16xi1>, vector<16xf32>
    %add3A_932 = arith.addf %add3A_911, %select_n3A_931 : vector<16xf32>
    %and3A_933 = arith.constant 7 : i32
    %and3A_934 = arith.andi %squeeze3A_58, %and3A_933 : i32
    %add3A_935 = arith.constant 3 : i32
    %add3A_936 = arith.addi %mul3A_2, %add3A_935 : i32
    %and3A_937 = arith.constant 127 : i32
    %and3A_938 = arith.andi %add3A_936, %and3A_937 : i32
    %and3A_939 = arith.constant -16 : i32
    %and3A_940 = arith.andi %and3A_938, %and3A_939 : i32
    %add3A_941 = arith.constant 24 : i32
    %add3A_942 = arith.addi %add3A_941, %and3A_934 : i32
    %get3A_943 = arith.index_cast %add3A_942 : i32 to index
    %get3A_944 = arith.index_cast %and3A_940 : i32 to index
    %get3A_945 = tpu.vector_load %arg6[%get3A_943, %get3A_944] {strides = array<i32>} : memref<256x128xf32, #tpu.memory_space<vmem>>, vector<1x16xf32>,
    %get3A_946 = vector.shape_cast %get3A_945 : vector<1x16xf32> to vector<16xf32>
    %sub3A_947 = arith.subi %and3A_938, %and3A_940 : i32
    %eq3A_948 = vector.broadcast %sub3A_947 : i32 to vector<16xi32>
    %eq3A_949 = arith.cmpi eq, %iota3A, %eq3A_948 : vector<16xi32>
    %jit3A_950 = arith.constant 0.000000e+00 : f32
    %broadcast_in_dim3A_951 = vector.broadcast %jit3A_950 : f32 to vector<16xf32>
    %select_n3A_952 = arith.select %eq3A_949, %get3A_946, %broadcast_in_dim3A_951 : vector<16xi1>, vector<16xf32>
    %add3A_953 = arith.addf %add3A_932, %select_n3A_952 : vector<16xf32>
    %and3A_954 = arith.constant 7 : i32
    %and3A_955 = arith.andi %squeeze3A_76, %and3A_954 : i32
    %add3A_956 = arith.constant 4 : i32
    %add3A_957 = arith.addi %mul3A_2, %add3A_956 : i32
    %and3A_958 = arith.constant 127 : i32
    %and3A_959 = arith.andi %add3A_957, %and3A_958 : i32
    %and3A_960 = arith.constant -16 : i32
    %and3A_961 = arith.andi %and3A_959, %and3A_960 : i32
    %add3A_962 = arith.constant 32 : i32
    %add3A_963 = arith.addi %add3A_962, %and3A_955 : i32
    %get3A_964 = arith.index_cast %add3A_963 : i32 to index
    %get3A_965 = arith.index_cast %and3A_961 : i32 to index
    %get3A_966 = tpu.vector_load %arg6[%get3A_964, %get3A_965] {strides = array<i32>} : memref<256x128xf32, #tpu.memory_space<vmem>>, vector<1x16xf32>,
    %get3A_967 = vector.shape_cast %get3A_966 : vector<1x16xf32> to vector<16xf32>
    %sub3A_968 = arith.subi %and3A_959, %and3A_961 : i32
    %eq3A_969 = vector.broadcast %sub3A_968 : i32 to vector<16xi32>
    %eq3A_970 = arith.cmpi eq, %iota3A, %eq3A_969 : vector<16xi32>
    %jit3A_971 = arith.constant 0.000000e+00 : f32
    %broadcast_in_dim3A_972 = vector.broadcast %jit3A_971 : f32 to vector<16xf32>
    %select_n3A_973 = arith.select %eq3A_970, %get3A_967, %broadcast_in_dim3A_972 : vector<16xi1>, vector<16xf32>
    %add3A_974 = arith.addf %add3A_953, %select_n3A_973 : vector<16xf32>
    %and3A_975 = arith.constant 7 : i32
    %and3A_976 = arith.andi %squeeze3A_94, %and3A_975 : i32
    %add3A_977 = arith.constant 5 : i32
    %add3A_978 = arith.addi %mul3A_2, %add3A_977 : i32
    %and3A_979 = arith.constant 127 : i32
    %and3A_980 = arith.andi %add3A_978, %and3A_979 : i32
    %and3A_981 = arith.constant -16 : i32
    %and3A_982 = arith.andi %and3A_980, %and3A_981 : i32
    %add3A_983 = arith.constant 40 : i32
    %add3A_984 = arith.addi %add3A_983, %and3A_976 : i32
    %get3A_985 = arith.index_cast %add3A_984 : i32 to index
    %get3A_986 = arith.index_cast %and3A_982 : i32 to index
    %get3A_987 = tpu.vector_load %arg6[%get3A_985, %get3A_986] {strides = array<i32>} : memref<256x128xf32, #tpu.memory_space<vmem>>, vector<1x16xf32>,
    %get3A_988 = vector.shape_cast %get3A_987 : vector<1x16xf32> to vector<16xf32>
    %sub3A_989 = arith.subi %and3A_980, %and3A_982 : i32
    %eq3A_990 = vector.broadcast %sub3A_989 : i32 to vector<16xi32>
    %eq3A_991 = arith.cmpi eq, %iota3A, %eq3A_990 : vector<16xi32>
    %jit3A_992 = arith.constant 0.000000e+00 : f32
    %broadcast_in_dim3A_993 = vector.broadcast %jit3A_992 : f32 to vector<16xf32>
    %select_n3A_994 = arith.select %eq3A_991, %get3A_988, %broadcast_in_dim3A_993 : vector<16xi1>, vector<16xf32>
    %add3A_995 = arith.addf %add3A_974, %select_n3A_994 : vector<16xf32>
    %and3A_996 = arith.constant 7 : i32
    %and3A_997 = arith.andi %squeeze3A_112, %and3A_996 : i32
    %add3A_998 = arith.constant 6 : i32
    %add3A_999 = arith.addi %mul3A_2, %add3A_998 : i32
    %and3A_1000 = arith.constant 127 : i32
    %and3A_1001 = arith.andi %add3A_999, %and3A_1000 : i32
    %and3A_1002 = arith.constant -16 : i32
    %and3A_1003 = arith.andi %and3A_1001, %and3A_1002 : i32
    %add3A_1004 = arith.constant 48 : i32
    %add3A_1005 = arith.addi %add3A_1004, %and3A_997 : i32
    %get3A_1006 = arith.index_cast %add3A_1005 : i32 to index
    %get3A_1007 = arith.index_cast %and3A_1003 : i32 to index
    %get3A_1008 = tpu.vector_load %arg6[%get3A_1006, %get3A_1007] {strides = array<i32>} : memref<256x128xf32, #tpu.memory_space<vmem>>, vector<1x16xf32>,
    %get3A_1009 = vector.shape_cast %get3A_1008 : vector<1x16xf32> to vector<16xf32>
    %sub3A_1010 = arith.subi %and3A_1001, %and3A_1003 : i32
    %eq3A_1011 = vector.broadcast %sub3A_1010 : i32 to vector<16xi32>
    %eq3A_1012 = arith.cmpi eq, %iota3A, %eq3A_1011 : vector<16xi32>
    %jit3A_1013 = arith.constant 0.000000e+00 : f32
    %broadcast_in_dim3A_1014 = vector.broadcast %jit3A_1013 : f32 to vector<16xf32>
    %select_n3A_1015 = arith.select %eq3A_1012, %get3A_1009, %broadcast_in_dim3A_1014 : vector<16xi1>, vector<16xf32>
    %add3A_1016 = arith.addf %add3A_995, %select_n3A_1015 : vector<16xf32>
    %and3A_1017 = arith.constant 7 : i32
    %and3A_1018 = arith.andi %squeeze3A_130, %and3A_1017 : i32
    %add3A_1019 = arith.constant 7 : i32
    %add3A_1020 = arith.addi %mul3A_2, %add3A_1019 : i32
    %and3A_1021 = arith.constant 127 : i32
    %and3A_1022 = arith.andi %add3A_1020, %and3A_1021 : i32
    %and3A_1023 = arith.constant -16 : i32
    %and3A_1024 = arith.andi %and3A_1022, %and3A_1023 : i32
    %add3A_1025 = arith.constant 56 : i32
    %add3A_1026 = arith.addi %add3A_1025, %and3A_1018 : i32
    %get3A_1027 = arith.index_cast %add3A_1026 : i32 to index
    %get3A_1028 = arith.index_cast %and3A_1024 : i32 to index
    %get3A_1029 = tpu.vector_load %arg6[%get3A_1027, %get3A_1028] {strides = array<i32>} : memref<256x128xf32, #tpu.memory_space<vmem>>, vector<1x16xf32>,
    %get3A_1030 = vector.shape_cast %get3A_1029 : vector<1x16xf32> to vector<16xf32>
    %sub3A_1031 = arith.subi %and3A_1022, %and3A_1024 : i32
    %eq3A_1032 = vector.broadcast %sub3A_1031 : i32 to vector<16xi32>
    %eq3A_1033 = arith.cmpi eq, %iota3A, %eq3A_1032 : vector<16xi32>
    %jit3A_1034 = arith.constant 0.000000e+00 : f32
    %broadcast_in_dim3A_1035 = vector.broadcast %jit3A_1034 : f32 to vector<16xf32>
    %select_n3A_1036 = arith.select %eq3A_1033, %get3A_1030, %broadcast_in_dim3A_1035 : vector<16xi1>, vector<16xf32>
    %add3A_1037 = arith.addf %add3A_1016, %select_n3A_1036 : vector<16xf32>
    %and3A_1038 = arith.constant 7 : i32
    %and3A_1039 = arith.andi %squeeze3A_148, %and3A_1038 : i32
    %add3A_1040 = arith.constant 8 : i32
    %add3A_1041 = arith.addi %mul3A_2, %add3A_1040 : i32
    %and3A_1042 = arith.constant 127 : i32
    %and3A_1043 = arith.andi %add3A_1041, %and3A_1042 : i32
    %and3A_1044 = arith.constant -16 : i32
    %and3A_1045 = arith.andi %and3A_1043, %and3A_1044 : i32
    %add3A_1046 = arith.constant 64 : i32
    %add3A_1047 = arith.addi %add3A_1046, %and3A_1039 : i32
    %get3A_1048 = arith.index_cast %add3A_1047 : i32 to index
    %get3A_1049 = arith.index_cast %and3A_1045 : i32 to index
    %get3A_1050 = tpu.vector_load %arg6[%get3A_1048, %get3A_1049] {strides = array<i32>} : memref<256x128xf32, #tpu.memory_space<vmem>>, vector<1x16xf32>,
    %get3A_1051 = vector.shape_cast %get3A_1050 : vector<1x16xf32> to vector<16xf32>
    %sub3A_1052 = arith.subi %and3A_1043, %and3A_1045 : i32
    %eq3A_1053 = vector.broadcast %sub3A_1052 : i32 to vector<16xi32>
    %eq3A_1054 = arith.cmpi eq, %iota3A, %eq3A_1053 : vector<16xi32>
    %jit3A_1055 = arith.constant 0.000000e+00 : f32
    %broadcast_in_dim3A_1056 = vector.broadcast %jit3A_1055 : f32 to vector<16xf32>
    %select_n3A_1057 = arith.select %eq3A_1054, %get3A_1051, %broadcast_in_dim3A_1056 : vector<16xi1>, vector<16xf32>
    %add3A_1058 = arith.addf %add3A_1037, %select_n3A_1057 : vector<16xf32>
    %and3A_1059 = arith.constant 7 : i32
    %and3A_1060 = arith.andi %squeeze3A_166, %and3A_1059 : i32
    %add3A_1061 = arith.constant 9 : i32
    %add3A_1062 = arith.addi %mul3A_2, %add3A_1061 : i32
    %and3A_1063 = arith.constant 127 : i32
    %and3A_1064 = arith.andi %add3A_1062, %and3A_1063 : i32
    %and3A_1065 = arith.constant -16 : i32
    %and3A_1066 = arith.andi %and3A_1064, %and3A_1065 : i32
    %add3A_1067 = arith.constant 72 : i32
    %add3A_1068 = arith.addi %add3A_1067, %and3A_1060 : i32
    %get3A_1069 = arith.index_cast %add3A_1068 : i32 to index
    %get3A_1070 = arith.index_cast %and3A_1066 : i32 to index
    %get3A_1071 = tpu.vector_load %arg6[%get3A_1069, %get3A_1070] {strides = array<i32>} : memref<256x128xf32, #tpu.memory_space<vmem>>, vector<1x16xf32>,
    %get3A_1072 = vector.shape_cast %get3A_1071 : vector<1x16xf32> to vector<16xf32>
    %sub3A_1073 = arith.subi %and3A_1064, %and3A_1066 : i32
    %eq3A_1074 = vector.broadcast %sub3A_1073 : i32 to vector<16xi32>
    %eq3A_1075 = arith.cmpi eq, %iota3A, %eq3A_1074 : vector<16xi32>
    %jit3A_1076 = arith.constant 0.000000e+00 : f32
    %broadcast_in_dim3A_1077 = vector.broadcast %jit3A_1076 : f32 to vector<16xf32>
    %select_n3A_1078 = arith.select %eq3A_1075, %get3A_1072, %broadcast_in_dim3A_1077 : vector<16xi1>, vector<16xf32>
    %add3A_1079 = arith.addf %add3A_1058, %select_n3A_1078 : vector<16xf32>
    %and3A_1080 = arith.constant 7 : i32
    %and3A_1081 = arith.andi %squeeze3A_184, %and3A_1080 : i32
    %add3A_1082 = arith.constant 10 : i32
    %add3A_1083 = arith.addi %mul3A_2, %add3A_1082 : i32
    %and3A_1084 = arith.constant 127 : i32
    %and3A_1085 = arith.andi %add3A_1083, %and3A_1084 : i32
    %and3A_1086 = arith.constant -16 : i32
    %and3A_1087 = arith.andi %and3A_1085, %and3A_1086 : i32
    %add3A_1088 = arith.constant 80 : i32
    %add3A_1089 = arith.addi %add3A_1088, %and3A_1081 : i32
    %get3A_1090 = arith.index_cast %add3A_1089 : i32 to index
    %get3A_1091 = arith.index_cast %and3A_1087 : i32 to index
    %get3A_1092 = tpu.vector_load %arg6[%get3A_1090, %get3A_1091] {strides = array<i32>} : memref<256x128xf32, #tpu.memory_space<vmem>>, vector<1x16xf32>,
    %get3A_1093 = vector.shape_cast %get3A_1092 : vector<1x16xf32> to vector<16xf32>
    %sub3A_1094 = arith.subi %and3A_1085, %and3A_1087 : i32
    %eq3A_1095 = vector.broadcast %sub3A_1094 : i32 to vector<16xi32>
    %eq3A_1096 = arith.cmpi eq, %iota3A, %eq3A_1095 : vector<16xi32>
    %jit3A_1097 = arith.constant 0.000000e+00 : f32
    %broadcast_in_dim3A_1098 = vector.broadcast %jit3A_1097 : f32 to vector<16xf32>
    %select_n3A_1099 = arith.select %eq3A_1096, %get3A_1093, %broadcast_in_dim3A_1098 : vector<16xi1>, vector<16xf32>
    %add3A_1100 = arith.addf %add3A_1079, %select_n3A_1099 : vector<16xf32>
    %and3A_1101 = arith.constant 7 : i32
    %and3A_1102 = arith.andi %squeeze3A_202, %and3A_1101 : i32
    %add3A_1103 = arith.constant 11 : i32
    %add3A_1104 = arith.addi %mul3A_2, %add3A_1103 : i32
    %and3A_1105 = arith.constant 127 : i32
    %and3A_1106 = arith.andi %add3A_1104, %and3A_1105 : i32
    %and3A_1107 = arith.constant -16 : i32
    %and3A_1108 = arith.andi %and3A_1106, %and3A_1107 : i32
    %add3A_1109 = arith.constant 88 : i32
    %add3A_1110 = arith.addi %add3A_1109, %and3A_1102 : i32
    %get3A_1111 = arith.index_cast %add3A_1110 : i32 to index
    %get3A_1112 = arith.index_cast %and3A_1108 : i32 to index
    %get3A_1113 = tpu.vector_load %arg6[%get3A_1111, %get3A_1112] {strides = array<i32>} : memref<256x128xf32, #tpu.memory_space<vmem>>, vector<1x16xf32>,
    %get3A_1114 = vector.shape_cast %get3A_1113 : vector<1x16xf32> to vector<16xf32>
    %sub3A_1115 = arith.subi %and3A_1106, %and3A_1108 : i32
    %eq3A_1116 = vector.broadcast %sub3A_1115 : i32 to vector<16xi32>
    %eq3A_1117 = arith.cmpi eq, %iota3A, %eq3A_1116 : vector<16xi32>
    %jit3A_1118 = arith.constant 0.000000e+00 : f32
    %broadcast_in_dim3A_1119 = vector.broadcast %jit3A_1118 : f32 to vector<16xf32>
    %select_n3A_1120 = arith.select %eq3A_1117, %get3A_1114, %broadcast_in_dim3A_1119 : vector<16xi1>, vector<16xf32>
    %add3A_1121 = arith.addf %add3A_1100, %select_n3A_1120 : vector<16xf32>
    %and3A_1122 = arith.constant 7 : i32
    %and3A_1123 = arith.andi %squeeze3A_220, %and3A_1122 : i32
    %add3A_1124 = arith.constant 12 : i32
    %add3A_1125 = arith.addi %mul3A_2, %add3A_1124 : i32
    %and3A_1126 = arith.constant 127 : i32
    %and3A_1127 = arith.andi %add3A_1125, %and3A_1126 : i32
    %and3A_1128 = arith.constant -16 : i32
    %and3A_1129 = arith.andi %and3A_1127, %and3A_1128 : i32
    %add3A_1130 = arith.constant 96 : i32
    %add3A_1131 = arith.addi %add3A_1130, %and3A_1123 : i32
    %get3A_1132 = arith.index_cast %add3A_1131 : i32 to index
    %get3A_1133 = arith.index_cast %and3A_1129 : i32 to index
    %get3A_1134 = tpu.vector_load %arg6[%get3A_1132, %get3A_1133] {strides = array<i32>} : memref<256x128xf32, #tpu.memory_space<vmem>>, vector<1x16xf32>,
    %get3A_1135 = vector.shape_cast %get3A_1134 : vector<1x16xf32> to vector<16xf32>
    %sub3A_1136 = arith.subi %and3A_1127, %and3A_1129 : i32
    %eq3A_1137 = vector.broadcast %sub3A_1136 : i32 to vector<16xi32>
    %eq3A_1138 = arith.cmpi eq, %iota3A, %eq3A_1137 : vector<16xi32>
    %jit3A_1139 = arith.constant 0.000000e+00 : f32
    %broadcast_in_dim3A_1140 = vector.broadcast %jit3A_1139 : f32 to vector<16xf32>
    %select_n3A_1141 = arith.select %eq3A_1138, %get3A_1135, %broadcast_in_dim3A_1140 : vector<16xi1>, vector<16xf32>
    %add3A_1142 = arith.addf %add3A_1121, %select_n3A_1141 : vector<16xf32>
    %and3A_1143 = arith.constant 7 : i32
    %and3A_1144 = arith.andi %squeeze3A_238, %and3A_1143 : i32
    %add3A_1145 = arith.constant 13 : i32
    %add3A_1146 = arith.addi %mul3A_2, %add3A_1145 : i32
    %and3A_1147 = arith.constant 127 : i32
    %and3A_1148 = arith.andi %add3A_1146, %and3A_1147 : i32
    %and3A_1149 = arith.constant -16 : i32
    %and3A_1150 = arith.andi %and3A_1148, %and3A_1149 : i32
    %add3A_1151 = arith.constant 104 : i32
    %add3A_1152 = arith.addi %add3A_1151, %and3A_1144 : i32
    %get3A_1153 = arith.index_cast %add3A_1152 : i32 to index
    %get3A_1154 = arith.index_cast %and3A_1150 : i32 to index
    %get3A_1155 = tpu.vector_load %arg6[%get3A_1153, %get3A_1154] {strides = array<i32>} : memref<256x128xf32, #tpu.memory_space<vmem>>, vector<1x16xf32>,
    %get3A_1156 = vector.shape_cast %get3A_1155 : vector<1x16xf32> to vector<16xf32>
    %sub3A_1157 = arith.subi %and3A_1148, %and3A_1150 : i32
    %eq3A_1158 = vector.broadcast %sub3A_1157 : i32 to vector<16xi32>
    %eq3A_1159 = arith.cmpi eq, %iota3A, %eq3A_1158 : vector<16xi32>
    %jit3A_1160 = arith.constant 0.000000e+00 : f32
    %broadcast_in_dim3A_1161 = vector.broadcast %jit3A_1160 : f32 to vector<16xf32>
    %select_n3A_1162 = arith.select %eq3A_1159, %get3A_1156, %broadcast_in_dim3A_1161 : vector<16xi1>, vector<16xf32>
    %add3A_1163 = arith.addf %add3A_1142, %select_n3A_1162 : vector<16xf32>
    %and3A_1164 = arith.constant 7 : i32
    %and3A_1165 = arith.andi %squeeze3A_256, %and3A_1164 : i32
    %add3A_1166 = arith.constant 14 : i32
    %add3A_1167 = arith.addi %mul3A_2, %add3A_1166 : i32
    %and3A_1168 = arith.constant 127 : i32
    %and3A_1169 = arith.andi %add3A_1167, %and3A_1168 : i32
    %and3A_1170 = arith.constant -16 : i32
    %and3A_1171 = arith.andi %and3A_1169, %and3A_1170 : i32
    %add3A_1172 = arith.constant 112 : i32
    %add3A_1173 = arith.addi %add3A_1172, %and3A_1165 : i32
    %get3A_1174 = arith.index_cast %add3A_1173 : i32 to index
    %get3A_1175 = arith.index_cast %and3A_1171 : i32 to index
    %get3A_1176 = tpu.vector_load %arg6[%get3A_1174, %get3A_1175] {strides = array<i32>} : memref<256x128xf32, #tpu.memory_space<vmem>>, vector<1x16xf32>,
    %get3A_1177 = vector.shape_cast %get3A_1176 : vector<1x16xf32> to vector<16xf32>
    %sub3A_1178 = arith.subi %and3A_1169, %and3A_1171 : i32
    %eq3A_1179 = vector.broadcast %sub3A_1178 : i32 to vector<16xi32>
    %eq3A_1180 = arith.cmpi eq, %iota3A, %eq3A_1179 : vector<16xi32>
    %jit3A_1181 = arith.constant 0.000000e+00 : f32
    %broadcast_in_dim3A_1182 = vector.broadcast %jit3A_1181 : f32 to vector<16xf32>
    %select_n3A_1183 = arith.select %eq3A_1180, %get3A_1177, %broadcast_in_dim3A_1182 : vector<16xi1>, vector<16xf32>
    %add3A_1184 = arith.addf %add3A_1163, %select_n3A_1183 : vector<16xf32>
    %and3A_1185 = arith.constant 7 : i32
    %and3A_1186 = arith.andi %squeeze3A_274, %and3A_1185 : i32
    %add3A_1187 = arith.constant 15 : i32
    %add3A_1188 = arith.addi %mul3A_2, %add3A_1187 : i32
    %and3A_1189 = arith.constant 127 : i32
    %and3A_1190 = arith.andi %add3A_1188, %and3A_1189 : i32
    %and3A_1191 = arith.constant -16 : i32
    %and3A_1192 = arith.andi %and3A_1190, %and3A_1191 : i32
    %add3A_1193 = arith.constant 120 : i32
    %add3A_1194 = arith.addi %add3A_1193, %and3A_1186 : i32
    %get3A_1195 = arith.index_cast %add3A_1194 : i32 to index
    %get3A_1196 = arith.index_cast %and3A_1192 : i32 to index
    %get3A_1197 = tpu.vector_load %arg6[%get3A_1195, %get3A_1196] {strides = array<i32>} : memref<256x128xf32, #tpu.memory_space<vmem>>, vector<1x16xf32>,
    %get3A_1198 = vector.shape_cast %get3A_1197 : vector<1x16xf32> to vector<16xf32>
    %sub3A_1199 = arith.subi %and3A_1190, %and3A_1192 : i32
    %eq3A_1200 = vector.broadcast %sub3A_1199 : i32 to vector<16xi32>
    %eq3A_1201 = arith.cmpi eq, %iota3A, %eq3A_1200 : vector<16xi32>
    %jit3A_1202 = arith.constant 0.000000e+00 : f32
    %broadcast_in_dim3A_1203 = vector.broadcast %jit3A_1202 : f32 to vector<16xf32>
    %select_n3A_1204 = arith.select %eq3A_1201, %get3A_1198, %broadcast_in_dim3A_1203 : vector<16xi1>, vector<16xf32>
    %add3A_1205 = arith.addf %add3A_1184, %select_n3A_1204 : vector<16xf32>
    %and3A_1206 = arith.constant 7 : i32
    %and3A_1207 = arith.andi %squeeze3A_292, %and3A_1206 : i32
    %add3A_1208 = arith.constant 16 : i32
    %add3A_1209 = arith.addi %mul3A_2, %add3A_1208 : i32
    %and3A_1210 = arith.constant 127 : i32
    %and3A_1211 = arith.andi %add3A_1209, %and3A_1210 : i32
    %and3A_1212 = arith.constant -16 : i32
    %and3A_1213 = arith.andi %and3A_1211, %and3A_1212 : i32
    %add3A_1214 = arith.constant 128 : i32
    %add3A_1215 = arith.addi %add3A_1214, %and3A_1207 : i32
    %get3A_1216 = arith.index_cast %add3A_1215 : i32 to index
    %get3A_1217 = arith.index_cast %and3A_1213 : i32 to index
    %get3A_1218 = tpu.vector_load %arg6[%get3A_1216, %get3A_1217] {strides = array<i32>} : memref<256x128xf32, #tpu.memory_space<vmem>>, vector<1x16xf32>,
    %get3A_1219 = vector.shape_cast %get3A_1218 : vector<1x16xf32> to vector<16xf32>
    %sub3A_1220 = arith.subi %and3A_1211, %and3A_1213 : i32
    %eq3A_1221 = vector.broadcast %sub3A_1220 : i32 to vector<16xi32>
    %eq3A_1222 = arith.cmpi eq, %iota3A, %eq3A_1221 : vector<16xi32>
    %jit3A_1223 = arith.constant 0.000000e+00 : f32
    %broadcast_in_dim3A_1224 = vector.broadcast %jit3A_1223 : f32 to vector<16xf32>
    %select_n3A_1225 = arith.select %eq3A_1222, %get3A_1219, %broadcast_in_dim3A_1224 : vector<16xi1>, vector<16xf32>
    %add3A_1226 = arith.addf %add3A_1205, %select_n3A_1225 : vector<16xf32>
    %and3A_1227 = arith.constant 7 : i32
    %and3A_1228 = arith.andi %squeeze3A_310, %and3A_1227 : i32
    %add3A_1229 = arith.constant 17 : i32
    %add3A_1230 = arith.addi %mul3A_2, %add3A_1229 : i32
    %and3A_1231 = arith.constant 127 : i32
    %and3A_1232 = arith.andi %add3A_1230, %and3A_1231 : i32
    %and3A_1233 = arith.constant -16 : i32
    %and3A_1234 = arith.andi %and3A_1232, %and3A_1233 : i32
    %add3A_1235 = arith.constant 136 : i32
    %add3A_1236 = arith.addi %add3A_1235, %and3A_1228 : i32
    %get3A_1237 = arith.index_cast %add3A_1236 : i32 to index
    %get3A_1238 = arith.index_cast %and3A_1234 : i32 to index
    %get3A_1239 = tpu.vector_load %arg6[%get3A_1237, %get3A_1238] {strides = array<i32>} : memref<256x128xf32, #tpu.memory_space<vmem>>, vector<1x16xf32>,
    %get3A_1240 = vector.shape_cast %get3A_1239 : vector<1x16xf32> to vector<16xf32>
    %sub3A_1241 = arith.subi %and3A_1232, %and3A_1234 : i32
    %eq3A_1242 = vector.broadcast %sub3A_1241 : i32 to vector<16xi32>
    %eq3A_1243 = arith.cmpi eq, %iota3A, %eq3A_1242 : vector<16xi32>
    %jit3A_1244 = arith.constant 0.000000e+00 : f32
    %broadcast_in_dim3A_1245 = vector.broadcast %jit3A_1244 : f32 to vector<16xf32>
    %select_n3A_1246 = arith.select %eq3A_1243, %get3A_1240, %broadcast_in_dim3A_1245 : vector<16xi1>, vector<16xf32>
    %add3A_1247 = arith.addf %add3A_1226, %select_n3A_1246 : vector<16xf32>
    %and3A_1248 = arith.constant 7 : i32
    %and3A_1249 = arith.andi %squeeze3A_328, %and3A_1248 : i32
    %add3A_1250 = arith.constant 18 : i32
    %add3A_1251 = arith.addi %mul3A_2, %add3A_1250 : i32
    %and3A_1252 = arith.constant 127 : i32
    %and3A_1253 = arith.andi %add3A_1251, %and3A_1252 : i32
    %and3A_1254 = arith.constant -16 : i32
    %and3A_1255 = arith.andi %and3A_1253, %and3A_1254 : i32
    %add3A_1256 = arith.constant 144 : i32
    %add3A_1257 = arith.addi %add3A_1256, %and3A_1249 : i32
    %get3A_1258 = arith.index_cast %add3A_1257 : i32 to index
    %get3A_1259 = arith.index_cast %and3A_1255 : i32 to index
    %get3A_1260 = tpu.vector_load %arg6[%get3A_1258, %get3A_1259] {strides = array<i32>} : memref<256x128xf32, #tpu.memory_space<vmem>>, vector<1x16xf32>,
    %get3A_1261 = vector.shape_cast %get3A_1260 : vector<1x16xf32> to vector<16xf32>
    %sub3A_1262 = arith.subi %and3A_1253, %and3A_1255 : i32
    %eq3A_1263 = vector.broadcast %sub3A_1262 : i32 to vector<16xi32>
    %eq3A_1264 = arith.cmpi eq, %iota3A, %eq3A_1263 : vector<16xi32>
    %jit3A_1265 = arith.constant 0.000000e+00 : f32
    %broadcast_in_dim3A_1266 = vector.broadcast %jit3A_1265 : f32 to vector<16xf32>
    %select_n3A_1267 = arith.select %eq3A_1264, %get3A_1261, %broadcast_in_dim3A_1266 : vector<16xi1>, vector<16xf32>
    %add3A_1268 = arith.addf %add3A_1247, %select_n3A_1267 : vector<16xf32>
    %and3A_1269 = arith.constant 7 : i32
    %and3A_1270 = arith.andi %squeeze3A_346, %and3A_1269 : i32
    %add3A_1271 = arith.constant 19 : i32
    %add3A_1272 = arith.addi %mul3A_2, %add3A_1271 : i32
    %and3A_1273 = arith.constant 127 : i32
    %and3A_1274 = arith.andi %add3A_1272, %and3A_1273 : i32
    %and3A_1275 = arith.constant -16 : i32
    %and3A_1276 = arith.andi %and3A_1274, %and3A_1275 : i32
    %add3A_1277 = arith.constant 152 : i32
    %add3A_1278 = arith.addi %add3A_1277, %and3A_1270 : i32
    %get3A_1279 = arith.index_cast %add3A_1278 : i32 to index
    %get3A_1280 = arith.index_cast %and3A_1276 : i32 to index
    %get3A_1281 = tpu.vector_load %arg6[%get3A_1279, %get3A_1280] {strides = array<i32>} : memref<256x128xf32, #tpu.memory_space<vmem>>, vector<1x16xf32>,
    %get3A_1282 = vector.shape_cast %get3A_1281 : vector<1x16xf32> to vector<16xf32>
    %sub3A_1283 = arith.subi %and3A_1274, %and3A_1276 : i32
    %eq3A_1284 = vector.broadcast %sub3A_1283 : i32 to vector<16xi32>
    %eq3A_1285 = arith.cmpi eq, %iota3A, %eq3A_1284 : vector<16xi32>
    %jit3A_1286 = arith.constant 0.000000e+00 : f32
    %broadcast_in_dim3A_1287 = vector.broadcast %jit3A_1286 : f32 to vector<16xf32>
    %select_n3A_1288 = arith.select %eq3A_1285, %get3A_1282, %broadcast_in_dim3A_1287 : vector<16xi1>, vector<16xf32>
    %add3A_1289 = arith.addf %add3A_1268, %select_n3A_1288 : vector<16xf32>
    %and3A_1290 = arith.constant 7 : i32
    %and3A_1291 = arith.andi %squeeze3A_364, %and3A_1290 : i32
    %add3A_1292 = arith.constant 20 : i32
    %add3A_1293 = arith.addi %mul3A_2, %add3A_1292 : i32
    %and3A_1294 = arith.constant 127 : i32
    %and3A_1295 = arith.andi %add3A_1293, %and3A_1294 : i32
    %and3A_1296 = arith.constant -16 : i32
    %and3A_1297 = arith.andi %and3A_1295, %and3A_1296 : i32
    %add3A_1298 = arith.constant 160 : i32
    %add3A_1299 = arith.addi %add3A_1298, %and3A_1291 : i32
    %get3A_1300 = arith.index_cast %add3A_1299 : i32 to index
    %get3A_1301 = arith.index_cast %and3A_1297 : i32 to index
    %get3A_1302 = tpu.vector_load %arg6[%get3A_1300, %get3A_1301] {strides = array<i32>} : memref<256x128xf32, #tpu.memory_space<vmem>>, vector<1x16xf32>,
    %get3A_1303 = vector.shape_cast %get3A_1302 : vector<1x16xf32> to vector<16xf32>
    %sub3A_1304 = arith.subi %and3A_1295, %and3A_1297 : i32
    %eq3A_1305 = vector.broadcast %sub3A_1304 : i32 to vector<16xi32>
    %eq3A_1306 = arith.cmpi eq, %iota3A, %eq3A_1305 : vector<16xi32>
    %jit3A_1307 = arith.constant 0.000000e+00 : f32
    %broadcast_in_dim3A_1308 = vector.broadcast %jit3A_1307 : f32 to vector<16xf32>
    %select_n3A_1309 = arith.select %eq3A_1306, %get3A_1303, %broadcast_in_dim3A_1308 : vector<16xi1>, vector<16xf32>
    %add3A_1310 = arith.addf %add3A_1289, %select_n3A_1309 : vector<16xf32>
    %and3A_1311 = arith.constant 7 : i32
    %and3A_1312 = arith.andi %squeeze3A_382, %and3A_1311 : i32
    %add3A_1313 = arith.constant 21 : i32
    %add3A_1314 = arith.addi %mul3A_2, %add3A_1313 : i32
    %and3A_1315 = arith.constant 127 : i32
    %and3A_1316 = arith.andi %add3A_1314, %and3A_1315 : i32
    %and3A_1317 = arith.constant -16 : i32
    %and3A_1318 = arith.andi %and3A_1316, %and3A_1317 : i32
    %add3A_1319 = arith.constant 168 : i32
    %add3A_1320 = arith.addi %add3A_1319, %and3A_1312 : i32
    %get3A_1321 = arith.index_cast %add3A_1320 : i32 to index
    %get3A_1322 = arith.index_cast %and3A_1318 : i32 to index
    %get3A_1323 = tpu.vector_load %arg6[%get3A_1321, %get3A_1322] {strides = array<i32>} : memref<256x128xf32, #tpu.memory_space<vmem>>, vector<1x16xf32>,
    %get3A_1324 = vector.shape_cast %get3A_1323 : vector<1x16xf32> to vector<16xf32>
    %sub3A_1325 = arith.subi %and3A_1316, %and3A_1318 : i32
    %eq3A_1326 = vector.broadcast %sub3A_1325 : i32 to vector<16xi32>
    %eq3A_1327 = arith.cmpi eq, %iota3A, %eq3A_1326 : vector<16xi32>
    %jit3A_1328 = arith.constant 0.000000e+00 : f32
    %broadcast_in_dim3A_1329 = vector.broadcast %jit3A_1328 : f32 to vector<16xf32>
    %select_n3A_1330 = arith.select %eq3A_1327, %get3A_1324, %broadcast_in_dim3A_1329 : vector<16xi1>, vector<16xf32>
    %add3A_1331 = arith.addf %add3A_1310, %select_n3A_1330 : vector<16xf32>
    %and3A_1332 = arith.constant 7 : i32
    %and3A_1333 = arith.andi %squeeze3A_400, %and3A_1332 : i32
    %add3A_1334 = arith.constant 22 : i32
    %add3A_1335 = arith.addi %mul3A_2, %add3A_1334 : i32
    %and3A_1336 = arith.constant 127 : i32
    %and3A_1337 = arith.andi %add3A_1335, %and3A_1336 : i32
    %and3A_1338 = arith.constant -16 : i32
    %and3A_1339 = arith.andi %and3A_1337, %and3A_1338 : i32
    %add3A_1340 = arith.constant 176 : i32
    %add3A_1341 = arith.addi %add3A_1340, %and3A_1333 : i32
    %get3A_1342 = arith.index_cast %add3A_1341 : i32 to index
    %get3A_1343 = arith.index_cast %and3A_1339 : i32 to index
    %get3A_1344 = tpu.vector_load %arg6[%get3A_1342, %get3A_1343] {strides = array<i32>} : memref<256x128xf32, #tpu.memory_space<vmem>>, vector<1x16xf32>,
    %get3A_1345 = vector.shape_cast %get3A_1344 : vector<1x16xf32> to vector<16xf32>
    %sub3A_1346 = arith.subi %and3A_1337, %and3A_1339 : i32
    %eq3A_1347 = vector.broadcast %sub3A_1346 : i32 to vector<16xi32>
    %eq3A_1348 = arith.cmpi eq, %iota3A, %eq3A_1347 : vector<16xi32>
    %jit3A_1349 = arith.constant 0.000000e+00 : f32
    %broadcast_in_dim3A_1350 = vector.broadcast %jit3A_1349 : f32 to vector<16xf32>
    %select_n3A_1351 = arith.select %eq3A_1348, %get3A_1345, %broadcast_in_dim3A_1350 : vector<16xi1>, vector<16xf32>
    %add3A_1352 = arith.addf %add3A_1331, %select_n3A_1351 : vector<16xf32>
    %and3A_1353 = arith.constant 7 : i32
    %and3A_1354 = arith.andi %squeeze3A_418, %and3A_1353 : i32
    %add3A_1355 = arith.constant 23 : i32
    %add3A_1356 = arith.addi %mul3A_2, %add3A_1355 : i32
    %and3A_1357 = arith.constant 127 : i32
    %and3A_1358 = arith.andi %add3A_1356, %and3A_1357 : i32
    %and3A_1359 = arith.constant -16 : i32
    %and3A_1360 = arith.andi %and3A_1358, %and3A_1359 : i32
    %add3A_1361 = arith.constant 184 : i32
    %add3A_1362 = arith.addi %add3A_1361, %and3A_1354 : i32
    %get3A_1363 = arith.index_cast %add3A_1362 : i32 to index
    %get3A_1364 = arith.index_cast %and3A_1360 : i32 to index
    %get3A_1365 = tpu.vector_load %arg6[%get3A_1363, %get3A_1364] {strides = array<i32>} : memref<256x128xf32, #tpu.memory_space<vmem>>, vector<1x16xf32>,
    %get3A_1366 = vector.shape_cast %get3A_1365 : vector<1x16xf32> to vector<16xf32>
    %sub3A_1367 = arith.subi %and3A_1358, %and3A_1360 : i32
    %eq3A_1368 = vector.broadcast %sub3A_1367 : i32 to vector<16xi32>
    %eq3A_1369 = arith.cmpi eq, %iota3A, %eq3A_1368 : vector<16xi32>
    %jit3A_1370 = arith.constant 0.000000e+00 : f32
    %broadcast_in_dim3A_1371 = vector.broadcast %jit3A_1370 : f32 to vector<16xf32>
    %select_n3A_1372 = arith.select %eq3A_1369, %get3A_1366, %broadcast_in_dim3A_1371 : vector<16xi1>, vector<16xf32>
    %add3A_1373 = arith.addf %add3A_1352, %select_n3A_1372 : vector<16xf32>
    %and3A_1374 = arith.constant 7 : i32
    %and3A_1375 = arith.andi %squeeze3A_436, %and3A_1374 : i32
    %add3A_1376 = arith.constant 24 : i32
    %add3A_1377 = arith.addi %mul3A_2, %add3A_1376 : i32
    %and3A_1378 = arith.constant 127 : i32
    %and3A_1379 = arith.andi %add3A_1377, %and3A_1378 : i32
    %and3A_1380 = arith.constant -16 : i32
    %and3A_1381 = arith.andi %and3A_1379, %and3A_1380 : i32
    %add3A_1382 = arith.constant 192 : i32
    %add3A_1383 = arith.addi %add3A_1382, %and3A_1375 : i32
    %get3A_1384 = arith.index_cast %add3A_1383 : i32 to index
    %get3A_1385 = arith.index_cast %and3A_1381 : i32 to index
    %get3A_1386 = tpu.vector_load %arg6[%get3A_1384, %get3A_1385] {strides = array<i32>} : memref<256x128xf32, #tpu.memory_space<vmem>>, vector<1x16xf32>,
    %get3A_1387 = vector.shape_cast %get3A_1386 : vector<1x16xf32> to vector<16xf32>
    %sub3A_1388 = arith.subi %and3A_1379, %and3A_1381 : i32
    %eq3A_1389 = vector.broadcast %sub3A_1388 : i32 to vector<16xi32>
    %eq3A_1390 = arith.cmpi eq, %iota3A, %eq3A_1389 : vector<16xi32>
    %jit3A_1391 = arith.constant 0.000000e+00 : f32
    %broadcast_in_dim3A_1392 = vector.broadcast %jit3A_1391 : f32 to vector<16xf32>
    %select_n3A_1393 = arith.select %eq3A_1390, %get3A_1387, %broadcast_in_dim3A_1392 : vector<16xi1>, vector<16xf32>
    %add3A_1394 = arith.addf %add3A_1373, %select_n3A_1393 : vector<16xf32>
    %and3A_1395 = arith.constant 7 : i32
    %and3A_1396 = arith.andi %squeeze3A_454, %and3A_1395 : i32
    %add3A_1397 = arith.constant 25 : i32
    %add3A_1398 = arith.addi %mul3A_2, %add3A_1397 : i32
    %and3A_1399 = arith.constant 127 : i32
    %and3A_1400 = arith.andi %add3A_1398, %and3A_1399 : i32
    %and3A_1401 = arith.constant -16 : i32
    %and3A_1402 = arith.andi %and3A_1400, %and3A_1401 : i32
    %add3A_1403 = arith.constant 200 : i32
    %add3A_1404 = arith.addi %add3A_1403, %and3A_1396 : i32
    %get3A_1405 = arith.index_cast %add3A_1404 : i32 to index
    %get3A_1406 = arith.index_cast %and3A_1402 : i32 to index
    %get3A_1407 = tpu.vector_load %arg6[%get3A_1405, %get3A_1406] {strides = array<i32>} : memref<256x128xf32, #tpu.memory_space<vmem>>, vector<1x16xf32>,
    %get3A_1408 = vector.shape_cast %get3A_1407 : vector<1x16xf32> to vector<16xf32>
    %sub3A_1409 = arith.subi %and3A_1400, %and3A_1402 : i32
    %eq3A_1410 = vector.broadcast %sub3A_1409 : i32 to vector<16xi32>
    %eq3A_1411 = arith.cmpi eq, %iota3A, %eq3A_1410 : vector<16xi32>
    %jit3A_1412 = arith.constant 0.000000e+00 : f32
    %broadcast_in_dim3A_1413 = vector.broadcast %jit3A_1412 : f32 to vector<16xf32>
    %select_n3A_1414 = arith.select %eq3A_1411, %get3A_1408, %broadcast_in_dim3A_1413 : vector<16xi1>, vector<16xf32>
    %add3A_1415 = arith.addf %add3A_1394, %select_n3A_1414 : vector<16xf32>
    %and3A_1416 = arith.constant 7 : i32
    %and3A_1417 = arith.andi %squeeze3A_472, %and3A_1416 : i32
    %add3A_1418 = arith.constant 26 : i32
    %add3A_1419 = arith.addi %mul3A_2, %add3A_1418 : i32
    %and3A_1420 = arith.constant 127 : i32
    %and3A_1421 = arith.andi %add3A_1419, %and3A_1420 : i32
    %and3A_1422 = arith.constant -16 : i32
    %and3A_1423 = arith.andi %and3A_1421, %and3A_1422 : i32
    %add3A_1424 = arith.constant 208 : i32
    %add3A_1425 = arith.addi %add3A_1424, %and3A_1417 : i32
    %get3A_1426 = arith.index_cast %add3A_1425 : i32 to index
    %get3A_1427 = arith.index_cast %and3A_1423 : i32 to index
    %get3A_1428 = tpu.vector_load %arg6[%get3A_1426, %get3A_1427] {strides = array<i32>} : memref<256x128xf32, #tpu.memory_space<vmem>>, vector<1x16xf32>,
    %get3A_1429 = vector.shape_cast %get3A_1428 : vector<1x16xf32> to vector<16xf32>
    %sub3A_1430 = arith.subi %and3A_1421, %and3A_1423 : i32
    %eq3A_1431 = vector.broadcast %sub3A_1430 : i32 to vector<16xi32>
    %eq3A_1432 = arith.cmpi eq, %iota3A, %eq3A_1431 : vector<16xi32>
    %jit3A_1433 = arith.constant 0.000000e+00 : f32
    %broadcast_in_dim3A_1434 = vector.broadcast %jit3A_1433 : f32 to vector<16xf32>
    %select_n3A_1435 = arith.select %eq3A_1432, %get3A_1429, %broadcast_in_dim3A_1434 : vector<16xi1>, vector<16xf32>
    %add3A_1436 = arith.addf %add3A_1415, %select_n3A_1435 : vector<16xf32>
    %and3A_1437 = arith.constant 7 : i32
    %and3A_1438 = arith.andi %squeeze3A_490, %and3A_1437 : i32
    %add3A_1439 = arith.constant 27 : i32
    %add3A_1440 = arith.addi %mul3A_2, %add3A_1439 : i32
    %and3A_1441 = arith.constant 127 : i32
    %and3A_1442 = arith.andi %add3A_1440, %and3A_1441 : i32
    %and3A_1443 = arith.constant -16 : i32
    %and3A_1444 = arith.andi %and3A_1442, %and3A_1443 : i32
    %add3A_1445 = arith.constant 216 : i32
    %add3A_1446 = arith.addi %add3A_1445, %and3A_1438 : i32
    %get3A_1447 = arith.index_cast %add3A_1446 : i32 to index
    %get3A_1448 = arith.index_cast %and3A_1444 : i32 to index
    %get3A_1449 = tpu.vector_load %arg6[%get3A_1447, %get3A_1448] {strides = array<i32>} : memref<256x128xf32, #tpu.memory_space<vmem>>, vector<1x16xf32>,
    %get3A_1450 = vector.shape_cast %get3A_1449 : vector<1x16xf32> to vector<16xf32>
    %sub3A_1451 = arith.subi %and3A_1442, %and3A_1444 : i32
    %eq3A_1452 = vector.broadcast %sub3A_1451 : i32 to vector<16xi32>
    %eq3A_1453 = arith.cmpi eq, %iota3A, %eq3A_1452 : vector<16xi32>
    %jit3A_1454 = arith.constant 0.000000e+00 : f32
    %broadcast_in_dim3A_1455 = vector.broadcast %jit3A_1454 : f32 to vector<16xf32>
    %select_n3A_1456 = arith.select %eq3A_1453, %get3A_1450, %broadcast_in_dim3A_1455 : vector<16xi1>, vector<16xf32>
    %add3A_1457 = arith.addf %add3A_1436, %select_n3A_1456 : vector<16xf32>
    %and3A_1458 = arith.constant 7 : i32
    %and3A_1459 = arith.andi %squeeze3A_508, %and3A_1458 : i32
    %add3A_1460 = arith.constant 28 : i32
    %add3A_1461 = arith.addi %mul3A_2, %add3A_1460 : i32
    %and3A_1462 = arith.constant 127 : i32
    %and3A_1463 = arith.andi %add3A_1461, %and3A_1462 : i32
    %and3A_1464 = arith.constant -16 : i32
    %and3A_1465 = arith.andi %and3A_1463, %and3A_1464 : i32
    %add3A_1466 = arith.constant 224 : i32
    %add3A_1467 = arith.addi %add3A_1466, %and3A_1459 : i32
    %get3A_1468 = arith.index_cast %add3A_1467 : i32 to index
    %get3A_1469 = arith.index_cast %and3A_1465 : i32 to index
    %get3A_1470 = tpu.vector_load %arg6[%get3A_1468, %get3A_1469] {strides = array<i32>} : memref<256x128xf32, #tpu.memory_space<vmem>>, vector<1x16xf32>,
    %get3A_1471 = vector.shape_cast %get3A_1470 : vector<1x16xf32> to vector<16xf32>
    %sub3A_1472 = arith.subi %and3A_1463, %and3A_1465 : i32
    %eq3A_1473 = vector.broadcast %sub3A_1472 : i32 to vector<16xi32>
    %eq3A_1474 = arith.cmpi eq, %iota3A, %eq3A_1473 : vector<16xi32>
    %jit3A_1475 = arith.constant 0.000000e+00 : f32
    %broadcast_in_dim3A_1476 = vector.broadcast %jit3A_1475 : f32 to vector<16xf32>
    %select_n3A_1477 = arith.select %eq3A_1474, %get3A_1471, %broadcast_in_dim3A_1476 : vector<16xi1>, vector<16xf32>
    %add3A_1478 = arith.addf %add3A_1457, %select_n3A_1477 : vector<16xf32>
    %and3A_1479 = arith.constant 7 : i32
    %and3A_1480 = arith.andi %squeeze3A_526, %and3A_1479 : i32
    %add3A_1481 = arith.constant 29 : i32
    %add3A_1482 = arith.addi %mul3A_2, %add3A_1481 : i32
    %and3A_1483 = arith.constant 127 : i32
    %and3A_1484 = arith.andi %add3A_1482, %and3A_1483 : i32
    %and3A_1485 = arith.constant -16 : i32
    %and3A_1486 = arith.andi %and3A_1484, %and3A_1485 : i32
    %add3A_1487 = arith.constant 232 : i32
    %add3A_1488 = arith.addi %add3A_1487, %and3A_1480 : i32
    %get3A_1489 = arith.index_cast %add3A_1488 : i32 to index
    %get3A_1490 = arith.index_cast %and3A_1486 : i32 to index
    %get3A_1491 = tpu.vector_load %arg6[%get3A_1489, %get3A_1490] {strides = array<i32>} : memref<256x128xf32, #tpu.memory_space<vmem>>, vector<1x16xf32>,
    %get3A_1492 = vector.shape_cast %get3A_1491 : vector<1x16xf32> to vector<16xf32>
    %sub3A_1493 = arith.subi %and3A_1484, %and3A_1486 : i32
    %eq3A_1494 = vector.broadcast %sub3A_1493 : i32 to vector<16xi32>
    %eq3A_1495 = arith.cmpi eq, %iota3A, %eq3A_1494 : vector<16xi32>
    %jit3A_1496 = arith.constant 0.000000e+00 : f32
    %broadcast_in_dim3A_1497 = vector.broadcast %jit3A_1496 : f32 to vector<16xf32>
    %select_n3A_1498 = arith.select %eq3A_1495, %get3A_1492, %broadcast_in_dim3A_1497 : vector<16xi1>, vector<16xf32>
    %add3A_1499 = arith.addf %add3A_1478, %select_n3A_1498 : vector<16xf32>
    %and3A_1500 = arith.constant 7 : i32
    %and3A_1501 = arith.andi %squeeze3A_544, %and3A_1500 : i32
    %add3A_1502 = arith.constant 30 : i32
    %add3A_1503 = arith.addi %mul3A_2, %add3A_1502 : i32
    %and3A_1504 = arith.constant 127 : i32
    %and3A_1505 = arith.andi %add3A_1503, %and3A_1504 : i32
    %and3A_1506 = arith.constant -16 : i32
    %and3A_1507 = arith.andi %and3A_1505, %and3A_1506 : i32
    %add3A_1508 = arith.constant 240 : i32
    %add3A_1509 = arith.addi %add3A_1508, %and3A_1501 : i32
    %get3A_1510 = arith.index_cast %add3A_1509 : i32 to index
    %get3A_1511 = arith.index_cast %and3A_1507 : i32 to index
    %get3A_1512 = tpu.vector_load %arg6[%get3A_1510, %get3A_1511] {strides = array<i32>} : memref<256x128xf32, #tpu.memory_space<vmem>>, vector<1x16xf32>,
    %get3A_1513 = vector.shape_cast %get3A_1512 : vector<1x16xf32> to vector<16xf32>
    %sub3A_1514 = arith.subi %and3A_1505, %and3A_1507 : i32
    %eq3A_1515 = vector.broadcast %sub3A_1514 : i32 to vector<16xi32>
    %eq3A_1516 = arith.cmpi eq, %iota3A, %eq3A_1515 : vector<16xi32>
    %jit3A_1517 = arith.constant 0.000000e+00 : f32
    %broadcast_in_dim3A_1518 = vector.broadcast %jit3A_1517 : f32 to vector<16xf32>
    %select_n3A_1519 = arith.select %eq3A_1516, %get3A_1513, %broadcast_in_dim3A_1518 : vector<16xi1>, vector<16xf32>
    %add3A_1520 = arith.addf %add3A_1499, %select_n3A_1519 : vector<16xf32>
    %and3A_1521 = arith.constant 7 : i32
    %and3A_1522 = arith.andi %squeeze3A_562, %and3A_1521 : i32
    %add3A_1523 = arith.constant 31 : i32
    %add3A_1524 = arith.addi %mul3A_2, %add3A_1523 : i32
    %and3A_1525 = arith.constant 127 : i32
    %and3A_1526 = arith.andi %add3A_1524, %and3A_1525 : i32
    %and3A_1527 = arith.constant -16 : i32
    %and3A_1528 = arith.andi %and3A_1526, %and3A_1527 : i32
    %add3A_1529 = arith.constant 248 : i32
    %add3A_1530 = arith.addi %add3A_1529, %and3A_1522 : i32
    %get3A_1531 = arith.index_cast %add3A_1530 : i32 to index
    %get3A_1532 = arith.index_cast %and3A_1528 : i32 to index
    %get3A_1533 = tpu.vector_load %arg6[%get3A_1531, %get3A_1532] {strides = array<i32>} : memref<256x128xf32, #tpu.memory_space<vmem>>, vector<1x16xf32>,
    %get3A_1534 = vector.shape_cast %get3A_1533 : vector<1x16xf32> to vector<16xf32>
    %sub3A_1535 = arith.subi %and3A_1526, %and3A_1528 : i32
    %eq3A_1536 = vector.broadcast %sub3A_1535 : i32 to vector<16xi32>
    %eq3A_1537 = arith.cmpi eq, %iota3A, %eq3A_1536 : vector<16xi32>
    %jit3A_1538 = arith.constant 0.000000e+00 : f32
    %broadcast_in_dim3A_1539 = vector.broadcast %jit3A_1538 : f32 to vector<16xf32>
    %select_n3A_1540 = arith.select %eq3A_1537, %get3A_1534, %broadcast_in_dim3A_1539 : vector<16xi1>, vector<16xf32>
    %add3A_1541 = arith.addf %add3A_1520, %select_n3A_1540 : vector<16xf32>
    %mul3A_1542 = arith.constant 1.000010e-06 : f32
    %mul3A_1543 = vector.broadcast %mul3A_1542 : f32 to vector<16xf32>
    %mul3A_1544 = arith.mulf %mul3A_1543, %add3A_615 : vector<16xf32>
    %mul3A_1545 = arith.constant 8.999990e-01 : f32
    %mul3A_1546 = vector.broadcast %mul3A_1545 : f32 to vector<16xf32>
    %mul3A_1547 = arith.mulf %mul3A_1546, %add3A_1541 : vector<16xf32>
    %add3A_1548 = arith.addf %mul3A_1544, %mul3A_1547 : vector<16xf32>
    %swap3A = arith.constant 0 : index
    %swap3A_1549 = tpu.vector_load %arg7[%swap3A] {strides = array<i32>} : memref<16xf32, #tpu.memory_space<vmem>>, vector<16xf32>,
    %swap3A_1550 = vector.shape_cast %swap3A_1549 : vector<16xf32> to vector<16xf32>
    %swap3A_1551 = vector.shape_cast %add3A_1548 : vector<16xf32> to vector<16xf32>
    tpu.vector_store %arg7[%swap3A], %swap3A_1551 {strides = array<i32>} : memref<16xf32, #tpu.memory_space<vmem>>, vector<16xf32>,
    "tpu.region"() ({
      %run_scoped3A = tpu.sem_alloc : memref<!tpu.dma_semaphore, #tpu.memory_space<semaphore_mem>>
      %dma_start3A_1552 = arith.constant 0 : i32
      %dma_start3A_1553 = tpu.memref_slice %arg4[%add3A, %dma_start3A_1552] : memref<32x16xf32, #tpu.memory_space<hbm>> -> memref<1x16xf32, #tpu.memory_space<hbm>>
      %dma_start3A_1554 = tpu.memref_squeeze %dma_start3A_1553 : memref<1x16xf32, #tpu.memory_space<hbm>> -> memref<16xf32, #tpu.memory_space<hbm>>
      %dma_start3A_1555 = arith.constant 0 : i32
      %dma_start3A_1556 = tpu.memref_slice %arg4[%add3A, %dma_start3A_1555] : memref<32x16xf32, #tpu.memory_space<hbm>> -> memref<1x16xf32, #tpu.memory_space<hbm>>
      %dma_start3A_1557 = tpu.memref_squeeze %dma_start3A_1556 : memref<1x16xf32, #tpu.memory_space<hbm>> -> memref<16xf32, #tpu.memory_space<hbm>>
      tpu.enqueue_dma source(%arg7 : memref<16xf32, #tpu.memory_space<vmem>>) target(%dma_start3A_1557 : memref<16xf32, #tpu.memory_space<hbm>>) target_semaphore(%run_scoped3A : memref<!tpu.dma_semaphore, #tpu.memory_space<semaphore_mem>>)
      %dma_wait3A_1558 = arith.constant 0 : i32
      %dma_wait3A_1559 = tpu.memref_slice %arg4[%add3A, %dma_wait3A_1558] : memref<32x16xf32, #tpu.memory_space<hbm>> -> memref<1x16xf32, #tpu.memory_space<hbm>>
      %dma_wait3A_1560 = tpu.memref_squeeze %dma_wait3A_1559 : memref<1x16xf32, #tpu.memory_space<hbm>> -> memref<16xf32, #tpu.memory_space<hbm>>
      %dma_wait3A_1561 = arith.constant 0 : i32
      %dma_wait3A_1562 = tpu.memref_slice %arg4[%add3A, %dma_wait3A_1561] : memref<32x16xf32, #tpu.memory_space<hbm>> -> memref<1x16xf32, #tpu.memory_space<hbm>>
      %dma_wait3A_1563 = tpu.memref_squeeze %dma_wait3A_1562 : memref<1x16xf32, #tpu.memory_space<hbm>> -> memref<16xf32, #tpu.memory_space<hbm>>
      tpu.wait_dma2 semaphore(%run_scoped3A : memref<!tpu.dma_semaphore, #tpu.memory_space<semaphore_mem>>) src(%arg7 : memref<16xf32, #tpu.memory_space<vmem>>) dst(%dma_wait3A_1563 : memref<16xf32, #tpu.memory_space<hbm>>)
      tpu.yield
    }) : () -> ()
    return
  }
}

module attributes {stable_mosaic.version = 14 : i64} {
  func.func @_sum_body(%arg0: i32, %arg1: memref<3200x1024xf32, #tpu.memory_space<vmem>>, %arg2: memref<1x1xf32, #tpu.memory_space<smem>>) attributes {dimension_semantics = [#tpu.dimension_semantics<arbitrary>], iteration_bounds = array<i64: 16>, scalar_prefetch = 0 : i64, scratch_operands = 0 : i64, tpu.core_type = #tpu.core_type<tc>, window_params = [{transform_indices = @transform_0, window_bounds = array<i64: 3200, 1024>}, {transform_indices = @transform_1, window_bounds = array<i64: 1, 1>}]} {
    %eq3A = arith.constant 0 : i32
    %eq3A_0 = arith.cmpi eq, %arg0, %eq3A : i32
    %convert_element_type3A = arith.extui %eq3A_0 : i1 to i32
    %cond3A = arith.constant 0 : i32
    %cond3A_1 = arith.cmpi ne, %convert_element_type3A, %cond3A : i32
    scf.if %cond3A_1 {
      %swap3A_13 = arith.constant 0.000000e+00 : f32
      %swap3A_14 = arith.constant 0 : index
      %swap3A_15 = arith.constant 0 : index
      %swap3A_16 = memref.load %arg2[%swap3A_14, %swap3A_15] : memref<1x1xf32, #tpu.memory_space<smem>>
      memref.store %swap3A_13, %arg2[%swap3A_14, %swap3A_15] : memref<1x1xf32, #tpu.memory_space<smem>>
    } else {
    }
    %get3A = arith.constant 0 : index
    %get3A_2 = arith.constant 0 : index
    %get3A_3 = memref.load %arg2[%get3A, %get3A_2] : memref<1x1xf32, #tpu.memory_space<smem>>
    %get3A_4 = arith.constant 0 : index
    %get3A_5 = arith.constant 0 : index
    %get3A_6 = vector.load %arg1[%get3A_4, %get3A_5] : memref<3200x1024xf32, #tpu.memory_space<vmem>>, vector<3200x1024xf32>
    %reduce_sum3A = vector.shape_cast %get3A_6 : vector<3200x1024xf32> to vector<1x3200x1024xf32>
    %reduce_sum3A_7 = arith.constant dense<0.000000e+00> : vector<1xf32>
    %reduce_sum3A_8 = vector.multi_reduction <add>, %reduce_sum3A, %reduce_sum3A_7 [1, 2] : vector<1x3200x1024xf32> to vector<1xf32>
    %reduce_sum3A_9 = vector.shape_cast %reduce_sum3A_8 : vector<1xf32> to vector<1x1x1xf32>
    %reduce_sum3A_10 = vector.extract %reduce_sum3A_9[0, 0, 0] : f32 from vector<1x1x1xf32>
    %add3A = arith.addf %get3A_3, %reduce_sum3A_10 : f32
    %swap3A = arith.constant 0 : index
    %swap3A_11 = arith.constant 0 : index
    %swap3A_12 = memref.load %arg2[%swap3A, %swap3A_11] : memref<1x1xf32, #tpu.memory_space<smem>>
    memref.store %add3A, %arg2[%swap3A, %swap3A_11] : memref<1x1xf32, #tpu.memory_space<smem>>
    return
  }
  func.func @transform_0(%arg0: i32) -> (i32, i32) {
    %c0_i32 = arith.constant 0 : i32
    %c0_i32_0 = arith.constant 0 : i32
    return %arg0, %c0_i32 : i32, i32
  }
  func.func @transform_1(%arg0: i32) -> (i32, i32) {
    %c0_i32 = arith.constant 0 : i32
    %c0_i32_0 = arith.constant 0 : i32
    %c0_i32_1 = arith.constant 0 : i32
    return %c0_i32, %c0_i32_0 : i32, i32
  }
}

</mosaic_0001>

<sc_bundles>
// kernel: kernel.4.cloned.1.call-start
scs
__scs_entry_jumppad:
0x0: {  	(pc) =	sbr.rel $0x88, $3  }
0x1: {  	(tag) =	ssettag $0x0;
	lr =	simm.s32 $0x1  }
0x2: {  	[smem:$0x3F9F] =	sst lr;
	_ =	strace $0xD0000000  }
0x3: {  	_ = 	snop  }
0x4: {  	_ = 	snop  }
0x5: {  	_ = 	snop  }
0x6: {  	_ = 	snop  }
0x7: {  	_ = 	snop  }
__scs_overlays_trampoline_lowered:
0x8: {  	[smem:$0x3FAE] =	sst s0  }
0x9: {  	[smem:$0x3FAF] =	sst s1  }
0xa: {  	[smem:$0x3FB0] =	sst s2  }
0xb: {  	[smem:$0x3FB1] =	sst s3  }
0xc: {  	[smem:$0x3FB2] =	sst s4  }
0xd: {  	[smem:$0x3FB3] =	sst s5  }
0xe: {  	[smem:$0x3FB4] =	sst s6  }
0xf: {  	[smem:$0x3FB5] =	sst s7  }
0x10: {  	[smem:$0x3FB6] =	sst s8  }
0x11: {  	[smem:$0x3FB7] =	sst s9;
	s0 =	simm.s32 @!p0 $0x0  }
0x12: {  	s1 =	sld [smem:$0x3F9D];
	s0 =	simm.s32 @p0 $0x1  }
0x13: {  	[smem:$0x3FB8] =	sst s0;
	s0 =	simm.s32 @!p1 $0x0  }
0x14: {  	s2 =	sld [smem:$0x3F9C];
	s0 =	simm.s32 @p1 $0x1  }
0x15: {  	[smem:$0x3FB9] =	sst s0;
	s0 =	simm.s32 @!p2 $0x0  }
0x16: {  	s3 =	sld [smem:$0x3FDB];
	s0 =	simm.s32 @p2 $0x1  }
0x17: {  	s4 =	simm.s32 $0x1BF5;
	[smem:$0x3FBB] =	sst s0  }
0x18: {  	s0 =	sld [smem:$0x3F9E];
	_ =	swait.ge [sflag:s4], $0x0  }
0x19: {  	s7 =	sld [smem:$0x3F9F]  }
0x1a: {  	s8 =	sadd.s32 $0xFFFFE003, lr  }
0x1b: {  	s9 =	sadd.s32 $0xFFFFFEF7, lr;
	s5 =	simm.s32 $0xFFFFFFFF;
	p2 =	slt.u32 s8, $0xFFFFF086  }
0x1c: {  	p1 =	slt.u32 s9, $0xF7A;
	s5 =	simm.s32 @!p2 $0x0  }
0x1d: {  	s5 =	simm.s32 @p1 $0x1;
	p0 =	seq.s32 s7, s2  }
0x1e: {  	s7 =	smul.u32 @!p0 $0xF7A, s2;
	p2 =	seq.s32 @!p0 s5, $0x0  }
0x1f: {  	s9 =	smul.u32 $0xF7A, s1;
	s8 =	simm.s32 @!p0 $0x1BF5;
	p2 =	por !p2, p0  }
0x20: {  	[sflag:s8] =	ssyncset.s32 @!p0 $0xFFFFF086;
	s6 =	sadd.s32 @!p0 s3, s7;
	s7 =	simm.s32 @!p0 $0x108  }
0x21: {  	s3 =	sadd.s32 s3, s9;
	s6 =	sadd.s32 @!p0 $0x88, s6;
	s7 =	simm.s32 @p2 $0x1082  }
0x22: {  	[simem:s7], [sflag:s8] =	dma.local @!p0 [hbm:s6], $0xF7A  }
0x23: {  	s9 =	sor.u32 $0xD0000000, s2;
	s6 =	simm.s32 $0x108;
	_ =	swait.ge @!p0 [sflag:s8], $0x0  }
0x24: {  	s3 =	sadd.s32 $0x88, s3;
	s6 =	simm.s32 @!p1 $0x1082;
	[sflag:s4] =	ssyncset.s32 $0xFFFFF086  }
0x25: {  	[simem:s6], [sflag:s4] =	dma.local [hbm:s3], $0xF7A  }
0x26: {  	[smem:$0x3F9F] =	sst s1;
	(tag) =	ssettag s2;
	_ =	strace s9  }
0x27: {  	s1 =	sld [smem:$0x3FAF]  }
0x28: {  	s2 =	sld [smem:$0x3FB0]  }
0x29: {  	s4 =	sld [smem:$0x3FB2]  }
0x2a: {  	p0 =	seq.s32 s5, $0x0;
	s5 =	sld [smem:$0x3FB3]  }
0x2b: {  	s6 =	sld [smem:$0x3FB4]  }
0x2c: {  	s7 =	sld [smem:$0x3FB5]  }
0x2d: {  	s3 =	simm.s32 $0x108;
	s8 =	sld [smem:$0x3FB6]  }
0x2e: {  	s3 =	simm.s32 @!p0 $0x1082;
	s9 =	sld [smem:$0x3FB7]  }
0x2f: {  	lr =	sadd.s32 s0, s3;
	s0 =	sld [smem:$0x3FAE]  }
0x30: {  	s3 =	sld [smem:$0x3FB1]  }
0x31: {  	[smem:$0x3FBA] =	sst s10  }
0x32: {  	s10 =	sld [smem:$0x3FB8];
	_ =	sdelay $0x3  }
0x33: {  	p0 =	seq.s32 s10, $0x1;
	s10 =	sld [smem:$0x3FBA];
	_ =	sdelay $0x3  }
0x34: {  	[smem:$0x3FBA] =	sst s10  }
0x35: {  	s10 =	sld [smem:$0x3FB9];
	_ =	sdelay $0x3  }
0x36: {  	p1 =	seq.s32 s10, $0x1;
	s10 =	sld [smem:$0x3FBA];
	_ =	sdelay $0x3  }
0x37: {  	[smem:$0x3FBA] =	sst s10  }
0x38: {  	s10 =	sld [smem:$0x3FBB]  }
0x39: {  	_ = 	snop;
	(pc) =	sbr.ind lr, $3  }
0x3a: {  	_ = 	snop  }
0x3b: {  	_ = 	snop  }
0x3c: {  	p2 =	seq.s32 s10, $0x1;
	s10 =	sld [smem:$0x3FBA]  }
0x3d: {  	_ =	shalt  }
0x3e: {  	_ =	shalt  }
0x3f: {  	_ =	shalt  }
0x40: {  	_ =	shalt  }
0x41: {  	_ =	shalt  }
0x42: {  	_ =	shalt  }
0x43: {  	_ =	shalt  }
0x44: {  	_ =	shalt  }
0x45: {  	_ =	shalt  }
0x46: {  	_ =	shalt  }
0x47: {  	_ =	shalt  }
0x48: {  	_ =	shalt  }
0x49: {  	_ =	shalt  }
0x4a: {  	_ =	shalt  }
0x4b: {  	_ =	shalt  }
0x4c: {  	_ =	shalt  }
0x4d: {  	_ =	shalt  }
0x4e: {  	_ =	shalt  }
0x4f: {  	_ =	shalt  }
0x50: {  	_ =	shalt  }
0x51: {  	_ =	shalt  }
0x52: {  	_ =	shalt  }
0x53: {  	_ =	shalt  }
0x54: {  	_ =	shalt  }
0x55: {  	_ =	shalt  }
0x56: {  	_ =	shalt  }
0x57: {  	_ =	shalt  }
0x58: {  	_ =	shalt  }
0x59: {  	_ =	shalt  }
0x5a: {  	_ =	shalt  }
0x5b: {  	_ =	shalt  }
0x5c: {  	_ =	shalt  }
0x5d: {  	_ =	shalt  }
0x5e: {  	_ =	shalt  }
0x5f: {  	_ =	shalt  }
0x60: {  	_ =	shalt  }
0x61: {  	_ =	shalt  }
0x62: {  	_ =	shalt  }
0x63: {  	_ =	shalt  }
0x64: {  	_ =	shalt  }
0x65: {  	_ =	shalt  }
0x66: {  	_ =	shalt  }
0x67: {  	_ =	shalt  }
0x68: {  	_ =	shalt  }
0x69: {  	_ =	shalt  }
0x6a: {  	_ =	shalt  }
0x6b: {  	_ =	shalt  }
0x6c: {  	_ =	shalt  }
0x6d: {  	_ =	shalt  }
0x6e: {  	_ =	shalt  }
0x6f: {  	_ =	shalt  }
0x70: {  	_ =	shalt  }
0x71: {  	_ =	shalt  }
0x72: {  	_ =	shalt  }
0x73: {  	_ =	shalt  }
0x74: {  	_ =	shalt  }
0x75: {  	_ =	shalt  }
0x76: {  	_ =	shalt  }
0x77: {  	_ =	shalt  }
0x78: {  	_ =	shalt  }
0x79: {  	_ =	shalt  }
0x7a: {  	_ =	shalt  }
0x7b: {  	_ =	shalt  }
0x7c: {  	_ =	shalt  }
0x7d: {  	_ =	shalt  }
0x7e: {  	_ =	shalt  }
0x7f: {  	_ =	shalt  }
0x80: {  	_ =	shalt  }
0x81: {  	_ =	shalt  }
0x82: {  	_ =	shalt  }
0x83: {  	_ =	shalt  }
0x84: {  	_ =	shalt  }
0x85: {  	_ =	shalt  }
0x86: {  	_ =	shalt  }
0x87: {  	_ =	shalt  }
.Lfunc_end0:
.L_simem_size_0:
called_computation_lowered:
.L_overlay_start_0:
0x88: {  	s2 =	sld [smem:$0x3FD9]  }
0x89: {  	s3 =	sld [smem:$0x3FFE];
	_ =	sdelay $0x1  }
0x8a: {  	s1 =	srdreg.scid  }
0x8b: {  	s0 =	sand.u32 $0x1, s1  }
0x8c: {  	s17 =	sshll.u32 s0, $0xA;
	s2 =	sadd.s32 s3, s2  }
0x8d: {  	s2 =	sadd.s32 s2, s17  }
0x8e: {  	[smem:$0x3FC6] =	sst s2  }
0x8f: {  	_ = 	snop  }
0x90: {  	s2 =	sld [smem:$0x3FC9]  }
0x91: {  	s18 =	sld [smem:$0x3FC8];
	(tm) =	ssettm $0x1  }
0x92: {  	s4 =	sld [smem:$0x3FFB];
	_ =	sdelay $0x3  }
0x93: {  	_ =	strace s4  }
0x94: {  	s4 =	sld [smem:$0x3FFC];
	_ =	sdelay $0x3  }
0x95: {  	_ =	strace s4  }
0x96: {  	s4 =	sld [smem:$0x3FFD];
	_ =	sdelay $0x3  }
0x97: {  	_ =	strace s4  }
0x98: {  	_ =	strace $0x8FFFFFFF  }
0x99: {  	s19 =	sld [smem:$0x3FDB];
	_ =	sdelay $0x1  }
0x9a: {  	s5 =	simm.s32 $_scs_section_size  }
0x9b: {  	s6 =	simm.s32 $_size__tile_overlayer_lowered;
	s7 =	simm.s32 $_tile_overlayer_lowered  }
0x9c: {  	s22 =	simm.s32 $0x1BFF;
	s21 =	sshll.u32 s7, $0x1;
	s4 =	sadd.s32 s5, s19  }
0x9d: {  	s8 =	simm.s32 $0x0;
	s20 =	sshll.u32 s6, $0x1;
	s6 =	sadd.s32 s21, s4  }
0x9e: {  	[timem:s8], [sflag:s22] =	dma.local [hbm:s6], s20  }
0x9f: {  	_ =	swait.ge [sflag:s22], s20  }
0xa0: {  	s5 =	ssub.s32 $0x0, s20;
	[sflag:s22] =	ssyncset.done $0x0  }
0xa1: {  	[sflag:s22] =	ssyncadd.s32 s5;
	_ =	sdelay $0x1  }
0xa2: {  	s23 =	simm.s32 $0x1B8B  }
0xa3: {  	_ =	swait.ge [sflag:s23], $0x1  }
0xa4: {  	[sflag:s23] =	ssyncset.done $0x0  }
0xa5: {  	s25 =	simm.s32 $0x1B8E;
	s24 =	sld [smem:$0x3FFE];
	[sflag:s23] =	ssyncadd.s32 $0xFFFFFFFF  }
0xa6: {  	s26 =	simm.s32 $execute0_lowered;
	[smem:$0x3FD2] =	sst s25  }
0xa7: {  	s6 =	sshll.u32 s26, $0x1;
	_ =	strace $0x80000046;
	[dreg:$0x1] =	wrdreg $0xFFFFFFFF  }
0xa8: {  	s28 =	simm.s32 $_size_execute0_lowered;
	s4 =	sadd.s32 s4, s6;
	[dreg:$0x0] =	wrdreg $0x0  }
0xa9: {  	s6 =	sshll.u32 s28, $0x1;
	[dreg:$0x2] =	wrdreg s4  }
0xaa: {  	[dreg:$0x3] =	wrdreg s6  }
0xab: {  	[dreg:$0x4] =	wrdreg $0xC0  }
0xac: {  	_ =	task [dreg:s8], $0x5FFFF  }
0xad: {  	[dreg:$0x1] =	wrdreg $0xFFFFFFFF  }
0xae: {  	[dreg:$0x0] =	wrdreg $0x60  }
0xaf: {  	[dreg:$0x2] =	wrdreg s2  }
0xb0: {  	[dreg:$0x3] =	wrdreg s18  }
0xb1: {  	[dreg:$0x4] =	wrdreg s24  }
0xb2: {  	[dreg:$0x5] =	wrdreg $0x9  }
0xb3: {  	_ =	task.clear_ibuf [dreg:s8], $0x6FFFF;
	_ =	strace $0x90000046  }
0xb4: {  	s29 =	simm.s32 $0x9;
	_ =	strace $0x80000048  }
0xb5: {  	_ =	swait.ge [sflag:s29], $0x1  }
0xb6: {  	[sflag:s29] =	ssyncadd.s32 $0xFFFFFFFF  }
0xb7: {  	_ =	strace $0x90000048  }
0xb8: {  	_ =	sfence  }
0xb9: {  	s30 =	sld [smem:$0x0];
	_ =	sdelay $0x2  }
0xba: {  	s31 =	sshll.u32 s1, $0xD;
	s1 =	sshrl.u32 s1, $0x2  }
0xbb: {  	s3 =	sand.u32 $0x4000, s31;
	s1 =	sadd.s32 s1, s30  }
0xbc: {  	s0 =	sor.u32 s3, s0;
	s1 =	sshll.u32 s1, $0x11  }
0xbd: {  	s0 =	sor.u32 s1, s0  }
0xbe: {  	s0 =	sadd.s32 $0x8F2B, s0  }
0xbf: {  	[sflag:s0] =	ssyncadd.remote.s32 $0x1  }
0xc0: {  	_ =	sfence.sel $0xFFFF  }
0xc1: {  	[dreg:$0x0] =	wrdreg $0xFFFFFFFF;
	(pc) =	sbr.abs _section_cstart, $3  }
0xc2: {  	[dreg:$0x1] =	wrdreg $0xFFFFFFFF  }
0xc3: {  	_ =	task.clear_ibuf [dreg:s8], $0x2FFFF;
	_ =	strace $0x9FFFFFFF  }
0xc4: {  	(tm) =	ssettm $0x7FFFFFFF  }
0xc5: {  	_ =	shalt  }
tec
execute0_lowered:
.L_overlay_start_1:
0x0: {  	(tag) =	ssettag $0x1  }
0x1: {  	s1 =	rddreg [dreg:$0x0]  }
0x2: {  	s0 =	rddreg [dreg:$0x1]  }
0x3: {  	s2 =	rddreg [dreg:$0x2];
	s3 =	srdreg.scid  }
0x4: {  	s9 =	stileid.u32;
	s28 =	simm.s32 $0x2;
	s29 =	simm.s32 $0x3  }
0x5: {  	s30 =	simm.s32 $0x1;
	s4 =	sand.u32 $0x1, s3;
	s3 =	simm.s32 $0x0  }
0x6: {  	s6 =	sshll.u32 s9, $0x1;
	s23 =	sshll.u32 s9, $0x9;
	s5 =	ssub.s32 $0x2, s4  }
0x7: {  	[smem:$0x7FF] =	sst s3;
	s4 =	sor.u32 s4, s6;
	s6 =	sadd.s32 $0x640000, s1  }
0x8: {  	s7 =	sshrl.u32 s5, $0x1;
	_ =	strace $0x80000047;
	s22 =	sshll.u32 s4, $0x2  }
0x9: {  	s8 =	sshll.u32 s4, $0x5;
	s24 =	sshll.u32 s4, $0xC;
	s26 =	sshll.u32 s4, $0x4  }
0xa: {  	vm0 =	vmmov $0x1;
	vm1 =	vcmask $0x308;
	s11 =	sor.u32 $0x20, s4;
	s7 =	ssub.s32 s5, s7;
	s0 =	sadd.s32 s0, s22  }
0xb: {  	vm2 =	vcmask $0x70C;
	vm3 =	vcmask $0xB10;
	vm4 =	vcmask $0xF14;
	s5 =	sand.u32 $0x1C00, s23;
	s25 =	sand.u32 $0x60, s8;
	s8 =	sor.u32 $0x40, s4  }
0xc: {  	vm5 =	vcmask $0x1318;
	vm6 =	vcmask $0x171C;
	vm7 =	vcmask $0x1B20;
	s2 =	sadd.s32 s2, s26;
	[dreg:$0x4] =	wrdreg s0;
	s0 =	sadd.s32 s24, s6  }
0xd: {  	vm8 =	vcmask $0x1F24;
	vm9 =	vcmask $0x2328;
	vm10 =	vcmask $0x272C;
	s4 =	simm.s32 $0x4;
	[dreg:$0x5] =	wrdreg s0;
	s0 =	sor.u32 $0x80, s25  }
0xe: {  	vm11 =	vcmask $0x2B30;
	vm12 =	vcmask $0x2F34;
	s26 =	simm.s32 $0x10100;
	[dreg:$0x6] =	wrdreg s2;
	s31 =	smax.u32 s7, $0x1;
	v0 =	vmov s0  }
0xf: {  	vm13 =	vcmask $0x3338;
	vm14 =	vcmask $0x373C;
	vm15 =	vmmov $0x7fff;
	[dreg:$0x7] =	wrdreg s31;
	s25 =	simm.s32 $0x8100;
	s0 =	simm.s32 $0x0;
	[tilespmem:$0x1FFF0] =	vst v0  }
.LBB2_1:
0x10: {  	s2 =	rddreg [dreg:$0x4]  }
0x11: {  	[tilespmem:s3], [sflag:$0x4] =	stream.linear.gather [hbm4b:s2+s3], $0x20, $0x38;
	[tilespmem:$0x18100] =	vst v63  }
0x12: {  	_ =	swait.ge [sflag:s4], $0x20  }
0x13: {  	[sflag:s4] =	ssyncset.done $0x0  }
0x14: {  	[sflag:s4] =	ssyncadd.s32 $0xFFFFFFE0  }
0x15: {  	v0 =	vld [tilespmem:$0x0];
	_ =	sdelay $0x4  }
0x16: {  	(v2sf) =	vpush v0, $0x0;
	_ =	sdelay $0x4  }
0x17: {  	(v2sf) =	vpush v0, $0x1;
	_ =	sdelay $0x5  }
0x18: {  	(v2sf) =	vpush v0, $0x2;
	_ =	sdelay $0x3  }
0x19: {  	s19 =	spop (v2sf)  }
0x1a: {  	s2 =	sshll.u32 s19, $0xA  }
0x1b: {  	(v2sf) =	vpush v0, $0x3;
	s2 =	sand.u32 $0x7FFFE000, s2  }
0x1c: {  	s2 =	sor.u32 s5, s2  }
0x1d: {  	s2 =	sshrl.u32 s2, $0x3  }
0x1e: {  	s20 =	simm.s32 $0x80;
	s21 =	spop (v2sf);
	s2 =	sadd.s32 s1, s2  }
0x1f: {  	v1 =	vld [tilespmem:$0x10];
	[tilespmem:s20], [sflag:$0x1] =	stream.linear.gather [hbm4b:s2+s3], $0x400, $0x38  }
0x20: {  	s2 =	sshll.u32 s21, $0xA  }
0x21: {  	(v2sf) =	vpush v0, $0x4;
	s2 =	sand.u32 $0x7FFFE000, s2  }
0x22: {  	s2 =	sor.u32 s5, s2  }
0x23: {  	s2 =	sshrl.u32 s2, $0x3  }
0x24: {  	s22 =	simm.s32 $0x480;
	s23 =	spop (v2sf);
	s2 =	sadd.s32 s1, s2  }
0x25: {  	[tilespmem:s22], [sflag:$0x1] =	stream.linear.gather [hbm4b:s2+s3], $0x400, $0x38;
	[tilespmem:$0x18100] =	vst v63  }
0x26: {  	s2 =	sshll.u32 s23, $0xA  }
0x27: {  	(v2sf) =	vpush v0, $0x5;
	s2 =	sand.u32 $0x7FFFE000, s2  }
0x28: {  	s2 =	sor.u32 s5, s2  }
0x29: {  	s2 =	sshrl.u32 s2, $0x3  }
0x2a: {  	s24 =	simm.s32 $0x880;
	s2 =	sadd.s32 s1, s2;
	s7 =	spop (v2sf)  }
0x2b: {  	[tilespmem:s24], [sflag:$0x1] =	stream.linear.gather [hbm4b:s2+s3], $0x400, $0x38;
	[tilespmem:$0x18100] =	vst v63  }
0x2c: {  	s2 =	sshll.u32 s7, $0xA  }
0x2d: {  	(v2sf) =	vpush v0, $0x6;
	s2 =	sand.u32 $0x7FFFE000, s2  }
0x2e: {  	s2 =	sor.u32 s5, s2  }
0x2f: {  	s2 =	sshrl.u32 s2, $0x3  }
0x30: {  	s9 =	simm.s32 $0xC80;
	s10 =	spop (v2sf);
	s2 =	sadd.s32 s1, s2  }
0x31: {  	[tilespmem:s9], [sflag:$0x1] =	stream.linear.gather [hbm4b:s2+s3], $0x400, $0x38;
	[tilespmem:$0x18100] =	vst v63  }
0x32: {  	s2 =	sshll.u32 s10, $0xA  }
0x33: {  	(v2sf) =	vpush v0, $0x7;
	s2 =	sand.u32 $0x7FFFE000, s2  }
0x34: {  	s2 =	sor.u32 s5, s2  }
0x35: {  	s2 =	sshrl.u32 s2, $0x3  }
0x36: {  	s12 =	simm.s32 $0x1080;
	s13 =	spop (v2sf);
	s2 =	sadd.s32 s1, s2  }
0x37: {  	[tilespmem:s12], [sflag:$0x1] =	stream.linear.gather [hbm4b:s2+s3], $0x400, $0x38;
	[tilespmem:$0x18100] =	vst v63  }
0x38: {  	s2 =	sshll.u32 s13, $0xA  }
0x39: {  	(v2sf) =	vpush v0, $0x8;
	s2 =	sand.u32 $0x7FFFE000, s2  }
0x3a: {  	s2 =	sor.u32 s5, s2  }
0x3b: {  	s2 =	sshrl.u32 s2, $0x3  }
0x3c: {  	s14 =	simm.s32 $0x1480;
	s2 =	sadd.s32 s1, s2;
	s15 =	spop (v2sf)  }
0x3d: {  	[tilespmem:s14], [sflag:$0x1] =	stream.linear.gather [hbm4b:s2+s3], $0x400, $0x38;
	[tilespmem:$0x18100] =	vst v63  }
0x3e: {  	s2 =	sshll.u32 s15, $0xA  }
0x3f: {  	(v2sf) =	vpush v0, $0x9;
	s2 =	sand.u32 $0x7FFFE000, s2  }
0x40: {  	s2 =	sor.u32 s5, s2  }
0x41: {  	s2 =	sshrl.u32 s2, $0x3  }
0x42: {  	s16 =	simm.s32 $0x1880;
	s17 =	spop (v2sf);
	s2 =	sadd.s32 s1, s2  }
0x43: {  	[tilespmem:s16], [sflag:$0x1] =	stream.linear.gather [hbm4b:s2+s3], $0x400, $0x38;
	[tilespmem:$0x18100] =	vst v63  }
0x44: {  	s2 =	sshll.u32 s17, $0xA  }
0x45: {  	(v2sf) =	vpush v0, $0xA;
	s2 =	sand.u32 $0x7FFFE000, s2  }
0x46: {  	s2 =	sor.u32 s5, s2  }
0x47: {  	s18 =	simm.s32 $0x1C80;
	s2 =	sshrl.u32 s2, $0x3  }
0x48: {  	[dreg:$0x8] =	wrdreg s19;
	s19 =	spop (v2sf);
	s2 =	sadd.s32 s1, s2  }
0x49: {  	[tilespmem:s18], [sflag:$0x1] =	stream.linear.gather [hbm4b:s2+s3], $0x400, $0x38;
	[tilespmem:$0x18100] =	vst v63  }
0x4a: {  	s2 =	sshll.u32 s19, $0xA  }
0x4b: {  	(v2sf) =	vpush v0, $0xB;
	s2 =	sand.u32 $0x7FFFE000, s2  }
0x4c: {  	s2 =	sor.u32 s5, s2  }
0x4d: {  	[dreg:$0x9] =	wrdreg s21;
	s2 =	sshrl.u32 s2, $0x3  }
0x4e: {  	s20 =	simm.s32 $0x2080;
	s2 =	sadd.s32 s1, s2;
	s21 =	spop (v2sf)  }
0x4f: {  	[tilespmem:s20], [sflag:$0x1] =	stream.linear.gather [hbm4b:s2+s3], $0x400, $0x38;
	[tilespmem:$0x18100] =	vst v63  }
0x50: {  	s2 =	sshll.u32 s21, $0xA  }
0x51: {  	(v2sf) =	vpush v0, $0xC;
	s2 =	sand.u32 $0x7FFFE000, s2  }
0x52: {  	s2 =	sor.u32 s5, s2  }
0x53: {  	[dreg:$0xa] =	wrdreg s23;
	s2 =	sshrl.u32 s2, $0x3  }
0x54: {  	s22 =	simm.s32 $0x2480;
	s23 =	spop (v2sf);
	s2 =	sadd.s32 s1, s2  }
0x55: {  	[tilespmem:s22], [sflag:$0x1] =	stream.linear.gather [hbm4b:s2+s3], $0x400, $0x38;
	[tilespmem:$0x18100] =	vst v63  }
0x56: {  	s2 =	sshll.u32 s23, $0xA  }
0x57: {  	(v2sf) =	vpush v0, $0xD;
	s2 =	sand.u32 $0x7FFFE000, s2  }
0x58: {  	s2 =	sor.u32 s5, s2  }
0x59: {  	[dreg:$0xb] =	wrdreg s7;
	s2 =	sshrl.u32 s2, $0x3  }
0x5a: {  	s24 =	simm.s32 $0x2880;
	s7 =	spop (v2sf);
	s2 =	sadd.s32 s1, s2  }
0x5b: {  	[tilespmem:s24], [sflag:$0x1] =	stream.linear.gather [hbm4b:s2+s3], $0x400, $0x38;
	[tilespmem:$0x18100] =	vst v63  }
0x5c: {  	s2 =	sshll.u32 s7, $0xA  }
0x5d: {  	(v2sf) =	vpush v0, $0xE;
	s2 =	sand.u32 $0x7FFFE000, s2  }
0x5e: {  	s2 =	sor.u32 s5, s2  }
0x5f: {  	[dreg:$0xc] =	wrdreg s10;
	s2 =	sshrl.u32 s2, $0x3  }
0x60: {  	s9 =	simm.s32 $0x2C80;
	s2 =	sadd.s32 s1, s2;
	s10 =	spop (v2sf)  }
0x61: {  	[tilespmem:s9], [sflag:$0x1] =	stream.linear.gather [hbm4b:s2+s3], $0x400, $0x38;
	[tilespmem:$0x18100] =	vst v63  }
0x62: {  	s2 =	sshll.u32 s10, $0xA  }
0x63: {  	(v2sf) =	vpush v0, $0xF;
	s2 =	sand.u32 $0x7FFFE000, s2  }
0x64: {  	s2 =	sor.u32 s5, s2  }
0x65: {  	[dreg:$0xd] =	wrdreg s13;
	s2 =	sshrl.u32 s2, $0x3  }
0x66: {  	s12 =	simm.s32 $0x3080;
	s13 =	spop (v2sf);
	s2 =	sadd.s32 s1, s2  }
0x67: {  	[tilespmem:s12], [sflag:$0x1] =	stream.linear.gather [hbm4b:s2+s3], $0x400, $0x38;
	[tilespmem:$0x18100] =	vst v63  }
0x68: {  	s2 =	sshll.u32 s13, $0xA  }
0x69: {  	(v2sf) =	vpush v1, $0x0;
	s2 =	sand.u32 $0x7FFFE000, s2  }
0x6a: {  	s2 =	sor.u32 s5, s2  }
0x6b: {  	[dreg:$0xe] =	wrdreg s15;
	s2 =	sshrl.u32 s2, $0x3  }
0x6c: {  	s14 =	simm.s32 $0x3480;
	s15 =	spop (v2sf);
	s2 =	sadd.s32 s1, s2  }
0x6d: {  	[tilespmem:s14], [sflag:$0x1] =	stream.linear.gather [hbm4b:s2+s3], $0x400, $0x38;
	[tilespmem:$0x18100] =	vst v63  }
0x6e: {  	s2 =	sshll.u32 s15, $0xA  }
0x6f: {  	(v2sf) =	vpush v1, $0x1;
	s2 =	sand.u32 $0x7FFFE000, s2  }
0x70: {  	s2 =	sor.u32 s5, s2  }
0x71: {  	[dreg:$0xf] =	wrdreg s17;
	s2 =	sshrl.u32 s2, $0x3  }
0x72: {  	s16 =	simm.s32 $0x3880;
	s2 =	sadd.s32 s1, s2;
	s17 =	spop (v2sf)  }
0x73: {  	[tilespmem:s16], [sflag:$0x1] =	stream.linear.gather [hbm4b:s2+s3], $0x400, $0x38;
	[tilespmem:$0x18100] =	vst v63  }
0x74: {  	s2 =	sshll.u32 s17, $0xA  }
0x75: {  	(v2sf) =	vpush v1, $0x2;
	s2 =	sand.u32 $0x7FFFE000, s2  }
0x76: {  	s2 =	sor.u32 s5, s2  }
0x77: {  	[dreg:$0x10] =	wrdreg s19;
	s2 =	sshrl.u32 s2, $0x3  }
0x78: {  	s18 =	simm.s32 $0x3C80;
	s19 =	spop (v2sf);
	s2 =	sadd.s32 s1, s2  }
0x79: {  	[tilespmem:s18], [sflag:$0x1] =	stream.linear.gather [hbm4b:s2+s3], $0x400, $0x38;
	[tilespmem:$0x18100] =	vst v63  }
0x7a: {  	s2 =	sshll.u32 s19, $0xA  }
0x7b: {  	(v2sf) =	vpush v1, $0x3;
	s2 =	sand.u32 $0x7FFFE000, s2  }
0x7c: {  	s2 =	sor.u32 s5, s2  }
0x7d: {  	[dreg:$0x11] =	wrdreg s21;
	s2 =	sshrl.u32 s2, $0x3  }
0x7e: {  	s20 =	simm.s32 $0x4080;
	s21 =	spop (v2sf);
	s2 =	sadd.s32 s1, s2  }
0x7f: {  	[tilespmem:s20], [sflag:$0x1] =	stream.linear.gather [hbm4b:s2+s3], $0x400, $0x38;
	[tilespmem:$0x18100] =	vst v63  }
0x80: {  	s2 =	sshll.u32 s21, $0xA  }
0x81: {  	(v2sf) =	vpush v1, $0x4;
	s2 =	sand.u32 $0x7FFFE000, s2  }
0x82: {  	s2 =	sor.u32 s5, s2  }
0x83: {  	[dreg:$0x12] =	wrdreg s23;
	s2 =	sshrl.u32 s2, $0x3  }
0x84: {  	s22 =	simm.s32 $0x4480;
	s2 =	sadd.s32 s1, s2;
	s23 =	spop (v2sf)  }
0x85: {  	[tilespmem:s22], [sflag:$0x1] =	stream.linear.gather [hbm4b:s2+s3], $0x400, $0x38;
	[tilespmem:$0x18100] =	vst v63  }
0x86: {  	s2 =	sshll.u32 s23, $0xA  }
0x87: {  	(v2sf) =	vpush v1, $0x5;
	s2 =	sand.u32 $0x7FFFE000, s2  }
0x88: {  	s2 =	sor.u32 s5, s2  }
0x89: {  	[dreg:$0x13] =	wrdreg s7;
	s2 =	sshrl.u32 s2, $0x3  }
0x8a: {  	s24 =	simm.s32 $0x4880;
	s7 =	spop (v2sf);
	s2 =	sadd.s32 s1, s2  }
0x8b: {  	[tilespmem:s24], [sflag:$0x1] =	stream.linear.gather [hbm4b:s2+s3], $0x400, $0x38;
	[tilespmem:$0x18100] =	vst v63  }
0x8c: {  	s2 =	sshll.u32 s7, $0xA  }
0x8d: {  	(v2sf) =	vpush v1, $0x6;
	s2 =	sand.u32 $0x7FFFE000, s2  }
0x8e: {  	s2 =	sor.u32 s5, s2  }
0x8f: {  	[dreg:$0x14] =	wrdreg s10;
	s2 =	sshrl.u32 s2, $0x3  }
0x90: {  	s9 =	simm.s32 $0x4C80;
	s10 =	spop (v2sf);
	s2 =	sadd.s32 s1, s2  }
0x91: {  	[tilespmem:s9], [sflag:$0x1] =	stream.linear.gather [hbm4b:s2+s3], $0x400, $0x38;
	[tilespmem:$0x18100] =	vst v63  }
0x92: {  	s2 =	sshll.u32 s10, $0xA  }
0x93: {  	(v2sf) =	vpush v1, $0x7;
	s2 =	sand.u32 $0x7FFFE000, s2  }
0x94: {  	s2 =	sor.u32 s5, s2  }
0x95: {  	[dreg:$0x15] =	wrdreg s13;
	s2 =	sshrl.u32 s2, $0x3  }
0x96: {  	s12 =	simm.s32 $0x5080;
	s2 =	sadd.s32 s1, s2;
	s13 =	spop (v2sf)  }
0x97: {  	[tilespmem:s12], [sflag:$0x1] =	stream.linear.gather [hbm4b:s2+s3], $0x400, $0x38;
	[tilespmem:$0x18100] =	vst v63  }
0x98: {  	s2 =	sshll.u32 s13, $0xA  }
0x99: {  	(v2sf) =	vpush v1, $0x8;
	s2 =	sand.u32 $0x7FFFE000, s2  }
0x9a: {  	s2 =	sor.u32 s5, s2  }
0x9b: {  	[dreg:$0x16] =	wrdreg s15;
	s2 =	sshrl.u32 s2, $0x3  }
0x9c: {  	s14 =	simm.s32 $0x5480;
	s15 =	spop (v2sf);
	s2 =	sadd.s32 s1, s2  }
0x9d: {  	[tilespmem:s14], [sflag:$0x1] =	stream.linear.gather [hbm4b:s2+s3], $0x400, $0x38;
	[tilespmem:$0x18100] =	vst v63  }
0x9e: {  	s2 =	sshll.u32 s15, $0xA  }
0x9f: {  	(v2sf) =	vpush v1, $0x9;
	s2 =	sand.u32 $0x7FFFE000, s2  }
0xa0: {  	s2 =	sor.u32 s5, s2  }
0xa1: {  	[dreg:$0x17] =	wrdreg s17;
	s2 =	sshrl.u32 s2, $0x3  }
0xa2: {  	s16 =	simm.s32 $0x5880;
	s17 =	spop (v2sf);
	s2 =	sadd.s32 s1, s2  }
0xa3: {  	[tilespmem:s16], [sflag:$0x1] =	stream.linear.gather [hbm4b:s2+s3], $0x400, $0x38;
	[tilespmem:$0x18100] =	vst v63  }
0xa4: {  	(v2sf) =	vpush v1, $0xA;
	s2 =	sshll.u32 s17, $0xA  }
0xa5: {  	s2 =	sand.u32 $0x7FFFE000, s2  }
0xa6: {  	s2 =	sor.u32 s5, s2  }
0xa7: {  	[dreg:$0x18] =	wrdreg s19;
	s2 =	sshrl.u32 s2, $0x3  }
0xa8: {  	s18 =	simm.s32 $0x5C80;
	s2 =	sadd.s32 s1, s2;
	s19 =	spop (v2sf)  }
0xa9: {  	[tilespmem:s18], [sflag:$0x1] =	stream.linear.gather [hbm4b:s2+s3], $0x400, $0x38;
	[tilespmem:$0x18100] =	vst v63  }
0xaa: {  	s2 =	sshll.u32 s19, $0xA  }
0xab: {  	s2 =	sand.u32 $0x7FFFE000, s2  }
0xac: {  	(v2sf) =	vpush v1, $0xB;
	s2 =	sor.u32 s5, s2  }
0xad: {  	[dreg:$0x19] =	wrdreg s21;
	s2 =	sshrl.u32 s2, $0x3  }
0xae: {  	s20 =	simm.s32 $0x6080;
	s21 =	spop (v2sf);
	s2 =	sadd.s32 s1, s2  }
0xaf: {  	[tilespmem:s20], [sflag:$0x1] =	stream.linear.gather [hbm4b:s2+s3], $0x400, $0x38;
	[tilespmem:$0x18100] =	vst v63  }
0xb0: {  	(v2sf) =	vpush v1, $0xC;
	s2 =	sshll.u32 s21, $0xA  }
0xb1: {  	s2 =	sand.u32 $0x7FFFE000, s2  }
0xb2: {  	[dreg:$0x1a] =	wrdreg s23;
	s2 =	sor.u32 s5, s2  }
0xb3: {  	[smem:$0x7FC] =	sst s19;
	s19 =	spop (v2sf);
	s2 =	sshrl.u32 s2, $0x3  }
0xb4: {  	s22 =	simm.s32 $0x6480;
	s23 =	sshll.u32 s19, $0xA;
	s2 =	sadd.s32 s1, s2  }
0xb5: {  	(v2sf) =	vpush v1, $0xD;
	[tilespmem:s22], [sflag:$0x1] =	stream.linear.gather [hbm4b:s2+s3], $0x400, $0x38;
	[tilespmem:$0x18100] =	vst v63  }
0xb6: {  	s2 =	sand.u32 $0x7FFFE000, s23  }
0xb7: {  	s2 =	sor.u32 s5, s2  }
0xb8: {  	s2 =	sshrl.u32 s2, $0x3  }
0xb9: {  	s24 =	simm.s32 $0x6880;
	s2 =	sadd.s32 s1, s2  }
0xba: {  	[tilespmem:s24], [sflag:$0x1] =	stream.linear.gather [hbm4b:s2+s3], $0x400, $0x38;
	[tilespmem:$0x18100] =	vst v63  }
0xbb: {  	s20 =	spop (v2sf)  }
0xbc: {  	s4 =	sshll.u32 s20, $0xA  }
0xbd: {  	(v2sf) =	vpush v1, $0xE;
	s2 =	sand.u32 $0x7FFFE000, s4  }
0xbe: {  	[dreg:$0x1b] =	wrdreg s7;
	s2 =	sor.u32 s5, s2  }
0xbf: {  	[smem:$0x7FD] =	sst s21;
	s21 =	spop (v2sf);
	s2 =	sshrl.u32 s2, $0x3  }
0xc0: {  	s7 =	simm.s32 $0x6C80;
	s9 =	sshll.u32 s21, $0xA;
	s2 =	sadd.s32 s1, s2  }
0xc1: {  	(v2sf) =	vpush v1, $0xF;
	[tilespmem:s7], [sflag:$0x1] =	stream.linear.gather [hbm4b:s2+s3], $0x400, $0x38;
	[tilespmem:$0x18100] =	vst v63  }
0xc2: {  	s2 =	sand.u32 $0x7FFFE000, s9  }
0xc3: {  	s2 =	sor.u32 s5, s2  }
0xc4: {  	[dreg:$0x1c] =	wrdreg s10;
	s22 =	spop (v2sf);
	s2 =	sshrl.u32 s2, $0x3  }
0xc5: {  	s10 =	simm.s32 $0x7080;
	s12 =	sshll.u32 s22, $0xA;
	s2 =	sadd.s32 s1, s2  }
0xc6: {  	[tilespmem:s10], [sflag:$0x1] =	stream.linear.gather [hbm4b:s2+s3], $0x400, $0x38;
	[tilespmem:$0x18100] =	vst v63  }
0xc7: {  	s2 =	sand.u32 $0x7FFFE000, s12  }
0xc8: {  	s2 =	sor.u32 s5, s2  }
0xc9: {  	s2 =	sshrl.u32 s2, $0x3  }
0xca: {  	[dreg:$0x1d] =	wrdreg s13;
	s13 =	simm.s32 $0x7480;
	s2 =	sadd.s32 s1, s2  }
0xcb: {  	[tilespmem:s13], [sflag:$0x1] =	stream.linear.gather [hbm4b:s2+s3], $0x400, $0x38;
	[tilespmem:$0x18100] =	vst v63  }
0xcc: {  	s23 =	spop (v2sf)  }
0xcd: {  	s14 =	sshll.u32 s23, $0xA  }
0xce: {  	s2 =	sand.u32 $0x7FFFE000, s14  }
0xcf: {  	s2 =	sor.u32 s5, s2  }
0xd0: {  	[dreg:$0x1e] =	wrdreg s15;
	s24 =	spop (v2sf);
	s2 =	sshrl.u32 s2, $0x3  }
0xd1: {  	s15 =	simm.s32 $0x7880;
	s16 =	sshll.u32 s24, $0xA;
	s2 =	sadd.s32 s1, s2  }
0xd2: {  	[tilespmem:s15], [sflag:$0x1] =	stream.linear.gather [hbm4b:s2+s3], $0x400, $0x38;
	[tilespmem:$0x18100] =	vst v63  }
0xd3: {  	s2 =	sand.u32 $0x7FFFE000, s16  }
0xd4: {  	s2 =	sor.u32 s5, s2  }
0xd5: {  	s2 =	sshrl.u32 s2, $0x3  }
0xd6: {  	[dreg:$0x1f] =	wrdreg s17;
	s17 =	simm.s32 $0x7C80;
	s2 =	sadd.s32 s1, s2  }
0xd7: {  	[tilespmem:s17], [sflag:$0x1] =	stream.linear.gather [hbm4b:s2+s3], $0x400, $0x38;
	[tilespmem:$0x18100] =	vst v63  }
0xd8: {  	v6 =	vimm.f32 $0.0e+00;
	s31 =	simm.s32 $0x0;
	s18 =	rddreg [dreg:$0x5]  }
0xd9: {  	v8 =	vimm.f32 $0.0e+00;
	v9 =	vimm.f32 $0.0e+00;
	v10 =	vimm.f32 $0.0e+00;
	[tilespmem:s25], [sflag:$0x2] =	stream.linear.gather [hbm4b:s18+s3], $0x8000, $0x38;
	[tilespmem:$0x18100] =	vst v63  }
.LBB2_2:
0xda: {  	s7 =	sshll.u32 s31, $0x6  }
0xdb: {  	s4 =	sor.u32 s11, s7  }
0xdc: {  	[tilespmem:$0x1FFA0] =	vst v10;
	s2 =	sshll.u32 s4, $0x5  }
0xdd: {  	[tilespmem:$0x1FFB0] =	vst v9;
	s2 =	smin.u32 s2, $0xBE80  }
0xde: {  	[tilespmem:$0x1FFC0] =	vst v8;
	s2 =	sshll.u32 s2, $0x7  }
0xdf: {  	[tilespmem:$0x1FFD0] =	vst v6;
	s9 =	simm.s32 $0x0;
	s2 =	sadd.s32 s2, s6  }
0xe0: {  	[tilespmem:s26], [sflag:$0x3] =	stream.linear.gather [hbm4b:s2+s9], $0x8000, $0x38;
	[tilespmem:$0x18100] =	vst v63  }
0xe1: {  	s10 =	sand.u32 $0x1C00, s9;
	s13 =	sor.u32 s9, s9;
	_ =	swait.ge [sflag:s28], $0x8000  }
0xe2: {  	s13 =	sor.u32 $0x380, s13;
	s2 =	sand.u32 $0x60, s9;
	[sflag:s28] =	ssyncset.done $0x0  }
0xe3: {  	s14 =	sor.u32 $0xE300, s10;
	s12 =	sor.u32 $0x10, s2;
	[sflag:s28] =	ssyncadd.s32 $0xFFFF8000  }
0xe4: {  	s18 =	sor.u32 $0xE380, s10;
	s15 =	sor.u32 s12, s14;
	v9 =	vld [tilespmem:s13+$0x8100]  }
0xe5: {  	s16 =	sor.u32 s12, s18;
	v0 =	vld [tilespmem:s15+$0x0]  }
0xe6: {  	s14 =	sor.u32 s2, s14;
	v29 =	vld [tilespmem:s16+$0x0]  }
0xe7: {  	s17 =	sor.u32 $0xE100, s10;
	v31 =	vld [tilespmem:s14+$0x0];
	s13 =	sor.u32 s2, s18  }
0xe8: {  	s16 =	sor.u32 s12, s17;
	v32 =	vld [tilespmem:s13+$0x0]  }
0xe9: {  	s18 =	sor.u32 $0xE180, s10;
	s15 =	sor.u32 s2, s17;
	v33 =	vld [tilespmem:s16+$0x0]  }
0xea: {  	s16 =	sor.u32 s12, s18;
	v35 =	vld [tilespmem:s15+$0x0]  }
0xeb: {  	s13 =	sor.u32 $0xC300, s10;
	s14 =	sor.u32 s2, s18;
	v34 =	vld [tilespmem:s16+$0x0]  }
0xec: {  	s15 =	sor.u32 $0xC380, s10;
	s17 =	sor.u32 s12, s13;
	v36 =	vld [tilespmem:s14+$0x0]  }
0xed: {  	s18 =	sor.u32 s12, s15;
	v28 =	vld [tilespmem:s17+$0x0]  }
0xee: {  	s13 =	sor.u32 s2, s13;
	v30 =	vld [tilespmem:s18+$0x0]  }
0xef: {  	s14 =	sor.u32 $0xC100, s10;
	s16 =	sor.u32 s2, s15;
	v27 =	vld [tilespmem:s13+$0x0]  }
0xf0: {  	s15 =	sor.u32 $0xC180, s10;
	s17 =	sor.u32 s12, s14;
	v1 =	vld [tilespmem:s16+$0x0]  }
0xf1: {  	s18 =	sor.u32 s12, s15;
	v2 =	vld [tilespmem:s17+$0x0]  }
0xf2: {  	s14 =	sor.u32 s2, s14;
	v3 =	vld [tilespmem:s18+$0x0]  }
0xf3: {  	s13 =	sor.u32 $0xA300, s10;
	s16 =	sor.u32 s2, s15;
	v4 =	vld [tilespmem:s14+$0x0]  }
0xf4: {  	s18 =	sor.u32 s12, s13;
	v5 =	vld [tilespmem:s16+$0x0]  }
0xf5: {  	s17 =	sor.u32 $0xA380, s10;
	s13 =	sor.u32 s2, s13;
	v18 =	vld [tilespmem:s18+$0x0]  }
0xf6: {  	s16 =	sor.u32 s12, s17;
	v16 =	vld [tilespmem:s13+$0x0]  }
0xf7: {  	s14 =	sor.u32 $0xA100, s10;
	s17 =	sor.u32 s2, s17;
	v19 =	vld [tilespmem:s16+$0x0]  }
0xf8: {  	s18 =	sor.u32 s12, s14;
	v17 =	vld [tilespmem:s17+$0x0]  }
0xf9: {  	s15 =	sor.u32 $0xA180, s10;
	s14 =	sor.u32 s2, s14;
	v14 =	vld [tilespmem:s18+$0x0]  }
0xfa: {  	s17 =	sor.u32 s12, s15;
	v12 =	vld [tilespmem:s14+$0x0]  }
0xfb: {  	s18 =	sor.u32 $0x8100, s10;
	s16 =	sor.u32 s2, s15;
	v15 =	vld [tilespmem:s17+$0x0]  }
0xfc: {  	s17 =	sor.u32 s12, s18;
	v13 =	vld [tilespmem:s16+$0x0]  }
0xfd: {  	v10 =	vld [tilespmem:s17+$0x200]  }
0xfe: {  	s13 =	sor.u32 s2, s18;
	v11 =	vld [tilespmem:s17+$0x280]  }
0xff: {  	v8 =	vld [tilespmem:s13+$0x200]  }
0x100: {  	v6 =	vld [tilespmem:s17+$0x0]  }
0x101: {  	v7 =	vld [tilespmem:s17+$0x80]  }
0x102: {  	[tilespmem:$0x1FFE0] =	vst v0;
	v0 =	vld [tilespmem:s13+$0x0]  }
0x103: {  	v21 =	vld [tilespmem:s13+$0x80]  }
0x104: {  	v22 =	vld [tilespmem:s13+$0x100]  }
0x105: {  	s18 =	sand.u32 $0x3, s9;
	v23 =	vld [tilespmem:s13+$0x180]  }
0x106: {  	s14 =	sshll.u32 s18, $0x5;
	v24 =	vld [tilespmem:s17+$0x100]  }
0x107: {  	v25 =	vld [tilespmem:s17+$0x180];
	s14 =	sadd.s32 $0x0, s14  }
0x108: {  	v26 =	vld [tilespmem:s13+$0x280];
	s15 =	sor.u32 $0x300, s14;
	s14 =	sadd.s32 $0x10, s14  }
0x109: {  	v47 =	vld [tilespmem:s15+$0x8100];
	s16 =	sor.u32 $0x300, s14  }
0x10a: {  	s18 =	sor.u32 $0xA200, s10;
	s17 =	sor.u32 $0x380, s14;
	v48 =	vld [tilespmem:s16+$0x8100]  }
0x10b: {  	s15 =	sor.u32 s2, s18;
	v49 =	vld [tilespmem:s17+$0x8100]  }
0x10c: {  	s18 =	sor.u32 s12, s18;
	s16 =	sor.u32 $0xA280, s10;
	v50 =	vld [tilespmem:s15+$0x0]  }
0x10d: {  	v52 =	vld [tilespmem:s18+$0x0];
	s17 =	sor.u32 s2, s16  }
0x10e: {  	s15 =	sadd.s32 $0xA400, s10;
	s14 =	sor.u32 s12, s16;
	v51 =	vld [tilespmem:s17+$0x0]  }
0x10f: {  	s16 =	sor.u32 s2, s15;
	v53 =	vld [tilespmem:s14+$0x0]  }
0x110: {  	s17 =	sadd.s32 $0xA480, s10;
	v54 =	vld [tilespmem:s16+$0x0];
	s16 =	sor.u32 s12, s15  }
0x111: {  	s18 =	sor.u32 s2, s17;
	v56 =	vld [tilespmem:s16+$0x0]  }
0x112: {  	s17 =	sor.u32 s12, s17;
	s16 =	sor.u32 $0xC280, s10;
	v55 =	vld [tilespmem:s18+$0x0]  }
0x113: {  	v57 =	vld [tilespmem:s17+$0x0];
	s17 =	sor.u32 s2, s16  }
0x114: {  	s18 =	sor.u32 $0xC200, s10;
	s14 =	sor.u32 s12, s16;
	v59 =	vld [tilespmem:s17+$0x0]  }
0x115: {  	s15 =	sor.u32 s2, s18;
	v61 =	vld [tilespmem:s14+$0x0]  }
0x116: {  	s18 =	sor.u32 s12, s18;
	s17 =	sadd.s32 $0xC480, s10;
	v58 =	vld [tilespmem:s15+$0x0]  }
0x117: {  	v60 =	vld [tilespmem:s18+$0x0];
	s18 =	sor.u32 s2, s17  }
0x118: {  	s15 =	sadd.s32 $0xC400, s10;
	s17 =	sor.u32 s12, s17;
	v63 =	vld [tilespmem:s18+$0x0]  }
0x119: {  	s16 =	sor.u32 s2, s15;
	v45 =	vld [tilespmem:s17+$0x0]  }
0x11a: {  	s18 =	sor.u32 $0xE200, s10;
	v62 =	vld [tilespmem:s16+$0x0];
	s16 =	sor.u32 s12, s15  }
0x11b: {  	s15 =	sor.u32 s2, s18;
	v44 =	vld [tilespmem:s16+$0x0]  }
0x11c: {  	s18 =	sor.u32 s12, s18;
	s16 =	sor.u32 $0xE280, s10;
	v38 =	vld [tilespmem:s15+$0x0]  }
0x11d: {  	v37 =	vld [tilespmem:s18+$0x0];
	s17 =	sor.u32 s2, s16  }
0x11e: {  	v20 =	vimm.f32 $0.0e+00;
	s15 =	sadd.s32 $0xE400, s10;
	s14 =	sor.u32 s12, s16;
	v42 =	vld [tilespmem:s17+$0x0]  }
0x11f: {  	v0 =	vadd.f32 v0, v20;
	v21 =	vadd.f32 v21, v20;
	s16 =	sor.u32 s2, s15;
	v40 =	vld [tilespmem:s14+$0x0]  }
0x120: {  	v22 =	vadd.f32 v22, v20;
	v23 =	vadd.f32 v23, v20;
	s18 =	simm.s32 $0x20;
	s17 =	sadd.s32 $0xE480, s10;
	v39 =	vld [tilespmem:s16+$0x0];
	s14 =	sor.u32 s12, s15  }
0x121: {  	s13 =	simm.s32 $0x100;
	v0 =	vadd.f32 v6, v0;
	v21 =	vadd.f32 v7, v21;
	s10 =	sand.u32 $0x60, s18;
	s2 =	sor.u32 s2, s17;
	v43 =	vld [tilespmem:s14+$0x0]  }
0x122: {  	v22 =	vadd.f32 v24, v22;
	v23 =	vadd.f32 v25, v23;
	s16 =	sor.u32 s13, s18;
	s17 =	sor.u32 s12, s17;
	v41 =	vld [tilespmem:s2+$0x0];
	s2 =	sand.u32 $0x1C00, s13  }
0x123: {  	v0 =	vadd.f32 v8, v0;
	v21 =	vadd.f32 v26, v21;
	s12 =	sor.u32 $0x10, s10;
	s15 =	sor.u32 $0x380, s16;
	v46 =	vld [tilespmem:s17+$0x0];
	s16 =	sor.u32 $0xE300, s2  }
0x124: {  	v22 =	vadd.f32 v47, v22;
	v23 =	vadd.f32 v9, v23;
	v20 =	vld [tilespmem:s15+$0x8100];
	s17 =	sor.u32 s12, s16  }
0x125: {  	v0 =	vadd.f32 v10, v0;
	v21 =	vadd.f32 v11, v21;
	s18 =	sor.u32 $0xE380, s2;
	s16 =	sor.u32 s10, s16;
	v6 =	vld [tilespmem:s17+$0x0]  }
0x126: {  	v22 =	vadd.f32 v48, v22;
	v23 =	vadd.f32 v49, v23;
	s14 =	sor.u32 s10, s18;
	v8 =	vld [tilespmem:s16+$0x0]  }
0x127: {  	v0 =	vadd.f32 v12, v0;
	v21 =	vadd.f32 v13, v21;
	s15 =	sor.u32 $0xE100, s2;
	s17 =	sor.u32 s12, s18;
	v9 =	vld [tilespmem:s14+$0x0]  }
0x128: {  	v22 =	vadd.f32 v50, v22;
	v23 =	vadd.f32 v51, v23;
	s18 =	sor.u32 s12, s15;
	v7 =	vld [tilespmem:s17+$0x0]  }
0x129: {  	v0 =	vadd.f32 v14, v0;
	v21 =	vadd.f32 v15, v21;
	s16 =	sor.u32 $0xE180, s2;
	s15 =	sor.u32 s10, s15;
	v10 =	vld [tilespmem:s18+$0x0]  }
0x12a: {  	v22 =	vadd.f32 v52, v22;
	v23 =	vadd.f32 v53, v23;
	s18 =	sor.u32 s12, s16;
	v12 =	vld [tilespmem:s15+$0x0]  }
0x12b: {  	v0 =	vadd.f32 v16, v0;
	v21 =	vadd.f32 v17, v21;
	s14 =	sor.u32 $0xC300, s2;
	s17 =	sor.u32 s10, s16;
	v11 =	vld [tilespmem:s18+$0x0]  }
0x12c: {  	v22 =	vadd.f32 v54, v22;
	v23 =	vadd.f32 v55, v23;
	s18 =	sor.u32 s12, s14;
	v13 =	vld [tilespmem:s17+$0x0]  }
0x12d: {  	v0 =	vadd.f32 v18, v0;
	v21 =	vadd.f32 v19, v21;
	s16 =	sor.u32 $0xC380, s2;
	s14 =	sor.u32 s10, s14;
	v14 =	vld [tilespmem:s18+$0x0]  }
0x12e: {  	v22 =	vadd.f32 v56, v22;
	v23 =	vadd.f32 v57, v23;
	s17 =	sor.u32 s10, s16;
	v16 =	vld [tilespmem:s14+$0x0]  }
0x12f: {  	s15 =	sor.u32 $0xC100, s2;
	v0 =	vadd.f32 v4, v0;
	v4 =	vadd.f32 v5, v21;
	s18 =	sor.u32 s12, s16;
	v17 =	vld [tilespmem:s17+$0x0]  }
0x130: {  	v5 =	vadd.f32 v58, v22;
	v24 =	vadd.f32 v59, v23;
	v15 =	vld [tilespmem:s18+$0x0];
	s18 =	sor.u32 s12, s15  }
0x131: {  	s16 =	sor.u32 $0xC180, s2;
	v59 =	vadd.f32 v3, v4;
	s15 =	sor.u32 s10, s15;
	v18 =	vld [tilespmem:s18+$0x0]  }
0x132: {  	v3 =	vadd.f32 v60, v5;
	v4 =	vadd.f32 v61, v24;
	s17 =	sor.u32 s10, s16;
	v21 =	vld [tilespmem:s15+$0x0]  }
0x133: {  	v22 =	vld [tilespmem:s17+$0x0]  }
0x134: {  	s14 =	sor.u32 $0xA300, s2;
	s18 =	sor.u32 s12, s16;
	v62 =	vadd.f32 v62, v3;
	v3 =	vadd.f32 v63, v4;
	v4 =	vld [tilespmem:$0x1FFE0]  }
0x135: {  	v19 =	vld [tilespmem:s18+$0x0];
	s18 =	sor.u32 s12, s14  }
0x136: {  	v0 =	vadd.f32 v2, v0;
	s16 =	sor.u32 $0xA380, s2;
	s14 =	sor.u32 s10, s14;
	v23 =	vld [tilespmem:s18+$0x0]  }
0x137: {  	s17 =	sor.u32 s10, s16;
	v25 =	vld [tilespmem:s14+$0x0]  }
0x138: {  	v0 =	vadd.f32 v27, v0;
	v1 =	vadd.f32 v1, v59;
	s15 =	sor.u32 $0xA100, s2;
	s18 =	sor.u32 s12, s16;
	v26 =	vld [tilespmem:s17+$0x0]  }
0x139: {  	s16 =	sor.u32 $0xA180, s2;
	v24 =	vld [tilespmem:s18+$0x0];
	s18 =	sor.u32 s12, s15  }
0x13a: {  	v0 =	vadd.f32 v28, v0;
	v1 =	vadd.f32 v30, v1;
	s17 =	sor.u32 s12, s16;
	v27 =	vld [tilespmem:s18+$0x0]  }
0x13b: {  	v2 =	vadd.f32 v44, v62;
	v3 =	vadd.f32 v45, v3;
	s15 =	sor.u32 s10, s15;
	v30 =	vld [tilespmem:s17+$0x0]  }
0x13c: {  	s16 =	sor.u32 s10, s16;
	v0 =	vadd.f32 v35, v0;
	v1 =	vadd.f32 v36, v1;
	s18 =	sor.u32 $0x8100, s2;
	v35 =	vld [tilespmem:s15+$0x0]  }
0x13d: {  	v2 =	vadd.f32 v38, v2;
	v3 =	vadd.f32 v42, v3;
	v38 =	vld [tilespmem:s16+$0x0];
	s15 =	sor.u32 s12, s18  }
0x13e: {  	v0 =	vadd.f32 v33, v0;
	v1 =	vadd.f32 v34, v1;
	v47 =	vld [tilespmem:s15+$0x200]  }
0x13f: {  	s16 =	sor.u32 s10, s18;
	v2 =	vadd.f32 v37, v2;
	v3 =	vadd.f32 v40, v3;
	v48 =	vld [tilespmem:s15+$0x280]  }
0x140: {  	v53 =	vld [tilespmem:s16+$0x200];
	v0 =	vadd.f32 v31, v0;
	v1 =	vadd.f32 v32, v1  }
0x141: {  	v61 =	vld [tilespmem:s15+$0x0];
	v2 =	vadd.f32 v39, v2;
	v3 =	vadd.f32 v41, v3  }
0x142: {  	v5 =	vld [tilespmem:s15+$0x80];
	v41 =	vadd.f32 v4, v0;
	v42 =	vadd.f32 v29, v1  }
0x143: {  	s14 =	simm.s32 $0x40;
	v49 =	vld [tilespmem:s16+$0x0];
	v43 =	vadd.f32 v43, v2;
	v44 =	vadd.f32 v46, v3  }
.LBB2_3:
0x144: {  	p0 =	sne.s32 s14, $0x3E0;
	v0 =	vld [tilespmem:s16+$0x80]  }
0x145: {  	s9 =	sadd.s32 $0x1, s9;
	v1 =	vld [tilespmem:s16+$0x100]  }
0x146: {  	s17 =	sand.u32 $0x3, s9;
	v2 =	vld [tilespmem:s16+$0x180]  }
0x147: {  	s17 =	sshll.u32 s17, $0x5;
	v3 =	vld [tilespmem:s15+$0x100]  }
0x148: {  	v4 =	vld [tilespmem:s15+$0x180];
	s15 =	sadd.s32 s17, s13  }
0x149: {  	v28 =	vld [tilespmem:s16+$0x280];
	s16 =	sor.u32 $0x300, s15;
	s15 =	sadd.s32 $0x10, s15  }
0x14a: {  	v29 =	vadd.f32 v49, v41;
	v0 =	vadd.f32 v0, v42;
	v31 =	vld [tilespmem:s16+$0x8100];
	s16 =	sor.u32 $0x300, s15  }
0x14b: {  	v1 =	vadd.f32 v1, v43;
	s15 =	sor.u32 $0x380, s15;
	v2 =	vadd.f32 v2, v44;
	v32 =	vld [tilespmem:s16+$0x8100];
	s16 =	sor.u32 $0xA200, s2  }
0x14c: {  	s17 =	sor.u32 $0xA280, s2;
	v29 =	vadd.f32 v61, v29;
	v0 =	vadd.f32 v5, v0;
	v5 =	vld [tilespmem:s15+$0x8100];
	s15 =	sor.u32 s10, s16  }
0x14d: {  	v1 =	vadd.f32 v3, v1;
	v2 =	vadd.f32 v4, v2;
	v3 =	vld [tilespmem:s15+$0x0];
	s15 =	sor.u32 s10, s17  }
0x14e: {  	v4 =	vadd.f32 v53, v29;
	v0 =	vadd.f32 v28, v0;
	v28 =	vld [tilespmem:s15+$0x0];
	s15 =	sor.u32 s12, s16  }
0x14f: {  	s16 =	sadd.s32 $0xA400, s2;
	v1 =	vadd.f32 v31, v1;
	v2 =	vadd.f32 v20, v2;
	v20 =	vld [tilespmem:s15+$0x0];
	s15 =	sor.u32 s12, s17  }
0x150: {  	v4 =	vadd.f32 v47, v4;
	s17 =	sadd.s32 $0xA480, s2;
	v0 =	vadd.f32 v48, v0;
	v29 =	vld [tilespmem:s15+$0x0];
	s15 =	sor.u32 s10, s16  }
0x151: {  	v1 =	vadd.f32 v32, v1;
	v2 =	vadd.f32 v5, v2;
	v5 =	vld [tilespmem:s15+$0x0];
	s15 =	sor.u32 s10, s17  }
0x152: {  	v4 =	vadd.f32 v35, v4;
	v0 =	vadd.f32 v38, v0;
	v31 =	vld [tilespmem:s15+$0x0];
	s15 =	sor.u32 s12, s16  }
0x153: {  	s16 =	sor.u32 $0xC200, s2;
	v1 =	vadd.f32 v3, v1;
	v2 =	vadd.f32 v28, v2;
	v3 =	vld [tilespmem:s15+$0x0];
	s15 =	sor.u32 s12, s17  }
0x154: {  	v4 =	vadd.f32 v27, v4;
	s17 =	sor.u32 $0xC280, s2;
	v0 =	vadd.f32 v30, v0;
	v27 =	vld [tilespmem:s15+$0x0];
	s15 =	sor.u32 s10, s16  }
0x155: {  	v1 =	vadd.f32 v20, v1;
	v2 =	vadd.f32 v29, v2;
	v20 =	vld [tilespmem:s15+$0x0];
	s15 =	sor.u32 s10, s17  }
0x156: {  	v4 =	vadd.f32 v25, v4;
	v0 =	vadd.f32 v26, v0;
	v25 =	vld [tilespmem:s15+$0x0];
	s15 =	sor.u32 s12, s16  }
0x157: {  	s16 =	sadd.s32 $0xC400, s2;
	v1 =	vadd.f32 v5, v1;
	v2 =	vadd.f32 v31, v2;
	v5 =	vld [tilespmem:s15+$0x0];
	s15 =	sor.u32 s12, s17  }
0x158: {  	v4 =	vadd.f32 v23, v4;
	s17 =	sadd.s32 $0xC480, s2;
	v0 =	vadd.f32 v24, v0;
	v23 =	vld [tilespmem:s15+$0x0];
	s15 =	sor.u32 s10, s16  }
0x159: {  	v1 =	vadd.f32 v3, v1;
	v2 =	vadd.f32 v27, v2;
	v3 =	vld [tilespmem:s15+$0x0];
	s15 =	sor.u32 s10, s17  }
0x15a: {  	v4 =	vadd.f32 v21, v4;
	v0 =	vadd.f32 v22, v0;
	v21 =	vld [tilespmem:s15+$0x0];
	s15 =	sor.u32 s12, s16  }
0x15b: {  	s16 =	sor.u32 $0xE200, s2;
	v1 =	vadd.f32 v20, v1;
	v2 =	vadd.f32 v25, v2;
	v20 =	vld [tilespmem:s15+$0x0];
	s15 =	sor.u32 s12, s17  }
0x15c: {  	v4 =	vadd.f32 v18, v4;
	s17 =	sor.u32 $0xE280, s2;
	v0 =	vadd.f32 v19, v0;
	v18 =	vld [tilespmem:s15+$0x0];
	s15 =	sor.u32 s10, s16  }
0x15d: {  	v1 =	vadd.f32 v5, v1;
	v2 =	vadd.f32 v23, v2;
	v5 =	vld [tilespmem:s15+$0x0];
	s15 =	sor.u32 s10, s17  }
0x15e: {  	v4 =	vadd.f32 v16, v4;
	v0 =	vadd.f32 v17, v0;
	v16 =	vld [tilespmem:s15+$0x0];
	s15 =	sor.u32 s12, s16  }
0x15f: {  	s16 =	sadd.s32 $0xE400, s2;
	v1 =	vadd.f32 v3, v1;
	v2 =	vadd.f32 v21, v2;
	v3 =	vld [tilespmem:s15+$0x0];
	s15 =	sor.u32 s12, s17  }
0x160: {  	v4 =	vadd.f32 v14, v4;
	s17 =	sadd.s32 $0xE480, s2;
	v0 =	vadd.f32 v15, v0;
	v14 =	vld [tilespmem:s15+$0x0];
	s15 =	sor.u32 s10, s16  }
0x161: {  	s2 =	sor.u32 s10, s17;
	v1 =	vadd.f32 v20, v1;
	v2 =	vadd.f32 v18, v2;
	v15 =	vld [tilespmem:s15+$0x0]  }
0x162: {  	s13 =	sadd.s32 $0x100, s13;
	s10 =	sand.u32 $0x60, s14;
	v4 =	vadd.f32 v12, v4;
	s15 =	sor.u32 s12, s16;
	v0 =	vadd.f32 v13, v0;
	v12 =	vld [tilespmem:s2+$0x0]  }
0x163: {  	s16 =	sor.u32 s13, s14;
	s2 =	sand.u32 $0x1C00, s13;
	v1 =	vadd.f32 v5, v1;
	v2 =	vadd.f32 v16, v2;
	v5 =	vld [tilespmem:s15+$0x0];
	s15 =	sor.u32 s12, s17  }
0x164: {  	s16 =	sor.u32 $0x380, s16;
	s12 =	sor.u32 $0x10, s10;
	s17 =	sor.u32 $0xE300, s2;
	v4 =	vadd.f32 v10, v4;
	v0 =	vadd.f32 v11, v0;
	v10 =	vld [tilespmem:s15+$0x0]  }
0x165: {  	s15 =	sor.u32 $0xE380, s2;
	v20 =	vld [tilespmem:s16+$0x8100];
	s16 =	sor.u32 s12, s17;
	v1 =	vadd.f32 v3, v1;
	v2 =	vadd.f32 v14, v2  }
0x166: {  	v4 =	vadd.f32 v8, v4;
	v3 =	vld [tilespmem:s16+$0x0];
	s16 =	sor.u32 s12, s15;
	v0 =	vadd.f32 v9, v0  }
0x167: {  	s17 =	sor.u32 s10, s17;
	v13 =	vld [tilespmem:s16+$0x0];
	v1 =	vadd.f32 v15, v1;
	v2 =	vadd.f32 v12, v2  }
0x168: {  	s15 =	sor.u32 s10, s15;
	s16 =	sor.u32 $0xE100, s2;
	v41 =	vadd.f32 v6, v4;
	v8 =	vld [tilespmem:s17+$0x0];
	v42 =	vadd.f32 v7, v0  }
0x169: {  	s17 =	sor.u32 $0xE180, s2;
	s18 =	sor.u32 s12, s16;
	v9 =	vld [tilespmem:s15+$0x0];
	v43 =	vadd.f32 v5, v1;
	v44 =	vadd.f32 v10, v2  }
0x16a: {  	s15 =	sor.u32 s12, s17;
	v10 =	vld [tilespmem:s18+$0x0]  }
0x16b: {  	s16 =	sor.u32 s10, s16;
	v11 =	vld [tilespmem:s15+$0x0];
	v6 =	vmov v3  }
0x16c: {  	s15 =	sor.u32 $0xC300, s2;
	v12 =	vld [tilespmem:s16+$0x0];
	s16 =	sor.u32 s10, s17;
	v7 =	vmov v13  }
0x16d: {  	s17 =	sor.u32 $0xC380, s2;
	s18 =	sor.u32 s12, s15;
	v13 =	vld [tilespmem:s16+$0x0]  }
0x16e: {  	s16 =	sor.u32 s12, s17;
	v14 =	vld [tilespmem:s18+$0x0]  }
0x16f: {  	s15 =	sor.u32 s10, s15;
	v15 =	vld [tilespmem:s16+$0x0]  }
0x170: {  	s16 =	sor.u32 $0xC100, s2;
	v16 =	vld [tilespmem:s15+$0x0];
	s15 =	sor.u32 s10, s17  }
0x171: {  	s17 =	sor.u32 $0xC180, s2;
	s18 =	sor.u32 s12, s16;
	v17 =	vld [tilespmem:s15+$0x0]  }
0x172: {  	s15 =	sor.u32 s12, s17;
	v18 =	vld [tilespmem:s18+$0x0]  }
0x173: {  	s16 =	sor.u32 s10, s16;
	v19 =	vld [tilespmem:s15+$0x0]  }
0x174: {  	s15 =	sor.u32 $0xA300, s2;
	v21 =	vld [tilespmem:s16+$0x0];
	s16 =	sor.u32 s10, s17  }
0x175: {  	s17 =	sor.u32 $0xA380, s2;
	s18 =	sor.u32 s12, s15;
	v22 =	vld [tilespmem:s16+$0x0]  }
0x176: {  	s16 =	sor.u32 s12, s17;
	v23 =	vld [tilespmem:s18+$0x0]  }
0x177: {  	s15 =	sor.u32 s10, s15;
	v24 =	vld [tilespmem:s16+$0x0]  }
0x178: {  	s16 =	sor.u32 $0xA100, s2;
	v25 =	vld [tilespmem:s15+$0x0];
	s15 =	sor.u32 s10, s17  }
0x179: {  	s17 =	sor.u32 $0xA180, s2;
	s18 =	sor.u32 s12, s16;
	v26 =	vld [tilespmem:s15+$0x0]  }
0x17a: {  	s15 =	sor.u32 s12, s17;
	v27 =	vld [tilespmem:s18+$0x0]  }
0x17b: {  	s16 =	sor.u32 s10, s16;
	v30 =	vld [tilespmem:s15+$0x0]  }
0x17c: {  	s18 =	sor.u32 $0x8100, s2;
	v35 =	vld [tilespmem:s16+$0x0];
	s16 =	sor.u32 s10, s17  }
0x17d: {  	s15 =	sor.u32 s12, s18;
	v38 =	vld [tilespmem:s16+$0x0]  }
0x17e: {  	v47 =	vld [tilespmem:s15+$0x200]  }
.Ltmp0:
0x17f: {  	s16 =	sor.u32 s10, s18;
	v48 =	vld [tilespmem:s15+$0x280];
	(pc) =	sbr.rel @p0 .LBB2_3-.Ltmp0, $4  }
0x180: {  	v53 =	vld [tilespmem:s16+$0x200]  }
0x181: {  	v61 =	vld [tilespmem:s15+$0x0]  }
0x182: {  	v5 =	vld [tilespmem:s15+$0x80]  }
0x183: {  	s14 =	sadd.s32 $0x20, s14;
	v49 =	vld [tilespmem:s16+$0x0]  }
0x184: {  	v3 =	vld [tilespmem:s16+$0x80]  }
0x185: {  	v4 =	vld [tilespmem:s16+$0x100]  }
0x186: {  	v2 =	vld [tilespmem:s16+$0x180]  }
0x187: {  	s9 =	sadd.s32 $0x1, s9;
	v29 =	vld [tilespmem:s15+$0x100]  }
0x188: {  	v33 =	vld [tilespmem:s16+$0x280];
	s16 =	sor.u32 $0xA200, s2;
	s9 =	sand.u32 $0x3, s9  }
0x189: {  	v28 =	vld [tilespmem:s15+$0x180];
	s14 =	sor.u32 $0xA280, s2;
	s17 =	sor.u32 s10, s16;
	s9 =	sshll.u32 s9, $0x5  }
0x18a: {  	s18 =	sor.u32 s10, s14;
	v40 =	vld [tilespmem:s17+$0x0];
	s9 =	sadd.s32 s9, s13  }
0x18b: {  	v39 =	vld [tilespmem:s18+$0x0];
	s13 =	sor.u32 $0x300, s9;
	s9 =	sadd.s32 $0x10, s9  }
0x18c: {  	v31 =	vld [tilespmem:s13+$0x8100];
	s15 =	sor.u32 $0x300, s9  }
0x18d: {  	s13 =	sor.u32 s12, s16;
	v37 =	vld [tilespmem:s15+$0x8100];
	s15 =	sadd.s32 $0xA400, s2  }
0x18e: {  	v51 =	vld [tilespmem:s13+$0x0];
	s16 =	sor.u32 s10, s15  }
0x18f: {  	s13 =	sor.u32 s12, s15;
	s15 =	sor.u32 $0xC200, s2;
	v54 =	vld [tilespmem:s16+$0x0]  }
0x190: {  	v56 =	vld [tilespmem:s13+$0x0];
	s16 =	sor.u32 s10, s15;
	s13 =	sor.u32 s12, s15;
	s15 =	sadd.s32 $0xC400, s2  }
0x191: {  	v60 =	vld [tilespmem:s16+$0x0];
	s16 =	sor.u32 s10, s15  }
0x192: {  	s14 =	sor.u32 s12, s14;
	s17 =	sadd.s32 $0xA480, s2;
	v0 =	vld [tilespmem:s16+$0x0]  }
0x193: {  	v46 =	vld [tilespmem:s14+$0x0];
	s18 =	sor.u32 s10, s17  }
0x194: {  	s14 =	sor.u32 s12, s17;
	s17 =	sor.u32 $0xC280, s2;
	v52 =	vld [tilespmem:s18+$0x0]  }
0x195: {  	v55 =	vld [tilespmem:s14+$0x0];
	s18 =	sor.u32 s10, s17;
	s14 =	sor.u32 s12, s17;
	s17 =	sadd.s32 $0xC480, s2  }
0x196: {  	v59 =	vld [tilespmem:s18+$0x0];
	s18 =	sor.u32 s10, s17  }
0x197: {  	[tilespmem:$0x1FD70] =	vst v0;
	v0 =	vld [tilespmem:s18+$0x0];
	_ =	sdelay $0x3  }
0x198: {  	v63 =	vld [tilespmem:s13+$0x0];
	s13 =	sor.u32 s12, s15  }
0x199: {  	[tilespmem:$0x1FD80] =	vst v0;
	v0 =	vld [tilespmem:s13+$0x0];
	_ =	sdelay $0x3  }
0x19a: {  	v62 =	vld [tilespmem:s14+$0x0];
	s14 =	sor.u32 s12, s17  }
0x19b: {  	[tilespmem:$0x1FD90] =	vst v0;
	v0 =	vld [tilespmem:s14+$0x0];
	_ =	sdelay $0x2  }
0x19c: {  	s15 =	sor.u32 $0xE200, s2  }
0x19d: {  	s16 =	sor.u32 s10, s15  }
0x19e: {  	[tilespmem:$0x1FDA0] =	vst v0;
	v0 =	vld [tilespmem:s16+$0x0];
	_ =	sdelay $0x2  }
0x19f: {  	s17 =	sor.u32 $0xE280, s2  }
0x1a0: {  	s18 =	sor.u32 s10, s17  }
0x1a1: {  	[tilespmem:$0x1FDB0] =	vst v0;
	v0 =	vld [tilespmem:s18+$0x0];
	_ =	sdelay $0x3  }
0x1a2: {  	s13 =	sor.u32 s12, s15  }
0x1a3: {  	[tilespmem:$0x1FDC0] =	vst v0;
	v0 =	vld [tilespmem:s13+$0x0];
	_ =	sdelay $0x3  }
0x1a4: {  	s14 =	sor.u32 s12, s17  }
0x1a5: {  	[tilespmem:$0x1FDD0] =	vst v0;
	v0 =	vld [tilespmem:s14+$0x0];
	_ =	sdelay $0x2  }
0x1a6: {  	s15 =	sadd.s32 $0xE400, s2  }
0x1a7: {  	s16 =	sor.u32 s10, s15  }
0x1a8: {  	[tilespmem:$0x1FDE0] =	vst v0;
	v0 =	vld [tilespmem:s16+$0x0];
	_ =	sdelay $0x2  }
0x1a9: {  	s17 =	sadd.s32 $0xE480, s2  }
0x1aa: {  	s18 =	sor.u32 s10, s17  }
0x1ab: {  	[tilespmem:$0x1FDF0] =	vst v0;
	v0 =	vld [tilespmem:s18+$0x0];
	_ =	sdelay $0x3  }
0x1ac: {  	s14 =	sor.u32 s12, s15  }
0x1ad: {  	[tilespmem:$0x1FE00] =	vst v0;
	v0 =	vld [tilespmem:s14+$0x0];
	_ =	sdelay $0x3  }
0x1ae: {  	s7 =	sadd.s32 s8, s7;
	s2 =	sor.u32 s12, s17  }
0x1af: {  	s7 =	sshll.u32 s7, $0x5;
	[tilespmem:$0x1FE10] =	vst v0;
	v0 =	vld [tilespmem:s2+$0x0]  }
0x1b0: {  	s7 =	smin.u32 s7, $0xBE80  }
0x1b1: {  	s7 =	sshll.u32 s7, $0x7  }
0x1b2: {  	s9 =	sor.u32 $0x380, s9;
	s15 =	sadd.s32 s7, s6;
	s7 =	simm.s32 $0x0  }
0x1b3: {  	v36 =	vld [tilespmem:s9+$0x8100];
	[tilespmem:s25], [sflag:$0x2] =	stream.linear.gather [hbm4b:s15+s7], $0x8000, $0x38  }
0x1b4: {  	[tilespmem:$0x1FE20] =	vst v0  }
0x1b5: {  	_ =	swait.ge [sflag:s29], $0x8000  }
0x1b6: {  	s16 =	sor.u32 s7, s7;
	[sflag:s29] =	ssyncset.done $0x0  }
0x1b7: {  	s12 =	sor.u32 $0x380, s16;
	[sflag:s29] =	ssyncadd.s32 $0xFFFF8000  }
0x1b8: {  	v0 =	vld [tilespmem:s12+$0x10100];
	_ =	sdelay $0x1  }
0x1b9: {  	s9 =	sand.u32 $0x1C00, s7;
	s2 =	sand.u32 $0x60, s7  }
0x1ba: {  	s17 =	sor.u32 $0x16300, s9;
	s10 =	sor.u32 $0x10, s2  }
0x1bb: {  	s18 =	sor.u32 s10, s17  }
0x1bc: {  	[tilespmem:$0x1FE30] =	vst v0;
	v0 =	vld [tilespmem:s18+$0x0];
	_ =	sdelay $0x2  }
0x1bd: {  	s14 =	sor.u32 $0x16380, s9  }
0x1be: {  	s16 =	sor.u32 s10, s14  }
0x1bf: {  	[tilespmem:$0x1FF80] =	vst v0;
	v0 =	vld [tilespmem:s16+$0x0];
	_ =	sdelay $0x3  }
0x1c0: {  	s13 =	sor.u32 s2, s17  }
0x1c1: {  	[tilespmem:$0x1FF90] =	vst v0;
	v0 =	vld [tilespmem:s13+$0x0];
	_ =	sdelay $0x3  }
0x1c2: {  	s14 =	sor.u32 s2, s14  }
0x1c3: {  	[tilespmem:$0x1FF60] =	vst v0;
	v0 =	vld [tilespmem:s14+$0x0];
	_ =	sdelay $0x2  }
0x1c4: {  	s17 =	sor.u32 $0x16100, s9  }
0x1c5: {  	s18 =	sor.u32 s10, s17  }
0x1c6: {  	[tilespmem:$0x1FF70] =	vst v0;
	v0 =	vld [tilespmem:s18+$0x0];
	_ =	sdelay $0x2  }
0x1c7: {  	s13 =	sor.u32 $0x16180, s9  }
0x1c8: {  	s16 =	sor.u32 s10, s13  }
0x1c9: {  	[tilespmem:$0x1FF40] =	vst v0;
	v0 =	vld [tilespmem:s16+$0x0];
	_ =	sdelay $0x3  }
0x1ca: {  	s12 =	sor.u32 s2, s17  }
0x1cb: {  	[tilespmem:$0x1FF50] =	vst v0;
	v0 =	vld [tilespmem:s12+$0x0];
	_ =	sdelay $0x3  }
0x1cc: {  	s13 =	sor.u32 s2, s13  }
0x1cd: {  	[tilespmem:$0x1FF20] =	vst v0;
	v0 =	vld [tilespmem:s13+$0x0];
	_ =	sdelay $0x2  }
0x1ce: {  	s17 =	sor.u32 $0x14300, s9  }
0x1cf: {  	s18 =	sor.u32 s10, s17  }
0x1d0: {  	[tilespmem:$0x1FF30] =	vst v0;
	v0 =	vld [tilespmem:s18+$0x0];
	_ =	sdelay $0x2  }
0x1d1: {  	s12 =	sor.u32 $0x14380, s9  }
0x1d2: {  	s16 =	sor.u32 s10, s12  }
0x1d3: {  	[tilespmem:$0x1FF00] =	vst v0;
	v0 =	vld [tilespmem:s16+$0x0];
	_ =	sdelay $0x3  }
0x1d4: {  	s14 =	sor.u32 s2, s17  }
0x1d5: {  	[tilespmem:$0x1FF10] =	vst v0;
	v0 =	vld [tilespmem:s14+$0x0];
	_ =	sdelay $0x3  }
0x1d6: {  	s12 =	sor.u32 s2, s12  }
0x1d7: {  	[tilespmem:$0x1FEE0] =	vst v0;
	v0 =	vld [tilespmem:s12+$0x0];
	_ =	sdelay $0x2  }
0x1d8: {  	s17 =	sor.u32 $0x14100, s9  }
0x1d9: {  	s18 =	sor.u32 s10, s17  }
0x1da: {  	[tilespmem:$0x1FEF0] =	vst v0;
	v0 =	vld [tilespmem:s18+$0x0];
	_ =	sdelay $0x2  }
0x1db: {  	s14 =	sor.u32 $0x14180, s9  }
0x1dc: {  	v49 =	vadd.f32 v49, v41;
	s16 =	sor.u32 s10, s14  }
0x1dd: {  	v3 =	vadd.f32 v3, v42;
	v4 =	vadd.f32 v4, v43;
	[tilespmem:$0x1FEC0] =	vst v0;
	v0 =	vld [tilespmem:s16+$0x0]  }
0x1de: {  	v2 =	vadd.f32 v2, v44;
	v49 =	vadd.f32 v61, v49  }
0x1df: {  	v3 =	vadd.f32 v5, v3;
	v4 =	vadd.f32 v29, v4  }
0x1e0: {  	v5 =	vadd.f32 v28, v2;
	v28 =	vadd.f32 v53, v49  }
0x1e1: {  	v3 =	vadd.f32 v33, v3;
	v4 =	vadd.f32 v31, v4;
	s13 =	sor.u32 s2, s17  }
0x1e2: {  	v5 =	vadd.f32 v20, v5;
	v20 =	vadd.f32 v47, v28;
	[tilespmem:$0x1FED0] =	vst v0;
	v0 =	vld [tilespmem:s13+$0x0]  }
0x1e3: {  	v28 =	vadd.f32 v48, v3;
	v4 =	vadd.f32 v37, v4  }
0x1e4: {  	v5 =	vadd.f32 v36, v5;
	v20 =	vadd.f32 v35, v20  }
0x1e5: {  	v28 =	vadd.f32 v38, v28;
	v29 =	vadd.f32 v40, v4  }
0x1e6: {  	v5 =	vadd.f32 v39, v5;
	v27 =	vadd.f32 v27, v20;
	s14 =	sor.u32 s2, s14  }
0x1e7: {  	v28 =	vadd.f32 v30, v28;
	v29 =	vadd.f32 v51, v29;
	[tilespmem:$0x1FEA0] =	vst v0;
	v0 =	vld [tilespmem:s14+$0x0]  }
0x1e8: {  	v30 =	vadd.f32 v46, v5;
	v27 =	vadd.f32 v25, v27  }
0x1e9: {  	v26 =	vadd.f32 v26, v28;
	v28 =	vadd.f32 v54, v29  }
0x1ea: {  	v29 =	vadd.f32 v52, v30;
	v30 =	vadd.f32 v23, v27;
	s17 =	sor.u32 $0x12300, s9  }
0x1eb: {  	s18 =	sor.u32 s10, s17  }
0x1ec: {  	v24 =	vadd.f32 v24, v26;
	v21 =	vadd.f32 v21, v30;
	[tilespmem:$0x1FEB0] =	vst v0;
	v0 =	vld [tilespmem:s18+$0x0];
	_ =	sdelay $0x1  }
0x1ed: {  	v22 =	vadd.f32 v22, v24;
	v18 =	vadd.f32 v18, v21  }
0x1ee: {  	s13 =	sor.u32 $0x12380, s9  }
0x1ef: {  	v19 =	vadd.f32 v19, v22;
	v16 =	vadd.f32 v16, v18;
	v18 =	vld [tilespmem:$0x1FD70];
	s16 =	sor.u32 s10, s13  }
0x1f0: {  	[tilespmem:$0x1FE80] =	vst v0;
	v0 =	vld [tilespmem:s16+$0x0]  }
0x1f1: {  	v17 =	vadd.f32 v17, v19;
	v19 =	vld [tilespmem:$0x1FD80]  }
0x1f2: {  	v14 =	vadd.f32 v14, v16;
	v16 =	vld [tilespmem:$0x1FD90]  }
0x1f3: {  	v15 =	vadd.f32 v15, v17;
	v17 =	vld [tilespmem:$0x1FDA0]  }
0x1f4: {  	v12 =	vadd.f32 v12, v14;
	v14 =	vld [tilespmem:$0x1FDB0];
	s12 =	sor.u32 s2, s17  }
0x1f5: {  	[tilespmem:$0x1FE90] =	vst v0;
	v0 =	vld [tilespmem:s12+$0x0]  }
0x1f6: {  	v13 =	vadd.f32 v13, v15;
	v15 =	vld [tilespmem:$0x1FDC0]  }
0x1f7: {  	v10 =	vadd.f32 v10, v12;
	v12 =	vld [tilespmem:$0x1FDD0]  }
0x1f8: {  	v11 =	vadd.f32 v11, v13;
	v13 =	vld [tilespmem:$0x1FDE0]  }
0x1f9: {  	v8 =	vadd.f32 v8, v10;
	v10 =	vld [tilespmem:$0x1FDF0];
	s13 =	sor.u32 s2, s13  }
0x1fa: {  	v26 =	vadd.f32 v56, v28;
	s17 =	sor.u32 $0x12100, s9;
	[tilespmem:$0x1FE60] =	vst v0;
	v0 =	vld [tilespmem:s13+$0x0]  }
0x1fb: {  	v9 =	vadd.f32 v9, v11;
	v11 =	vld [tilespmem:$0x1FE00];
	s14 =	sor.u32 s2, s17;
	s18 =	sor.u32 s10, s17;
	s17 =	sor.u32 $0x10100, s9  }
0x1fc: {  	v24 =	vadd.f32 v60, v26;
	v6 =	vadd.f32 v6, v8;
	v8 =	vld [tilespmem:$0x1FE10];
	s15 =	sor.u32 s2, s17  }
0x1fd: {  	v34 =	vld [tilespmem:s15+$0x200]  }
0x1fe: {  	v21 =	vadd.f32 v63, v24;
	v42 =	vld [tilespmem:s15+$0x80]  }
0x1ff: {  	[tilespmem:$0x1FE70] =	vst v0;
	v0 =	vld [tilespmem:s18+$0x0]  }
0x200: {  	v18 =	vadd.f32 v18, v21;
	v41 =	vld [tilespmem:s15+$0x100]  }
0x201: {  	v44 =	vld [tilespmem:s15+$0x180]  }
0x202: {  	v28 =	vadd.f32 v55, v29;
	v16 =	vadd.f32 v16, v18;
	v49 =	vld [tilespmem:s15+$0x280];
	s12 =	sor.u32 $0x12180, s9;
	s18 =	sor.u32 s10, s17  }
0x203: {  	s16 =	sor.u32 s10, s12;
	v50 =	vld [tilespmem:s18+$0x200]  }
0x204: {  	v28 =	vadd.f32 v59, v28;
	v14 =	vadd.f32 v14, v16;
	[tilespmem:$0x1FE40] =	vst v0;
	v0 =	vld [tilespmem:s16+$0x0]  }
0x205: {  	v45 =	vld [tilespmem:s18+$0x280]  }
0x206: {  	v22 =	vadd.f32 v62, v28;
	v12 =	vadd.f32 v12, v14;
	v32 =	vld [tilespmem:s18+$0x0];
	s16 =	sand.u32 $0x3, s7  }
0x207: {  	v1 =	vld [tilespmem:s18+$0x80];
	s13 =	sshll.u32 s16, $0x5  }
0x208: {  	v19 =	vadd.f32 v19, v22;
	v10 =	vadd.f32 v10, v12;
	v2 =	vld [tilespmem:s18+$0x100];
	s13 =	sadd.s32 $0x0, s13  }
0x209: {  	v7 =	vadd.f32 v7, v9;
	s17 =	sor.u32 $0x300, s13;
	[tilespmem:$0x1FE50] =	vst v0;
	v0 =	vld [tilespmem:s15+$0x0]  }
0x20a: {  	v17 =	vadd.f32 v17, v19;
	v9 =	vadd.f32 v8, v10;
	v10 =	vimm.f32 $0.0e+00;
	s13 =	sadd.s32 $0x10, s13;
	v47 =	vld [tilespmem:s17+$0x10100]  }
0x20b: {  	v12 =	vadd.f32 v41, v10;
	v43 =	vld [tilespmem:s18+$0x180];
	s18 =	sor.u32 $0x300, s13  }
0x20c: {  	v15 =	vadd.f32 v15, v17;
	s15 =	sor.u32 $0x12200, s9;
	v3 =	vld [tilespmem:s18+$0x10100]  }
0x20d: {  	v8 =	vld [tilespmem:$0x1FE20];
	v2 =	vadd.f32 v2, v12;
	s16 =	sor.u32 s2, s15  }
0x20e: {  	v13 =	vadd.f32 v13, v15;
	v4 =	vld [tilespmem:s16+$0x0];
	v0 =	vadd.f32 v0, v10  }
0x20f: {  	v2 =	vadd.f32 v47, v2  }
0x210: {  	v11 =	vadd.f32 v11, v13;
	v0 =	vadd.f32 v32, v0  }
0x211: {  	v58 =	vld [tilespmem:s14+$0x0];
	v2 =	vadd.f32 v3, v2  }
0x212: {  	v8 =	vadd.f32 v8, v11;
	v0 =	vadd.f32 v34, v0  }
0x213: {  	v11 =	vadd.f32 v42, v10;
	v2 =	vadd.f32 v4, v2;
	v4 =	vld [tilespmem:$0x1FE40]  }
0x214: {  	v14 =	vld [tilespmem:$0x1FE30];
	s12 =	sor.u32 s2, s12;
	v0 =	vadd.f32 v50, v0  }
0x215: {  	v57 =	vld [tilespmem:s12+$0x0];
	v1 =	vadd.f32 v1, v11;
	s13 =	sor.u32 $0x380, s13;
	s17 =	sor.u32 $0x12280, s9  }
0x216: {  	v35 =	vld [tilespmem:s13+$0x10100];
	s18 =	sor.u32 s2, s17;
	v0 =	vadd.f32 v58, v0  }
0x217: {  	v1 =	vadd.f32 v49, v1;
	v20 =	vld [tilespmem:s18+$0x0]  }
0x218: {  	s17 =	sor.u32 s10, s17;
	v0 =	vadd.f32 v4, v0;
	v4 =	vld [tilespmem:$0x1FE50]  }
0x219: {  	v1 =	vadd.f32 v45, v1;
	s18 =	sadd.s32 $0x12400, s9;
	v38 =	vld [tilespmem:s17+$0x0];
	s16 =	sor.u32 s10, s15  }
0x21a: {  	s15 =	sor.u32 s2, s18;
	v5 =	vld [tilespmem:s16+$0x0]  }
0x21b: {  	s18 =	sor.u32 s10, s18;
	v1 =	vadd.f32 v57, v1;
	v25 =	vld [tilespmem:s15+$0x0]  }
0x21c: {  	s16 =	sadd.s32 $0x12480, s9;
	v23 =	vld [tilespmem:s18+$0x0]  }
0x21d: {  	s17 =	sor.u32 s2, s16;
	v1 =	vadd.f32 v4, v1;
	v4 =	vld [tilespmem:$0x1FE60]  }
0x21e: {  	s15 =	sor.u32 $0x14200, s9;
	s14 =	sor.u32 s10, s16;
	v27 =	vld [tilespmem:s17+$0x0]  }
0x21f: {  	s16 =	sor.u32 s2, s15;
	v40 =	vld [tilespmem:s14+$0x0]  }
0x220: {  	v26 =	vld [tilespmem:s16+$0x0];
	s16 =	sor.u32 s10, s15  }
0x221: {  	s17 =	sor.u32 $0x14280, s9;
	v28 =	vld [tilespmem:s16+$0x0]  }
0x222: {  	s18 =	sor.u32 s2, s17;
	v0 =	vadd.f32 v4, v0;
	v4 =	vld [tilespmem:$0x1FE70]  }
0x223: {  	s17 =	sor.u32 s10, s17;
	s16 =	sadd.s32 $0x14480, s9;
	v30 =	vld [tilespmem:s18+$0x0]  }
0x224: {  	v46 =	vld [tilespmem:s17+$0x0];
	s17 =	sor.u32 s2, s16  }
0x225: {  	s14 =	sor.u32 s10, s16;
	v37 =	vld [tilespmem:s17+$0x0]  }
0x226: {  	s18 =	sadd.s32 $0x14400, s9;
	v48 =	vld [tilespmem:s14+$0x0]  }
0x227: {  	s15 =	sor.u32 s2, s18;
	v1 =	vadd.f32 v4, v1;
	v4 =	vld [tilespmem:$0x1FE80]  }
0x228: {  	s18 =	sor.u32 s10, s18;
	v29 =	vld [tilespmem:s15+$0x0];
	s15 =	sor.u32 $0x16200, s9  }
0x229: {  	v31 =	vld [tilespmem:s18+$0x0];
	s18 =	sor.u32 $0x16280, s9;
	s17 =	sor.u32 s2, s15  }
0x22a: {  	s16 =	sor.u32 s2, s18;
	v33 =	vld [tilespmem:s17+$0x0]  }
0x22b: {  	v39 =	vld [tilespmem:s16+$0x0]  }
0x22c: {  	s18 =	sor.u32 s10, s18;
	v0 =	vadd.f32 v4, v0;
	v4 =	vld [tilespmem:$0x1FE90]  }
0x22d: {  	s14 =	sadd.s32 $0x16400, s9;
	s17 =	sor.u32 s10, s15;
	v61 =	vld [tilespmem:s18+$0x0]  }
0x22e: {  	s16 =	sor.u32 s2, s14;
	v60 =	vld [tilespmem:s17+$0x0]  }
0x22f: {  	s14 =	sor.u32 s10, s14;
	v62 =	vld [tilespmem:s16+$0x0]  }
0x230: {  	s15 =	sadd.s32 $0x16480, s9;
	s17 =	simm.s32 $0x20;
	v54 =	vld [tilespmem:s14+$0x0]  }
0x231: {  	s18 =	sor.u32 s2, s15;
	s2 =	simm.s32 $0x100;
	s15 =	sor.u32 s10, s15;
	v1 =	vadd.f32 v4, v1;
	v4 =	vld [tilespmem:$0x1FEA0]  }
0x232: {  	s9 =	sand.u32 $0x60, s17;
	v63 =	vld [tilespmem:s18+$0x0];
	s12 =	sand.u32 $0x1C00, s2;
	s13 =	sor.u32 s2, s17  }
0x233: {  	v59 =	vld [tilespmem:s15+$0x0];
	s10 =	sor.u32 $0x10, s9;
	s13 =	sor.u32 $0x380, s13;
	s14 =	sor.u32 $0x16300, s12  }
0x234: {  	s17 =	sor.u32 s10, s14;
	v24 =	vld [tilespmem:s13+$0x10100]  }
0x235: {  	v13 =	vadd.f32 v44, v10;
	s15 =	sor.u32 $0x16380, s12;
	v10 =	vld [tilespmem:s17+$0x0]  }
0x236: {  	s18 =	sor.u32 s10, s15;
	v0 =	vadd.f32 v4, v0;
	v4 =	vld [tilespmem:$0x1FEB0]  }
0x237: {  	v13 =	vadd.f32 v43, v13;
	s14 =	sor.u32 s9, s14;
	v11 =	vld [tilespmem:s18+$0x0]  }
0x238: {  	s13 =	sor.u32 $0x16100, s12;
	s15 =	sor.u32 s9, s15;
	v12 =	vld [tilespmem:s14+$0x0]  }
0x239: {  	v15 =	vadd.f32 v14, v13;
	s17 =	sor.u32 s10, s13;
	v13 =	vld [tilespmem:s15+$0x0]  }
0x23a: {  	v14 =	vld [tilespmem:s17+$0x0]  }
0x23b: {  	s14 =	sor.u32 $0x16180, s12;
	s13 =	sor.u32 s9, s13;
	v1 =	vadd.f32 v4, v1;
	v4 =	vld [tilespmem:$0x1FEC0]  }
0x23c: {  	s18 =	sor.u32 s10, s14;
	v16 =	vld [tilespmem:s13+$0x0]  }
0x23d: {  	v3 =	vadd.f32 v35, v15;
	s15 =	sor.u32 $0x14300, s12;
	s16 =	sor.u32 s9, s14;
	v15 =	vld [tilespmem:s18+$0x0]  }
0x23e: {  	s18 =	sor.u32 s10, s15;
	v17 =	vld [tilespmem:s16+$0x0]  }
0x23f: {  	s17 =	sor.u32 $0x14380, s12;
	v18 =	vld [tilespmem:s18+$0x0]  }
0x240: {  	s16 =	sor.u32 s10, s17;
	v0 =	vadd.f32 v4, v0;
	v4 =	vld [tilespmem:$0x1FED0]  }
0x241: {  	s15 =	sor.u32 s9, s15;
	v19 =	vld [tilespmem:s16+$0x0]  }
0x242: {  	v3 =	vadd.f32 v20, v3;
	v2 =	vadd.f32 v5, v2;
	s13 =	sor.u32 $0x14100, s12;
	s14 =	sor.u32 s9, s17;
	v20 =	vld [tilespmem:s15+$0x0]  }
0x243: {  	s17 =	sor.u32 s10, s13;
	v21 =	vld [tilespmem:s14+$0x0]  }
0x244: {  	v2 =	vadd.f32 v25, v2;
	v22 =	vld [tilespmem:s17+$0x0]  }
0x245: {  	v3 =	vadd.f32 v38, v3;
	s13 =	sor.u32 s9, s13;
	s15 =	sor.u32 $0x14180, s12;
	v1 =	vadd.f32 v4, v1;
	v4 =	vld [tilespmem:$0x1FEE0]  }
0x246: {  	v2 =	vadd.f32 v23, v2;
	v25 =	vld [tilespmem:s13+$0x0];
	s18 =	sor.u32 s10, s15  }
0x247: {  	v3 =	vadd.f32 v27, v3;
	s14 =	sor.u32 $0x12300, s12;
	s16 =	sor.u32 s9, s15;
	v23 =	vld [tilespmem:s18+$0x0]  }
0x248: {  	v2 =	vadd.f32 v26, v2;
	s18 =	sor.u32 s10, s14;
	v26 =	vld [tilespmem:s16+$0x0]  }
0x249: {  	v3 =	vadd.f32 v40, v3;
	s17 =	sor.u32 $0x12380, s12;
	v27 =	vld [tilespmem:s18+$0x0]  }
0x24a: {  	v2 =	vadd.f32 v28, v2;
	s16 =	sor.u32 s10, s17;
	v0 =	vadd.f32 v4, v0;
	v4 =	vld [tilespmem:$0x1FEF0]  }
0x24b: {  	v3 =	vadd.f32 v30, v3;
	s14 =	sor.u32 s9, s14;
	v30 =	vld [tilespmem:s16+$0x0]  }
0x24c: {  	v2 =	vadd.f32 v29, v2;
	s17 =	sor.u32 s9, s17;
	v35 =	vld [tilespmem:s14+$0x0]  }
0x24d: {  	v38 =	vld [tilespmem:s17+$0x0]  }
0x24e: {  	v28 =	vadd.f32 v31, v2;
	v2 =	vld [tilespmem:$0x1FF20]  }
0x24f: {  	v3 =	vadd.f32 v46, v3;
	s17 =	sor.u32 $0x10100, s12;
	v1 =	vadd.f32 v4, v1;
	v4 =	vld [tilespmem:$0x1FF00]  }
0x250: {  	v31 =	vld [tilespmem:$0x1FF40];
	s14 =	sor.u32 s10, s17  }
0x251: {  	v3 =	vadd.f32 v37, v3;
	v32 =	vld [tilespmem:s14+$0x280]  }
0x252: {  	v34 =	vld [tilespmem:s14+$0x0]  }
0x253: {  	v3 =	vadd.f32 v48, v3;
	v28 =	vadd.f32 v33, v28;
	v36 =	vld [tilespmem:s14+$0x80]  }
0x254: {  	v4 =	vadd.f32 v4, v0;
	v0 =	vld [tilespmem:$0x1FF10]  }
0x255: {  	v29 =	vadd.f32 v39, v3;
	v28 =	vadd.f32 v60, v28;
	v60 =	vld [tilespmem:$0x1FF60]  }
0x256: {  	v4 =	vadd.f32 v2, v4;
	v2 =	vld [tilespmem:$0x1FF30]  }
0x257: {  	v29 =	vadd.f32 v61, v29;
	v61 =	vld [tilespmem:$0x1FF70]  }
0x258: {  	v4 =	vadd.f32 v31, v4;
	v31 =	vld [tilespmem:$0x1FF50]  }
0x259: {  	s13 =	sor.u32 $0x12100, s12;
	v28 =	vadd.f32 v62, v28;
	v62 =	vld [tilespmem:$0x1FF80];
	v5 =	vadd.f32 v0, v1  }
0x25a: {  	s15 =	sor.u32 $0x12180, s12;
	s18 =	sor.u32 s10, s13;
	v29 =	vadd.f32 v63, v29;
	v63 =	vld [tilespmem:$0x1FF90]  }
0x25b: {  	s16 =	sor.u32 s10, s15;
	v0 =	vld [tilespmem:s18+$0x0];
	v5 =	vadd.f32 v2, v5  }
0x25c: {  	v1 =	vld [tilespmem:s16+$0x0];
	s18 =	sor.u32 s9, s15  }
0x25d: {  	s15 =	sor.u32 s9, s17;
	v3 =	vld [tilespmem:s18+$0x0];
	v5 =	vadd.f32 v31, v5  }
0x25e: {  	v33 =	vld [tilespmem:s15+$0x200]  }
0x25f: {  	s13 =	sor.u32 s9, s13;
	v4 =	vadd.f32 v60, v4;
	v37 =	vld [tilespmem:s15+$0x0];
	v5 =	vadd.f32 v61, v5  }
0x260: {  	v28 =	vadd.f32 v54, v28;
	v29 =	vadd.f32 v59, v29;
	v2 =	vld [tilespmem:s13+$0x0]  }
0x261: {  	s13 =	simm.s32 $0x40;
	v4 =	vadd.f32 v62, v4;
	v31 =	vld [tilespmem:s14+$0x200];
	v5 =	vadd.f32 v63, v5  }
.LBB2_5:
0x262: {  	p0 =	sne.s32 s13, $0x3E0;
	v39 =	vld [tilespmem:s15+$0x80]  }
0x263: {  	s7 =	sadd.s32 $0x1, s7;
	v40 =	vld [tilespmem:s15+$0x100]  }
0x264: {  	s16 =	sand.u32 $0x3, s7;
	v41 =	vld [tilespmem:s15+$0x180]  }
0x265: {  	s16 =	sshll.u32 s16, $0x5;
	v42 =	vld [tilespmem:s14+$0x100]  }
0x266: {  	v43 =	vld [tilespmem:s14+$0x180];
	s14 =	sadd.s32 s16, s2  }
0x267: {  	v44 =	vld [tilespmem:s15+$0x280];
	s15 =	sor.u32 $0x300, s14;
	s14 =	sadd.s32 $0x10, s14  }
0x268: {  	v4 =	vadd.f32 v37, v4;
	v5 =	vadd.f32 v39, v5;
	v37 =	vld [tilespmem:s15+$0x10100];
	s15 =	sor.u32 $0x300, s14  }
0x269: {  	v28 =	vadd.f32 v40, v28;
	s14 =	sor.u32 $0x380, s14;
	v29 =	vadd.f32 v41, v29;
	v39 =	vld [tilespmem:s15+$0x10100];
	s15 =	sor.u32 $0x12200, s12  }
0x26a: {  	s16 =	sor.u32 $0x12280, s12;
	v4 =	vadd.f32 v34, v4;
	v5 =	vadd.f32 v36, v5;
	v34 =	vld [tilespmem:s14+$0x10100];
	s14 =	sor.u32 s9, s15  }
0x26b: {  	v28 =	vadd.f32 v42, v28;
	v29 =	vadd.f32 v43, v29;
	v36 =	vld [tilespmem:s14+$0x0];
	s14 =	sor.u32 s9, s16  }
0x26c: {  	v4 =	vadd.f32 v33, v4;
	v5 =	vadd.f32 v44, v5;
	v33 =	vld [tilespmem:s14+$0x0];
	s14 =	sor.u32 s10, s15  }
0x26d: {  	s15 =	sadd.s32 $0x12400, s12;
	v28 =	vadd.f32 v37, v28;
	v24 =	vadd.f32 v24, v29;
	v29 =	vld [tilespmem:s14+$0x0];
	s14 =	sor.u32 s10, s16  }
0x26e: {  	v4 =	vadd.f32 v31, v4;
	s16 =	sadd.s32 $0x12480, s12;
	v5 =	vadd.f32 v32, v5;
	v31 =	vld [tilespmem:s14+$0x0];
	s14 =	sor.u32 s9, s15  }
0x26f: {  	v28 =	vadd.f32 v39, v28;
	v24 =	vadd.f32 v34, v24;
	v32 =	vld [tilespmem:s14+$0x0];
	s14 =	sor.u32 s9, s16  }
0x270: {  	v2 =	vadd.f32 v2, v4;
	v3 =	vadd.f32 v3, v5;
	v4 =	vld [tilespmem:s14+$0x0];
	s14 =	sor.u32 s10, s15  }
0x271: {  	s15 =	sor.u32 $0x14200, s12;
	v5 =	vadd.f32 v36, v28;
	v24 =	vadd.f32 v33, v24;
	v28 =	vld [tilespmem:s14+$0x0];
	s14 =	sor.u32 s10, s16  }
0x272: {  	v0 =	vadd.f32 v0, v2;
	s16 =	sor.u32 $0x14280, s12;
	v1 =	vadd.f32 v1, v3;
	v2 =	vld [tilespmem:s14+$0x0];
	s14 =	sor.u32 s9, s15  }
0x273: {  	v3 =	vadd.f32 v29, v5;
	v5 =	vadd.f32 v31, v24;
	v24 =	vld [tilespmem:s14+$0x0];
	s14 =	sor.u32 s9, s16  }
0x274: {  	v0 =	vadd.f32 v35, v0;
	v1 =	vadd.f32 v38, v1;
	v29 =	vld [tilespmem:s14+$0x0];
	s14 =	sor.u32 s10, s15  }
0x275: {  	s15 =	sadd.s32 $0x14400, s12;
	v3 =	vadd.f32 v32, v3;
	v4 =	vadd.f32 v4, v5;
	v5 =	vld [tilespmem:s14+$0x0];
	s14 =	sor.u32 s10, s16  }
0x276: {  	v0 =	vadd.f32 v27, v0;
	s16 =	sadd.s32 $0x14480, s12;
	v1 =	vadd.f32 v30, v1;
	v27 =	vld [tilespmem:s14+$0x0];
	s14 =	sor.u32 s9, s15  }
0x277: {  	v3 =	vadd.f32 v28, v3;
	v2 =	vadd.f32 v2, v4;
	v4 =	vld [tilespmem:s14+$0x0];
	s14 =	sor.u32 s9, s16  }
0x278: {  	v0 =	vadd.f32 v25, v0;
	v1 =	vadd.f32 v26, v1;
	v25 =	vld [tilespmem:s14+$0x0];
	s14 =	sor.u32 s10, s15  }
0x279: {  	s15 =	sor.u32 $0x16200, s12;
	v3 =	vadd.f32 v24, v3;
	v2 =	vadd.f32 v29, v2;
	v24 =	vld [tilespmem:s14+$0x0];
	s14 =	sor.u32 s10, s16  }
0x27a: {  	v0 =	vadd.f32 v22, v0;
	s16 =	sor.u32 $0x16280, s12;
	v1 =	vadd.f32 v23, v1;
	v22 =	vld [tilespmem:s14+$0x0];
	s14 =	sor.u32 s9, s15  }
0x27b: {  	v3 =	vadd.f32 v5, v3;
	v2 =	vadd.f32 v27, v2;
	v5 =	vld [tilespmem:s14+$0x0];
	s14 =	sor.u32 s9, s16  }
0x27c: {  	v0 =	vadd.f32 v20, v0;
	v1 =	vadd.f32 v21, v1;
	v20 =	vld [tilespmem:s14+$0x0];
	s14 =	sor.u32 s10, s15  }
0x27d: {  	s15 =	sadd.s32 $0x16400, s12;
	v3 =	vadd.f32 v4, v3;
	v2 =	vadd.f32 v25, v2;
	v4 =	vld [tilespmem:s14+$0x0];
	s14 =	sor.u32 s10, s16  }
0x27e: {  	v0 =	vadd.f32 v18, v0;
	s16 =	sadd.s32 $0x16480, s12;
	v1 =	vadd.f32 v19, v1;
	v18 =	vld [tilespmem:s14+$0x0];
	s14 =	sor.u32 s9, s15  }
0x27f: {  	s12 =	sor.u32 s9, s16;
	v3 =	vadd.f32 v24, v3;
	v2 =	vadd.f32 v22, v2;
	v19 =	vld [tilespmem:s14+$0x0]  }
0x280: {  	s2 =	sadd.s32 $0x100, s2;
	s9 =	sand.u32 $0x60, s13;
	v0 =	vadd.f32 v16, v0;
	s14 =	sor.u32 s10, s15;
	v1 =	vadd.f32 v17, v1;
	v16 =	vld [tilespmem:s12+$0x0]  }
0x281: {  	s15 =	sor.u32 s2, s13;
	s12 =	sand.u32 $0x1C00, s2;
	v3 =	vadd.f32 v5, v3;
	v2 =	vadd.f32 v20, v2;
	v17 =	vld [tilespmem:s14+$0x0];
	s14 =	sor.u32 s10, s16  }
0x282: {  	s15 =	sor.u32 $0x380, s15;
	v0 =	vadd.f32 v14, v0;
	s10 =	sor.u32 $0x10, s9;
	s16 =	sor.u32 $0x16300, s12;
	v1 =	vadd.f32 v15, v1;
	v14 =	vld [tilespmem:s14+$0x0]  }
0x283: {  	s14 =	sor.u32 $0x16380, s12;
	v24 =	vld [tilespmem:s15+$0x10100];
	s15 =	sor.u32 s10, s16;
	v3 =	vadd.f32 v4, v3;
	v2 =	vadd.f32 v18, v2  }
0x284: {  	v0 =	vadd.f32 v12, v0;
	v18 =	vld [tilespmem:s15+$0x0];
	s15 =	sor.u32 s10, s14;
	v1 =	vadd.f32 v13, v1  }
0x285: {  	s16 =	sor.u32 s9, s16;
	v20 =	vld [tilespmem:s15+$0x0];
	v3 =	vadd.f32 v19, v3;
	v2 =	vadd.f32 v16, v2  }
0x286: {  	s14 =	sor.u32 s9, s14;
	v4 =	vadd.f32 v10, v0;
	s15 =	sor.u32 $0x16100, s12;
	v12 =	vld [tilespmem:s16+$0x0];
	v5 =	vadd.f32 v11, v1  }
0x287: {  	s16 =	sor.u32 $0x16180, s12;
	s17 =	sor.u32 s10, s15;
	v13 =	vld [tilespmem:s14+$0x0];
	v28 =	vadd.f32 v17, v3;
	v29 =	vadd.f32 v14, v2  }
0x288: {  	s14 =	sor.u32 s10, s16;
	v14 =	vld [tilespmem:s17+$0x0]  }
0x289: {  	s15 =	sor.u32 s9, s15;
	v15 =	vld [tilespmem:s14+$0x0];
	v10 =	vmov v18  }
0x28a: {  	s14 =	sor.u32 $0x14300, s12;
	v16 =	vld [tilespmem:s15+$0x0];
	s15 =	sor.u32 s9, s16;
	v11 =	vmov v20  }
0x28b: {  	s16 =	sor.u32 $0x14380, s12;
	s17 =	sor.u32 s10, s14;
	v17 =	vld [tilespmem:s15+$0x0]  }
0x28c: {  	s15 =	sor.u32 s10, s16;
	v18 =	vld [tilespmem:s17+$0x0]  }
0x28d: {  	s14 =	sor.u32 s9, s14;
	v19 =	vld [tilespmem:s15+$0x0]  }
0x28e: {  	s15 =	sor.u32 $0x14100, s12;
	v20 =	vld [tilespmem:s14+$0x0];
	s14 =	sor.u32 s9, s16  }
0x28f: {  	s16 =	sor.u32 $0x14180, s12;
	s17 =	sor.u32 s10, s15;
	v21 =	vld [tilespmem:s14+$0x0]  }
0x290: {  	s14 =	sor.u32 s10, s16;
	v22 =	vld [tilespmem:s17+$0x0]  }
0x291: {  	s15 =	sor.u32 s9, s15;
	v23 =	vld [tilespmem:s14+$0x0]  }
0x292: {  	s14 =	sor.u32 $0x12300, s12;
	v25 =	vld [tilespmem:s15+$0x0];
	s15 =	sor.u32 s9, s16  }
0x293: {  	s16 =	sor.u32 $0x12380, s12;
	s17 =	sor.u32 s10, s14;
	v26 =	vld [tilespmem:s15+$0x0]  }
0x294: {  	s15 =	sor.u32 s10, s16;
	v27 =	vld [tilespmem:s17+$0x0]  }
0x295: {  	s14 =	sor.u32 s9, s14;
	v30 =	vld [tilespmem:s15+$0x0]  }
0x296: {  	s15 =	sor.u32 $0x12100, s12;
	v35 =	vld [tilespmem:s14+$0x0];
	s14 =	sor.u32 s9, s16  }
0x297: {  	s16 =	sor.u32 $0x12180, s12;
	s17 =	sor.u32 s10, s15;
	v38 =	vld [tilespmem:s14+$0x0]  }
0x298: {  	s14 =	sor.u32 s10, s16;
	v0 =	vld [tilespmem:s17+$0x0]  }
0x299: {  	s15 =	sor.u32 s9, s15;
	v1 =	vld [tilespmem:s14+$0x0]  }
0x29a: {  	s17 =	sor.u32 $0x10100, s12;
	v2 =	vld [tilespmem:s15+$0x0];
	s15 =	sor.u32 s9, s16  }
0x29b: {  	s14 =	sor.u32 s10, s17;
	v3 =	vld [tilespmem:s15+$0x0]  }
0x29c: {  	v31 =	vld [tilespmem:s14+$0x200]  }
.Ltmp1:
0x29d: {  	s15 =	sor.u32 s9, s17;
	v32 =	vld [tilespmem:s14+$0x280];
	(pc) =	sbr.rel @p0 .LBB2_5-.Ltmp1, $4  }
0x29e: {  	v33 =	vld [tilespmem:s15+$0x200]  }
0x29f: {  	v34 =	vld [tilespmem:s14+$0x0]  }
0x2a0: {  	v36 =	vld [tilespmem:s14+$0x80]  }
0x2a1: {  	s13 =	sadd.s32 $0x20, s13;
	v37 =	vld [tilespmem:s15+$0x0]  }
0x2a2: {  	v39 =	vld [tilespmem:s15+$0x80]  }
0x2a3: {  	v40 =	vld [tilespmem:s15+$0x100];
	s7 =	sadd.s32 $0x1, s7  }
0x2a4: {  	v41 =	vld [tilespmem:s15+$0x180];
	s7 =	sand.u32 $0x3, s7  }
0x2a5: {  	v42 =	vld [tilespmem:s14+$0x100];
	s7 =	sshll.u32 s7, $0x5  }
0x2a6: {  	v43 =	vld [tilespmem:s14+$0x180];
	s2 =	sadd.s32 s7, s2  }
0x2a7: {  	v44 =	vld [tilespmem:s15+$0x280];
	s7 =	sor.u32 $0x300, s2  }
0x2a8: {  	s2 =	sadd.s32 $0x10, s2;
	v4 =	vadd.f32 v37, v4;
	v62 =	vld [tilespmem:s7+$0x10100]  }
0x2a9: {  	v5 =	vadd.f32 v39, v5;
	s15 =	sor.u32 $0x300, s2;
	v28 =	vadd.f32 v40, v28  }
0x2aa: {  	s16 =	sor.u32 $0x12200, s12;
	v29 =	vadd.f32 v41, v29;
	s2 =	sor.u32 $0x380, s2;
	v63 =	vld [tilespmem:s15+$0x10100];
	v4 =	vadd.f32 v34, v4  }
0x2ab: {  	s13 =	sor.u32 $0x12280, s12;
	s17 =	sor.u32 s9, s16;
	v41 =	vld [tilespmem:s2+$0x10100];
	v5 =	vadd.f32 v36, v5;
	v28 =	vadd.f32 v42, v28  }
0x2ac: {  	s18 =	sor.u32 s9, s13;
	v45 =	vld [tilespmem:s17+$0x0];
	v29 =	vadd.f32 v43, v29;
	v4 =	vadd.f32 v33, v4  }
0x2ad: {  	v46 =	vld [tilespmem:s18+$0x0];
	s7 =	sor.u32 s10, s16;
	v5 =	vadd.f32 v44, v5;
	v28 =	vadd.f32 v62, v28  }
0x2ae: {  	s14 =	sor.u32 s10, s13;
	v47 =	vld [tilespmem:s7+$0x0];
	s15 =	sadd.s32 $0x12400, s12;
	v24 =	vadd.f32 v24, v29;
	v4 =	vadd.f32 v31, v4  }
0x2af: {  	v48 =	vld [tilespmem:s14+$0x0];
	s17 =	sadd.s32 $0x12480, s12;
	s16 =	sor.u32 s9, s15;
	v5 =	vadd.f32 v32, v5;
	v28 =	vadd.f32 v63, v28  }
0x2b0: {  	s18 =	sor.u32 s9, s17;
	v49 =	vld [tilespmem:s16+$0x0];
	v24 =	vadd.f32 v41, v24;
	v2 =	vadd.f32 v2, v4  }
0x2b1: {  	s7 =	sor.u32 s10, s15;
	v4 =	vld [tilespmem:s18+$0x0];
	v3 =	vadd.f32 v3, v5;
	v5 =	vadd.f32 v45, v28  }
0x2b2: {  	s14 =	sor.u32 s10, s17;
	s15 =	sor.u32 $0x14200, s12;
	v50 =	vld [tilespmem:s7+$0x0];
	v24 =	vadd.f32 v46, v24  }
0x2b3: {  	v51 =	vld [tilespmem:s14+$0x0];
	s16 =	sor.u32 s9, s15;
	v52 =	vadd.f32 v47, v5  }
0x2b4: {  	v53 =	vld [tilespmem:s16+$0x0];
	v5 =	vadd.f32 v48, v24  }
0x2b5: {  	s17 =	sor.u32 $0x14280, s12;
	s7 =	sor.u32 s10, s15;
	v1 =	vadd.f32 v1, v3;
	v3 =	vadd.f32 v49, v52  }
0x2b6: {  	s14 =	sor.u32 s10, s17;
	s15 =	sadd.s32 $0x14400, s12;
	v4 =	vadd.f32 v4, v5;
	v5 =	vld [tilespmem:s7+$0x0]  }
0x2b7: {  	v55 =	vld [tilespmem:s14+$0x0];
	s16 =	sor.u32 s9, s15;
	v3 =	vadd.f32 v50, v3  }
0x2b8: {  	s18 =	sor.u32 s9, s17;
	v0 =	vadd.f32 v0, v2;
	v2 =	vadd.f32 v51, v4;
	v4 =	vld [tilespmem:s16+$0x0]  }
0x2b9: {  	s17 =	sadd.s32 $0x14480, s12;
	v54 =	vld [tilespmem:s18+$0x0];
	s7 =	sor.u32 s10, s15;
	v3 =	vadd.f32 v53, v3  }
0x2ba: {  	s14 =	sor.u32 $0x16200, s12;
	s18 =	sor.u32 s9, s17;
	v57 =	vld [tilespmem:s7+$0x0]  }
0x2bb: {  	v56 =	vld [tilespmem:s18+$0x0];
	v0 =	vadd.f32 v35, v0;
	s15 =	sor.u32 s9, s14;
	v3 =	vadd.f32 v5, v3  }
0x2bc: {  	s13 =	sor.u32 s10, s17;
	v1 =	vadd.f32 v38, v1;
	v5 =	vld [tilespmem:s15+$0x0]  }
0x2bd: {  	v58 =	vld [tilespmem:s13+$0x0];
	s18 =	sor.u32 s10, s14;
	v0 =	vadd.f32 v27, v0;
	v3 =	vadd.f32 v4, v3  }
0x2be: {  	s13 =	sadd.s32 $0x16400, s12;
	v1 =	vadd.f32 v30, v1;
	v4 =	vld [tilespmem:s18+$0x0]  }
0x2bf: {  	s14 =	sor.u32 s9, s13;
	v0 =	vadd.f32 v25, v0;
	s16 =	sor.u32 $0x16280, s12;
	v3 =	vadd.f32 v57, v3  }
0x2c0: {  	v61 =	vld [tilespmem:s14+$0x0];
	v1 =	vadd.f32 v26, v1;
	s17 =	sor.u32 s9, s16;
	v2 =	vadd.f32 v54, v2  }
0x2c1: {  	v0 =	vadd.f32 v22, v0;
	v59 =	vld [tilespmem:s17+$0x0];
	s17 =	sor.u32 s10, s13;
	v3 =	vadd.f32 v5, v3  }
0x2c2: {  	v1 =	vadd.f32 v23, v1;
	v2 =	vadd.f32 v55, v2;
	v5 =	vld [tilespmem:s17+$0x0]  }
0x2c3: {  	v0 =	vadd.f32 v20, v0;
	v3 =	vadd.f32 v4, v3  }
0x2c4: {  	s7 =	sor.u32 s10, s16;
	v1 =	vadd.f32 v21, v1;
	v2 =	vadd.f32 v56, v2  }
0x2c5: {  	v60 =	vld [tilespmem:s7+$0x0];
	v0 =	vadd.f32 v18, v0;
	v3 =	vadd.f32 v61, v3  }
0x2c6: {  	s15 =	sadd.s32 $0x16480, s12;
	v1 =	vadd.f32 v19, v1;
	v2 =	vadd.f32 v58, v2;
	v4 =	vld [tilespmem:$0x1FFA0]  }
0x2c7: {  	s16 =	sor.u32 s9, s15;
	v0 =	vadd.f32 v16, v0;
	v3 =	vadd.f32 v5, v3;
	v5 =	vld [tilespmem:$0x1FFB0]  }
0x2c8: {  	v62 =	vld [tilespmem:s16+$0x0];
	v1 =	vadd.f32 v17, v1;
	v2 =	vadd.f32 v59, v2  }
0x2c9: {  	s18 =	sor.u32 s10, s15;
	v0 =	vadd.f32 v14, v0  }
0x2ca: {  	v63 =	vld [tilespmem:s18+$0x0];
	v1 =	vadd.f32 v15, v1;
	v2 =	vadd.f32 v60, v2  }
0x2cb: {  	v0 =	vadd.f32 v12, v0;
	v4 =	vadd.f32 v6, v4;
	v6 =	vld [tilespmem:$0x1FFC0]  }
0x2cc: {  	v1 =	vadd.f32 v13, v1;
	v5 =	vadd.f32 v7, v5;
	v7 =	vld [tilespmem:$0x1FFD0]  }
0x2cd: {  	p0 =	slt.u32 s4, $0x5F5;
	s31 =	sadd.s32 $0x1, s31;
	s2 =	simm.f32 $1.000000000e+00;
	v2 =	vadd.f32 v62, v2;
	v0 =	vadd.f32 v10, v0  }
0x2ce: {  	s2 =	simm.s32 @!p0 $0x0;
	p0 =	sne.s32 s31, $0x18;
	v1 =	vadd.f32 v11, v1  }
.Ltmp2:
0x2cf: {  	v2 =	vadd.f32 v63, v2;
	v0 =	vmul.f32 s2, v0;
	(pc) =	sbr.rel @p0 .LBB2_2-.Ltmp2, $4  }
0x2d0: {  	v1 =	vmul.f32 s2, v1;
	v3 =	vmul.f32 s2, v3  }
0x2d1: {  	v2 =	vmul.f32 s2, v2;
	v6 =	vadd.f32 v9, v6;
	v7 =	vadd.f32 v8, v7  }
0x2d2: {  	v10 =	vadd.f32 v0, v4;
	v9 =	vadd.f32 v1, v5  }
0x2d3: {  	v8 =	vadd.f32 v3, v6;
	v6 =	vadd.f32 v2, v7  }
0x2d4: {  	_ =	swait.ge [sflag:s28], $0x8000  }
0x2d5: {  	[sflag:s28] =	ssyncset.done $0x0  }
0x2d6: {  	[sflag:s28] =	ssyncadd.s32 $0xFFFF8000  }
0x2d7: {  	_ =	swait.ge [sflag:s30], $0x400  }
0x2d8: {  	[sflag:s30] =	ssyncset.done $0x0  }
0x2d9: {  	[sflag:s30] =	ssyncadd.s32 $0xFFFFFC00  }
0x2da: {  	_ =	swait.ge [sflag:s30], $0x400  }
0x2db: {  	[sflag:s30] =	ssyncset.done $0x0  }
0x2dc: {  	[sflag:s30] =	ssyncadd.s32 $0xFFFFFC00  }
0x2dd: {  	_ =	swait.ge [sflag:s30], $0x400  }
0x2de: {  	[sflag:s30] =	ssyncset.done $0x0  }
0x2df: {  	[sflag:s30] =	ssyncadd.s32 $0xFFFFFC00  }
0x2e0: {  	_ =	swait.ge [sflag:s30], $0x400  }
0x2e1: {  	[sflag:s30] =	ssyncset.done $0x0  }
0x2e2: {  	[sflag:s30] =	ssyncadd.s32 $0xFFFFFC00  }
0x2e3: {  	_ =	swait.ge [sflag:s30], $0x400  }
0x2e4: {  	[sflag:s30] =	ssyncset.done $0x0  }
0x2e5: {  	[sflag:s30] =	ssyncadd.s32 $0xFFFFFC00  }
0x2e6: {  	_ =	swait.ge [sflag:s30], $0x400  }
0x2e7: {  	[sflag:s30] =	ssyncset.done $0x0  }
0x2e8: {  	[sflag:s30] =	ssyncadd.s32 $0xFFFFFC00  }
0x2e9: {  	_ =	swait.ge [sflag:s30], $0x400  }
0x2ea: {  	[sflag:s30] =	ssyncset.done $0x0  }
0x2eb: {  	[sflag:s30] =	ssyncadd.s32 $0xFFFFFC00  }
0x2ec: {  	_ =	swait.ge [sflag:s30], $0x400  }
0x2ed: {  	[sflag:s30] =	ssyncset.done $0x0  }
0x2ee: {  	[sflag:s30] =	ssyncadd.s32 $0xFFFFFC00  }
0x2ef: {  	_ =	swait.ge [sflag:s30], $0x400  }
0x2f0: {  	[sflag:s30] =	ssyncset.done $0x0  }
0x2f1: {  	[sflag:s30] =	ssyncadd.s32 $0xFFFFFC00  }
0x2f2: {  	_ =	swait.ge [sflag:s30], $0x400  }
0x2f3: {  	[sflag:s30] =	ssyncset.done $0x0  }
0x2f4: {  	[sflag:s30] =	ssyncadd.s32 $0xFFFFFC00  }
0x2f5: {  	_ =	swait.ge [sflag:s30], $0x400  }
0x2f6: {  	[sflag:s30] =	ssyncset.done $0x0  }
0x2f7: {  	[sflag:s30] =	ssyncadd.s32 $0xFFFFFC00  }
0x2f8: {  	_ =	swait.ge [sflag:s30], $0x400  }
0x2f9: {  	[sflag:s30] =	ssyncset.done $0x0  }
0x2fa: {  	[sflag:s30] =	ssyncadd.s32 $0xFFFFFC00  }
0x2fb: {  	_ =	swait.ge [sflag:s30], $0x400  }
0x2fc: {  	[sflag:s30] =	ssyncset.done $0x0  }
0x2fd: {  	[sflag:s30] =	ssyncadd.s32 $0xFFFFFC00  }
0x2fe: {  	_ =	swait.ge [sflag:s30], $0x400  }
0x2ff: {  	[sflag:s30] =	ssyncset.done $0x0  }
0x300: {  	[sflag:s30] =	ssyncadd.s32 $0xFFFFFC00  }
0x301: {  	_ =	swait.ge [sflag:s30], $0x400  }
0x302: {  	[sflag:s30] =	ssyncset.done $0x0  }
0x303: {  	[sflag:s30] =	ssyncadd.s32 $0xFFFFFC00  }
0x304: {  	_ =	swait.ge [sflag:s30], $0x400  }
0x305: {  	[sflag:s30] =	ssyncset.done $0x0  }
0x306: {  	[sflag:s30] =	ssyncadd.s32 $0xFFFFFC00  }
0x307: {  	_ =	swait.ge [sflag:s30], $0x400  }
0x308: {  	[sflag:s30] =	ssyncset.done $0x0  }
0x309: {  	[sflag:s30] =	ssyncadd.s32 $0xFFFFFC00  }
0x30a: {  	_ =	swait.ge [sflag:s30], $0x400  }
0x30b: {  	[sflag:s30] =	ssyncset.done $0x0  }
0x30c: {  	[sflag:s30] =	ssyncadd.s32 $0xFFFFFC00  }
0x30d: {  	_ =	swait.ge [sflag:s30], $0x400  }
0x30e: {  	[sflag:s30] =	ssyncset.done $0x0  }
0x30f: {  	[sflag:s30] =	ssyncadd.s32 $0xFFFFFC00  }
0x310: {  	_ =	swait.ge [sflag:s30], $0x400  }
0x311: {  	[sflag:s30] =	ssyncset.done $0x0  }
0x312: {  	[sflag:s30] =	ssyncadd.s32 $0xFFFFFC00  }
0x313: {  	_ =	swait.ge [sflag:s30], $0x400  }
0x314: {  	[sflag:s30] =	ssyncset.done $0x0  }
0x315: {  	[sflag:s30] =	ssyncadd.s32 $0xFFFFFC00  }
0x316: {  	_ =	swait.ge [sflag:s30], $0x400  }
0x317: {  	[sflag:s30] =	ssyncset.done $0x0  }
0x318: {  	[sflag:s30] =	ssyncadd.s32 $0xFFFFFC00  }
0x319: {  	_ =	swait.ge [sflag:s30], $0x400  }
0x31a: {  	[sflag:s30] =	ssyncset.done $0x0  }
0x31b: {  	[sflag:s30] =	ssyncadd.s32 $0xFFFFFC00  }
0x31c: {  	_ =	swait.ge [sflag:s30], $0x400  }
0x31d: {  	[sflag:s30] =	ssyncset.done $0x0  }
0x31e: {  	[sflag:s30] =	ssyncadd.s32 $0xFFFFFC00  }
0x31f: {  	_ =	swait.ge [sflag:s30], $0x400  }
0x320: {  	[sflag:s30] =	ssyncset.done $0x0  }
0x321: {  	[sflag:s30] =	ssyncadd.s32 $0xFFFFFC00  }
0x322: {  	_ =	swait.ge [sflag:s30], $0x400  }
0x323: {  	[sflag:s30] =	ssyncset.done $0x0  }
0x324: {  	[sflag:s30] =	ssyncadd.s32 $0xFFFFFC00  }
0x325: {  	_ =	swait.ge [sflag:s30], $0x400  }
0x326: {  	[sflag:s30] =	ssyncset.done $0x0  }
0x327: {  	[sflag:s30] =	ssyncadd.s32 $0xFFFFFC00  }
0x328: {  	_ =	swait.ge [sflag:s30], $0x400  }
0x329: {  	[sflag:s30] =	ssyncset.done $0x0  }
0x32a: {  	[sflag:s30] =	ssyncadd.s32 $0xFFFFFC00  }
0x32b: {  	_ =	swait.ge [sflag:s30], $0x400  }
0x32c: {  	[sflag:s30] =	ssyncset.done $0x0  }
0x32d: {  	[sflag:s30] =	ssyncadd.s32 $0xFFFFFC00  }
0x32e: {  	_ =	swait.ge [sflag:s30], $0x400  }
0x32f: {  	[sflag:s30] =	ssyncset.done $0x0  }
0x330: {  	[sflag:s30] =	ssyncadd.s32 $0xFFFFFC00  }
0x331: {  	_ =	swait.ge [sflag:s30], $0x400  }
0x332: {  	[sflag:s30] =	ssyncset.done $0x0  }
0x333: {  	[sflag:s30] =	ssyncadd.s32 $0xFFFFFC00  }
0x334: {  	_ =	swait.ge [sflag:s30], $0x400  }
0x335: {  	v5 =	vld [tilespmem:$0x1FFF0];
	_ =	sdelay $0x4  }
0x336: {  	s2 =	rddreg [dreg:$0x8]  }
0x337: {  	[sflag:s30] =	ssyncset.done $0x0;
	s2 =	sshll.u32 s2, $0x7  }
0x338: {  	s17 =	rddreg [dreg:$0x9];
	[sflag:s30] =	ssyncadd.s32 $0xFFFFFC00;
	s2 =	sand.u32 $0x380, s2  }
0x339: {  	v0 =	vld.idx.msk [tilespmem:v5+s2+$0x0 ss:$0x1], $0xffff;
	s2 =	sshll.u32 s17, $0x7  }
0x33a: {  	s18 =	rddreg [dreg:$0xa];
	s2 =	sand.u32 $0x380, s2  }
0x33b: {  	v1 =	vld.idx.msk [tilespmem:v5+s2+$0x400 ss:$0x1], $0xffff;
	s2 =	sshll.u32 s18, $0x7  }
0x33c: {  	s31 =	rddreg [dreg:$0xb];
	s2 =	sand.u32 $0x380, s2  }
0x33d: {  	v2 =	vld.idx.msk [tilespmem:v5+s2+$0x800 ss:$0x1], $0xffff;
	s2 =	sshll.u32 s31, $0x7  }
0x33e: {  	s4 =	rddreg [dreg:$0xc];
	v0 =	vnsel vm0, $0x0, v0;
	s2 =	sand.u32 $0x380, s2  }
0x33f: {  	v3 =	vld.idx.msk [tilespmem:v5+s2+$0xC00 ss:$0x1], $0xffff;
	v0 =	vadd.f32 $0.0e+00, v0;
	s2 =	sshll.u32 s4, $0x7  }
0x340: {  	s7 =	rddreg [dreg:$0xd];
	v1 =	vsel vm1, $0x0, v1;
	s2 =	sand.u32 $0x380, s2  }
0x341: {  	v4 =	vld.idx.msk [tilespmem:v5+s2+$0x1000 ss:$0x1], $0xffff;
	v0 =	vadd.f32 v1, v0;
	s2 =	sshll.u32 s7, $0x7  }
0x342: {  	s9 =	rddreg [dreg:$0xe];
	v58 =	vsel vm2, $0x0, v2;
	s2 =	sand.u32 $0x380, s2  }
0x343: {  	v59 =	vld.idx.msk [tilespmem:v5+s2+$0x1400 ss:$0x1], $0xffff;
	v0 =	vadd.f32 v58, v0;
	s2 =	sshll.u32 s9, $0x7  }
0x344: {  	s10 =	rddreg [dreg:$0xf];
	v60 =	vsel vm3, $0x0, v3;
	s2 =	sand.u32 $0x380, s2  }
0x345: {  	v61 =	vld.idx.msk [tilespmem:v5+s2+$0x1800 ss:$0x1], $0xffff;
	v0 =	vadd.f32 v60, v0;
	s2 =	sshll.u32 s10, $0x7  }
0x346: {  	s12 =	rddreg [dreg:$0x10];
	v62 =	vsel vm4, $0x0, v4;
	s2 =	sand.u32 $0x380, s2  }
0x347: {  	v63 =	vld.idx.msk [tilespmem:v5+s2+$0x1C00 ss:$0x1], $0xffff;
	v0 =	vadd.f32 v62, v0;
	s2 =	sshll.u32 s12, $0x7  }
0x348: {  	s13 =	rddreg [dreg:$0x11];
	v11 =	vsel vm5, $0x0, v59;
	s2 =	sand.u32 $0x380, s2  }
0x349: {  	v12 =	vld.idx.msk [tilespmem:v5+s2+$0x2000 ss:$0x1], $0xffff;
	v0 =	vadd.f32 v11, v0;
	s2 =	sshll.u32 s13, $0x7  }
0x34a: {  	s14 =	rddreg [dreg:$0x12];
	v13 =	vsel vm6, $0x0, v61;
	s2 =	sand.u32 $0x380, s2  }
0x34b: {  	v14 =	vld.idx.msk [tilespmem:v5+s2+$0x2400 ss:$0x1], $0xffff;
	v0 =	vadd.f32 v13, v0;
	s2 =	sshll.u32 s14, $0x7  }
0x34c: {  	s15 =	rddreg [dreg:$0x13];
	v15 =	vsel vm7, $0x0, v63;
	s2 =	sand.u32 $0x380, s2  }
0x34d: {  	v16 =	vld.idx.msk [tilespmem:v5+s2+$0x2800 ss:$0x1], $0xffff;
	v0 =	vadd.f32 v15, v0;
	s2 =	sshll.u32 s15, $0x7  }
0x34e: {  	s16 =	rddreg [dreg:$0x14];
	v17 =	vsel vm8, $0x0, v12;
	s2 =	sand.u32 $0x380, s2  }
0x34f: {  	v18 =	vld.idx.msk [tilespmem:v5+s2+$0x2C00 ss:$0x1], $0xffff;
	v0 =	vadd.f32 v17, v0;
	s2 =	sshll.u32 s16, $0x7  }
0x350: {  	s17 =	rddreg [dreg:$0x15];
	v19 =	vsel vm9, $0x0, v14;
	s2 =	sand.u32 $0x380, s2  }
0x351: {  	v20 =	vld.idx.msk [tilespmem:v5+s2+$0x3000 ss:$0x1], $0xffff;
	v0 =	vadd.f32 v19, v0;
	s2 =	sshll.u32 s17, $0x7  }
0x352: {  	s18 =	rddreg [dreg:$0x16];
	v21 =	vsel vm10, $0x0, v16;
	s2 =	sand.u32 $0x380, s2  }
0x353: {  	v22 =	vld.idx.msk [tilespmem:v5+s2+$0x3400 ss:$0x1], $0xffff;
	v0 =	vadd.f32 v21, v0;
	s2 =	sshll.u32 s18, $0x7  }
0x354: {  	s31 =	rddreg [dreg:$0x17];
	v23 =	vsel vm11, $0x0, v18;
	s2 =	sand.u32 $0x380, s2  }
0x355: {  	v24 =	vld.idx.msk [tilespmem:v5+s2+$0x3800 ss:$0x1], $0xffff;
	v0 =	vadd.f32 v23, v0;
	s2 =	sshll.u32 s31, $0x7  }
0x356: {  	s4 =	rddreg [dreg:$0x18];
	v25 =	vsel vm12, $0x0, v20;
	s2 =	sand.u32 $0x380, s2  }
0x357: {  	v26 =	vld.idx.msk [tilespmem:v5+s2+$0x3C00 ss:$0x1], $0xffff;
	v0 =	vadd.f32 v25, v0;
	s2 =	sshll.u32 s4, $0x7  }
0x358: {  	s7 =	rddreg [dreg:$0x19];
	v27 =	vsel vm13, $0x0, v22;
	s2 =	sand.u32 $0x380, s2  }
0x359: {  	v28 =	vld.idx.msk [tilespmem:v5+s2+$0x4010 ss:$0x1], $0xffff;
	v0 =	vadd.f32 v27, v0;
	s2 =	sshll.u32 s7, $0x7  }
0x35a: {  	s9 =	rddreg [dreg:$0x1a];
	v29 =	vsel vm14, $0x0, v24;
	s2 =	sand.u32 $0x380, s2  }
0x35b: {  	v30 =	vld.idx.msk [tilespmem:v5+s2+$0x4410 ss:$0x1], $0xffff;
	v0 =	vadd.f32 v29, v0;
	s2 =	sshll.u32 s9, $0x7  }
0x35c: {  	s10 =	rddreg [dreg:$0x1b];
	v31 =	vsel vm15, $0x0, v26;
	s2 =	sand.u32 $0x380, s2  }
0x35d: {  	v32 =	vld.idx.msk [tilespmem:v5+s2+$0x4810 ss:$0x1], $0xffff;
	v0 =	vadd.f32 v31, v0;
	s2 =	sshll.u32 s10, $0x7  }
0x35e: {  	s12 =	rddreg [dreg:$0x1c];
	v33 =	vnsel vm0, $0x0, v28;
	s2 =	sand.u32 $0x380, s2  }
0x35f: {  	v34 =	vld.idx.msk [tilespmem:v5+s2+$0x4C10 ss:$0x1], $0xffff;
	v0 =	vadd.f32 v33, v0;
	s2 =	sshll.u32 s12, $0x7  }
0x360: {  	s13 =	rddreg [dreg:$0x1d];
	v35 =	vsel vm1, $0x0, v30;
	s2 =	sand.u32 $0x380, s2  }
0x361: {  	v36 =	vld.idx.msk [tilespmem:v5+s2+$0x5010 ss:$0x1], $0xffff;
	v0 =	vadd.f32 v35, v0;
	s2 =	sshll.u32 s13, $0x7  }
0x362: {  	s14 =	rddreg [dreg:$0x1e];
	v37 =	vsel vm2, $0x0, v32;
	s2 =	sand.u32 $0x380, s2  }
0x363: {  	s15 =	rddreg [dreg:$0x1f];
	v38 =	vld.idx.msk [tilespmem:v5+s2+$0x5410 ss:$0x1], $0xffff;
	v0 =	vadd.f32 v37, v0;
	s2 =	sshll.u32 s14, $0x7  }
0x364: {  	s16 =	sld [smem:$0x7FC];
	v39 =	vsel vm3, $0x0, v34;
	s2 =	sand.u32 $0x380, s2  }
0x365: {  	v40 =	vld.idx.msk [tilespmem:v5+s2+$0x5810 ss:$0x1], $0xffff;
	v0 =	vadd.f32 v39, v0;
	s2 =	sshll.u32 s15, $0x7  }
0x366: {  	s17 =	sld [smem:$0x7FD];
	v41 =	vsel vm4, $0x0, v36;
	s2 =	sand.u32 $0x380, s2  }
0x367: {  	v42 =	vld.idx.msk [tilespmem:v5+s2+$0x5C10 ss:$0x1], $0xffff;
	v0 =	vadd.f32 v41, v0;
	s2 =	sshll.u32 s16, $0x7  }
0x368: {  	v43 =	vsel vm5, $0x0, v38;
	s2 =	sand.u32 $0x380, s2  }
0x369: {  	v44 =	vld.idx.msk [tilespmem:v5+s2+$0x6010 ss:$0x1], $0xffff;
	v0 =	vadd.f32 v43, v0;
	s2 =	sshll.u32 s17, $0x7  }
0x36a: {  	v45 =	vsel vm6, $0x0, v40;
	s2 =	sand.u32 $0x380, s2  }
0x36b: {  	s18 =	sshll.u32 s19, $0x7;
	v46 =	vld.idx.msk [tilespmem:v5+s2+$0x6410 ss:$0x1], $0xffff;
	v0 =	vadd.f32 v45, v0  }
0x36c: {  	s2 =	sand.u32 $0x380, s18;
	v47 =	vsel vm7, $0x0, v42  }
0x36d: {  	s19 =	sshll.u32 s20, $0x7;
	v48 =	vld.idx.msk [tilespmem:v5+s2+$0x6810 ss:$0x1], $0xffff;
	v0 =	vadd.f32 v47, v0  }
0x36e: {  	s2 =	sand.u32 $0x380, s19;
	v49 =	vsel vm8, $0x0, v44  }
0x36f: {  	s20 =	sshll.u32 s21, $0x7;
	v50 =	vld.idx.msk [tilespmem:v5+s2+$0x6C10 ss:$0x1], $0xffff;
	v0 =	vadd.f32 v49, v0  }
0x370: {  	s2 =	sand.u32 $0x380, s20;
	v51 =	vsel vm9, $0x0, v46  }
0x371: {  	s21 =	sshll.u32 s22, $0x7;
	v52 =	vld.idx.msk [tilespmem:v5+s2+$0x7010 ss:$0x1], $0xffff;
	v0 =	vadd.f32 v51, v0  }
0x372: {  	s2 =	sand.u32 $0x380, s21;
	v53 =	vsel vm10, $0x0, v48  }
0x373: {  	s22 =	sshll.u32 s23, $0x7;
	v54 =	vld.idx.msk [tilespmem:v5+s2+$0x7410 ss:$0x1], $0xffff;
	v0 =	vadd.f32 v53, v0  }
0x374: {  	s2 =	sand.u32 $0x380, s22;
	v55 =	vsel vm11, $0x0, v50  }
0x375: {  	s23 =	sshll.u32 s24, $0x7;
	v56 =	vld.idx.msk [tilespmem:v5+s2+$0x7810 ss:$0x1], $0xffff;
	v0 =	vadd.f32 v55, v0  }
0x376: {  	s2 =	sand.u32 $0x380, s23;
	v57 =	vsel vm12, $0x0, v52  }
0x377: {  	v58 =	vld.idx.msk [tilespmem:v5+s2+$0x7C10 ss:$0x1], $0xffff;
	v0 =	vadd.f32 v57, v0  }
0x378: {  	v59 =	vsel vm13, $0x0, v54  }
0x379: {  	v0 =	vadd.f32 v59, v0  }
0x37a: {  	v60 =	vadd.f32 v9, v10;
	v61 =	vsel vm14, $0x0, v56  }
0x37b: {  	v62 =	vadd.f32 v6, v8;
	v0 =	vadd.f32 v61, v0  }
0x37c: {  	v63 =	vsel vm15, $0x0, v58  }
0x37d: {  	v1 =	vadd.f32 v62, v60;
	v0 =	vadd.f32 v63, v0;
	_ =	sdelay $0x1  }
0x37e: {  	v1 =	vmul.f32 $1.000010000e-06, v1;
	v0 =	vmul.f32 $8.999990220e-01, v0;
	_ =	sdelay $0x1  }
0x37f: {  	v0 =	vadd.f32 v0, v1;
	_ =	sdelay $0x1  }
0x380: {  	s24 =	rddreg [dreg:$0x6];
	s4 =	simm.s32 $0x8080;
	[tilespmem:$0x8080] =	vst v0  }
0x381: {  	[hbm4b:s24+s3] =	stream.linear.scatter [tilespmem:s4], [sflag:$0x4], $0x80, $0x38;
	[tilespmem:$0x18100] =	vst v63  }
0x382: {  	s4 =	simm.s32 $0x4  }
0x383: {  	_ =	swait.ge [sflag:s4], $0x80  }
0x384: {  	s0 =	sadd.s32 $0x1, s0;
	s31 =	rddreg [dreg:$0x7]  }
0x385: {  	p0 =	sne.s32 s0, s31  }
.Ltmp3:
0x386: {  	_ = 	snop;
	(pc) =	sbr.rel @p0 .LBB2_1-.Ltmp3, $3  }
0x387: {  	_ =	sdelay $0x1  }
0x388: {  	[sflag:s4] =	ssyncset.done $0x0  }
0x389: {  	[sflag:s4] =	ssyncadd.s32 $0xFFFFFF80  }
0x38a: {  	_ =	sfence.sel $0x180000  }
0x38b: {  	[bflag:$0x0] =	sbarrier.arrive $0xFFFF  }
0x38c: {  	_ =	strace $0x90000047  }
0x38d: {  	s0 =	stileid.u32;
	[bflag:$0x2] =	sbarrier.arrive $0xFFFF  }
0x38e: {  	p0 =	sne.s32 s0, $0x0;
	s0 =	rddreg [dreg:$0x3]  }
0x38f: {  	s0 =	sadd.s32 @!p0 $0x100000, s0  }
0x390: {  	[sflag:s0] =	ssyncadd.tile.s32 @!p0 $0x1;
	_ =	shalt  }
.Lfunc_end2:
_tile_overlayer_lowered:
.L_overlay_start_2:
0x391: {  	(tag) =	ssettag $0x2  }
0x392: {  	s0 =	rddreg [dreg:$0x0];
	s2 =	stileid.u32  }
0x393: {  	s1 =	rddreg [dreg:$0x1];
	p0 =	sne.s32 s2, $0x0  }
0x394: {  	s3 =	rddreg [dreg:$0x2];
	[bflag:$0x3] =	sbarrier.arrive $0xFFFF;
	s2 =	simm.s32 @!p0 $0x1C04  }
0x395: {  	[timem:s3], [sflag:s2] =	dma.local @!p0 [hbm:s0], s1  }
0x396: {  	s0 =	simm.s32 @!p0 $0x4  }
0x397: {  	_ =	swait.ge @!p0 [sflag:s0], s1  }
0x398: {  	s1 =	ssub.s32 @!p0 $0x0, s1;
	[sflag:s0] =	ssyncset.done @!p0 $0x0  }
0x399: {  	[sflag:s0] =	ssyncadd.s32 @!p0 s1  }
0x39a: {  	[bflag:$0x3] =	sbarrier.arrive $0xFFFF  }
0x39b: {  	_ =	shalt  }

</sc_bundles>
